<compile_context>
chip_gen: v7x
topology: tpu7x:2x2x1
jax: 0.10.2.dev20260603
libtpu: 0.0.44.dev20260713+nightly
codegen_flags: <defaults>
</compile_context>

<pallas_src>
import functools

import jax
import jax.numpy as jnp
from jax import lax
from jax.experimental import pallas as pl
from jax.experimental.pallas import tpu as pltpu
from jax.experimental.pallas import tpu_sc as plsc

MAXLEN = 200
EMBED = 64
BATCH = 1024
OUTMIN = 128

NUM_CORES = 2
NUM_SUBCORES = 16
NUM_WORKERS = NUM_CORES * NUM_SUBCORES
SEQ_PER_W = BATCH // NUM_WORKERS
LANES = 16

GRP = 2
NGRP = SEQ_PER_W // GRP
NBUF = 4
LEAD = 2
LAG = 2


def _make_kernel():
    mesh = plsc.VectorSubcoreMesh(core_axis_name="c", subcore_axis_name="s")

    @functools.partial(
        pl.kernel,
        mesh=mesh,
        out_type=jax.ShapeDtypeStruct((BATCH, MAXLEN, OUTMIN), jnp.float32),
        scratch_types=[
            [pltpu.VMEM((MAXLEN,), jnp.int32)] * SEQ_PER_W,
            pltpu.VMEM((MAXLEN, EMBED), jnp.float32),
            [pltpu.VMEM((GRP, MAXLEN, EMBED), jnp.float32)] * NBUF,
            [pltpu.SemaphoreType.DMA] * NBUF,
            [pltpu.SemaphoreType.DMA] * NBUF,
        ],
        compiler_params=pltpu.CompilerParams(use_tc_tiling_on_sc=False),
    )
    def emb_kernel(x_hbm, tok_hbm, pos_hbm, out_hbm, idx_v, pos_v, bufs,
                   gsems, ssems):
        wid = lax.axis_index("s") * NUM_CORES + lax.axis_index("c")
        seq0 = wid * SEQ_PER_W
        for s in range(SEQ_PER_W):
            pltpu.async_copy(x_hbm.at[seq0 + s], idx_v[s], gsems[0])
        for s in range(SEQ_PER_W):
            pltpu.make_async_copy(x_hbm.at[seq0 + s], idx_v[s],
                                  gsems[0]).wait()
        pltpu.sync_copy(pos_hbm, pos_v)

        def fire_gathers(t):
            b = t % NBUF
            for k in range(GRP):
                pltpu.async_copy(
                    tok_hbm.at[idx_v[t * GRP + k]], bufs[b].at[k], gsems[b])

        def add_group(t):
            b = t % NBUF
            buf = bufs[b]

            def body(p, c):
                pos_regs = [pos_v[p, pl.ds(j * LANES, LANES)]
                            for j in range(EMBED // LANES)]
                for k in range(GRP):
                    for j in range(EMBED // LANES):
                        sl = pl.ds(j * LANES, LANES)
                        buf[k, p, sl] = buf[k, p, sl] + pos_regs[j]
                return c

            lax.fori_loop(0, MAXLEN, body, 0)

        def out_slice(t):
            return out_hbm.at[pl.ds(seq0 + t * GRP, GRP), :, pl.ds(0, EMBED)]

        for t in range(LEAD):
            fire_gathers(t)
        for t in range(NGRP):
            b = t % NBUF
            for k in range(GRP):
                pltpu.make_async_copy(
                    tok_hbm.at[idx_v[t * GRP + k]], bufs[b].at[k],
                    gsems[b]).wait()
            add_group(t)
            pltpu.async_copy(bufs[b], out_slice(t), ssems[b])
            if t >= LAG:
                ob = (t - LAG) % NBUF
                pltpu.make_async_copy(
                    bufs[ob], out_slice(t - LAG), ssems[ob]).wait()
            if t + LEAD < NGRP:
                fire_gathers(t + LEAD)
        for t in range(NGRP - LAG, NGRP):
            b = t % NBUF
            pltpu.make_async_copy(bufs[b], out_slice(t), ssems[b]).wait()

    return emb_kernel


_emb = _make_kernel()


def kernel(x, token_table, pos_table):
    out = _emb(x.astype(jnp.int32), token_table, pos_table)
    return out[:, :, :EMBED]

# --- scband reference (transcript-rebuilt; emitter-appended) ---
"""Pipeline reference for scband-token-and-position-embedding-14955076124781 (READ-ONLY COPY).

The authoritative reference and input builder live on the scoring server;
editing this copy changes nothing except your own understanding.
"""

import jax, jax.numpy as jnp
import numpy as np

VOCAB = 100000
MAXLEN = 200
EMBED = 64
BATCH = 1024

def setup_inputs(seed: int = 0) -> dict:
    key = jax.random.key(seed)
    k1, k2, k3 = jax.random.split(key, 3)
    x = jax.random.randint(k1, (BATCH, MAXLEN), 0, VOCAB, dtype=jnp.int64 if jax.config.jax_enable_x64 else jnp.int32)
    token_table = jax.random.normal(k2, (VOCAB, EMBED), dtype=jnp.float32) * 0.05
    pos_table = jax.random.normal(k3, (MAXLEN, EMBED), dtype=jnp.float32) * 0.05
    return {"x": x, "token_table": token_table, "pos_table": pos_table}

def reference(x, token_table, pos_table):
    # TokenAndPositionEmbedding.call
    seqlen = x.shape[-1]
    positions = jnp.arange(0, seqlen)
    pos = jnp.take(pos_table, positions, axis=0)          # [seqlen, embed]
    tok = jnp.take(token_table, x, axis=0)                # [batch, seqlen, embed]
    return tok + pos[None, :, :]

if __name__ == "__main__":
    import jax
    _d = setup_inputs()
    print(jax.jit(kernel)(*tuple(_d.values())))

</pallas_src>

<mosaic_0001>
#map = affine_map<(d0, d1) -> (0, 0)>
#map1 = affine_map<(d0, d1) -> (0, 0, 0)>
module attributes {stable_mosaic.version = 14 : i64} {
  func.func @emb_kernel(%arg0: i32, %arg1: i32, %arg2: memref<1024x200xi32, #tpu.memory_space<hbm>>, %arg3: memref<100000x64xf32, #tpu.memory_space<hbm>>, %arg4: memref<200x64xf32, #tpu.memory_space<hbm>>, %arg5: memref<1024x200x128xf32, #tpu.memory_space<hbm>>, %arg6: memref<200xi32, #tpu.memory_space<vmem>>, %arg7: memref<200xi32, #tpu.memory_space<vmem>>, %arg8: memref<200xi32, #tpu.memory_space<vmem>>, %arg9: memref<200xi32, #tpu.memory_space<vmem>>, %arg10: memref<200xi32, #tpu.memory_space<vmem>>, %arg11: memref<200xi32, #tpu.memory_space<vmem>>, %arg12: memref<200xi32, #tpu.memory_space<vmem>>, %arg13: memref<200xi32, #tpu.memory_space<vmem>>, %arg14: memref<200xi32, #tpu.memory_space<vmem>>, %arg15: memref<200xi32, #tpu.memory_space<vmem>>, %arg16: memref<200xi32, #tpu.memory_space<vmem>>, %arg17: memref<200xi32, #tpu.memory_space<vmem>>, %arg18: memref<200xi32, #tpu.memory_space<vmem>>, %arg19: memref<200xi32, #tpu.memory_space<vmem>>, %arg20: memref<200xi32, #tpu.memory_space<vmem>>, %arg21: memref<200xi32, #tpu.memory_space<vmem>>, %arg22: memref<200xi32, #tpu.memory_space<vmem>>, %arg23: memref<200xi32, #tpu.memory_space<vmem>>, %arg24: memref<200xi32, #tpu.memory_space<vmem>>, %arg25: memref<200xi32, #tpu.memory_space<vmem>>, %arg26: memref<200xi32, #tpu.memory_space<vmem>>, %arg27: memref<200xi32, #tpu.memory_space<vmem>>, %arg28: memref<200xi32, #tpu.memory_space<vmem>>, %arg29: memref<200xi32, #tpu.memory_space<vmem>>, %arg30: memref<200xi32, #tpu.memory_space<vmem>>, %arg31: memref<200xi32, #tpu.memory_space<vmem>>, %arg32: memref<200xi32, #tpu.memory_space<vmem>>, %arg33: memref<200xi32, #tpu.memory_space<vmem>>, %arg34: memref<200xi32, #tpu.memory_space<vmem>>, %arg35: memref<200xi32, #tpu.memory_space<vmem>>, %arg36: memref<200xi32, #tpu.memory_space<vmem>>, %arg37: memref<200xi32, #tpu.memory_space<vmem>>, %arg38: memref<200x64xf32, #tpu.memory_space<vmem>>, %arg39: memref<2x200x64xf32, #tpu.memory_space<vmem>>, %arg40: memref<2x200x64xf32, #tpu.memory_space<vmem>>, %arg41: memref<2x200x64xf32, #tpu.memory_space<vmem>>, %arg42: memref<2x200x64xf32, #tpu.memory_space<vmem>>, %arg43: memref<!tpu.dma_semaphore, #tpu.memory_space<semaphore_mem>>, %arg44: memref<!tpu.dma_semaphore, #tpu.memory_space<semaphore_mem>>, %arg45: memref<!tpu.dma_semaphore, #tpu.memory_space<semaphore_mem>>, %arg46: memref<!tpu.dma_semaphore, #tpu.memory_space<semaphore_mem>>, %arg47: memref<!tpu.dma_semaphore, #tpu.memory_space<semaphore_mem>>, %arg48: memref<!tpu.dma_semaphore, #tpu.memory_space<semaphore_mem>>, %arg49: memref<!tpu.dma_semaphore, #tpu.memory_space<semaphore_mem>>, %arg50: memref<!tpu.dma_semaphore, #tpu.memory_space<semaphore_mem>>) attributes {dimension_semantics = [#tpu.dimension_semantics<core_parallel>, #tpu.dimension_semantics<subcore_parallel>], iteration_bounds = array<i64: 2, 16>, scalar_prefetch = 0 : i64, scratch_operands = 45 : i64, tpu.core_type = #tpu.core_type<sc_vector_subcore>, window_params = [{transform_indices = #map}, {transform_indices = #map}, {transform_indices = #map}, {transform_indices = #map1}]} {
    %mul3A = arith.constant 2 : i32
    %mul3A_0 = arith.muli %arg1, %mul3A : i32
    %add3A = arith.addi %mul3A_0, %arg0 : i32
    %mul3A_1 = arith.constant 32 : i32
    %mul3A_2 = arith.muli %add3A, %mul3A_1 : i32
    %add3A_3 = arith.constant 0 : i32
    %add3A_4 = arith.addi %mul3A_2, %add3A_3 : i32
    %dma_start3A = arith.constant 0 : i32
    %dma_start3A_5 = tpu.memref_slice %arg2[%add3A_4, %dma_start3A] : memref<1024x200xi32, #tpu.memory_space<hbm>> -> memref<1x200xi32, #tpu.memory_space<hbm>>
    %dma_start3A_6 = tpu.memref_squeeze %dma_start3A_5 : memref<1x200xi32, #tpu.memory_space<hbm>> -> memref<200xi32, #tpu.memory_space<hbm>>
    %dma_start3A_7 = arith.constant 0 : i32
    %dma_start3A_8 = tpu.memref_slice %arg2[%add3A_4, %dma_start3A_7] : memref<1024x200xi32, #tpu.memory_space<hbm>> -> memref<1x200xi32, #tpu.memory_space<hbm>>
    %dma_start3A_9 = tpu.memref_squeeze %dma_start3A_8 : memref<1x200xi32, #tpu.memory_space<hbm>> -> memref<200xi32, #tpu.memory_space<hbm>>
    tpu.enqueue_dma source(%dma_start3A_9 : memref<200xi32, #tpu.memory_space<hbm>>) target(%arg6 : memref<200xi32, #tpu.memory_space<vmem>>) target_semaphore(%arg43 : memref<!tpu.dma_semaphore, #tpu.memory_space<semaphore_mem>>)
    %add3A_10 = arith.constant 1 : i32
    %add3A_11 = arith.addi %mul3A_2, %add3A_10 : i32
    %dma_start3A_12 = arith.constant 0 : i32
    %dma_start3A_13 = tpu.memref_slice %arg2[%add3A_11, %dma_start3A_12] : memref<1024x200xi32, #tpu.memory_space<hbm>> -> memref<1x200xi32, #tpu.memory_space<hbm>>
    %dma_start3A_14 = tpu.memref_squeeze %dma_start3A_13 : memref<1x200xi32, #tpu.memory_space<hbm>> -> memref<200xi32, #tpu.memory_space<hbm>>
    %dma_start3A_15 = arith.constant 0 : i32
    %dma_start3A_16 = tpu.memref_slice %arg2[%add3A_11, %dma_start3A_15] : memref<1024x200xi32, #tpu.memory_space<hbm>> -> memref<1x200xi32, #tpu.memory_space<hbm>>
    %dma_start3A_17 = tpu.memref_squeeze %dma_start3A_16 : memref<1x200xi32, #tpu.memory_space<hbm>> -> memref<200xi32, #tpu.memory_space<hbm>>
    tpu.enqueue_dma source(%dma_start3A_17 : memref<200xi32, #tpu.memory_space<hbm>>) target(%arg7 : memref<200xi32, #tpu.memory_space<vmem>>) target_semaphore(%arg43 : memref<!tpu.dma_semaphore, #tpu.memory_space<semaphore_mem>>)
    %add3A_18 = arith.constant 2 : i32
    %add3A_19 = arith.addi %mul3A_2, %add3A_18 : i32
    %dma_start3A_20 = arith.constant 0 : i32
    %dma_start3A_21 = tpu.memref_slice %arg2[%add3A_19, %dma_start3A_20] : memref<1024x200xi32, #tpu.memory_space<hbm>> -> memref<1x200xi32, #tpu.memory_space<hbm>>
    %dma_start3A_22 = tpu.memref_squeeze %dma_start3A_21 : memref<1x200xi32, #tpu.memory_space<hbm>> -> memref<200xi32, #tpu.memory_space<hbm>>
    %dma_start3A_23 = arith.constant 0 : i32
    %dma_start3A_24 = tpu.memref_slice %arg2[%add3A_19, %dma_start3A_23] : memref<1024x200xi32, #tpu.memory_space<hbm>> -> memref<1x200xi32, #tpu.memory_space<hbm>>
    %dma_start3A_25 = tpu.memref_squeeze %dma_start3A_24 : memref<1x200xi32, #tpu.memory_space<hbm>> -> memref<200xi32, #tpu.memory_space<hbm>>
    tpu.enqueue_dma source(%dma_start3A_25 : memref<200xi32, #tpu.memory_space<hbm>>) target(%arg8 : memref<200xi32, #tpu.memory_space<vmem>>) target_semaphore(%arg43 : memref<!tpu.dma_semaphore, #tpu.memory_space<semaphore_mem>>)
    %add3A_26 = arith.constant 3 : i32
    %add3A_27 = arith.addi %mul3A_2, %add3A_26 : i32
    %dma_start3A_28 = arith.constant 0 : i32
    %dma_start3A_29 = tpu.memref_slice %arg2[%add3A_27, %dma_start3A_28] : memref<1024x200xi32, #tpu.memory_space<hbm>> -> memref<1x200xi32, #tpu.memory_space<hbm>>
    %dma_start3A_30 = tpu.memref_squeeze %dma_start3A_29 : memref<1x200xi32, #tpu.memory_space<hbm>> -> memref<200xi32, #tpu.memory_space<hbm>>
    %dma_start3A_31 = arith.constant 0 : i32
    %dma_start3A_32 = tpu.memref_slice %arg2[%add3A_27, %dma_start3A_31] : memref<1024x200xi32, #tpu.memory_space<hbm>> -> memref<1x200xi32, #tpu.memory_space<hbm>>
    %dma_start3A_33 = tpu.memref_squeeze %dma_start3A_32 : memref<1x200xi32, #tpu.memory_space<hbm>> -> memref<200xi32, #tpu.memory_space<hbm>>
    tpu.enqueue_dma source(%dma_start3A_33 : memref<200xi32, #tpu.memory_space<hbm>>) target(%arg9 : memref<200xi32, #tpu.memory_space<vmem>>) target_semaphore(%arg43 : memref<!tpu.dma_semaphore, #tpu.memory_space<semaphore_mem>>)
    %add3A_34 = arith.constant 4 : i32
    %add3A_35 = arith.addi %mul3A_2, %add3A_34 : i32
    %dma_start3A_36 = arith.constant 0 : i32
    %dma_start3A_37 = tpu.memref_slice %arg2[%add3A_35, %dma_start3A_36] : memref<1024x200xi32, #tpu.memory_space<hbm>> -> memref<1x200xi32, #tpu.memory_space<hbm>>
    %dma_start3A_38 = tpu.memref_squeeze %dma_start3A_37 : memref<1x200xi32, #tpu.memory_space<hbm>> -> memref<200xi32, #tpu.memory_space<hbm>>
    %dma_start3A_39 = arith.constant 0 : i32
    %dma_start3A_40 = tpu.memref_slice %arg2[%add3A_35, %dma_start3A_39] : memref<1024x200xi32, #tpu.memory_space<hbm>> -> memref<1x200xi32, #tpu.memory_space<hbm>>
    %dma_start3A_41 = tpu.memref_squeeze %dma_start3A_40 : memref<1x200xi32, #tpu.memory_space<hbm>> -> memref<200xi32, #tpu.memory_space<hbm>>
    tpu.enqueue_dma source(%dma_start3A_41 : memref<200xi32, #tpu.memory_space<hbm>>) target(%arg10 : memref<200xi32, #tpu.memory_space<vmem>>) target_semaphore(%arg43 : memref<!tpu.dma_semaphore, #tpu.memory_space<semaphore_mem>>)
    %add3A_42 = arith.constant 5 : i32
    %add3A_43 = arith.addi %mul3A_2, %add3A_42 : i32
    %dma_start3A_44 = arith.constant 0 : i32
    %dma_start3A_45 = tpu.memref_slice %arg2[%add3A_43, %dma_start3A_44] : memref<1024x200xi32, #tpu.memory_space<hbm>> -> memref<1x200xi32, #tpu.memory_space<hbm>>
    %dma_start3A_46 = tpu.memref_squeeze %dma_start3A_45 : memref<1x200xi32, #tpu.memory_space<hbm>> -> memref<200xi32, #tpu.memory_space<hbm>>
    %dma_start3A_47 = arith.constant 0 : i32
    %dma_start3A_48 = tpu.memref_slice %arg2[%add3A_43, %dma_start3A_47] : memref<1024x200xi32, #tpu.memory_space<hbm>> -> memref<1x200xi32, #tpu.memory_space<hbm>>
    %dma_start3A_49 = tpu.memref_squeeze %dma_start3A_48 : memref<1x200xi32, #tpu.memory_space<hbm>> -> memref<200xi32, #tpu.memory_space<hbm>>
    tpu.enqueue_dma source(%dma_start3A_49 : memref<200xi32, #tpu.memory_space<hbm>>) target(%arg11 : memref<200xi32, #tpu.memory_space<vmem>>) target_semaphore(%arg43 : memref<!tpu.dma_semaphore, #tpu.memory_space<semaphore_mem>>)
    %add3A_50 = arith.constant 6 : i32
    %add3A_51 = arith.addi %mul3A_2, %add3A_50 : i32
    %dma_start3A_52 = arith.constant 0 : i32
    %dma_start3A_53 = tpu.memref_slice %arg2[%add3A_51, %dma_start3A_52] : memref<1024x200xi32, #tpu.memory_space<hbm>> -> memref<1x200xi32, #tpu.memory_space<hbm>>
    %dma_start3A_54 = tpu.memref_squeeze %dma_start3A_53 : memref<1x200xi32, #tpu.memory_space<hbm>> -> memref<200xi32, #tpu.memory_space<hbm>>
    %dma_start3A_55 = arith.constant 0 : i32
    %dma_start3A_56 = tpu.memref_slice %arg2[%add3A_51, %dma_start3A_55] : memref<1024x200xi32, #tpu.memory_space<hbm>> -> memref<1x200xi32, #tpu.memory_space<hbm>>
    %dma_start3A_57 = tpu.memref_squeeze %dma_start3A_56 : memref<1x200xi32, #tpu.memory_space<hbm>> -> memref<200xi32, #tpu.memory_space<hbm>>
    tpu.enqueue_dma source(%dma_start3A_57 : memref<200xi32, #tpu.memory_space<hbm>>) target(%arg12 : memref<200xi32, #tpu.memory_space<vmem>>) target_semaphore(%arg43 : memref<!tpu.dma_semaphore, #tpu.memory_space<semaphore_mem>>)
    %add3A_58 = arith.constant 7 : i32
    %add3A_59 = arith.addi %mul3A_2, %add3A_58 : i32
    %dma_start3A_60 = arith.constant 0 : i32
    %dma_start3A_61 = tpu.memref_slice %arg2[%add3A_59, %dma_start3A_60] : memref<1024x200xi32, #tpu.memory_space<hbm>> -> memref<1x200xi32, #tpu.memory_space<hbm>>
    %dma_start3A_62 = tpu.memref_squeeze %dma_start3A_61 : memref<1x200xi32, #tpu.memory_space<hbm>> -> memref<200xi32, #tpu.memory_space<hbm>>
    %dma_start3A_63 = arith.constant 0 : i32
    %dma_start3A_64 = tpu.memref_slice %arg2[%add3A_59, %dma_start3A_63] : memref<1024x200xi32, #tpu.memory_space<hbm>> -> memref<1x200xi32, #tpu.memory_space<hbm>>
    %dma_start3A_65 = tpu.memref_squeeze %dma_start3A_64 : memref<1x200xi32, #tpu.memory_space<hbm>> -> memref<200xi32, #tpu.memory_space<hbm>>
    tpu.enqueue_dma source(%dma_start3A_65 : memref<200xi32, #tpu.memory_space<hbm>>) target(%arg13 : memref<200xi32, #tpu.memory_space<vmem>>) target_semaphore(%arg43 : memref<!tpu.dma_semaphore, #tpu.memory_space<semaphore_mem>>)
    %add3A_66 = arith.constant 8 : i32
    %add3A_67 = arith.addi %mul3A_2, %add3A_66 : i32
    %dma_start3A_68 = arith.constant 0 : i32
    %dma_start3A_69 = tpu.memref_slice %arg2[%add3A_67, %dma_start3A_68] : memref<1024x200xi32, #tpu.memory_space<hbm>> -> memref<1x200xi32, #tpu.memory_space<hbm>>
    %dma_start3A_70 = tpu.memref_squeeze %dma_start3A_69 : memref<1x200xi32, #tpu.memory_space<hbm>> -> memref<200xi32, #tpu.memory_space<hbm>>
    %dma_start3A_71 = arith.constant 0 : i32
    %dma_start3A_72 = tpu.memref_slice %arg2[%add3A_67, %dma_start3A_71] : memref<1024x200xi32, #tpu.memory_space<hbm>> -> memref<1x200xi32, #tpu.memory_space<hbm>>
    %dma_start3A_73 = tpu.memref_squeeze %dma_start3A_72 : memref<1x200xi32, #tpu.memory_space<hbm>> -> memref<200xi32, #tpu.memory_space<hbm>>
    tpu.enqueue_dma source(%dma_start3A_73 : memref<200xi32, #tpu.memory_space<hbm>>) target(%arg14 : memref<200xi32, #tpu.memory_space<vmem>>) target_semaphore(%arg43 : memref<!tpu.dma_semaphore, #tpu.memory_space<semaphore_mem>>)
    %add3A_74 = arith.constant 9 : i32
    %add3A_75 = arith.addi %mul3A_2, %add3A_74 : i32
    %dma_start3A_76 = arith.constant 0 : i32
    %dma_start3A_77 = tpu.memref_slice %arg2[%add3A_75, %dma_start3A_76] : memref<1024x200xi32, #tpu.memory_space<hbm>> -> memref<1x200xi32, #tpu.memory_space<hbm>>
    %dma_start3A_78 = tpu.memref_squeeze %dma_start3A_77 : memref<1x200xi32, #tpu.memory_space<hbm>> -> memref<200xi32, #tpu.memory_space<hbm>>
    %dma_start3A_79 = arith.constant 0 : i32
    %dma_start3A_80 = tpu.memref_slice %arg2[%add3A_75, %dma_start3A_79] : memref<1024x200xi32, #tpu.memory_space<hbm>> -> memref<1x200xi32, #tpu.memory_space<hbm>>
    %dma_start3A_81 = tpu.memref_squeeze %dma_start3A_80 : memref<1x200xi32, #tpu.memory_space<hbm>> -> memref<200xi32, #tpu.memory_space<hbm>>
    tpu.enqueue_dma source(%dma_start3A_81 : memref<200xi32, #tpu.memory_space<hbm>>) target(%arg15 : memref<200xi32, #tpu.memory_space<vmem>>) target_semaphore(%arg43 : memref<!tpu.dma_semaphore, #tpu.memory_space<semaphore_mem>>)
    %add3A_82 = arith.constant 10 : i32
    %add3A_83 = arith.addi %mul3A_2, %add3A_82 : i32
    %dma_start3A_84 = arith.constant 0 : i32
    %dma_start3A_85 = tpu.memref_slice %arg2[%add3A_83, %dma_start3A_84] : memref<1024x200xi32, #tpu.memory_space<hbm>> -> memref<1x200xi32, #tpu.memory_space<hbm>>
    %dma_start3A_86 = tpu.memref_squeeze %dma_start3A_85 : memref<1x200xi32, #tpu.memory_space<hbm>> -> memref<200xi32, #tpu.memory_space<hbm>>
    %dma_start3A_87 = arith.constant 0 : i32
    %dma_start3A_88 = tpu.memref_slice %arg2[%add3A_83, %dma_start3A_87] : memref<1024x200xi32, #tpu.memory_space<hbm>> -> memref<1x200xi32, #tpu.memory_space<hbm>>
    %dma_start3A_89 = tpu.memref_squeeze %dma_start3A_88 : memref<1x200xi32, #tpu.memory_space<hbm>> -> memref<200xi32, #tpu.memory_space<hbm>>
    tpu.enqueue_dma source(%dma_start3A_89 : memref<200xi32, #tpu.memory_space<hbm>>) target(%arg16 : memref<200xi32, #tpu.memory_space<vmem>>) target_semaphore(%arg43 : memref<!tpu.dma_semaphore, #tpu.memory_space<semaphore_mem>>)
    %add3A_90 = arith.constant 11 : i32
    %add3A_91 = arith.addi %mul3A_2, %add3A_90 : i32
    %dma_start3A_92 = arith.constant 0 : i32
    %dma_start3A_93 = tpu.memref_slice %arg2[%add3A_91, %dma_start3A_92] : memref<1024x200xi32, #tpu.memory_space<hbm>> -> memref<1x200xi32, #tpu.memory_space<hbm>>
    %dma_start3A_94 = tpu.memref_squeeze %dma_start3A_93 : memref<1x200xi32, #tpu.memory_space<hbm>> -> memref<200xi32, #tpu.memory_space<hbm>>
    %dma_start3A_95 = arith.constant 0 : i32
    %dma_start3A_96 = tpu.memref_slice %arg2[%add3A_91, %dma_start3A_95] : memref<1024x200xi32, #tpu.memory_space<hbm>> -> memref<1x200xi32, #tpu.memory_space<hbm>>
    %dma_start3A_97 = tpu.memref_squeeze %dma_start3A_96 : memref<1x200xi32, #tpu.memory_space<hbm>> -> memref<200xi32, #tpu.memory_space<hbm>>
    tpu.enqueue_dma source(%dma_start3A_97 : memref<200xi32, #tpu.memory_space<hbm>>) target(%arg17 : memref<200xi32, #tpu.memory_space<vmem>>) target_semaphore(%arg43 : memref<!tpu.dma_semaphore, #tpu.memory_space<semaphore_mem>>)
    %add3A_98 = arith.constant 12 : i32
    %add3A_99 = arith.addi %mul3A_2, %add3A_98 : i32
    %dma_start3A_100 = arith.constant 0 : i32
    %dma_start3A_101 = tpu.memref_slice %arg2[%add3A_99, %dma_start3A_100] : memref<1024x200xi32, #tpu.memory_space<hbm>> -> memref<1x200xi32, #tpu.memory_space<hbm>>
    %dma_start3A_102 = tpu.memref_squeeze %dma_start3A_101 : memref<1x200xi32, #tpu.memory_space<hbm>> -> memref<200xi32, #tpu.memory_space<hbm>>
    %dma_start3A_103 = arith.constant 0 : i32
    %dma_start3A_104 = tpu.memref_slice %arg2[%add3A_99, %dma_start3A_103] : memref<1024x200xi32, #tpu.memory_space<hbm>> -> memref<1x200xi32, #tpu.memory_space<hbm>>
    %dma_start3A_105 = tpu.memref_squeeze %dma_start3A_104 : memref<1x200xi32, #tpu.memory_space<hbm>> -> memref<200xi32, #tpu.memory_space<hbm>>
    tpu.enqueue_dma source(%dma_start3A_105 : memref<200xi32, #tpu.memory_space<hbm>>) target(%arg18 : memref<200xi32, #tpu.memory_space<vmem>>) target_semaphore(%arg43 : memref<!tpu.dma_semaphore, #tpu.memory_space<semaphore_mem>>)
    %add3A_106 = arith.constant 13 : i32
    %add3A_107 = arith.addi %mul3A_2, %add3A_106 : i32
    %dma_start3A_108 = arith.constant 0 : i32
    %dma_start3A_109 = tpu.memref_slice %arg2[%add3A_107, %dma_start3A_108] : memref<1024x200xi32, #tpu.memory_space<hbm>> -> memref<1x200xi32, #tpu.memory_space<hbm>>
    %dma_start3A_110 = tpu.memref_squeeze %dma_start3A_109 : memref<1x200xi32, #tpu.memory_space<hbm>> -> memref<200xi32, #tpu.memory_space<hbm>>
    %dma_start3A_111 = arith.constant 0 : i32
    %dma_start3A_112 = tpu.memref_slice %arg2[%add3A_107, %dma_start3A_111] : memref<1024x200xi32, #tpu.memory_space<hbm>> -> memref<1x200xi32, #tpu.memory_space<hbm>>
    %dma_start3A_113 = tpu.memref_squeeze %dma_start3A_112 : memref<1x200xi32, #tpu.memory_space<hbm>> -> memref<200xi32, #tpu.memory_space<hbm>>
    tpu.enqueue_dma source(%dma_start3A_113 : memref<200xi32, #tpu.memory_space<hbm>>) target(%arg19 : memref<200xi32, #tpu.memory_space<vmem>>) target_semaphore(%arg43 : memref<!tpu.dma_semaphore, #tpu.memory_space<semaphore_mem>>)
    %add3A_114 = arith.constant 14 : i32
    %add3A_115 = arith.addi %mul3A_2, %add3A_114 : i32
    %dma_start3A_116 = arith.constant 0 : i32
    %dma_start3A_117 = tpu.memref_slice %arg2[%add3A_115, %dma_start3A_116] : memref<1024x200xi32, #tpu.memory_space<hbm>> -> memref<1x200xi32, #tpu.memory_space<hbm>>
    %dma_start3A_118 = tpu.memref_squeeze %dma_start3A_117 : memref<1x200xi32, #tpu.memory_space<hbm>> -> memref<200xi32, #tpu.memory_space<hbm>>
    %dma_start3A_119 = arith.constant 0 : i32
    %dma_start3A_120 = tpu.memref_slice %arg2[%add3A_115, %dma_start3A_119] : memref<1024x200xi32, #tpu.memory_space<hbm>> -> memref<1x200xi32, #tpu.memory_space<hbm>>
    %dma_start3A_121 = tpu.memref_squeeze %dma_start3A_120 : memref<1x200xi32, #tpu.memory_space<hbm>> -> memref<200xi32, #tpu.memory_space<hbm>>
    tpu.enqueue_dma source(%dma_start3A_121 : memref<200xi32, #tpu.memory_space<hbm>>) target(%arg20 : memref<200xi32, #tpu.memory_space<vmem>>) target_semaphore(%arg43 : memref<!tpu.dma_semaphore, #tpu.memory_space<semaphore_mem>>)
    %add3A_122 = arith.constant 15 : i32
    %add3A_123 = arith.addi %mul3A_2, %add3A_122 : i32
    %dma_start3A_124 = arith.constant 0 : i32
    %dma_start3A_125 = tpu.memref_slice %arg2[%add3A_123, %dma_start3A_124] : memref<1024x200xi32, #tpu.memory_space<hbm>> -> memref<1x200xi32, #tpu.memory_space<hbm>>
    %dma_start3A_126 = tpu.memref_squeeze %dma_start3A_125 : memref<1x200xi32, #tpu.memory_space<hbm>> -> memref<200xi32, #tpu.memory_space<hbm>>
    %dma_start3A_127 = arith.constant 0 : i32
    %dma_start3A_128 = tpu.memref_slice %arg2[%add3A_123, %dma_start3A_127] : memref<1024x200xi32, #tpu.memory_space<hbm>> -> memref<1x200xi32, #tpu.memory_space<hbm>>
    %dma_start3A_129 = tpu.memref_squeeze %dma_start3A_128 : memref<1x200xi32, #tpu.memory_space<hbm>> -> memref<200xi32, #tpu.memory_space<hbm>>
    tpu.enqueue_dma source(%dma_start3A_129 : memref<200xi32, #tpu.memory_space<hbm>>) target(%arg21 : memref<200xi32, #tpu.memory_space<vmem>>) target_semaphore(%arg43 : memref<!tpu.dma_semaphore, #tpu.memory_space<semaphore_mem>>)
    %add3A_130 = arith.constant 16 : i32
    %add3A_131 = arith.addi %mul3A_2, %add3A_130 : i32
    %dma_start3A_132 = arith.constant 0 : i32
    %dma_start3A_133 = tpu.memref_slice %arg2[%add3A_131, %dma_start3A_132] : memref<1024x200xi32, #tpu.memory_space<hbm>> -> memref<1x200xi32, #tpu.memory_space<hbm>>
    %dma_start3A_134 = tpu.memref_squeeze %dma_start3A_133 : memref<1x200xi32, #tpu.memory_space<hbm>> -> memref<200xi32, #tpu.memory_space<hbm>>
    %dma_start3A_135 = arith.constant 0 : i32
    %dma_start3A_136 = tpu.memref_slice %arg2[%add3A_131, %dma_start3A_135] : memref<1024x200xi32, #tpu.memory_space<hbm>> -> memref<1x200xi32, #tpu.memory_space<hbm>>
    %dma_start3A_137 = tpu.memref_squeeze %dma_start3A_136 : memref<1x200xi32, #tpu.memory_space<hbm>> -> memref<200xi32, #tpu.memory_space<hbm>>
    tpu.enqueue_dma source(%dma_start3A_137 : memref<200xi32, #tpu.memory_space<hbm>>) target(%arg22 : memref<200xi32, #tpu.memory_space<vmem>>) target_semaphore(%arg43 : memref<!tpu.dma_semaphore, #tpu.memory_space<semaphore_mem>>)
    %add3A_138 = arith.constant 17 : i32
    %add3A_139 = arith.addi %mul3A_2, %add3A_138 : i32
    %dma_start3A_140 = arith.constant 0 : i32
    %dma_start3A_141 = tpu.memref_slice %arg2[%add3A_139, %dma_start3A_140] : memref<1024x200xi32, #tpu.memory_space<hbm>> -> memref<1x200xi32, #tpu.memory_space<hbm>>
    %dma_start3A_142 = tpu.memref_squeeze %dma_start3A_141 : memref<1x200xi32, #tpu.memory_space<hbm>> -> memref<200xi32, #tpu.memory_space<hbm>>
    %dma_start3A_143 = arith.constant 0 : i32
    %dma_start3A_144 = tpu.memref_slice %arg2[%add3A_139, %dma_start3A_143] : memref<1024x200xi32, #tpu.memory_space<hbm>> -> memref<1x200xi32, #tpu.memory_space<hbm>>
    %dma_start3A_145 = tpu.memref_squeeze %dma_start3A_144 : memref<1x200xi32, #tpu.memory_space<hbm>> -> memref<200xi32, #tpu.memory_space<hbm>>
    tpu.enqueue_dma source(%dma_start3A_145 : memref<200xi32, #tpu.memory_space<hbm>>) target(%arg23 : memref<200xi32, #tpu.memory_space<vmem>>) target_semaphore(%arg43 : memref<!tpu.dma_semaphore, #tpu.memory_space<semaphore_mem>>)
    %add3A_146 = arith.constant 18 : i32
    %add3A_147 = arith.addi %mul3A_2, %add3A_146 : i32
    %dma_start3A_148 = arith.constant 0 : i32
    %dma_start3A_149 = tpu.memref_slice %arg2[%add3A_147, %dma_start3A_148] : memref<1024x200xi32, #tpu.memory_space<hbm>> -> memref<1x200xi32, #tpu.memory_space<hbm>>
    %dma_start3A_150 = tpu.memref_squeeze %dma_start3A_149 : memref<1x200xi32, #tpu.memory_space<hbm>> -> memref<200xi32, #tpu.memory_space<hbm>>
    %dma_start3A_151 = arith.constant 0 : i32
    %dma_start3A_152 = tpu.memref_slice %arg2[%add3A_147, %dma_start3A_151] : memref<1024x200xi32, #tpu.memory_space<hbm>> -> memref<1x200xi32, #tpu.memory_space<hbm>>
    %dma_start3A_153 = tpu.memref_squeeze %dma_start3A_152 : memref<1x200xi32, #tpu.memory_space<hbm>> -> memref<200xi32, #tpu.memory_space<hbm>>
    tpu.enqueue_dma source(%dma_start3A_153 : memref<200xi32, #tpu.memory_space<hbm>>) target(%arg24 : memref<200xi32, #tpu.memory_space<vmem>>) target_semaphore(%arg43 : memref<!tpu.dma_semaphore, #tpu.memory_space<semaphore_mem>>)
    %add3A_154 = arith.constant 19 : i32
    %add3A_155 = arith.addi %mul3A_2, %add3A_154 : i32
    %dma_start3A_156 = arith.constant 0 : i32
    %dma_start3A_157 = tpu.memref_slice %arg2[%add3A_155, %dma_start3A_156] : memref<1024x200xi32, #tpu.memory_space<hbm>> -> memref<1x200xi32, #tpu.memory_space<hbm>>
    %dma_start3A_158 = tpu.memref_squeeze %dma_start3A_157 : memref<1x200xi32, #tpu.memory_space<hbm>> -> memref<200xi32, #tpu.memory_space<hbm>>
    %dma_start3A_159 = arith.constant 0 : i32
    %dma_start3A_160 = tpu.memref_slice %arg2[%add3A_155, %dma_start3A_159] : memref<1024x200xi32, #tpu.memory_space<hbm>> -> memref<1x200xi32, #tpu.memory_space<hbm>>
    %dma_start3A_161 = tpu.memref_squeeze %dma_start3A_160 : memref<1x200xi32, #tpu.memory_space<hbm>> -> memref<200xi32, #tpu.memory_space<hbm>>
    tpu.enqueue_dma source(%dma_start3A_161 : memref<200xi32, #tpu.memory_space<hbm>>) target(%arg25 : memref<200xi32, #tpu.memory_space<vmem>>) target_semaphore(%arg43 : memref<!tpu.dma_semaphore, #tpu.memory_space<semaphore_mem>>)
    %add3A_162 = arith.constant 20 : i32
    %add3A_163 = arith.addi %mul3A_2, %add3A_162 : i32
    %dma_start3A_164 = arith.constant 0 : i32
    %dma_start3A_165 = tpu.memref_slice %arg2[%add3A_163, %dma_start3A_164] : memref<1024x200xi32, #tpu.memory_space<hbm>> -> memref<1x200xi32, #tpu.memory_space<hbm>>
    %dma_start3A_166 = tpu.memref_squeeze %dma_start3A_165 : memref<1x200xi32, #tpu.memory_space<hbm>> -> memref<200xi32, #tpu.memory_space<hbm>>
    %dma_start3A_167 = arith.constant 0 : i32
    %dma_start3A_168 = tpu.memref_slice %arg2[%add3A_163, %dma_start3A_167] : memref<1024x200xi32, #tpu.memory_space<hbm>> -> memref<1x200xi32, #tpu.memory_space<hbm>>
    %dma_start3A_169 = tpu.memref_squeeze %dma_start3A_168 : memref<1x200xi32, #tpu.memory_space<hbm>> -> memref<200xi32, #tpu.memory_space<hbm>>
    tpu.enqueue_dma source(%dma_start3A_169 : memref<200xi32, #tpu.memory_space<hbm>>) target(%arg26 : memref<200xi32, #tpu.memory_space<vmem>>) target_semaphore(%arg43 : memref<!tpu.dma_semaphore, #tpu.memory_space<semaphore_mem>>)
    %add3A_170 = arith.constant 21 : i32
    %add3A_171 = arith.addi %mul3A_2, %add3A_170 : i32
    %dma_start3A_172 = arith.constant 0 : i32
    %dma_start3A_173 = tpu.memref_slice %arg2[%add3A_171, %dma_start3A_172] : memref<1024x200xi32, #tpu.memory_space<hbm>> -> memref<1x200xi32, #tpu.memory_space<hbm>>
    %dma_start3A_174 = tpu.memref_squeeze %dma_start3A_173 : memref<1x200xi32, #tpu.memory_space<hbm>> -> memref<200xi32, #tpu.memory_space<hbm>>
    %dma_start3A_175 = arith.constant 0 : i32
    %dma_start3A_176 = tpu.memref_slice %arg2[%add3A_171, %dma_start3A_175] : memref<1024x200xi32, #tpu.memory_space<hbm>> -> memref<1x200xi32, #tpu.memory_space<hbm>>
    %dma_start3A_177 = tpu.memref_squeeze %dma_start3A_176 : memref<1x200xi32, #tpu.memory_space<hbm>> -> memref<200xi32, #tpu.memory_space<hbm>>
    tpu.enqueue_dma source(%dma_start3A_177 : memref<200xi32, #tpu.memory_space<hbm>>) target(%arg27 : memref<200xi32, #tpu.memory_space<vmem>>) target_semaphore(%arg43 : memref<!tpu.dma_semaphore, #tpu.memory_space<semaphore_mem>>)
    %add3A_178 = arith.constant 22 : i32
    %add3A_179 = arith.addi %mul3A_2, %add3A_178 : i32
    %dma_start3A_180 = arith.constant 0 : i32
    %dma_start3A_181 = tpu.memref_slice %arg2[%add3A_179, %dma_start3A_180] : memref<1024x200xi32, #tpu.memory_space<hbm>> -> memref<1x200xi32, #tpu.memory_space<hbm>>
    %dma_start3A_182 = tpu.memref_squeeze %dma_start3A_181 : memref<1x200xi32, #tpu.memory_space<hbm>> -> memref<200xi32, #tpu.memory_space<hbm>>
    %dma_start3A_183 = arith.constant 0 : i32
    %dma_start3A_184 = tpu.memref_slice %arg2[%add3A_179, %dma_start3A_183] : memref<1024x200xi32, #tpu.memory_space<hbm>> -> memref<1x200xi32, #tpu.memory_space<hbm>>
    %dma_start3A_185 = tpu.memref_squeeze %dma_start3A_184 : memref<1x200xi32, #tpu.memory_space<hbm>> -> memref<200xi32, #tpu.memory_space<hbm>>
    tpu.enqueue_dma source(%dma_start3A_185 : memref<200xi32, #tpu.memory_space<hbm>>) target(%arg28 : memref<200xi32, #tpu.memory_space<vmem>>) target_semaphore(%arg43 : memref<!tpu.dma_semaphore, #tpu.memory_space<semaphore_mem>>)
    %add3A_186 = arith.constant 23 : i32
    %add3A_187 = arith.addi %mul3A_2, %add3A_186 : i32
    %dma_start3A_188 = arith.constant 0 : i32
    %dma_start3A_189 = tpu.memref_slice %arg2[%add3A_187, %dma_start3A_188] : memref<1024x200xi32, #tpu.memory_space<hbm>> -> memref<1x200xi32, #tpu.memory_space<hbm>>
    %dma_start3A_190 = tpu.memref_squeeze %dma_start3A_189 : memref<1x200xi32, #tpu.memory_space<hbm>> -> memref<200xi32, #tpu.memory_space<hbm>>
    %dma_start3A_191 = arith.constant 0 : i32
    %dma_start3A_192 = tpu.memref_slice %arg2[%add3A_187, %dma_start3A_191] : memref<1024x200xi32, #tpu.memory_space<hbm>> -> memref<1x200xi32, #tpu.memory_space<hbm>>
    %dma_start3A_193 = tpu.memref_squeeze %dma_start3A_192 : memref<1x200xi32, #tpu.memory_space<hbm>> -> memref<200xi32, #tpu.memory_space<hbm>>
    tpu.enqueue_dma source(%dma_start3A_193 : memref<200xi32, #tpu.memory_space<hbm>>) target(%arg29 : memref<200xi32, #tpu.memory_space<vmem>>) target_semaphore(%arg43 : memref<!tpu.dma_semaphore, #tpu.memory_space<semaphore_mem>>)
    %add3A_194 = arith.constant 24 : i32
    %add3A_195 = arith.addi %mul3A_2, %add3A_194 : i32
    %dma_start3A_196 = arith.constant 0 : i32
    %dma_start3A_197 = tpu.memref_slice %arg2[%add3A_195, %dma_start3A_196] : memref<1024x200xi32, #tpu.memory_space<hbm>> -> memref<1x200xi32, #tpu.memory_space<hbm>>
    %dma_start3A_198 = tpu.memref_squeeze %dma_start3A_197 : memref<1x200xi32, #tpu.memory_space<hbm>> -> memref<200xi32, #tpu.memory_space<hbm>>
    %dma_start3A_199 = arith.constant 0 : i32
    %dma_start3A_200 = tpu.memref_slice %arg2[%add3A_195, %dma_start3A_199] : memref<1024x200xi32, #tpu.memory_space<hbm>> -> memref<1x200xi32, #tpu.memory_space<hbm>>
    %dma_start3A_201 = tpu.memref_squeeze %dma_start3A_200 : memref<1x200xi32, #tpu.memory_space<hbm>> -> memref<200xi32, #tpu.memory_space<hbm>>
    tpu.enqueue_dma source(%dma_start3A_201 : memref<200xi32, #tpu.memory_space<hbm>>) target(%arg30 : memref<200xi32, #tpu.memory_space<vmem>>) target_semaphore(%arg43 : memref<!tpu.dma_semaphore, #tpu.memory_space<semaphore_mem>>)
    %add3A_202 = arith.constant 25 : i32
    %add3A_203 = arith.addi %mul3A_2, %add3A_202 : i32
    %dma_start3A_204 = arith.constant 0 : i32
    %dma_start3A_205 = tpu.memref_slice %arg2[%add3A_203, %dma_start3A_204] : memref<1024x200xi32, #tpu.memory_space<hbm>> -> memref<1x200xi32, #tpu.memory_space<hbm>>
    %dma_start3A_206 = tpu.memref_squeeze %dma_start3A_205 : memref<1x200xi32, #tpu.memory_space<hbm>> -> memref<200xi32, #tpu.memory_space<hbm>>
    %dma_start3A_207 = arith.constant 0 : i32
    %dma_start3A_208 = tpu.memref_slice %arg2[%add3A_203, %dma_start3A_207] : memref<1024x200xi32, #tpu.memory_space<hbm>> -> memref<1x200xi32, #tpu.memory_space<hbm>>
    %dma_start3A_209 = tpu.memref_squeeze %dma_start3A_208 : memref<1x200xi32, #tpu.memory_space<hbm>> -> memref<200xi32, #tpu.memory_space<hbm>>
    tpu.enqueue_dma source(%dma_start3A_209 : memref<200xi32, #tpu.memory_space<hbm>>) target(%arg31 : memref<200xi32, #tpu.memory_space<vmem>>) target_semaphore(%arg43 : memref<!tpu.dma_semaphore, #tpu.memory_space<semaphore_mem>>)
    %add3A_210 = arith.constant 26 : i32
    %add3A_211 = arith.addi %mul3A_2, %add3A_210 : i32
    %dma_start3A_212 = arith.constant 0 : i32
    %dma_start3A_213 = tpu.memref_slice %arg2[%add3A_211, %dma_start3A_212] : memref<1024x200xi32, #tpu.memory_space<hbm>> -> memref<1x200xi32, #tpu.memory_space<hbm>>
    %dma_start3A_214 = tpu.memref_squeeze %dma_start3A_213 : memref<1x200xi32, #tpu.memory_space<hbm>> -> memref<200xi32, #tpu.memory_space<hbm>>
    %dma_start3A_215 = arith.constant 0 : i32
    %dma_start3A_216 = tpu.memref_slice %arg2[%add3A_211, %dma_start3A_215] : memref<1024x200xi32, #tpu.memory_space<hbm>> -> memref<1x200xi32, #tpu.memory_space<hbm>>
    %dma_start3A_217 = tpu.memref_squeeze %dma_start3A_216 : memref<1x200xi32, #tpu.memory_space<hbm>> -> memref<200xi32, #tpu.memory_space<hbm>>
    tpu.enqueue_dma source(%dma_start3A_217 : memref<200xi32, #tpu.memory_space<hbm>>) target(%arg32 : memref<200xi32, #tpu.memory_space<vmem>>) target_semaphore(%arg43 : memref<!tpu.dma_semaphore, #tpu.memory_space<semaphore_mem>>)
    %add3A_218 = arith.constant 27 : i32
    %add3A_219 = arith.addi %mul3A_2, %add3A_218 : i32
    %dma_start3A_220 = arith.constant 0 : i32
    %dma_start3A_221 = tpu.memref_slice %arg2[%add3A_219, %dma_start3A_220] : memref<1024x200xi32, #tpu.memory_space<hbm>> -> memref<1x200xi32, #tpu.memory_space<hbm>>
    %dma_start3A_222 = tpu.memref_squeeze %dma_start3A_221 : memref<1x200xi32, #tpu.memory_space<hbm>> -> memref<200xi32, #tpu.memory_space<hbm>>
    %dma_start3A_223 = arith.constant 0 : i32
    %dma_start3A_224 = tpu.memref_slice %arg2[%add3A_219, %dma_start3A_223] : memref<1024x200xi32, #tpu.memory_space<hbm>> -> memref<1x200xi32, #tpu.memory_space<hbm>>
    %dma_start3A_225 = tpu.memref_squeeze %dma_start3A_224 : memref<1x200xi32, #tpu.memory_space<hbm>> -> memref<200xi32, #tpu.memory_space<hbm>>
    tpu.enqueue_dma source(%dma_start3A_225 : memref<200xi32, #tpu.memory_space<hbm>>) target(%arg33 : memref<200xi32, #tpu.memory_space<vmem>>) target_semaphore(%arg43 : memref<!tpu.dma_semaphore, #tpu.memory_space<semaphore_mem>>)
    %add3A_226 = arith.constant 28 : i32
    %add3A_227 = arith.addi %mul3A_2, %add3A_226 : i32
    %dma_start3A_228 = arith.constant 0 : i32
    %dma_start3A_229 = tpu.memref_slice %arg2[%add3A_227, %dma_start3A_228] : memref<1024x200xi32, #tpu.memory_space<hbm>> -> memref<1x200xi32, #tpu.memory_space<hbm>>
    %dma_start3A_230 = tpu.memref_squeeze %dma_start3A_229 : memref<1x200xi32, #tpu.memory_space<hbm>> -> memref<200xi32, #tpu.memory_space<hbm>>
    %dma_start3A_231 = arith.constant 0 : i32
    %dma_start3A_232 = tpu.memref_slice %arg2[%add3A_227, %dma_start3A_231] : memref<1024x200xi32, #tpu.memory_space<hbm>> -> memref<1x200xi32, #tpu.memory_space<hbm>>
    %dma_start3A_233 = tpu.memref_squeeze %dma_start3A_232 : memref<1x200xi32, #tpu.memory_space<hbm>> -> memref<200xi32, #tpu.memory_space<hbm>>
    tpu.enqueue_dma source(%dma_start3A_233 : memref<200xi32, #tpu.memory_space<hbm>>) target(%arg34 : memref<200xi32, #tpu.memory_space<vmem>>) target_semaphore(%arg43 : memref<!tpu.dma_semaphore, #tpu.memory_space<semaphore_mem>>)
    %add3A_234 = arith.constant 29 : i32
    %add3A_235 = arith.addi %mul3A_2, %add3A_234 : i32
    %dma_start3A_236 = arith.constant 0 : i32
    %dma_start3A_237 = tpu.memref_slice %arg2[%add3A_235, %dma_start3A_236] : memref<1024x200xi32, #tpu.memory_space<hbm>> -> memref<1x200xi32, #tpu.memory_space<hbm>>
    %dma_start3A_238 = tpu.memref_squeeze %dma_start3A_237 : memref<1x200xi32, #tpu.memory_space<hbm>> -> memref<200xi32, #tpu.memory_space<hbm>>
    %dma_start3A_239 = arith.constant 0 : i32
    %dma_start3A_240 = tpu.memref_slice %arg2[%add3A_235, %dma_start3A_239] : memref<1024x200xi32, #tpu.memory_space<hbm>> -> memref<1x200xi32, #tpu.memory_space<hbm>>
    %dma_start3A_241 = tpu.memref_squeeze %dma_start3A_240 : memref<1x200xi32, #tpu.memory_space<hbm>> -> memref<200xi32, #tpu.memory_space<hbm>>
    tpu.enqueue_dma source(%dma_start3A_241 : memref<200xi32, #tpu.memory_space<hbm>>) target(%arg35 : memref<200xi32, #tpu.memory_space<vmem>>) target_semaphore(%arg43 : memref<!tpu.dma_semaphore, #tpu.memory_space<semaphore_mem>>)
    %add3A_242 = arith.constant 30 : i32
    %add3A_243 = arith.addi %mul3A_2, %add3A_242 : i32
    %dma_start3A_244 = arith.constant 0 : i32
    %dma_start3A_245 = tpu.memref_slice %arg2[%add3A_243, %dma_start3A_244] : memref<1024x200xi32, #tpu.memory_space<hbm>> -> memref<1x200xi32, #tpu.memory_space<hbm>>
    %dma_start3A_246 = tpu.memref_squeeze %dma_start3A_245 : memref<1x200xi32, #tpu.memory_space<hbm>> -> memref<200xi32, #tpu.memory_space<hbm>>
    %dma_start3A_247 = arith.constant 0 : i32
    %dma_start3A_248 = tpu.memref_slice %arg2[%add3A_243, %dma_start3A_247] : memref<1024x200xi32, #tpu.memory_space<hbm>> -> memref<1x200xi32, #tpu.memory_space<hbm>>
    %dma_start3A_249 = tpu.memref_squeeze %dma_start3A_248 : memref<1x200xi32, #tpu.memory_space<hbm>> -> memref<200xi32, #tpu.memory_space<hbm>>
    tpu.enqueue_dma source(%dma_start3A_249 : memref<200xi32, #tpu.memory_space<hbm>>) target(%arg36 : memref<200xi32, #tpu.memory_space<vmem>>) target_semaphore(%arg43 : memref<!tpu.dma_semaphore, #tpu.memory_space<semaphore_mem>>)
    %add3A_250 = arith.constant 31 : i32
    %add3A_251 = arith.addi %mul3A_2, %add3A_250 : i32
    %dma_start3A_252 = arith.constant 0 : i32
    %dma_start3A_253 = tpu.memref_slice %arg2[%add3A_251, %dma_start3A_252] : memref<1024x200xi32, #tpu.memory_space<hbm>> -> memref<1x200xi32, #tpu.memory_space<hbm>>
    %dma_start3A_254 = tpu.memref_squeeze %dma_start3A_253 : memref<1x200xi32, #tpu.memory_space<hbm>> -> memref<200xi32, #tpu.memory_space<hbm>>
    %dma_start3A_255 = arith.constant 0 : i32
    %dma_start3A_256 = tpu.memref_slice %arg2[%add3A_251, %dma_start3A_255] : memref<1024x200xi32, #tpu.memory_space<hbm>> -> memref<1x200xi32, #tpu.memory_space<hbm>>
    %dma_start3A_257 = tpu.memref_squeeze %dma_start3A_256 : memref<1x200xi32, #tpu.memory_space<hbm>> -> memref<200xi32, #tpu.memory_space<hbm>>
    tpu.enqueue_dma source(%dma_start3A_257 : memref<200xi32, #tpu.memory_space<hbm>>) target(%arg37 : memref<200xi32, #tpu.memory_space<vmem>>) target_semaphore(%arg43 : memref<!tpu.dma_semaphore, #tpu.memory_space<semaphore_mem>>)
    %add3A_258 = arith.constant 0 : i32
    %add3A_259 = arith.addi %mul3A_2, %add3A_258 : i32
    %dma_wait3A = arith.constant 0 : i32
    %dma_wait3A_260 = tpu.memref_slice %arg2[%add3A_259, %dma_wait3A] : memref<1024x200xi32, #tpu.memory_space<hbm>> -> memref<1x200xi32, #tpu.memory_space<hbm>>
    %dma_wait3A_261 = tpu.memref_squeeze %dma_wait3A_260 : memref<1x200xi32, #tpu.memory_space<hbm>> -> memref<200xi32, #tpu.memory_space<hbm>>
    %dma_wait3A_262 = arith.constant 0 : i32
    %dma_wait3A_263 = tpu.memref_slice %arg2[%add3A_259, %dma_wait3A_262] : memref<1024x200xi32, #tpu.memory_space<hbm>> -> memref<1x200xi32, #tpu.memory_space<hbm>>
    %dma_wait3A_264 = tpu.memref_squeeze %dma_wait3A_263 : memref<1x200xi32, #tpu.memory_space<hbm>> -> memref<200xi32, #tpu.memory_space<hbm>>
    tpu.wait_dma2 semaphore(%arg43 : memref<!tpu.dma_semaphore, #tpu.memory_space<semaphore_mem>>) src(%dma_wait3A_264 : memref<200xi32, #tpu.memory_space<hbm>>) dst(%arg6 : memref<200xi32, #tpu.memory_space<vmem>>)
    %add3A_265 = arith.constant 1 : i32
    %add3A_266 = arith.addi %mul3A_2, %add3A_265 : i32
    %dma_wait3A_267 = arith.constant 0 : i32
    %dma_wait3A_268 = tpu.memref_slice %arg2[%add3A_266, %dma_wait3A_267] : memref<1024x200xi32, #tpu.memory_space<hbm>> -> memref<1x200xi32, #tpu.memory_space<hbm>>
    %dma_wait3A_269 = tpu.memref_squeeze %dma_wait3A_268 : memref<1x200xi32, #tpu.memory_space<hbm>> -> memref<200xi32, #tpu.memory_space<hbm>>
    %dma_wait3A_270 = arith.constant 0 : i32
    %dma_wait3A_271 = tpu.memref_slice %arg2[%add3A_266, %dma_wait3A_270] : memref<1024x200xi32, #tpu.memory_space<hbm>> -> memref<1x200xi32, #tpu.memory_space<hbm>>
    %dma_wait3A_272 = tpu.memref_squeeze %dma_wait3A_271 : memref<1x200xi32, #tpu.memory_space<hbm>> -> memref<200xi32, #tpu.memory_space<hbm>>
    tpu.wait_dma2 semaphore(%arg43 : memref<!tpu.dma_semaphore, #tpu.memory_space<semaphore_mem>>) src(%dma_wait3A_272 : memref<200xi32, #tpu.memory_space<hbm>>) dst(%arg7 : memref<200xi32, #tpu.memory_space<vmem>>)
    %add3A_273 = arith.constant 2 : i32
    %add3A_274 = arith.addi %mul3A_2, %add3A_273 : i32
    %dma_wait3A_275 = arith.constant 0 : i32
    %dma_wait3A_276 = tpu.memref_slice %arg2[%add3A_274, %dma_wait3A_275] : memref<1024x200xi32, #tpu.memory_space<hbm>> -> memref<1x200xi32, #tpu.memory_space<hbm>>
    %dma_wait3A_277 = tpu.memref_squeeze %dma_wait3A_276 : memref<1x200xi32, #tpu.memory_space<hbm>> -> memref<200xi32, #tpu.memory_space<hbm>>
    %dma_wait3A_278 = arith.constant 0 : i32
    %dma_wait3A_279 = tpu.memref_slice %arg2[%add3A_274, %dma_wait3A_278] : memref<1024x200xi32, #tpu.memory_space<hbm>> -> memref<1x200xi32, #tpu.memory_space<hbm>>
    %dma_wait3A_280 = tpu.memref_squeeze %dma_wait3A_279 : memref<1x200xi32, #tpu.memory_space<hbm>> -> memref<200xi32, #tpu.memory_space<hbm>>
    tpu.wait_dma2 semaphore(%arg43 : memref<!tpu.dma_semaphore, #tpu.memory_space<semaphore_mem>>) src(%dma_wait3A_280 : memref<200xi32, #tpu.memory_space<hbm>>) dst(%arg8 : memref<200xi32, #tpu.memory_space<vmem>>)
    %add3A_281 = arith.constant 3 : i32
    %add3A_282 = arith.addi %mul3A_2, %add3A_281 : i32
    %dma_wait3A_283 = arith.constant 0 : i32
    %dma_wait3A_284 = tpu.memref_slice %arg2[%add3A_282, %dma_wait3A_283] : memref<1024x200xi32, #tpu.memory_space<hbm>> -> memref<1x200xi32, #tpu.memory_space<hbm>>
    %dma_wait3A_285 = tpu.memref_squeeze %dma_wait3A_284 : memref<1x200xi32, #tpu.memory_space<hbm>> -> memref<200xi32, #tpu.memory_space<hbm>>
    %dma_wait3A_286 = arith.constant 0 : i32
    %dma_wait3A_287 = tpu.memref_slice %arg2[%add3A_282, %dma_wait3A_286] : memref<1024x200xi32, #tpu.memory_space<hbm>> -> memref<1x200xi32, #tpu.memory_space<hbm>>
    %dma_wait3A_288 = tpu.memref_squeeze %dma_wait3A_287 : memref<1x200xi32, #tpu.memory_space<hbm>> -> memref<200xi32, #tpu.memory_space<hbm>>
    tpu.wait_dma2 semaphore(%arg43 : memref<!tpu.dma_semaphore, #tpu.memory_space<semaphore_mem>>) src(%dma_wait3A_288 : memref<200xi32, #tpu.memory_space<hbm>>) dst(%arg9 : memref<200xi32, #tpu.memory_space<vmem>>)
    %add3A_289 = arith.constant 4 : i32
    %add3A_290 = arith.addi %mul3A_2, %add3A_289 : i32
    %dma_wait3A_291 = arith.constant 0 : i32
    %dma_wait3A_292 = tpu.memref_slice %arg2[%add3A_290, %dma_wait3A_291] : memref<1024x200xi32, #tpu.memory_space<hbm>> -> memref<1x200xi32, #tpu.memory_space<hbm>>
    %dma_wait3A_293 = tpu.memref_squeeze %dma_wait3A_292 : memref<1x200xi32, #tpu.memory_space<hbm>> -> memref<200xi32, #tpu.memory_space<hbm>>
    %dma_wait3A_294 = arith.constant 0 : i32
    %dma_wait3A_295 = tpu.memref_slice %arg2[%add3A_290, %dma_wait3A_294] : memref<1024x200xi32, #tpu.memory_space<hbm>> -> memref<1x200xi32, #tpu.memory_space<hbm>>
    %dma_wait3A_296 = tpu.memref_squeeze %dma_wait3A_295 : memref<1x200xi32, #tpu.memory_space<hbm>> -> memref<200xi32, #tpu.memory_space<hbm>>
    tpu.wait_dma2 semaphore(%arg43 : memref<!tpu.dma_semaphore, #tpu.memory_space<semaphore_mem>>) src(%dma_wait3A_296 : memref<200xi32, #tpu.memory_space<hbm>>) dst(%arg10 : memref<200xi32, #tpu.memory_space<vmem>>)
    %add3A_297 = arith.constant 5 : i32
    %add3A_298 = arith.addi %mul3A_2, %add3A_297 : i32
    %dma_wait3A_299 = arith.constant 0 : i32
    %dma_wait3A_300 = tpu.memref_slice %arg2[%add3A_298, %dma_wait3A_299] : memref<1024x200xi32, #tpu.memory_space<hbm>> -> memref<1x200xi32, #tpu.memory_space<hbm>>
    %dma_wait3A_301 = tpu.memref_squeeze %dma_wait3A_300 : memref<1x200xi32, #tpu.memory_space<hbm>> -> memref<200xi32, #tpu.memory_space<hbm>>
    %dma_wait3A_302 = arith.constant 0 : i32
    %dma_wait3A_303 = tpu.memref_slice %arg2[%add3A_298, %dma_wait3A_302] : memref<1024x200xi32, #tpu.memory_space<hbm>> -> memref<1x200xi32, #tpu.memory_space<hbm>>
    %dma_wait3A_304 = tpu.memref_squeeze %dma_wait3A_303 : memref<1x200xi32, #tpu.memory_space<hbm>> -> memref<200xi32, #tpu.memory_space<hbm>>
    tpu.wait_dma2 semaphore(%arg43 : memref<!tpu.dma_semaphore, #tpu.memory_space<semaphore_mem>>) src(%dma_wait3A_304 : memref<200xi32, #tpu.memory_space<hbm>>) dst(%arg11 : memref<200xi32, #tpu.memory_space<vmem>>)
    %add3A_305 = arith.constant 6 : i32
    %add3A_306 = arith.addi %mul3A_2, %add3A_305 : i32
    %dma_wait3A_307 = arith.constant 0 : i32
    %dma_wait3A_308 = tpu.memref_slice %arg2[%add3A_306, %dma_wait3A_307] : memref<1024x200xi32, #tpu.memory_space<hbm>> -> memref<1x200xi32, #tpu.memory_space<hbm>>
    %dma_wait3A_309 = tpu.memref_squeeze %dma_wait3A_308 : memref<1x200xi32, #tpu.memory_space<hbm>> -> memref<200xi32, #tpu.memory_space<hbm>>
    %dma_wait3A_310 = arith.constant 0 : i32
    %dma_wait3A_311 = tpu.memref_slice %arg2[%add3A_306, %dma_wait3A_310] : memref<1024x200xi32, #tpu.memory_space<hbm>> -> memref<1x200xi32, #tpu.memory_space<hbm>>
    %dma_wait3A_312 = tpu.memref_squeeze %dma_wait3A_311 : memref<1x200xi32, #tpu.memory_space<hbm>> -> memref<200xi32, #tpu.memory_space<hbm>>
    tpu.wait_dma2 semaphore(%arg43 : memref<!tpu.dma_semaphore, #tpu.memory_space<semaphore_mem>>) src(%dma_wait3A_312 : memref<200xi32, #tpu.memory_space<hbm>>) dst(%arg12 : memref<200xi32, #tpu.memory_space<vmem>>)
    %add3A_313 = arith.constant 7 : i32
    %add3A_314 = arith.addi %mul3A_2, %add3A_313 : i32
    %dma_wait3A_315 = arith.constant 0 : i32
    %dma_wait3A_316 = tpu.memref_slice %arg2[%add3A_314, %dma_wait3A_315] : memref<1024x200xi32, #tpu.memory_space<hbm>> -> memref<1x200xi32, #tpu.memory_space<hbm>>
    %dma_wait3A_317 = tpu.memref_squeeze %dma_wait3A_316 : memref<1x200xi32, #tpu.memory_space<hbm>> -> memref<200xi32, #tpu.memory_space<hbm>>
    %dma_wait3A_318 = arith.constant 0 : i32
    %dma_wait3A_319 = tpu.memref_slice %arg2[%add3A_314, %dma_wait3A_318] : memref<1024x200xi32, #tpu.memory_space<hbm>> -> memref<1x200xi32, #tpu.memory_space<hbm>>
    %dma_wait3A_320 = tpu.memref_squeeze %dma_wait3A_319 : memref<1x200xi32, #tpu.memory_space<hbm>> -> memref<200xi32, #tpu.memory_space<hbm>>
    tpu.wait_dma2 semaphore(%arg43 : memref<!tpu.dma_semaphore, #tpu.memory_space<semaphore_mem>>) src(%dma_wait3A_320 : memref<200xi32, #tpu.memory_space<hbm>>) dst(%arg13 : memref<200xi32, #tpu.memory_space<vmem>>)
    %add3A_321 = arith.constant 8 : i32
    %add3A_322 = arith.addi %mul3A_2, %add3A_321 : i32
    %dma_wait3A_323 = arith.constant 0 : i32
    %dma_wait3A_324 = tpu.memref_slice %arg2[%add3A_322, %dma_wait3A_323] : memref<1024x200xi32, #tpu.memory_space<hbm>> -> memref<1x200xi32, #tpu.memory_space<hbm>>
    %dma_wait3A_325 = tpu.memref_squeeze %dma_wait3A_324 : memref<1x200xi32, #tpu.memory_space<hbm>> -> memref<200xi32, #tpu.memory_space<hbm>>
    %dma_wait3A_326 = arith.constant 0 : i32
    %dma_wait3A_327 = tpu.memref_slice %arg2[%add3A_322, %dma_wait3A_326] : memref<1024x200xi32, #tpu.memory_space<hbm>> -> memref<1x200xi32, #tpu.memory_space<hbm>>
    %dma_wait3A_328 = tpu.memref_squeeze %dma_wait3A_327 : memref<1x200xi32, #tpu.memory_space<hbm>> -> memref<200xi32, #tpu.memory_space<hbm>>
    tpu.wait_dma2 semaphore(%arg43 : memref<!tpu.dma_semaphore, #tpu.memory_space<semaphore_mem>>) src(%dma_wait3A_328 : memref<200xi32, #tpu.memory_space<hbm>>) dst(%arg14 : memref<200xi32, #tpu.memory_space<vmem>>)
    %add3A_329 = arith.constant 9 : i32
    %add3A_330 = arith.addi %mul3A_2, %add3A_329 : i32
    %dma_wait3A_331 = arith.constant 0 : i32
    %dma_wait3A_332 = tpu.memref_slice %arg2[%add3A_330, %dma_wait3A_331] : memref<1024x200xi32, #tpu.memory_space<hbm>> -> memref<1x200xi32, #tpu.memory_space<hbm>>
    %dma_wait3A_333 = tpu.memref_squeeze %dma_wait3A_332 : memref<1x200xi32, #tpu.memory_space<hbm>> -> memref<200xi32, #tpu.memory_space<hbm>>
    %dma_wait3A_334 = arith.constant 0 : i32
    %dma_wait3A_335 = tpu.memref_slice %arg2[%add3A_330, %dma_wait3A_334] : memref<1024x200xi32, #tpu.memory_space<hbm>> -> memref<1x200xi32, #tpu.memory_space<hbm>>
    %dma_wait3A_336 = tpu.memref_squeeze %dma_wait3A_335 : memref<1x200xi32, #tpu.memory_space<hbm>> -> memref<200xi32, #tpu.memory_space<hbm>>
    tpu.wait_dma2 semaphore(%arg43 : memref<!tpu.dma_semaphore, #tpu.memory_space<semaphore_mem>>) src(%dma_wait3A_336 : memref<200xi32, #tpu.memory_space<hbm>>) dst(%arg15 : memref<200xi32, #tpu.memory_space<vmem>>)
    %add3A_337 = arith.constant 10 : i32
    %add3A_338 = arith.addi %mul3A_2, %add3A_337 : i32
    %dma_wait3A_339 = arith.constant 0 : i32
    %dma_wait3A_340 = tpu.memref_slice %arg2[%add3A_338, %dma_wait3A_339] : memref<1024x200xi32, #tpu.memory_space<hbm>> -> memref<1x200xi32, #tpu.memory_space<hbm>>
    %dma_wait3A_341 = tpu.memref_squeeze %dma_wait3A_340 : memref<1x200xi32, #tpu.memory_space<hbm>> -> memref<200xi32, #tpu.memory_space<hbm>>
    %dma_wait3A_342 = arith.constant 0 : i32
    %dma_wait3A_343 = tpu.memref_slice %arg2[%add3A_338, %dma_wait3A_342] : memref<1024x200xi32, #tpu.memory_space<hbm>> -> memref<1x200xi32, #tpu.memory_space<hbm>>
    %dma_wait3A_344 = tpu.memref_squeeze %dma_wait3A_343 : memref<1x200xi32, #tpu.memory_space<hbm>> -> memref<200xi32, #tpu.memory_space<hbm>>
    tpu.wait_dma2 semaphore(%arg43 : memref<!tpu.dma_semaphore, #tpu.memory_space<semaphore_mem>>) src(%dma_wait3A_344 : memref<200xi32, #tpu.memory_space<hbm>>) dst(%arg16 : memref<200xi32, #tpu.memory_space<vmem>>)
    %add3A_345 = arith.constant 11 : i32
    %add3A_346 = arith.addi %mul3A_2, %add3A_345 : i32
    %dma_wait3A_347 = arith.constant 0 : i32
    %dma_wait3A_348 = tpu.memref_slice %arg2[%add3A_346, %dma_wait3A_347] : memref<1024x200xi32, #tpu.memory_space<hbm>> -> memref<1x200xi32, #tpu.memory_space<hbm>>
    %dma_wait3A_349 = tpu.memref_squeeze %dma_wait3A_348 : memref<1x200xi32, #tpu.memory_space<hbm>> -> memref<200xi32, #tpu.memory_space<hbm>>
    %dma_wait3A_350 = arith.constant 0 : i32
    %dma_wait3A_351 = tpu.memref_slice %arg2[%add3A_346, %dma_wait3A_350] : memref<1024x200xi32, #tpu.memory_space<hbm>> -> memref<1x200xi32, #tpu.memory_space<hbm>>
    %dma_wait3A_352 = tpu.memref_squeeze %dma_wait3A_351 : memref<1x200xi32, #tpu.memory_space<hbm>> -> memref<200xi32, #tpu.memory_space<hbm>>
    tpu.wait_dma2 semaphore(%arg43 : memref<!tpu.dma_semaphore, #tpu.memory_space<semaphore_mem>>) src(%dma_wait3A_352 : memref<200xi32, #tpu.memory_space<hbm>>) dst(%arg17 : memref<200xi32, #tpu.memory_space<vmem>>)
    %add3A_353 = arith.constant 12 : i32
    %add3A_354 = arith.addi %mul3A_2, %add3A_353 : i32
    %dma_wait3A_355 = arith.constant 0 : i32
    %dma_wait3A_356 = tpu.memref_slice %arg2[%add3A_354, %dma_wait3A_355] : memref<1024x200xi32, #tpu.memory_space<hbm>> -> memref<1x200xi32, #tpu.memory_space<hbm>>
    %dma_wait3A_357 = tpu.memref_squeeze %dma_wait3A_356 : memref<1x200xi32, #tpu.memory_space<hbm>> -> memref<200xi32, #tpu.memory_space<hbm>>
    %dma_wait3A_358 = arith.constant 0 : i32
    %dma_wait3A_359 = tpu.memref_slice %arg2[%add3A_354, %dma_wait3A_358] : memref<1024x200xi32, #tpu.memory_space<hbm>> -> memref<1x200xi32, #tpu.memory_space<hbm>>
    %dma_wait3A_360 = tpu.memref_squeeze %dma_wait3A_359 : memref<1x200xi32, #tpu.memory_space<hbm>> -> memref<200xi32, #tpu.memory_space<hbm>>
    tpu.wait_dma2 semaphore(%arg43 : memref<!tpu.dma_semaphore, #tpu.memory_space<semaphore_mem>>) src(%dma_wait3A_360 : memref<200xi32, #tpu.memory_space<hbm>>) dst(%arg18 : memref<200xi32, #tpu.memory_space<vmem>>)
    %add3A_361 = arith.constant 13 : i32
    %add3A_362 = arith.addi %mul3A_2, %add3A_361 : i32
    %dma_wait3A_363 = arith.constant 0 : i32
    %dma_wait3A_364 = tpu.memref_slice %arg2[%add3A_362, %dma_wait3A_363] : memref<1024x200xi32, #tpu.memory_space<hbm>> -> memref<1x200xi32, #tpu.memory_space<hbm>>
    %dma_wait3A_365 = tpu.memref_squeeze %dma_wait3A_364 : memref<1x200xi32, #tpu.memory_space<hbm>> -> memref<200xi32, #tpu.memory_space<hbm>>
    %dma_wait3A_366 = arith.constant 0 : i32
    %dma_wait3A_367 = tpu.memref_slice %arg2[%add3A_362, %dma_wait3A_366] : memref<1024x200xi32, #tpu.memory_space<hbm>> -> memref<1x200xi32, #tpu.memory_space<hbm>>
    %dma_wait3A_368 = tpu.memref_squeeze %dma_wait3A_367 : memref<1x200xi32, #tpu.memory_space<hbm>> -> memref<200xi32, #tpu.memory_space<hbm>>
    tpu.wait_dma2 semaphore(%arg43 : memref<!tpu.dma_semaphore, #tpu.memory_space<semaphore_mem>>) src(%dma_wait3A_368 : memref<200xi32, #tpu.memory_space<hbm>>) dst(%arg19 : memref<200xi32, #tpu.memory_space<vmem>>)
    %add3A_369 = arith.constant 14 : i32
    %add3A_370 = arith.addi %mul3A_2, %add3A_369 : i32
    %dma_wait3A_371 = arith.constant 0 : i32
    %dma_wait3A_372 = tpu.memref_slice %arg2[%add3A_370, %dma_wait3A_371] : memref<1024x200xi32, #tpu.memory_space<hbm>> -> memref<1x200xi32, #tpu.memory_space<hbm>>
    %dma_wait3A_373 = tpu.memref_squeeze %dma_wait3A_372 : memref<1x200xi32, #tpu.memory_space<hbm>> -> memref<200xi32, #tpu.memory_space<hbm>>
    %dma_wait3A_374 = arith.constant 0 : i32
    %dma_wait3A_375 = tpu.memref_slice %arg2[%add3A_370, %dma_wait3A_374] : memref<1024x200xi32, #tpu.memory_space<hbm>> -> memref<1x200xi32, #tpu.memory_space<hbm>>
    %dma_wait3A_376 = tpu.memref_squeeze %dma_wait3A_375 : memref<1x200xi32, #tpu.memory_space<hbm>> -> memref<200xi32, #tpu.memory_space<hbm>>
    tpu.wait_dma2 semaphore(%arg43 : memref<!tpu.dma_semaphore, #tpu.memory_space<semaphore_mem>>) src(%dma_wait3A_376 : memref<200xi32, #tpu.memory_space<hbm>>) dst(%arg20 : memref<200xi32, #tpu.memory_space<vmem>>)
    %add3A_377 = arith.constant 15 : i32
    %add3A_378 = arith.addi %mul3A_2, %add3A_377 : i32
    %dma_wait3A_379 = arith.constant 0 : i32
    %dma_wait3A_380 = tpu.memref_slice %arg2[%add3A_378, %dma_wait3A_379] : memref<1024x200xi32, #tpu.memory_space<hbm>> -> memref<1x200xi32, #tpu.memory_space<hbm>>
    %dma_wait3A_381 = tpu.memref_squeeze %dma_wait3A_380 : memref<1x200xi32, #tpu.memory_space<hbm>> -> memref<200xi32, #tpu.memory_space<hbm>>
    %dma_wait3A_382 = arith.constant 0 : i32
    %dma_wait3A_383 = tpu.memref_slice %arg2[%add3A_378, %dma_wait3A_382] : memref<1024x200xi32, #tpu.memory_space<hbm>> -> memref<1x200xi32, #tpu.memory_space<hbm>>
    %dma_wait3A_384 = tpu.memref_squeeze %dma_wait3A_383 : memref<1x200xi32, #tpu.memory_space<hbm>> -> memref<200xi32, #tpu.memory_space<hbm>>
    tpu.wait_dma2 semaphore(%arg43 : memref<!tpu.dma_semaphore, #tpu.memory_space<semaphore_mem>>) src(%dma_wait3A_384 : memref<200xi32, #tpu.memory_space<hbm>>) dst(%arg21 : memref<200xi32, #tpu.memory_space<vmem>>)
    %add3A_385 = arith.constant 16 : i32
    %add3A_386 = arith.addi %mul3A_2, %add3A_385 : i32
    %dma_wait3A_387 = arith.constant 0 : i32
    %dma_wait3A_388 = tpu.memref_slice %arg2[%add3A_386, %dma_wait3A_387] : memref<1024x200xi32, #tpu.memory_space<hbm>> -> memref<1x200xi32, #tpu.memory_space<hbm>>
    %dma_wait3A_389 = tpu.memref_squeeze %dma_wait3A_388 : memref<1x200xi32, #tpu.memory_space<hbm>> -> memref<200xi32, #tpu.memory_space<hbm>>
    %dma_wait3A_390 = arith.constant 0 : i32
    %dma_wait3A_391 = tpu.memref_slice %arg2[%add3A_386, %dma_wait3A_390] : memref<1024x200xi32, #tpu.memory_space<hbm>> -> memref<1x200xi32, #tpu.memory_space<hbm>>
    %dma_wait3A_392 = tpu.memref_squeeze %dma_wait3A_391 : memref<1x200xi32, #tpu.memory_space<hbm>> -> memref<200xi32, #tpu.memory_space<hbm>>
    tpu.wait_dma2 semaphore(%arg43 : memref<!tpu.dma_semaphore, #tpu.memory_space<semaphore_mem>>) src(%dma_wait3A_392 : memref<200xi32, #tpu.memory_space<hbm>>) dst(%arg22 : memref<200xi32, #tpu.memory_space<vmem>>)
    %add3A_393 = arith.constant 17 : i32
    %add3A_394 = arith.addi %mul3A_2, %add3A_393 : i32
    %dma_wait3A_395 = arith.constant 0 : i32
    %dma_wait3A_396 = tpu.memref_slice %arg2[%add3A_394, %dma_wait3A_395] : memref<1024x200xi32, #tpu.memory_space<hbm>> -> memref<1x200xi32, #tpu.memory_space<hbm>>
    %dma_wait3A_397 = tpu.memref_squeeze %dma_wait3A_396 : memref<1x200xi32, #tpu.memory_space<hbm>> -> memref<200xi32, #tpu.memory_space<hbm>>
    %dma_wait3A_398 = arith.constant 0 : i32
    %dma_wait3A_399 = tpu.memref_slice %arg2[%add3A_394, %dma_wait3A_398] : memref<1024x200xi32, #tpu.memory_space<hbm>> -> memref<1x200xi32, #tpu.memory_space<hbm>>
    %dma_wait3A_400 = tpu.memref_squeeze %dma_wait3A_399 : memref<1x200xi32, #tpu.memory_space<hbm>> -> memref<200xi32, #tpu.memory_space<hbm>>
    tpu.wait_dma2 semaphore(%arg43 : memref<!tpu.dma_semaphore, #tpu.memory_space<semaphore_mem>>) src(%dma_wait3A_400 : memref<200xi32, #tpu.memory_space<hbm>>) dst(%arg23 : memref<200xi32, #tpu.memory_space<vmem>>)
    %add3A_401 = arith.constant 18 : i32
    %add3A_402 = arith.addi %mul3A_2, %add3A_401 : i32
    %dma_wait3A_403 = arith.constant 0 : i32
    %dma_wait3A_404 = tpu.memref_slice %arg2[%add3A_402, %dma_wait3A_403] : memref<1024x200xi32, #tpu.memory_space<hbm>> -> memref<1x200xi32, #tpu.memory_space<hbm>>
    %dma_wait3A_405 = tpu.memref_squeeze %dma_wait3A_404 : memref<1x200xi32, #tpu.memory_space<hbm>> -> memref<200xi32, #tpu.memory_space<hbm>>
    %dma_wait3A_406 = arith.constant 0 : i32
    %dma_wait3A_407 = tpu.memref_slice %arg2[%add3A_402, %dma_wait3A_406] : memref<1024x200xi32, #tpu.memory_space<hbm>> -> memref<1x200xi32, #tpu.memory_space<hbm>>
    %dma_wait3A_408 = tpu.memref_squeeze %dma_wait3A_407 : memref<1x200xi32, #tpu.memory_space<hbm>> -> memref<200xi32, #tpu.memory_space<hbm>>
    tpu.wait_dma2 semaphore(%arg43 : memref<!tpu.dma_semaphore, #tpu.memory_space<semaphore_mem>>) src(%dma_wait3A_408 : memref<200xi32, #tpu.memory_space<hbm>>) dst(%arg24 : memref<200xi32, #tpu.memory_space<vmem>>)
    %add3A_409 = arith.constant 19 : i32
    %add3A_410 = arith.addi %mul3A_2, %add3A_409 : i32
    %dma_wait3A_411 = arith.constant 0 : i32
    %dma_wait3A_412 = tpu.memref_slice %arg2[%add3A_410, %dma_wait3A_411] : memref<1024x200xi32, #tpu.memory_space<hbm>> -> memref<1x200xi32, #tpu.memory_space<hbm>>
    %dma_wait3A_413 = tpu.memref_squeeze %dma_wait3A_412 : memref<1x200xi32, #tpu.memory_space<hbm>> -> memref<200xi32, #tpu.memory_space<hbm>>
    %dma_wait3A_414 = arith.constant 0 : i32
    %dma_wait3A_415 = tpu.memref_slice %arg2[%add3A_410, %dma_wait3A_414] : memref<1024x200xi32, #tpu.memory_space<hbm>> -> memref<1x200xi32, #tpu.memory_space<hbm>>
    %dma_wait3A_416 = tpu.memref_squeeze %dma_wait3A_415 : memref<1x200xi32, #tpu.memory_space<hbm>> -> memref<200xi32, #tpu.memory_space<hbm>>
    tpu.wait_dma2 semaphore(%arg43 : memref<!tpu.dma_semaphore, #tpu.memory_space<semaphore_mem>>) src(%dma_wait3A_416 : memref<200xi32, #tpu.memory_space<hbm>>) dst(%arg25 : memref<200xi32, #tpu.memory_space<vmem>>)
    %add3A_417 = arith.constant 20 : i32
    %add3A_418 = arith.addi %mul3A_2, %add3A_417 : i32
    %dma_wait3A_419 = arith.constant 0 : i32
    %dma_wait3A_420 = tpu.memref_slice %arg2[%add3A_418, %dma_wait3A_419] : memref<1024x200xi32, #tpu.memory_space<hbm>> -> memref<1x200xi32, #tpu.memory_space<hbm>>
    %dma_wait3A_421 = tpu.memref_squeeze %dma_wait3A_420 : memref<1x200xi32, #tpu.memory_space<hbm>> -> memref<200xi32, #tpu.memory_space<hbm>>
    %dma_wait3A_422 = arith.constant 0 : i32
    %dma_wait3A_423 = tpu.memref_slice %arg2[%add3A_418, %dma_wait3A_422] : memref<1024x200xi32, #tpu.memory_space<hbm>> -> memref<1x200xi32, #tpu.memory_space<hbm>>
    %dma_wait3A_424 = tpu.memref_squeeze %dma_wait3A_423 : memref<1x200xi32, #tpu.memory_space<hbm>> -> memref<200xi32, #tpu.memory_space<hbm>>
    tpu.wait_dma2 semaphore(%arg43 : memref<!tpu.dma_semaphore, #tpu.memory_space<semaphore_mem>>) src(%dma_wait3A_424 : memref<200xi32, #tpu.memory_space<hbm>>) dst(%arg26 : memref<200xi32, #tpu.memory_space<vmem>>)
    %add3A_425 = arith.constant 21 : i32
    %add3A_426 = arith.addi %mul3A_2, %add3A_425 : i32
    %dma_wait3A_427 = arith.constant 0 : i32
    %dma_wait3A_428 = tpu.memref_slice %arg2[%add3A_426, %dma_wait3A_427] : memref<1024x200xi32, #tpu.memory_space<hbm>> -> memref<1x200xi32, #tpu.memory_space<hbm>>
    %dma_wait3A_429 = tpu.memref_squeeze %dma_wait3A_428 : memref<1x200xi32, #tpu.memory_space<hbm>> -> memref<200xi32, #tpu.memory_space<hbm>>
    %dma_wait3A_430 = arith.constant 0 : i32
    %dma_wait3A_431 = tpu.memref_slice %arg2[%add3A_426, %dma_wait3A_430] : memref<1024x200xi32, #tpu.memory_space<hbm>> -> memref<1x200xi32, #tpu.memory_space<hbm>>
    %dma_wait3A_432 = tpu.memref_squeeze %dma_wait3A_431 : memref<1x200xi32, #tpu.memory_space<hbm>> -> memref<200xi32, #tpu.memory_space<hbm>>
    tpu.wait_dma2 semaphore(%arg43 : memref<!tpu.dma_semaphore, #tpu.memory_space<semaphore_mem>>) src(%dma_wait3A_432 : memref<200xi32, #tpu.memory_space<hbm>>) dst(%arg27 : memref<200xi32, #tpu.memory_space<vmem>>)
    %add3A_433 = arith.constant 22 : i32
    %add3A_434 = arith.addi %mul3A_2, %add3A_433 : i32
    %dma_wait3A_435 = arith.constant 0 : i32
    %dma_wait3A_436 = tpu.memref_slice %arg2[%add3A_434, %dma_wait3A_435] : memref<1024x200xi32, #tpu.memory_space<hbm>> -> memref<1x200xi32, #tpu.memory_space<hbm>>
    %dma_wait3A_437 = tpu.memref_squeeze %dma_wait3A_436 : memref<1x200xi32, #tpu.memory_space<hbm>> -> memref<200xi32, #tpu.memory_space<hbm>>
    %dma_wait3A_438 = arith.constant 0 : i32
    %dma_wait3A_439 = tpu.memref_slice %arg2[%add3A_434, %dma_wait3A_438] : memref<1024x200xi32, #tpu.memory_space<hbm>> -> memref<1x200xi32, #tpu.memory_space<hbm>>
    %dma_wait3A_440 = tpu.memref_squeeze %dma_wait3A_439 : memref<1x200xi32, #tpu.memory_space<hbm>> -> memref<200xi32, #tpu.memory_space<hbm>>
    tpu.wait_dma2 semaphore(%arg43 : memref<!tpu.dma_semaphore, #tpu.memory_space<semaphore_mem>>) src(%dma_wait3A_440 : memref<200xi32, #tpu.memory_space<hbm>>) dst(%arg28 : memref<200xi32, #tpu.memory_space<vmem>>)
    %add3A_441 = arith.constant 23 : i32
    %add3A_442 = arith.addi %mul3A_2, %add3A_441 : i32
    %dma_wait3A_443 = arith.constant 0 : i32
    %dma_wait3A_444 = tpu.memref_slice %arg2[%add3A_442, %dma_wait3A_443] : memref<1024x200xi32, #tpu.memory_space<hbm>> -> memref<1x200xi32, #tpu.memory_space<hbm>>
    %dma_wait3A_445 = tpu.memref_squeeze %dma_wait3A_444 : memref<1x200xi32, #tpu.memory_space<hbm>> -> memref<200xi32, #tpu.memory_space<hbm>>
    %dma_wait3A_446 = arith.constant 0 : i32
    %dma_wait3A_447 = tpu.memref_slice %arg2[%add3A_442, %dma_wait3A_446] : memref<1024x200xi32, #tpu.memory_space<hbm>> -> memref<1x200xi32, #tpu.memory_space<hbm>>
    %dma_wait3A_448 = tpu.memref_squeeze %dma_wait3A_447 : memref<1x200xi32, #tpu.memory_space<hbm>> -> memref<200xi32, #tpu.memory_space<hbm>>
    tpu.wait_dma2 semaphore(%arg43 : memref<!tpu.dma_semaphore, #tpu.memory_space<semaphore_mem>>) src(%dma_wait3A_448 : memref<200xi32, #tpu.memory_space<hbm>>) dst(%arg29 : memref<200xi32, #tpu.memory_space<vmem>>)
    %add3A_449 = arith.constant 24 : i32
    %add3A_450 = arith.addi %mul3A_2, %add3A_449 : i32
    %dma_wait3A_451 = arith.constant 0 : i32
    %dma_wait3A_452 = tpu.memref_slice %arg2[%add3A_450, %dma_wait3A_451] : memref<1024x200xi32, #tpu.memory_space<hbm>> -> memref<1x200xi32, #tpu.memory_space<hbm>>
    %dma_wait3A_453 = tpu.memref_squeeze %dma_wait3A_452 : memref<1x200xi32, #tpu.memory_space<hbm>> -> memref<200xi32, #tpu.memory_space<hbm>>
    %dma_wait3A_454 = arith.constant 0 : i32
    %dma_wait3A_455 = tpu.memref_slice %arg2[%add3A_450, %dma_wait3A_454] : memref<1024x200xi32, #tpu.memory_space<hbm>> -> memref<1x200xi32, #tpu.memory_space<hbm>>
    %dma_wait3A_456 = tpu.memref_squeeze %dma_wait3A_455 : memref<1x200xi32, #tpu.memory_space<hbm>> -> memref<200xi32, #tpu.memory_space<hbm>>
    tpu.wait_dma2 semaphore(%arg43 : memref<!tpu.dma_semaphore, #tpu.memory_space<semaphore_mem>>) src(%dma_wait3A_456 : memref<200xi32, #tpu.memory_space<hbm>>) dst(%arg30 : memref<200xi32, #tpu.memory_space<vmem>>)
    %add3A_457 = arith.constant 25 : i32
    %add3A_458 = arith.addi %mul3A_2, %add3A_457 : i32
    %dma_wait3A_459 = arith.constant 0 : i32
    %dma_wait3A_460 = tpu.memref_slice %arg2[%add3A_458, %dma_wait3A_459] : memref<1024x200xi32, #tpu.memory_space<hbm>> -> memref<1x200xi32, #tpu.memory_space<hbm>>
    %dma_wait3A_461 = tpu.memref_squeeze %dma_wait3A_460 : memref<1x200xi32, #tpu.memory_space<hbm>> -> memref<200xi32, #tpu.memory_space<hbm>>
    %dma_wait3A_462 = arith.constant 0 : i32
    %dma_wait3A_463 = tpu.memref_slice %arg2[%add3A_458, %dma_wait3A_462] : memref<1024x200xi32, #tpu.memory_space<hbm>> -> memref<1x200xi32, #tpu.memory_space<hbm>>
    %dma_wait3A_464 = tpu.memref_squeeze %dma_wait3A_463 : memref<1x200xi32, #tpu.memory_space<hbm>> -> memref<200xi32, #tpu.memory_space<hbm>>
    tpu.wait_dma2 semaphore(%arg43 : memref<!tpu.dma_semaphore, #tpu.memory_space<semaphore_mem>>) src(%dma_wait3A_464 : memref<200xi32, #tpu.memory_space<hbm>>) dst(%arg31 : memref<200xi32, #tpu.memory_space<vmem>>)
    %add3A_465 = arith.constant 26 : i32
    %add3A_466 = arith.addi %mul3A_2, %add3A_465 : i32
    %dma_wait3A_467 = arith.constant 0 : i32
    %dma_wait3A_468 = tpu.memref_slice %arg2[%add3A_466, %dma_wait3A_467] : memref<1024x200xi32, #tpu.memory_space<hbm>> -> memref<1x200xi32, #tpu.memory_space<hbm>>
    %dma_wait3A_469 = tpu.memref_squeeze %dma_wait3A_468 : memref<1x200xi32, #tpu.memory_space<hbm>> -> memref<200xi32, #tpu.memory_space<hbm>>
    %dma_wait3A_470 = arith.constant 0 : i32
    %dma_wait3A_471 = tpu.memref_slice %arg2[%add3A_466, %dma_wait3A_470] : memref<1024x200xi32, #tpu.memory_space<hbm>> -> memref<1x200xi32, #tpu.memory_space<hbm>>
    %dma_wait3A_472 = tpu.memref_squeeze %dma_wait3A_471 : memref<1x200xi32, #tpu.memory_space<hbm>> -> memref<200xi32, #tpu.memory_space<hbm>>
    tpu.wait_dma2 semaphore(%arg43 : memref<!tpu.dma_semaphore, #tpu.memory_space<semaphore_mem>>) src(%dma_wait3A_472 : memref<200xi32, #tpu.memory_space<hbm>>) dst(%arg32 : memref<200xi32, #tpu.memory_space<vmem>>)
    %add3A_473 = arith.constant 27 : i32
    %add3A_474 = arith.addi %mul3A_2, %add3A_473 : i32
    %dma_wait3A_475 = arith.constant 0 : i32
    %dma_wait3A_476 = tpu.memref_slice %arg2[%add3A_474, %dma_wait3A_475] : memref<1024x200xi32, #tpu.memory_space<hbm>> -> memref<1x200xi32, #tpu.memory_space<hbm>>
    %dma_wait3A_477 = tpu.memref_squeeze %dma_wait3A_476 : memref<1x200xi32, #tpu.memory_space<hbm>> -> memref<200xi32, #tpu.memory_space<hbm>>
    %dma_wait3A_478 = arith.constant 0 : i32
    %dma_wait3A_479 = tpu.memref_slice %arg2[%add3A_474, %dma_wait3A_478] : memref<1024x200xi32, #tpu.memory_space<hbm>> -> memref<1x200xi32, #tpu.memory_space<hbm>>
    %dma_wait3A_480 = tpu.memref_squeeze %dma_wait3A_479 : memref<1x200xi32, #tpu.memory_space<hbm>> -> memref<200xi32, #tpu.memory_space<hbm>>
    tpu.wait_dma2 semaphore(%arg43 : memref<!tpu.dma_semaphore, #tpu.memory_space<semaphore_mem>>) src(%dma_wait3A_480 : memref<200xi32, #tpu.memory_space<hbm>>) dst(%arg33 : memref<200xi32, #tpu.memory_space<vmem>>)
    %add3A_481 = arith.constant 28 : i32
    %add3A_482 = arith.addi %mul3A_2, %add3A_481 : i32
    %dma_wait3A_483 = arith.constant 0 : i32
    %dma_wait3A_484 = tpu.memref_slice %arg2[%add3A_482, %dma_wait3A_483] : memref<1024x200xi32, #tpu.memory_space<hbm>> -> memref<1x200xi32, #tpu.memory_space<hbm>>
    %dma_wait3A_485 = tpu.memref_squeeze %dma_wait3A_484 : memref<1x200xi32, #tpu.memory_space<hbm>> -> memref<200xi32, #tpu.memory_space<hbm>>
    %dma_wait3A_486 = arith.constant 0 : i32
    %dma_wait3A_487 = tpu.memref_slice %arg2[%add3A_482, %dma_wait3A_486] : memref<1024x200xi32, #tpu.memory_space<hbm>> -> memref<1x200xi32, #tpu.memory_space<hbm>>
    %dma_wait3A_488 = tpu.memref_squeeze %dma_wait3A_487 : memref<1x200xi32, #tpu.memory_space<hbm>> -> memref<200xi32, #tpu.memory_space<hbm>>
    tpu.wait_dma2 semaphore(%arg43 : memref<!tpu.dma_semaphore, #tpu.memory_space<semaphore_mem>>) src(%dma_wait3A_488 : memref<200xi32, #tpu.memory_space<hbm>>) dst(%arg34 : memref<200xi32, #tpu.memory_space<vmem>>)
    %add3A_489 = arith.constant 29 : i32
    %add3A_490 = arith.addi %mul3A_2, %add3A_489 : i32
    %dma_wait3A_491 = arith.constant 0 : i32
    %dma_wait3A_492 = tpu.memref_slice %arg2[%add3A_490, %dma_wait3A_491] : memref<1024x200xi32, #tpu.memory_space<hbm>> -> memref<1x200xi32, #tpu.memory_space<hbm>>
    %dma_wait3A_493 = tpu.memref_squeeze %dma_wait3A_492 : memref<1x200xi32, #tpu.memory_space<hbm>> -> memref<200xi32, #tpu.memory_space<hbm>>
    %dma_wait3A_494 = arith.constant 0 : i32
    %dma_wait3A_495 = tpu.memref_slice %arg2[%add3A_490, %dma_wait3A_494] : memref<1024x200xi32, #tpu.memory_space<hbm>> -> memref<1x200xi32, #tpu.memory_space<hbm>>
    %dma_wait3A_496 = tpu.memref_squeeze %dma_wait3A_495 : memref<1x200xi32, #tpu.memory_space<hbm>> -> memref<200xi32, #tpu.memory_space<hbm>>
    tpu.wait_dma2 semaphore(%arg43 : memref<!tpu.dma_semaphore, #tpu.memory_space<semaphore_mem>>) src(%dma_wait3A_496 : memref<200xi32, #tpu.memory_space<hbm>>) dst(%arg35 : memref<200xi32, #tpu.memory_space<vmem>>)
    %add3A_497 = arith.constant 30 : i32
    %add3A_498 = arith.addi %mul3A_2, %add3A_497 : i32
    %dma_wait3A_499 = arith.constant 0 : i32
    %dma_wait3A_500 = tpu.memref_slice %arg2[%add3A_498, %dma_wait3A_499] : memref<1024x200xi32, #tpu.memory_space<hbm>> -> memref<1x200xi32, #tpu.memory_space<hbm>>
    %dma_wait3A_501 = tpu.memref_squeeze %dma_wait3A_500 : memref<1x200xi32, #tpu.memory_space<hbm>> -> memref<200xi32, #tpu.memory_space<hbm>>
    %dma_wait3A_502 = arith.constant 0 : i32
    %dma_wait3A_503 = tpu.memref_slice %arg2[%add3A_498, %dma_wait3A_502] : memref<1024x200xi32, #tpu.memory_space<hbm>> -> memref<1x200xi32, #tpu.memory_space<hbm>>
    %dma_wait3A_504 = tpu.memref_squeeze %dma_wait3A_503 : memref<1x200xi32, #tpu.memory_space<hbm>> -> memref<200xi32, #tpu.memory_space<hbm>>
    tpu.wait_dma2 semaphore(%arg43 : memref<!tpu.dma_semaphore, #tpu.memory_space<semaphore_mem>>) src(%dma_wait3A_504 : memref<200xi32, #tpu.memory_space<hbm>>) dst(%arg36 : memref<200xi32, #tpu.memory_space<vmem>>)
    %add3A_505 = arith.constant 31 : i32
    %add3A_506 = arith.addi %mul3A_2, %add3A_505 : i32
    %dma_wait3A_507 = arith.constant 0 : i32
    %dma_wait3A_508 = tpu.memref_slice %arg2[%add3A_506, %dma_wait3A_507] : memref<1024x200xi32, #tpu.memory_space<hbm>> -> memref<1x200xi32, #tpu.memory_space<hbm>>
    %dma_wait3A_509 = tpu.memref_squeeze %dma_wait3A_508 : memref<1x200xi32, #tpu.memory_space<hbm>> -> memref<200xi32, #tpu.memory_space<hbm>>
    %dma_wait3A_510 = arith.constant 0 : i32
    %dma_wait3A_511 = tpu.memref_slice %arg2[%add3A_506, %dma_wait3A_510] : memref<1024x200xi32, #tpu.memory_space<hbm>> -> memref<1x200xi32, #tpu.memory_space<hbm>>
    %dma_wait3A_512 = tpu.memref_squeeze %dma_wait3A_511 : memref<1x200xi32, #tpu.memory_space<hbm>> -> memref<200xi32, #tpu.memory_space<hbm>>
    tpu.wait_dma2 semaphore(%arg43 : memref<!tpu.dma_semaphore, #tpu.memory_space<semaphore_mem>>) src(%dma_wait3A_512 : memref<200xi32, #tpu.memory_space<hbm>>) dst(%arg37 : memref<200xi32, #tpu.memory_space<vmem>>)
    "tpu.region"() ({
      %run_scoped3A = tpu.sem_alloc : memref<!tpu.dma_semaphore, #tpu.memory_space<semaphore_mem>>
      tpu.enqueue_dma source(%arg4 : memref<200x64xf32, #tpu.memory_space<hbm>>) target(%arg38 : memref<200x64xf32, #tpu.memory_space<vmem>>) target_semaphore(%run_scoped3A : memref<!tpu.dma_semaphore, #tpu.memory_space<semaphore_mem>>)
      tpu.wait_dma2 semaphore(%run_scoped3A : memref<!tpu.dma_semaphore, #tpu.memory_space<semaphore_mem>>) src(%arg4 : memref<200x64xf32, #tpu.memory_space<hbm>>) dst(%arg38 : memref<200x64xf32, #tpu.memory_space<vmem>>)
      tpu.yield
    }) : () -> ()
    %dma_start3A_513 = arith.constant 0 : i32
    %dma_start3A_514 = arith.constant 0 : i32
    %dma_start3A_515 = arith.constant 0 : i32
    %dma_start3A_516 = tpu.memref_slice %arg39[%dma_start3A_513, %dma_start3A_514, %dma_start3A_515] : memref<2x200x64xf32, #tpu.memory_space<vmem>> -> memref<1x200x64xf32, #tpu.memory_space<vmem>>
    %dma_start3A_517 = tpu.memref_squeeze %dma_start3A_516 : memref<1x200x64xf32, #tpu.memory_space<vmem>> -> memref<200x64xf32, #tpu.memory_space<vmem>>
    %dma_start3A_518 = arith.constant 0 : i32
    %dma_start3A_519 = arith.constant 0 : i32
    %dma_start3A_520 = tpu.memref_slice %arg3[%dma_start3A_518, %dma_start3A_519] : memref<100000x64xf32, #tpu.memory_space<hbm>> -> memref<100000x64xf32, #tpu.memory_space<hbm>>
    tpu.enqueue_indirect_dma source(%dma_start3A_520 : memref<100000x64xf32, #tpu.memory_space<hbm>>) target(%dma_start3A_517 : memref<200x64xf32, #tpu.memory_space<vmem>>) offsets(%arg6 : memref<200xi32, #tpu.memory_space<vmem>>) semaphore(%arg43 : memref<!tpu.dma_semaphore, #tpu.memory_space<semaphore_mem>>)
    %dma_start3A_521 = arith.constant 1 : i32
    %dma_start3A_522 = arith.constant 0 : i32
    %dma_start3A_523 = arith.constant 0 : i32
    %dma_start3A_524 = tpu.memref_slice %arg39[%dma_start3A_521, %dma_start3A_522, %dma_start3A_523] : memref<2x200x64xf32, #tpu.memory_space<vmem>> -> memref<1x200x64xf32, #tpu.memory_space<vmem>>
    %dma_start3A_525 = tpu.memref_squeeze %dma_start3A_524 : memref<1x200x64xf32, #tpu.memory_space<vmem>> -> memref<200x64xf32, #tpu.memory_space<vmem>>
    %dma_start3A_526 = arith.constant 0 : i32
    %dma_start3A_527 = arith.constant 0 : i32
    %dma_start3A_528 = tpu.memref_slice %arg3[%dma_start3A_526, %dma_start3A_527] : memref<100000x64xf32, #tpu.memory_space<hbm>> -> memref<100000x64xf32, #tpu.memory_space<hbm>>
    tpu.enqueue_indirect_dma source(%dma_start3A_528 : memref<100000x64xf32, #tpu.memory_space<hbm>>) target(%dma_start3A_525 : memref<200x64xf32, #tpu.memory_space<vmem>>) offsets(%arg7 : memref<200xi32, #tpu.memory_space<vmem>>) semaphore(%arg43 : memref<!tpu.dma_semaphore, #tpu.memory_space<semaphore_mem>>)
    %dma_start3A_529 = arith.constant 0 : i32
    %dma_start3A_530 = arith.constant 0 : i32
    %dma_start3A_531 = arith.constant 0 : i32
    %dma_start3A_532 = tpu.memref_slice %arg40[%dma_start3A_529, %dma_start3A_530, %dma_start3A_531] : memref<2x200x64xf32, #tpu.memory_space<vmem>> -> memref<1x200x64xf32, #tpu.memory_space<vmem>>
    %dma_start3A_533 = tpu.memref_squeeze %dma_start3A_532 : memref<1x200x64xf32, #tpu.memory_space<vmem>> -> memref<200x64xf32, #tpu.memory_space<vmem>>
    %dma_start3A_534 = arith.constant 0 : i32
    %dma_start3A_535 = arith.constant 0 : i32
    %dma_start3A_536 = tpu.memref_slice %arg3[%dma_start3A_534, %dma_start3A_535] : memref<100000x64xf32, #tpu.memory_space<hbm>> -> memref<100000x64xf32, #tpu.memory_space<hbm>>
    tpu.enqueue_indirect_dma source(%dma_start3A_536 : memref<100000x64xf32, #tpu.memory_space<hbm>>) target(%dma_start3A_533 : memref<200x64xf32, #tpu.memory_space<vmem>>) offsets(%arg8 : memref<200xi32, #tpu.memory_space<vmem>>) semaphore(%arg44 : memref<!tpu.dma_semaphore, #tpu.memory_space<semaphore_mem>>)
    %dma_start3A_537 = arith.constant 1 : i32
    %dma_start3A_538 = arith.constant 0 : i32
    %dma_start3A_539 = arith.constant 0 : i32
    %dma_start3A_540 = tpu.memref_slice %arg40[%dma_start3A_537, %dma_start3A_538, %dma_start3A_539] : memref<2x200x64xf32, #tpu.memory_space<vmem>> -> memref<1x200x64xf32, #tpu.memory_space<vmem>>
    %dma_start3A_541 = tpu.memref_squeeze %dma_start3A_540 : memref<1x200x64xf32, #tpu.memory_space<vmem>> -> memref<200x64xf32, #tpu.memory_space<vmem>>
    %dma_start3A_542 = arith.constant 0 : i32
    %dma_start3A_543 = arith.constant 0 : i32
    %dma_start3A_544 = tpu.memref_slice %arg3[%dma_start3A_542, %dma_start3A_543] : memref<100000x64xf32, #tpu.memory_space<hbm>> -> memref<100000x64xf32, #tpu.memory_space<hbm>>
    tpu.enqueue_indirect_dma source(%dma_start3A_544 : memref<100000x64xf32, #tpu.memory_space<hbm>>) target(%dma_start3A_541 : memref<200x64xf32, #tpu.memory_space<vmem>>) offsets(%arg9 : memref<200xi32, #tpu.memory_space<vmem>>) semaphore(%arg44 : memref<!tpu.dma_semaphore, #tpu.memory_space<semaphore_mem>>)
    %dma_wait3A_545 = arith.constant 0 : i32
    %dma_wait3A_546 = arith.constant 0 : i32
    %dma_wait3A_547 = arith.constant 0 : i32
    %dma_wait3A_548 = tpu.memref_slice %arg39[%dma_wait3A_545, %dma_wait3A_546, %dma_wait3A_547] : memref<2x200x64xf32, #tpu.memory_space<vmem>> -> memref<1x200x64xf32, #tpu.memory_space<vmem>>
    %dma_wait3A_549 = tpu.memref_squeeze %dma_wait3A_548 : memref<1x200x64xf32, #tpu.memory_space<vmem>> -> memref<200x64xf32, #tpu.memory_space<vmem>>
    %dma_wait3A_550 = arith.constant 0 : i32
    %dma_wait3A_551 = arith.constant 0 : i32
    %dma_wait3A_552 = tpu.memref_slice %arg3[%dma_wait3A_550, %dma_wait3A_551] : memref<100000x64xf32, #tpu.memory_space<hbm>> -> memref<100000x64xf32, #tpu.memory_space<hbm>>
    tpu.wait_indirect_dma semaphore(%arg43 : memref<!tpu.dma_semaphore, #tpu.memory_space<semaphore_mem>>) src(%dma_wait3A_552 : memref<100000x64xf32, #tpu.memory_space<hbm>>) dst(%dma_wait3A_549 : memref<200x64xf32, #tpu.memory_space<vmem>>)
    %dma_wait3A_553 = arith.constant 1 : i32
    %dma_wait3A_554 = arith.constant 0 : i32
    %dma_wait3A_555 = arith.constant 0 : i32
    %dma_wait3A_556 = tpu.memref_slice %arg39[%dma_wait3A_553, %dma_wait3A_554, %dma_wait3A_555] : memref<2x200x64xf32, #tpu.memory_space<vmem>> -> memref<1x200x64xf32, #tpu.memory_space<vmem>>
    %dma_wait3A_557 = tpu.memref_squeeze %dma_wait3A_556 : memref<1x200x64xf32, #tpu.memory_space<vmem>> -> memref<200x64xf32, #tpu.memory_space<vmem>>
    %dma_wait3A_558 = arith.constant 0 : i32
    %dma_wait3A_559 = arith.constant 0 : i32
    %dma_wait3A_560 = tpu.memref_slice %arg3[%dma_wait3A_558, %dma_wait3A_559] : memref<100000x64xf32, #tpu.memory_space<hbm>> -> memref<100000x64xf32, #tpu.memory_space<hbm>>
    tpu.wait_indirect_dma semaphore(%arg43 : memref<!tpu.dma_semaphore, #tpu.memory_space<semaphore_mem>>) src(%dma_wait3A_560 : memref<100000x64xf32, #tpu.memory_space<hbm>>) dst(%dma_wait3A_557 : memref<200x64xf32, #tpu.memory_space<vmem>>)
    %scan3A = arith.constant 0 : i32
    %scan3A_561 = arith.constant 0 : i32
    %scan3A_562 = arith.constant 200 : i32
    %scan3A_563 = arith.addi %scan3A_561, %scan3A_562 : i32
    %scan3A_564 = arith.constant 1 : i32
    scf.for %scan3A_1376 = %scan3A_561 to %scan3A_563 step %scan3A_564  : i32 {
      %get3A = arith.index_cast %scan3A_1376 : i32 to index
      %get3A_1377 = arith.constant 0 : index
      %get3A_1378 = tpu.vector_load %arg38[%get3A, %get3A_1377] {strides = array<i32>} : memref<200x64xf32, #tpu.memory_space<vmem>>, vector<1x16xf32>,
      %get3A_1379 = vector.shape_cast %get3A_1378 : vector<1x16xf32> to vector<16xf32>
      %get3A_1380 = arith.index_cast %scan3A_1376 : i32 to index
      %get3A_1381 = arith.constant 16 : index
      %get3A_1382 = tpu.vector_load %arg38[%get3A_1380, %get3A_1381] {strides = array<i32>} : memref<200x64xf32, #tpu.memory_space<vmem>>, vector<1x16xf32>,
      %get3A_1383 = vector.shape_cast %get3A_1382 : vector<1x16xf32> to vector<16xf32>
      %get3A_1384 = arith.index_cast %scan3A_1376 : i32 to index
      %get3A_1385 = arith.constant 32 : index
      %get3A_1386 = tpu.vector_load %arg38[%get3A_1384, %get3A_1385] {strides = array<i32>} : memref<200x64xf32, #tpu.memory_space<vmem>>, vector<1x16xf32>,
      %get3A_1387 = vector.shape_cast %get3A_1386 : vector<1x16xf32> to vector<16xf32>
      %get3A_1388 = arith.index_cast %scan3A_1376 : i32 to index
      %get3A_1389 = arith.constant 48 : index
      %get3A_1390 = tpu.vector_load %arg38[%get3A_1388, %get3A_1389] {strides = array<i32>} : memref<200x64xf32, #tpu.memory_space<vmem>>, vector<1x16xf32>,
      %get3A_1391 = vector.shape_cast %get3A_1390 : vector<1x16xf32> to vector<16xf32>
      %get3A_1392 = arith.constant 0 : i32
      %get3A_1393 = arith.index_cast %get3A_1392 : i32 to index
      %get3A_1394 = arith.index_cast %scan3A_1376 : i32 to index
      %get3A_1395 = arith.constant 0 : index
      %get3A_1396 = tpu.vector_load %arg39[%get3A_1393, %get3A_1394, %get3A_1395] {strides = array<i32>} : memref<2x200x64xf32, #tpu.memory_space<vmem>>, vector<1x1x16xf32>,
      %get3A_1397 = vector.shape_cast %get3A_1396 : vector<1x1x16xf32> to vector<16xf32>
      %add3A_1398 = arith.addf %get3A_1397, %get3A_1379 : vector<16xf32>
      %swap3A = arith.constant 0 : i32
      %swap3A_1399 = arith.index_cast %swap3A : i32 to index
      %swap3A_1400 = arith.index_cast %scan3A_1376 : i32 to index
      %swap3A_1401 = arith.constant 0 : index
      %swap3A_1402 = tpu.vector_load %arg39[%swap3A_1399, %swap3A_1400, %swap3A_1401] {strides = array<i32>} : memref<2x200x64xf32, #tpu.memory_space<vmem>>, vector<1x1x16xf32>,
      %swap3A_1403 = vector.shape_cast %swap3A_1402 : vector<1x1x16xf32> to vector<16xf32>
      %swap3A_1404 = vector.shape_cast %add3A_1398 : vector<16xf32> to vector<1x1x16xf32>
      tpu.vector_store %arg39[%swap3A_1399, %swap3A_1400, %swap3A_1401], %swap3A_1404 {strides = array<i32>} : memref<2x200x64xf32, #tpu.memory_space<vmem>>, vector<1x1x16xf32>,
      %get3A_1405 = arith.constant 0 : i32
      %get3A_1406 = arith.index_cast %get3A_1405 : i32 to index
      %get3A_1407 = arith.index_cast %scan3A_1376 : i32 to index
      %get3A_1408 = arith.constant 16 : index
      %get3A_1409 = tpu.vector_load %arg39[%get3A_1406, %get3A_1407, %get3A_1408] {strides = array<i32>} : memref<2x200x64xf32, #tpu.memory_space<vmem>>, vector<1x1x16xf32>,
      %get3A_1410 = vector.shape_cast %get3A_1409 : vector<1x1x16xf32> to vector<16xf32>
      %add3A_1411 = arith.addf %get3A_1410, %get3A_1383 : vector<16xf32>
      %swap3A_1412 = arith.constant 0 : i32
      %swap3A_1413 = arith.index_cast %swap3A_1412 : i32 to index
      %swap3A_1414 = arith.index_cast %scan3A_1376 : i32 to index
      %swap3A_1415 = arith.constant 16 : index
      %swap3A_1416 = tpu.vector_load %arg39[%swap3A_1413, %swap3A_1414, %swap3A_1415] {strides = array<i32>} : memref<2x200x64xf32, #tpu.memory_space<vmem>>, vector<1x1x16xf32>,
      %swap3A_1417 = vector.shape_cast %swap3A_1416 : vector<1x1x16xf32> to vector<16xf32>
      %swap3A_1418 = vector.shape_cast %add3A_1411 : vector<16xf32> to vector<1x1x16xf32>
      tpu.vector_store %arg39[%swap3A_1413, %swap3A_1414, %swap3A_1415], %swap3A_1418 {strides = array<i32>} : memref<2x200x64xf32, #tpu.memory_space<vmem>>, vector<1x1x16xf32>,
      %get3A_1419 = arith.constant 0 : i32
      %get3A_1420 = arith.index_cast %get3A_1419 : i32 to index
      %get3A_1421 = arith.index_cast %scan3A_1376 : i32 to index
      %get3A_1422 = arith.constant 32 : index
      %get3A_1423 = tpu.vector_load %arg39[%get3A_1420, %get3A_1421, %get3A_1422] {strides = array<i32>} : memref<2x200x64xf32, #tpu.memory_space<vmem>>, vector<1x1x16xf32>,
      %get3A_1424 = vector.shape_cast %get3A_1423 : vector<1x1x16xf32> to vector<16xf32>
      %add3A_1425 = arith.addf %get3A_1424, %get3A_1387 : vector<16xf32>
      %swap3A_1426 = arith.constant 0 : i32
      %swap3A_1427 = arith.index_cast %swap3A_1426 : i32 to index
      %swap3A_1428 = arith.index_cast %scan3A_1376 : i32 to index
      %swap3A_1429 = arith.constant 32 : index
      %swap3A_1430 = tpu.vector_load %arg39[%swap3A_1427, %swap3A_1428, %swap3A_1429] {strides = array<i32>} : memref<2x200x64xf32, #tpu.memory_space<vmem>>, vector<1x1x16xf32>,
      %swap3A_1431 = vector.shape_cast %swap3A_1430 : vector<1x1x16xf32> to vector<16xf32>
      %swap3A_1432 = vector.shape_cast %add3A_1425 : vector<16xf32> to vector<1x1x16xf32>
      tpu.vector_store %arg39[%swap3A_1427, %swap3A_1428, %swap3A_1429], %swap3A_1432 {strides = array<i32>} : memref<2x200x64xf32, #tpu.memory_space<vmem>>, vector<1x1x16xf32>,
      %get3A_1433 = arith.constant 0 : i32
      %get3A_1434 = arith.index_cast %get3A_1433 : i32 to index
      %get3A_1435 = arith.index_cast %scan3A_1376 : i32 to index
      %get3A_1436 = arith.constant 48 : index
      %get3A_1437 = tpu.vector_load %arg39[%get3A_1434, %get3A_1435, %get3A_1436] {strides = array<i32>} : memref<2x200x64xf32, #tpu.memory_space<vmem>>, vector<1x1x16xf32>,
      %get3A_1438 = vector.shape_cast %get3A_1437 : vector<1x1x16xf32> to vector<16xf32>
      %add3A_1439 = arith.addf %get3A_1438, %get3A_1391 : vector<16xf32>
      %swap3A_1440 = arith.constant 0 : i32
      %swap3A_1441 = arith.index_cast %swap3A_1440 : i32 to index
      %swap3A_1442 = arith.index_cast %scan3A_1376 : i32 to index
      %swap3A_1443 = arith.constant 48 : index
      %swap3A_1444 = tpu.vector_load %arg39[%swap3A_1441, %swap3A_1442, %swap3A_1443] {strides = array<i32>} : memref<2x200x64xf32, #tpu.memory_space<vmem>>, vector<1x1x16xf32>,
      %swap3A_1445 = vector.shape_cast %swap3A_1444 : vector<1x1x16xf32> to vector<16xf32>
      %swap3A_1446 = vector.shape_cast %add3A_1439 : vector<16xf32> to vector<1x1x16xf32>
      tpu.vector_store %arg39[%swap3A_1441, %swap3A_1442, %swap3A_1443], %swap3A_1446 {strides = array<i32>} : memref<2x200x64xf32, #tpu.memory_space<vmem>>, vector<1x1x16xf32>,
      %get3A_1447 = arith.constant 1 : i32
      %get3A_1448 = arith.index_cast %get3A_1447 : i32 to index
      %get3A_1449 = arith.index_cast %scan3A_1376 : i32 to index
      %get3A_1450 = arith.constant 0 : index
      %get3A_1451 = tpu.vector_load %arg39[%get3A_1448, %get3A_1449, %get3A_1450] {strides = array<i32>} : memref<2x200x64xf32, #tpu.memory_space<vmem>>, vector<1x1x16xf32>,
      %get3A_1452 = vector.shape_cast %get3A_1451 : vector<1x1x16xf32> to vector<16xf32>
      %add3A_1453 = arith.addf %get3A_1452, %get3A_1379 : vector<16xf32>
      %swap3A_1454 = arith.constant 1 : i32
      %swap3A_1455 = arith.index_cast %swap3A_1454 : i32 to index
      %swap3A_1456 = arith.index_cast %scan3A_1376 : i32 to index
      %swap3A_1457 = arith.constant 0 : index
      %swap3A_1458 = tpu.vector_load %arg39[%swap3A_1455, %swap3A_1456, %swap3A_1457] {strides = array<i32>} : memref<2x200x64xf32, #tpu.memory_space<vmem>>, vector<1x1x16xf32>,
      %swap3A_1459 = vector.shape_cast %swap3A_1458 : vector<1x1x16xf32> to vector<16xf32>
      %swap3A_1460 = vector.shape_cast %add3A_1453 : vector<16xf32> to vector<1x1x16xf32>
      tpu.vector_store %arg39[%swap3A_1455, %swap3A_1456, %swap3A_1457], %swap3A_1460 {strides = array<i32>} : memref<2x200x64xf32, #tpu.memory_space<vmem>>, vector<1x1x16xf32>,
      %get3A_1461 = arith.constant 1 : i32
      %get3A_1462 = arith.index_cast %get3A_1461 : i32 to index
      %get3A_1463 = arith.index_cast %scan3A_1376 : i32 to index
      %get3A_1464 = arith.constant 16 : index
      %get3A_1465 = tpu.vector_load %arg39[%get3A_1462, %get3A_1463, %get3A_1464] {strides = array<i32>} : memref<2x200x64xf32, #tpu.memory_space<vmem>>, vector<1x1x16xf32>,
      %get3A_1466 = vector.shape_cast %get3A_1465 : vector<1x1x16xf32> to vector<16xf32>
      %add3A_1467 = arith.addf %get3A_1466, %get3A_1383 : vector<16xf32>
      %swap3A_1468 = arith.constant 1 : i32
      %swap3A_1469 = arith.index_cast %swap3A_1468 : i32 to index
      %swap3A_1470 = arith.index_cast %scan3A_1376 : i32 to index
      %swap3A_1471 = arith.constant 16 : index
      %swap3A_1472 = tpu.vector_load %arg39[%swap3A_1469, %swap3A_1470, %swap3A_1471] {strides = array<i32>} : memref<2x200x64xf32, #tpu.memory_space<vmem>>, vector<1x1x16xf32>,
      %swap3A_1473 = vector.shape_cast %swap3A_1472 : vector<1x1x16xf32> to vector<16xf32>
      %swap3A_1474 = vector.shape_cast %add3A_1467 : vector<16xf32> to vector<1x1x16xf32>
      tpu.vector_store %arg39[%swap3A_1469, %swap3A_1470, %swap3A_1471], %swap3A_1474 {strides = array<i32>} : memref<2x200x64xf32, #tpu.memory_space<vmem>>, vector<1x1x16xf32>,
      %get3A_1475 = arith.constant 1 : i32
      %get3A_1476 = arith.index_cast %get3A_1475 : i32 to index
      %get3A_1477 = arith.index_cast %scan3A_1376 : i32 to index
      %get3A_1478 = arith.constant 32 : index
      %get3A_1479 = tpu.vector_load %arg39[%get3A_1476, %get3A_1477, %get3A_1478] {strides = array<i32>} : memref<2x200x64xf32, #tpu.memory_space<vmem>>, vector<1x1x16xf32>,
      %get3A_1480 = vector.shape_cast %get3A_1479 : vector<1x1x16xf32> to vector<16xf32>
      %add3A_1481 = arith.addf %get3A_1480, %get3A_1387 : vector<16xf32>
      %swap3A_1482 = arith.constant 1 : i32
      %swap3A_1483 = arith.index_cast %swap3A_1482 : i32 to index
      %swap3A_1484 = arith.index_cast %scan3A_1376 : i32 to index
      %swap3A_1485 = arith.constant 32 : index
      %swap3A_1486 = tpu.vector_load %arg39[%swap3A_1483, %swap3A_1484, %swap3A_1485] {strides = array<i32>} : memref<2x200x64xf32, #tpu.memory_space<vmem>>, vector<1x1x16xf32>,
      %swap3A_1487 = vector.shape_cast %swap3A_1486 : vector<1x1x16xf32> to vector<16xf32>
      %swap3A_1488 = vector.shape_cast %add3A_1481 : vector<16xf32> to vector<1x1x16xf32>
      tpu.vector_store %arg39[%swap3A_1483, %swap3A_1484, %swap3A_1485], %swap3A_1488 {strides = array<i32>} : memref<2x200x64xf32, #tpu.memory_space<vmem>>, vector<1x1x16xf32>,
      %get3A_1489 = arith.constant 1 : i32
      %get3A_1490 = arith.index_cast %get3A_1489 : i32 to index
      %get3A_1491 = arith.index_cast %scan3A_1376 : i32 to index
      %get3A_1492 = arith.constant 48 : index
      %get3A_1493 = tpu.vector_load %arg39[%get3A_1490, %get3A_1491, %get3A_1492] {strides = array<i32>} : memref<2x200x64xf32, #tpu.memory_space<vmem>>, vector<1x1x16xf32>,
      %get3A_1494 = vector.shape_cast %get3A_1493 : vector<1x1x16xf32> to vector<16xf32>
      %add3A_1495 = arith.addf %get3A_1494, %get3A_1391 : vector<16xf32>
      %swap3A_1496 = arith.constant 1 : i32
      %swap3A_1497 = arith.index_cast %swap3A_1496 : i32 to index
      %swap3A_1498 = arith.index_cast %scan3A_1376 : i32 to index
      %swap3A_1499 = arith.constant 48 : index
      %swap3A_1500 = tpu.vector_load %arg39[%swap3A_1497, %swap3A_1498, %swap3A_1499] {strides = array<i32>} : memref<2x200x64xf32, #tpu.memory_space<vmem>>, vector<1x1x16xf32>,
      %swap3A_1501 = vector.shape_cast %swap3A_1500 : vector<1x1x16xf32> to vector<16xf32>
      %swap3A_1502 = vector.shape_cast %add3A_1495 : vector<16xf32> to vector<1x1x16xf32>
      tpu.vector_store %arg39[%swap3A_1497, %swap3A_1498, %swap3A_1499], %swap3A_1502 {strides = array<i32>} : memref<2x200x64xf32, #tpu.memory_space<vmem>>, vector<1x1x16xf32>,
    }
    %scan3A_565 = arith.constant 200 : i32
    %add3A_566 = arith.constant 0 : i32
    %add3A_567 = arith.addi %mul3A_2, %add3A_566 : i32
    %dma_start3A_568 = arith.constant 0 : i32
    %dma_start3A_569 = arith.constant 0 : i32
    %dma_start3A_570 = tpu.memref_slice %arg5[%add3A_567, %dma_start3A_568, %dma_start3A_569] : memref<1024x200x128xf32, #tpu.memory_space<hbm>> -> memref<2x200x64xf32, #tpu.memory_space<hbm>>
    %dma_start3A_571 = arith.constant 0 : i32
    %dma_start3A_572 = arith.constant 0 : i32
    %dma_start3A_573 = tpu.memref_slice %arg5[%add3A_567, %dma_start3A_571, %dma_start3A_572] : memref<1024x200x128xf32, #tpu.memory_space<hbm>> -> memref<2x200x64xf32, #tpu.memory_space<hbm>>
    tpu.enqueue_dma source(%arg39 : memref<2x200x64xf32, #tpu.memory_space<vmem>>) target(%dma_start3A_573 : memref<2x200x64xf32, #tpu.memory_space<hbm>>) target_semaphore(%arg47 : memref<!tpu.dma_semaphore, #tpu.memory_space<semaphore_mem>>)
    %dma_start3A_574 = arith.constant 0 : i32
    %dma_start3A_575 = arith.constant 0 : i32
    %dma_start3A_576 = arith.constant 0 : i32
    %dma_start3A_577 = tpu.memref_slice %arg41[%dma_start3A_574, %dma_start3A_575, %dma_start3A_576] : memref<2x200x64xf32, #tpu.memory_space<vmem>> -> memref<1x200x64xf32, #tpu.memory_space<vmem>>
    %dma_start3A_578 = tpu.memref_squeeze %dma_start3A_577 : memref<1x200x64xf32, #tpu.memory_space<vmem>> -> memref<200x64xf32, #tpu.memory_space<vmem>>
    %dma_start3A_579 = arith.constant 0 : i32
    %dma_start3A_580 = arith.constant 0 : i32
    %dma_start3A_581 = tpu.memref_slice %arg3[%dma_start3A_579, %dma_start3A_580] : memref<100000x64xf32, #tpu.memory_space<hbm>> -> memref<100000x64xf32, #tpu.memory_space<hbm>>
    tpu.enqueue_indirect_dma source(%dma_start3A_581 : memref<100000x64xf32, #tpu.memory_space<hbm>>) target(%dma_start3A_578 : memref<200x64xf32, #tpu.memory_space<vmem>>) offsets(%arg10 : memref<200xi32, #tpu.memory_space<vmem>>) semaphore(%arg45 : memref<!tpu.dma_semaphore, #tpu.memory_space<semaphore_mem>>)
    %dma_start3A_582 = arith.constant 1 : i32
    %dma_start3A_583 = arith.constant 0 : i32
    %dma_start3A_584 = arith.constant 0 : i32
    %dma_start3A_585 = tpu.memref_slice %arg41[%dma_start3A_582, %dma_start3A_583, %dma_start3A_584] : memref<2x200x64xf32, #tpu.memory_space<vmem>> -> memref<1x200x64xf32, #tpu.memory_space<vmem>>
    %dma_start3A_586 = tpu.memref_squeeze %dma_start3A_585 : memref<1x200x64xf32, #tpu.memory_space<vmem>> -> memref<200x64xf32, #tpu.memory_space<vmem>>
    %dma_start3A_587 = arith.constant 0 : i32
    %dma_start3A_588 = arith.constant 0 : i32
    %dma_start3A_589 = tpu.memref_slice %arg3[%dma_start3A_587, %dma_start3A_588] : memref<100000x64xf32, #tpu.memory_space<hbm>> -> memref<100000x64xf32, #tpu.memory_space<hbm>>
    tpu.enqueue_indirect_dma source(%dma_start3A_589 : memref<100000x64xf32, #tpu.memory_space<hbm>>) target(%dma_start3A_586 : memref<200x64xf32, #tpu.memory_space<vmem>>) offsets(%arg11 : memref<200xi32, #tpu.memory_space<vmem>>) semaphore(%arg45 : memref<!tpu.dma_semaphore, #tpu.memory_space<semaphore_mem>>)
    %dma_wait3A_590 = arith.constant 0 : i32
    %dma_wait3A_591 = arith.constant 0 : i32
    %dma_wait3A_592 = arith.constant 0 : i32
    %dma_wait3A_593 = tpu.memref_slice %arg40[%dma_wait3A_590, %dma_wait3A_591, %dma_wait3A_592] : memref<2x200x64xf32, #tpu.memory_space<vmem>> -> memref<1x200x64xf32, #tpu.memory_space<vmem>>
    %dma_wait3A_594 = tpu.memref_squeeze %dma_wait3A_593 : memref<1x200x64xf32, #tpu.memory_space<vmem>> -> memref<200x64xf32, #tpu.memory_space<vmem>>
    %dma_wait3A_595 = arith.constant 0 : i32
    %dma_wait3A_596 = arith.constant 0 : i32
    %dma_wait3A_597 = tpu.memref_slice %arg3[%dma_wait3A_595, %dma_wait3A_596] : memref<100000x64xf32, #tpu.memory_space<hbm>> -> memref<100000x64xf32, #tpu.memory_space<hbm>>
    tpu.wait_indirect_dma semaphore(%arg44 : memref<!tpu.dma_semaphore, #tpu.memory_space<semaphore_mem>>) src(%dma_wait3A_597 : memref<100000x64xf32, #tpu.memory_space<hbm>>) dst(%dma_wait3A_594 : memref<200x64xf32, #tpu.memory_space<vmem>>)
    %dma_wait3A_598 = arith.constant 1 : i32
    %dma_wait3A_599 = arith.constant 0 : i32
    %dma_wait3A_600 = arith.constant 0 : i32
    %dma_wait3A_601 = tpu.memref_slice %arg40[%dma_wait3A_598, %dma_wait3A_599, %dma_wait3A_600] : memref<2x200x64xf32, #tpu.memory_space<vmem>> -> memref<1x200x64xf32, #tpu.memory_space<vmem>>
    %dma_wait3A_602 = tpu.memref_squeeze %dma_wait3A_601 : memref<1x200x64xf32, #tpu.memory_space<vmem>> -> memref<200x64xf32, #tpu.memory_space<vmem>>
    %dma_wait3A_603 = arith.constant 0 : i32
    %dma_wait3A_604 = arith.constant 0 : i32
    %dma_wait3A_605 = tpu.memref_slice %arg3[%dma_wait3A_603, %dma_wait3A_604] : memref<100000x64xf32, #tpu.memory_space<hbm>> -> memref<100000x64xf32, #tpu.memory_space<hbm>>
    tpu.wait_indirect_dma semaphore(%arg44 : memref<!tpu.dma_semaphore, #tpu.memory_space<semaphore_mem>>) src(%dma_wait3A_605 : memref<100000x64xf32, #tpu.memory_space<hbm>>) dst(%dma_wait3A_602 : memref<200x64xf32, #tpu.memory_space<vmem>>)
    %scan3A_606 = arith.constant 0 : i32
    %scan3A_607 = arith.constant 0 : i32
    %scan3A_608 = arith.constant 200 : i32
    %scan3A_609 = arith.addi %scan3A_607, %scan3A_608 : i32
    %scan3A_610 = arith.constant 1 : i32
    scf.for %scan3A_1376 = %scan3A_607 to %scan3A_609 step %scan3A_610  : i32 {
      %get3A = arith.index_cast %scan3A_1376 : i32 to index
      %get3A_1377 = arith.constant 0 : index
      %get3A_1378 = tpu.vector_load %arg38[%get3A, %get3A_1377] {strides = array<i32>} : memref<200x64xf32, #tpu.memory_space<vmem>>, vector<1x16xf32>,
      %get3A_1379 = vector.shape_cast %get3A_1378 : vector<1x16xf32> to vector<16xf32>
      %get3A_1380 = arith.index_cast %scan3A_1376 : i32 to index
      %get3A_1381 = arith.constant 16 : index
      %get3A_1382 = tpu.vector_load %arg38[%get3A_1380, %get3A_1381] {strides = array<i32>} : memref<200x64xf32, #tpu.memory_space<vmem>>, vector<1x16xf32>,
      %get3A_1383 = vector.shape_cast %get3A_1382 : vector<1x16xf32> to vector<16xf32>
      %get3A_1384 = arith.index_cast %scan3A_1376 : i32 to index
      %get3A_1385 = arith.constant 32 : index
      %get3A_1386 = tpu.vector_load %arg38[%get3A_1384, %get3A_1385] {strides = array<i32>} : memref<200x64xf32, #tpu.memory_space<vmem>>, vector<1x16xf32>,
      %get3A_1387 = vector.shape_cast %get3A_1386 : vector<1x16xf32> to vector<16xf32>
      %get3A_1388 = arith.index_cast %scan3A_1376 : i32 to index
      %get3A_1389 = arith.constant 48 : index
      %get3A_1390 = tpu.vector_load %arg38[%get3A_1388, %get3A_1389] {strides = array<i32>} : memref<200x64xf32, #tpu.memory_space<vmem>>, vector<1x16xf32>,
      %get3A_1391 = vector.shape_cast %get3A_1390 : vector<1x16xf32> to vector<16xf32>
      %get3A_1392 = arith.constant 0 : i32
      %get3A_1393 = arith.index_cast %get3A_1392 : i32 to index
      %get3A_1394 = arith.index_cast %scan3A_1376 : i32 to index
      %get3A_1395 = arith.constant 0 : index
      %get3A_1396 = tpu.vector_load %arg40[%get3A_1393, %get3A_1394, %get3A_1395] {strides = array<i32>} : memref<2x200x64xf32, #tpu.memory_space<vmem>>, vector<1x1x16xf32>,
      %get3A_1397 = vector.shape_cast %get3A_1396 : vector<1x1x16xf32> to vector<16xf32>
      %add3A_1398 = arith.addf %get3A_1397, %get3A_1379 : vector<16xf32>
      %swap3A = arith.constant 0 : i32
      %swap3A_1399 = arith.index_cast %swap3A : i32 to index
      %swap3A_1400 = arith.index_cast %scan3A_1376 : i32 to index
      %swap3A_1401 = arith.constant 0 : index
      %swap3A_1402 = tpu.vector_load %arg40[%swap3A_1399, %swap3A_1400, %swap3A_1401] {strides = array<i32>} : memref<2x200x64xf32, #tpu.memory_space<vmem>>, vector<1x1x16xf32>,
      %swap3A_1403 = vector.shape_cast %swap3A_1402 : vector<1x1x16xf32> to vector<16xf32>
      %swap3A_1404 = vector.shape_cast %add3A_1398 : vector<16xf32> to vector<1x1x16xf32>
      tpu.vector_store %arg40[%swap3A_1399, %swap3A_1400, %swap3A_1401], %swap3A_1404 {strides = array<i32>} : memref<2x200x64xf32, #tpu.memory_space<vmem>>, vector<1x1x16xf32>,
      %get3A_1405 = arith.constant 0 : i32
      %get3A_1406 = arith.index_cast %get3A_1405 : i32 to index
      %get3A_1407 = arith.index_cast %scan3A_1376 : i32 to index
      %get3A_1408 = arith.constant 16 : index
      %get3A_1409 = tpu.vector_load %arg40[%get3A_1406, %get3A_1407, %get3A_1408] {strides = array<i32>} : memref<2x200x64xf32, #tpu.memory_space<vmem>>, vector<1x1x16xf32>,
      %get3A_1410 = vector.shape_cast %get3A_1409 : vector<1x1x16xf32> to vector<16xf32>
      %add3A_1411 = arith.addf %get3A_1410, %get3A_1383 : vector<16xf32>
      %swap3A_1412 = arith.constant 0 : i32
      %swap3A_1413 = arith.index_cast %swap3A_1412 : i32 to index
      %swap3A_1414 = arith.index_cast %scan3A_1376 : i32 to index
      %swap3A_1415 = arith.constant 16 : index
      %swap3A_1416 = tpu.vector_load %arg40[%swap3A_1413, %swap3A_1414, %swap3A_1415] {strides = array<i32>} : memref<2x200x64xf32, #tpu.memory_space<vmem>>, vector<1x1x16xf32>,
      %swap3A_1417 = vector.shape_cast %swap3A_1416 : vector<1x1x16xf32> to vector<16xf32>
      %swap3A_1418 = vector.shape_cast %add3A_1411 : vector<16xf32> to vector<1x1x16xf32>
      tpu.vector_store %arg40[%swap3A_1413, %swap3A_1414, %swap3A_1415], %swap3A_1418 {strides = array<i32>} : memref<2x200x64xf32, #tpu.memory_space<vmem>>, vector<1x1x16xf32>,
      %get3A_1419 = arith.constant 0 : i32
      %get3A_1420 = arith.index_cast %get3A_1419 : i32 to index
      %get3A_1421 = arith.index_cast %scan3A_1376 : i32 to index
      %get3A_1422 = arith.constant 32 : index
      %get3A_1423 = tpu.vector_load %arg40[%get3A_1420, %get3A_1421, %get3A_1422] {strides = array<i32>} : memref<2x200x64xf32, #tpu.memory_space<vmem>>, vector<1x1x16xf32>,
      %get3A_1424 = vector.shape_cast %get3A_1423 : vector<1x1x16xf32> to vector<16xf32>
      %add3A_1425 = arith.addf %get3A_1424, %get3A_1387 : vector<16xf32>
      %swap3A_1426 = arith.constant 0 : i32
      %swap3A_1427 = arith.index_cast %swap3A_1426 : i32 to index
      %swap3A_1428 = arith.index_cast %scan3A_1376 : i32 to index
      %swap3A_1429 = arith.constant 32 : index
      %swap3A_1430 = tpu.vector_load %arg40[%swap3A_1427, %swap3A_1428, %swap3A_1429] {strides = array<i32>} : memref<2x200x64xf32, #tpu.memory_space<vmem>>, vector<1x1x16xf32>,
      %swap3A_1431 = vector.shape_cast %swap3A_1430 : vector<1x1x16xf32> to vector<16xf32>
      %swap3A_1432 = vector.shape_cast %add3A_1425 : vector<16xf32> to vector<1x1x16xf32>
      tpu.vector_store %arg40[%swap3A_1427, %swap3A_1428, %swap3A_1429], %swap3A_1432 {strides = array<i32>} : memref<2x200x64xf32, #tpu.memory_space<vmem>>, vector<1x1x16xf32>,
      %get3A_1433 = arith.constant 0 : i32
      %get3A_1434 = arith.index_cast %get3A_1433 : i32 to index
      %get3A_1435 = arith.index_cast %scan3A_1376 : i32 to index
      %get3A_1436 = arith.constant 48 : index
      %get3A_1437 = tpu.vector_load %arg40[%get3A_1434, %get3A_1435, %get3A_1436] {strides = array<i32>} : memref<2x200x64xf32, #tpu.memory_space<vmem>>, vector<1x1x16xf32>,
      %get3A_1438 = vector.shape_cast %get3A_1437 : vector<1x1x16xf32> to vector<16xf32>
      %add3A_1439 = arith.addf %get3A_1438, %get3A_1391 : vector<16xf32>
      %swap3A_1440 = arith.constant 0 : i32
      %swap3A_1441 = arith.index_cast %swap3A_1440 : i32 to index
      %swap3A_1442 = arith.index_cast %scan3A_1376 : i32 to index
      %swap3A_1443 = arith.constant 48 : index
      %swap3A_1444 = tpu.vector_load %arg40[%swap3A_1441, %swap3A_1442, %swap3A_1443] {strides = array<i32>} : memref<2x200x64xf32, #tpu.memory_space<vmem>>, vector<1x1x16xf32>,
      %swap3A_1445 = vector.shape_cast %swap3A_1444 : vector<1x1x16xf32> to vector<16xf32>
      %swap3A_1446 = vector.shape_cast %add3A_1439 : vector<16xf32> to vector<1x1x16xf32>
      tpu.vector_store %arg40[%swap3A_1441, %swap3A_1442, %swap3A_1443], %swap3A_1446 {strides = array<i32>} : memref<2x200x64xf32, #tpu.memory_space<vmem>>, vector<1x1x16xf32>,
      %get3A_1447 = arith.constant 1 : i32
      %get3A_1448 = arith.index_cast %get3A_1447 : i32 to index
      %get3A_1449 = arith.index_cast %scan3A_1376 : i32 to index
      %get3A_1450 = arith.constant 0 : index
      %get3A_1451 = tpu.vector_load %arg40[%get3A_1448, %get3A_1449, %get3A_1450] {strides = array<i32>} : memref<2x200x64xf32, #tpu.memory_space<vmem>>, vector<1x1x16xf32>,
      %get3A_1452 = vector.shape_cast %get3A_1451 : vector<1x1x16xf32> to vector<16xf32>
      %add3A_1453 = arith.addf %get3A_1452, %get3A_1379 : vector<16xf32>
      %swap3A_1454 = arith.constant 1 : i32
      %swap3A_1455 = arith.index_cast %swap3A_1454 : i32 to index
      %swap3A_1456 = arith.index_cast %scan3A_1376 : i32 to index
      %swap3A_1457 = arith.constant 0 : index
      %swap3A_1458 = tpu.vector_load %arg40[%swap3A_1455, %swap3A_1456, %swap3A_1457] {strides = array<i32>} : memref<2x200x64xf32, #tpu.memory_space<vmem>>, vector<1x1x16xf32>,
      %swap3A_1459 = vector.shape_cast %swap3A_1458 : vector<1x1x16xf32> to vector<16xf32>
      %swap3A_1460 = vector.shape_cast %add3A_1453 : vector<16xf32> to vector<1x1x16xf32>
      tpu.vector_store %arg40[%swap3A_1455, %swap3A_1456, %swap3A_1457], %swap3A_1460 {strides = array<i32>} : memref<2x200x64xf32, #tpu.memory_space<vmem>>, vector<1x1x16xf32>,
      %get3A_1461 = arith.constant 1 : i32
      %get3A_1462 = arith.index_cast %get3A_1461 : i32 to index
      %get3A_1463 = arith.index_cast %scan3A_1376 : i32 to index
      %get3A_1464 = arith.constant 16 : index
      %get3A_1465 = tpu.vector_load %arg40[%get3A_1462, %get3A_1463, %get3A_1464] {strides = array<i32>} : memref<2x200x64xf32, #tpu.memory_space<vmem>>, vector<1x1x16xf32>,
      %get3A_1466 = vector.shape_cast %get3A_1465 : vector<1x1x16xf32> to vector<16xf32>
      %add3A_1467 = arith.addf %get3A_1466, %get3A_1383 : vector<16xf32>
      %swap3A_1468 = arith.constant 1 : i32
      %swap3A_1469 = arith.index_cast %swap3A_1468 : i32 to index
      %swap3A_1470 = arith.index_cast %scan3A_1376 : i32 to index
      %swap3A_1471 = arith.constant 16 : index
      %swap3A_1472 = tpu.vector_load %arg40[%swap3A_1469, %swap3A_1470, %swap3A_1471] {strides = array<i32>} : memref<2x200x64xf32, #tpu.memory_space<vmem>>, vector<1x1x16xf32>,
      %swap3A_1473 = vector.shape_cast %swap3A_1472 : vector<1x1x16xf32> to vector<16xf32>
      %swap3A_1474 = vector.shape_cast %add3A_1467 : vector<16xf32> to vector<1x1x16xf32>
      tpu.vector_store %arg40[%swap3A_1469, %swap3A_1470, %swap3A_1471], %swap3A_1474 {strides = array<i32>} : memref<2x200x64xf32, #tpu.memory_space<vmem>>, vector<1x1x16xf32>,
      %get3A_1475 = arith.constant 1 : i32
      %get3A_1476 = arith.index_cast %get3A_1475 : i32 to index
      %get3A_1477 = arith.index_cast %scan3A_1376 : i32 to index
      %get3A_1478 = arith.constant 32 : index
      %get3A_1479 = tpu.vector_load %arg40[%get3A_1476, %get3A_1477, %get3A_1478] {strides = array<i32>} : memref<2x200x64xf32, #tpu.memory_space<vmem>>, vector<1x1x16xf32>,
      %get3A_1480 = vector.shape_cast %get3A_1479 : vector<1x1x16xf32> to vector<16xf32>
      %add3A_1481 = arith.addf %get3A_1480, %get3A_1387 : vector<16xf32>
      %swap3A_1482 = arith.constant 1 : i32
      %swap3A_1483 = arith.index_cast %swap3A_1482 : i32 to index
      %swap3A_1484 = arith.index_cast %scan3A_1376 : i32 to index
      %swap3A_1485 = arith.constant 32 : index
      %swap3A_1486 = tpu.vector_load %arg40[%swap3A_1483, %swap3A_1484, %swap3A_1485] {strides = array<i32>} : memref<2x200x64xf32, #tpu.memory_space<vmem>>, vector<1x1x16xf32>,
      %swap3A_1487 = vector.shape_cast %swap3A_1486 : vector<1x1x16xf32> to vector<16xf32>
      %swap3A_1488 = vector.shape_cast %add3A_1481 : vector<16xf32> to vector<1x1x16xf32>
      tpu.vector_store %arg40[%swap3A_1483, %swap3A_1484, %swap3A_1485], %swap3A_1488 {strides = array<i32>} : memref<2x200x64xf32, #tpu.memory_space<vmem>>, vector<1x1x16xf32>,
      %get3A_1489 = arith.constant 1 : i32
      %get3A_1490 = arith.index_cast %get3A_1489 : i32 to index
      %get3A_1491 = arith.index_cast %scan3A_1376 : i32 to index
      %get3A_1492 = arith.constant 48 : index
      %get3A_1493 = tpu.vector_load %arg40[%get3A_1490, %get3A_1491, %get3A_1492] {strides = array<i32>} : memref<2x200x64xf32, #tpu.memory_space<vmem>>, vector<1x1x16xf32>,
      %get3A_1494 = vector.shape_cast %get3A_1493 : vector<1x1x16xf32> to vector<16xf32>
      %add3A_1495 = arith.addf %get3A_1494, %get3A_1391 : vector<16xf32>
      %swap3A_1496 = arith.constant 1 : i32
      %swap3A_1497 = arith.index_cast %swap3A_1496 : i32 to index
      %swap3A_1498 = arith.index_cast %scan3A_1376 : i32 to index
      %swap3A_1499 = arith.constant 48 : index
      %swap3A_1500 = tpu.vector_load %arg40[%swap3A_1497, %swap3A_1498, %swap3A_1499] {strides = array<i32>} : memref<2x200x64xf32, #tpu.memory_space<vmem>>, vector<1x1x16xf32>,
      %swap3A_1501 = vector.shape_cast %swap3A_1500 : vector<1x1x16xf32> to vector<16xf32>
      %swap3A_1502 = vector.shape_cast %add3A_1495 : vector<16xf32> to vector<1x1x16xf32>
      tpu.vector_store %arg40[%swap3A_1497, %swap3A_1498, %swap3A_1499], %swap3A_1502 {strides = array<i32>} : memref<2x200x64xf32, #tpu.memory_space<vmem>>, vector<1x1x16xf32>,
    }
    %scan3A_611 = arith.constant 200 : i32
    %add3A_612 = arith.constant 2 : i32
    %add3A_613 = arith.addi %mul3A_2, %add3A_612 : i32
    %dma_start3A_614 = arith.constant 0 : i32
    %dma_start3A_615 = arith.constant 0 : i32
    %dma_start3A_616 = tpu.memref_slice %arg5[%add3A_613, %dma_start3A_614, %dma_start3A_615] : memref<1024x200x128xf32, #tpu.memory_space<hbm>> -> memref<2x200x64xf32, #tpu.memory_space<hbm>>
    %dma_start3A_617 = arith.constant 0 : i32
    %dma_start3A_618 = arith.constant 0 : i32
    %dma_start3A_619 = tpu.memref_slice %arg5[%add3A_613, %dma_start3A_617, %dma_start3A_618] : memref<1024x200x128xf32, #tpu.memory_space<hbm>> -> memref<2x200x64xf32, #tpu.memory_space<hbm>>
    tpu.enqueue_dma source(%arg40 : memref<2x200x64xf32, #tpu.memory_space<vmem>>) target(%dma_start3A_619 : memref<2x200x64xf32, #tpu.memory_space<hbm>>) target_semaphore(%arg48 : memref<!tpu.dma_semaphore, #tpu.memory_space<semaphore_mem>>)
    %dma_start3A_620 = arith.constant 0 : i32
    %dma_start3A_621 = arith.constant 0 : i32
    %dma_start3A_622 = arith.constant 0 : i32
    %dma_start3A_623 = tpu.memref_slice %arg42[%dma_start3A_620, %dma_start3A_621, %dma_start3A_622] : memref<2x200x64xf32, #tpu.memory_space<vmem>> -> memref<1x200x64xf32, #tpu.memory_space<vmem>>
    %dma_start3A_624 = tpu.memref_squeeze %dma_start3A_623 : memref<1x200x64xf32, #tpu.memory_space<vmem>> -> memref<200x64xf32, #tpu.memory_space<vmem>>
    %dma_start3A_625 = arith.constant 0 : i32
    %dma_start3A_626 = arith.constant 0 : i32
    %dma_start3A_627 = tpu.memref_slice %arg3[%dma_start3A_625, %dma_start3A_626] : memref<100000x64xf32, #tpu.memory_space<hbm>> -> memref<100000x64xf32, #tpu.memory_space<hbm>>
    tpu.enqueue_indirect_dma source(%dma_start3A_627 : memref<100000x64xf32, #tpu.memory_space<hbm>>) target(%dma_start3A_624 : memref<200x64xf32, #tpu.memory_space<vmem>>) offsets(%arg12 : memref<200xi32, #tpu.memory_space<vmem>>) semaphore(%arg46 : memref<!tpu.dma_semaphore, #tpu.memory_space<semaphore_mem>>)
    %dma_start3A_628 = arith.constant 1 : i32
    %dma_start3A_629 = arith.constant 0 : i32
    %dma_start3A_630 = arith.constant 0 : i32
    %dma_start3A_631 = tpu.memref_slice %arg42[%dma_start3A_628, %dma_start3A_629, %dma_start3A_630] : memref<2x200x64xf32, #tpu.memory_space<vmem>> -> memref<1x200x64xf32, #tpu.memory_space<vmem>>
    %dma_start3A_632 = tpu.memref_squeeze %dma_start3A_631 : memref<1x200x64xf32, #tpu.memory_space<vmem>> -> memref<200x64xf32, #tpu.memory_space<vmem>>
    %dma_start3A_633 = arith.constant 0 : i32
    %dma_start3A_634 = arith.constant 0 : i32
    %dma_start3A_635 = tpu.memref_slice %arg3[%dma_start3A_633, %dma_start3A_634] : memref<100000x64xf32, #tpu.memory_space<hbm>> -> memref<100000x64xf32, #tpu.memory_space<hbm>>
    tpu.enqueue_indirect_dma source(%dma_start3A_635 : memref<100000x64xf32, #tpu.memory_space<hbm>>) target(%dma_start3A_632 : memref<200x64xf32, #tpu.memory_space<vmem>>) offsets(%arg13 : memref<200xi32, #tpu.memory_space<vmem>>) semaphore(%arg46 : memref<!tpu.dma_semaphore, #tpu.memory_space<semaphore_mem>>)
    %dma_wait3A_636 = arith.constant 0 : i32
    %dma_wait3A_637 = arith.constant 0 : i32
    %dma_wait3A_638 = arith.constant 0 : i32
    %dma_wait3A_639 = tpu.memref_slice %arg41[%dma_wait3A_636, %dma_wait3A_637, %dma_wait3A_638] : memref<2x200x64xf32, #tpu.memory_space<vmem>> -> memref<1x200x64xf32, #tpu.memory_space<vmem>>
    %dma_wait3A_640 = tpu.memref_squeeze %dma_wait3A_639 : memref<1x200x64xf32, #tpu.memory_space<vmem>> -> memref<200x64xf32, #tpu.memory_space<vmem>>
    %dma_wait3A_641 = arith.constant 0 : i32
    %dma_wait3A_642 = arith.constant 0 : i32
    %dma_wait3A_643 = tpu.memref_slice %arg3[%dma_wait3A_641, %dma_wait3A_642] : memref<100000x64xf32, #tpu.memory_space<hbm>> -> memref<100000x64xf32, #tpu.memory_space<hbm>>
    tpu.wait_indirect_dma semaphore(%arg45 : memref<!tpu.dma_semaphore, #tpu.memory_space<semaphore_mem>>) src(%dma_wait3A_643 : memref<100000x64xf32, #tpu.memory_space<hbm>>) dst(%dma_wait3A_640 : memref<200x64xf32, #tpu.memory_space<vmem>>)
    %dma_wait3A_644 = arith.constant 1 : i32
    %dma_wait3A_645 = arith.constant 0 : i32
    %dma_wait3A_646 = arith.constant 0 : i32
    %dma_wait3A_647 = tpu.memref_slice %arg41[%dma_wait3A_644, %dma_wait3A_645, %dma_wait3A_646] : memref<2x200x64xf32, #tpu.memory_space<vmem>> -> memref<1x200x64xf32, #tpu.memory_space<vmem>>
    %dma_wait3A_648 = tpu.memref_squeeze %dma_wait3A_647 : memref<1x200x64xf32, #tpu.memory_space<vmem>> -> memref<200x64xf32, #tpu.memory_space<vmem>>
    %dma_wait3A_649 = arith.constant 0 : i32
    %dma_wait3A_650 = arith.constant 0 : i32
    %dma_wait3A_651 = tpu.memref_slice %arg3[%dma_wait3A_649, %dma_wait3A_650] : memref<100000x64xf32, #tpu.memory_space<hbm>> -> memref<100000x64xf32, #tpu.memory_space<hbm>>
    tpu.wait_indirect_dma semaphore(%arg45 : memref<!tpu.dma_semaphore, #tpu.memory_space<semaphore_mem>>) src(%dma_wait3A_651 : memref<100000x64xf32, #tpu.memory_space<hbm>>) dst(%dma_wait3A_648 : memref<200x64xf32, #tpu.memory_space<vmem>>)
    %scan3A_652 = arith.constant 0 : i32
    %scan3A_653 = arith.constant 0 : i32
    %scan3A_654 = arith.constant 200 : i32
    %scan3A_655 = arith.addi %scan3A_653, %scan3A_654 : i32
    %scan3A_656 = arith.constant 1 : i32
    scf.for %scan3A_1376 = %scan3A_653 to %scan3A_655 step %scan3A_656  : i32 {
      %get3A = arith.index_cast %scan3A_1376 : i32 to index
      %get3A_1377 = arith.constant 0 : index
      %get3A_1378 = tpu.vector_load %arg38[%get3A, %get3A_1377] {strides = array<i32>} : memref<200x64xf32, #tpu.memory_space<vmem>>, vector<1x16xf32>,
      %get3A_1379 = vector.shape_cast %get3A_1378 : vector<1x16xf32> to vector<16xf32>
      %get3A_1380 = arith.index_cast %scan3A_1376 : i32 to index
      %get3A_1381 = arith.constant 16 : index
      %get3A_1382 = tpu.vector_load %arg38[%get3A_1380, %get3A_1381] {strides = array<i32>} : memref<200x64xf32, #tpu.memory_space<vmem>>, vector<1x16xf32>,
      %get3A_1383 = vector.shape_cast %get3A_1382 : vector<1x16xf32> to vector<16xf32>
      %get3A_1384 = arith.index_cast %scan3A_1376 : i32 to index
      %get3A_1385 = arith.constant 32 : index
      %get3A_1386 = tpu.vector_load %arg38[%get3A_1384, %get3A_1385] {strides = array<i32>} : memref<200x64xf32, #tpu.memory_space<vmem>>, vector<1x16xf32>,
      %get3A_1387 = vector.shape_cast %get3A_1386 : vector<1x16xf32> to vector<16xf32>
      %get3A_1388 = arith.index_cast %scan3A_1376 : i32 to index
      %get3A_1389 = arith.constant 48 : index
      %get3A_1390 = tpu.vector_load %arg38[%get3A_1388, %get3A_1389] {strides = array<i32>} : memref<200x64xf32, #tpu.memory_space<vmem>>, vector<1x16xf32>,
      %get3A_1391 = vector.shape_cast %get3A_1390 : vector<1x16xf32> to vector<16xf32>
      %get3A_1392 = arith.constant 0 : i32
      %get3A_1393 = arith.index_cast %get3A_1392 : i32 to index
      %get3A_1394 = arith.index_cast %scan3A_1376 : i32 to index
      %get3A_1395 = arith.constant 0 : index
      %get3A_1396 = tpu.vector_load %arg41[%get3A_1393, %get3A_1394, %get3A_1395] {strides = array<i32>} : memref<2x200x64xf32, #tpu.memory_space<vmem>>, vector<1x1x16xf32>,
      %get3A_1397 = vector.shape_cast %get3A_1396 : vector<1x1x16xf32> to vector<16xf32>
      %add3A_1398 = arith.addf %get3A_1397, %get3A_1379 : vector<16xf32>
      %swap3A = arith.constant 0 : i32
      %swap3A_1399 = arith.index_cast %swap3A : i32 to index
      %swap3A_1400 = arith.index_cast %scan3A_1376 : i32 to index
      %swap3A_1401 = arith.constant 0 : index
      %swap3A_1402 = tpu.vector_load %arg41[%swap3A_1399, %swap3A_1400, %swap3A_1401] {strides = array<i32>} : memref<2x200x64xf32, #tpu.memory_space<vmem>>, vector<1x1x16xf32>,
      %swap3A_1403 = vector.shape_cast %swap3A_1402 : vector<1x1x16xf32> to vector<16xf32>
      %swap3A_1404 = vector.shape_cast %add3A_1398 : vector<16xf32> to vector<1x1x16xf32>
      tpu.vector_store %arg41[%swap3A_1399, %swap3A_1400, %swap3A_1401], %swap3A_1404 {strides = array<i32>} : memref<2x200x64xf32, #tpu.memory_space<vmem>>, vector<1x1x16xf32>,
      %get3A_1405 = arith.constant 0 : i32
      %get3A_1406 = arith.index_cast %get3A_1405 : i32 to index
      %get3A_1407 = arith.index_cast %scan3A_1376 : i32 to index
      %get3A_1408 = arith.constant 16 : index
      %get3A_1409 = tpu.vector_load %arg41[%get3A_1406, %get3A_1407, %get3A_1408] {strides = array<i32>} : memref<2x200x64xf32, #tpu.memory_space<vmem>>, vector<1x1x16xf32>,
      %get3A_1410 = vector.shape_cast %get3A_1409 : vector<1x1x16xf32> to vector<16xf32>
      %add3A_1411 = arith.addf %get3A_1410, %get3A_1383 : vector<16xf32>
      %swap3A_1412 = arith.constant 0 : i32
      %swap3A_1413 = arith.index_cast %swap3A_1412 : i32 to index
      %swap3A_1414 = arith.index_cast %scan3A_1376 : i32 to index
      %swap3A_1415 = arith.constant 16 : index
      %swap3A_1416 = tpu.vector_load %arg41[%swap3A_1413, %swap3A_1414, %swap3A_1415] {strides = array<i32>} : memref<2x200x64xf32, #tpu.memory_space<vmem>>, vector<1x1x16xf32>,
      %swap3A_1417 = vector.shape_cast %swap3A_1416 : vector<1x1x16xf32> to vector<16xf32>
      %swap3A_1418 = vector.shape_cast %add3A_1411 : vector<16xf32> to vector<1x1x16xf32>
      tpu.vector_store %arg41[%swap3A_1413, %swap3A_1414, %swap3A_1415], %swap3A_1418 {strides = array<i32>} : memref<2x200x64xf32, #tpu.memory_space<vmem>>, vector<1x1x16xf32>,
      %get3A_1419 = arith.constant 0 : i32
      %get3A_1420 = arith.index_cast %get3A_1419 : i32 to index
      %get3A_1421 = arith.index_cast %scan3A_1376 : i32 to index
      %get3A_1422 = arith.constant 32 : index
      %get3A_1423 = tpu.vector_load %arg41[%get3A_1420, %get3A_1421, %get3A_1422] {strides = array<i32>} : memref<2x200x64xf32, #tpu.memory_space<vmem>>, vector<1x1x16xf32>,
      %get3A_1424 = vector.shape_cast %get3A_1423 : vector<1x1x16xf32> to vector<16xf32>
      %add3A_1425 = arith.addf %get3A_1424, %get3A_1387 : vector<16xf32>
      %swap3A_1426 = arith.constant 0 : i32
      %swap3A_1427 = arith.index_cast %swap3A_1426 : i32 to index
      %swap3A_1428 = arith.index_cast %scan3A_1376 : i32 to index
      %swap3A_1429 = arith.constant 32 : index
      %swap3A_1430 = tpu.vector_load %arg41[%swap3A_1427, %swap3A_1428, %swap3A_1429] {strides = array<i32>} : memref<2x200x64xf32, #tpu.memory_space<vmem>>, vector<1x1x16xf32>,
      %swap3A_1431 = vector.shape_cast %swap3A_1430 : vector<1x1x16xf32> to vector<16xf32>
      %swap3A_1432 = vector.shape_cast %add3A_1425 : vector<16xf32> to vector<1x1x16xf32>
      tpu.vector_store %arg41[%swap3A_1427, %swap3A_1428, %swap3A_1429], %swap3A_1432 {strides = array<i32>} : memref<2x200x64xf32, #tpu.memory_space<vmem>>, vector<1x1x16xf32>,
      %get3A_1433 = arith.constant 0 : i32
      %get3A_1434 = arith.index_cast %get3A_1433 : i32 to index
      %get3A_1435 = arith.index_cast %scan3A_1376 : i32 to index
      %get3A_1436 = arith.constant 48 : index
      %get3A_1437 = tpu.vector_load %arg41[%get3A_1434, %get3A_1435, %get3A_1436] {strides = array<i32>} : memref<2x200x64xf32, #tpu.memory_space<vmem>>, vector<1x1x16xf32>,
      %get3A_1438 = vector.shape_cast %get3A_1437 : vector<1x1x16xf32> to vector<16xf32>
      %add3A_1439 = arith.addf %get3A_1438, %get3A_1391 : vector<16xf32>
      %swap3A_1440 = arith.constant 0 : i32
      %swap3A_1441 = arith.index_cast %swap3A_1440 : i32 to index
      %swap3A_1442 = arith.index_cast %scan3A_1376 : i32 to index
      %swap3A_1443 = arith.constant 48 : index
      %swap3A_1444 = tpu.vector_load %arg41[%swap3A_1441, %swap3A_1442, %swap3A_1443] {strides = array<i32>} : memref<2x200x64xf32, #tpu.memory_space<vmem>>, vector<1x1x16xf32>,
      %swap3A_1445 = vector.shape_cast %swap3A_1444 : vector<1x1x16xf32> to vector<16xf32>
      %swap3A_1446 = vector.shape_cast %add3A_1439 : vector<16xf32> to vector<1x1x16xf32>
      tpu.vector_store %arg41[%swap3A_1441, %swap3A_1442, %swap3A_1443], %swap3A_1446 {strides = array<i32>} : memref<2x200x64xf32, #tpu.memory_space<vmem>>, vector<1x1x16xf32>,
      %get3A_1447 = arith.constant 1 : i32
      %get3A_1448 = arith.index_cast %get3A_1447 : i32 to index
      %get3A_1449 = arith.index_cast %scan3A_1376 : i32 to index
      %get3A_1450 = arith.constant 0 : index
      %get3A_1451 = tpu.vector_load %arg41[%get3A_1448, %get3A_1449, %get3A_1450] {strides = array<i32>} : memref<2x200x64xf32, #tpu.memory_space<vmem>>, vector<1x1x16xf32>,
      %get3A_1452 = vector.shape_cast %get3A_1451 : vector<1x1x16xf32> to vector<16xf32>
      %add3A_1453 = arith.addf %get3A_1452, %get3A_1379 : vector<16xf32>
      %swap3A_1454 = arith.constant 1 : i32
      %swap3A_1455 = arith.index_cast %swap3A_1454 : i32 to index
      %swap3A_1456 = arith.index_cast %scan3A_1376 : i32 to index
      %swap3A_1457 = arith.constant 0 : index
      %swap3A_1458 = tpu.vector_load %arg41[%swap3A_1455, %swap3A_1456, %swap3A_1457] {strides = array<i32>} : memref<2x200x64xf32, #tpu.memory_space<vmem>>, vector<1x1x16xf32>,
      %swap3A_1459 = vector.shape_cast %swap3A_1458 : vector<1x1x16xf32> to vector<16xf32>
      %swap3A_1460 = vector.shape_cast %add3A_1453 : vector<16xf32> to vector<1x1x16xf32>
      tpu.vector_store %arg41[%swap3A_1455, %swap3A_1456, %swap3A_1457], %swap3A_1460 {strides = array<i32>} : memref<2x200x64xf32, #tpu.memory_space<vmem>>, vector<1x1x16xf32>,
      %get3A_1461 = arith.constant 1 : i32
      %get3A_1462 = arith.index_cast %get3A_1461 : i32 to index
      %get3A_1463 = arith.index_cast %scan3A_1376 : i32 to index
      %get3A_1464 = arith.constant 16 : index
      %get3A_1465 = tpu.vector_load %arg41[%get3A_1462, %get3A_1463, %get3A_1464] {strides = array<i32>} : memref<2x200x64xf32, #tpu.memory_space<vmem>>, vector<1x1x16xf32>,
      %get3A_1466 = vector.shape_cast %get3A_1465 : vector<1x1x16xf32> to vector<16xf32>
      %add3A_1467 = arith.addf %get3A_1466, %get3A_1383 : vector<16xf32>
      %swap3A_1468 = arith.constant 1 : i32
      %swap3A_1469 = arith.index_cast %swap3A_1468 : i32 to index
      %swap3A_1470 = arith.index_cast %scan3A_1376 : i32 to index
      %swap3A_1471 = arith.constant 16 : index
      %swap3A_1472 = tpu.vector_load %arg41[%swap3A_1469, %swap3A_1470, %swap3A_1471] {strides = array<i32>} : memref<2x200x64xf32, #tpu.memory_space<vmem>>, vector<1x1x16xf32>,
      %swap3A_1473 = vector.shape_cast %swap3A_1472 : vector<1x1x16xf32> to vector<16xf32>
      %swap3A_1474 = vector.shape_cast %add3A_1467 : vector<16xf32> to vector<1x1x16xf32>
      tpu.vector_store %arg41[%swap3A_1469, %swap3A_1470, %swap3A_1471], %swap3A_1474 {strides = array<i32>} : memref<2x200x64xf32, #tpu.memory_space<vmem>>, vector<1x1x16xf32>,
      %get3A_1475 = arith.constant 1 : i32
      %get3A_1476 = arith.index_cast %get3A_1475 : i32 to index
      %get3A_1477 = arith.index_cast %scan3A_1376 : i32 to index
      %get3A_1478 = arith.constant 32 : index
      %get3A_1479 = tpu.vector_load %arg41[%get3A_1476, %get3A_1477, %get3A_1478] {strides = array<i32>} : memref<2x200x64xf32, #tpu.memory_space<vmem>>, vector<1x1x16xf32>,
      %get3A_1480 = vector.shape_cast %get3A_1479 : vector<1x1x16xf32> to vector<16xf32>
      %add3A_1481 = arith.addf %get3A_1480, %get3A_1387 : vector<16xf32>
      %swap3A_1482 = arith.constant 1 : i32
      %swap3A_1483 = arith.index_cast %swap3A_1482 : i32 to index
      %swap3A_1484 = arith.index_cast %scan3A_1376 : i32 to index
      %swap3A_1485 = arith.constant 32 : index
      %swap3A_1486 = tpu.vector_load %arg41[%swap3A_1483, %swap3A_1484, %swap3A_1485] {strides = array<i32>} : memref<2x200x64xf32, #tpu.memory_space<vmem>>, vector<1x1x16xf32>,
      %swap3A_1487 = vector.shape_cast %swap3A_1486 : vector<1x1x16xf32> to vector<16xf32>
      %swap3A_1488 = vector.shape_cast %add3A_1481 : vector<16xf32> to vector<1x1x16xf32>
      tpu.vector_store %arg41[%swap3A_1483, %swap3A_1484, %swap3A_1485], %swap3A_1488 {strides = array<i32>} : memref<2x200x64xf32, #tpu.memory_space<vmem>>, vector<1x1x16xf32>,
      %get3A_1489 = arith.constant 1 : i32
      %get3A_1490 = arith.index_cast %get3A_1489 : i32 to index
      %get3A_1491 = arith.index_cast %scan3A_1376 : i32 to index
      %get3A_1492 = arith.constant 48 : index
      %get3A_1493 = tpu.vector_load %arg41[%get3A_1490, %get3A_1491, %get3A_1492] {strides = array<i32>} : memref<2x200x64xf32, #tpu.memory_space<vmem>>, vector<1x1x16xf32>,
      %get3A_1494 = vector.shape_cast %get3A_1493 : vector<1x1x16xf32> to vector<16xf32>
      %add3A_1495 = arith.addf %get3A_1494, %get3A_1391 : vector<16xf32>
      %swap3A_1496 = arith.constant 1 : i32
      %swap3A_1497 = arith.index_cast %swap3A_1496 : i32 to index
      %swap3A_1498 = arith.index_cast %scan3A_1376 : i32 to index
      %swap3A_1499 = arith.constant 48 : index
      %swap3A_1500 = tpu.vector_load %arg41[%swap3A_1497, %swap3A_1498, %swap3A_1499] {strides = array<i32>} : memref<2x200x64xf32, #tpu.memory_space<vmem>>, vector<1x1x16xf32>,
      %swap3A_1501 = vector.shape_cast %swap3A_1500 : vector<1x1x16xf32> to vector<16xf32>
      %swap3A_1502 = vector.shape_cast %add3A_1495 : vector<16xf32> to vector<1x1x16xf32>
      tpu.vector_store %arg41[%swap3A_1497, %swap3A_1498, %swap3A_1499], %swap3A_1502 {strides = array<i32>} : memref<2x200x64xf32, #tpu.memory_space<vmem>>, vector<1x1x16xf32>,
    }
    %scan3A_657 = arith.constant 200 : i32
    %add3A_658 = arith.constant 4 : i32
    %add3A_659 = arith.addi %mul3A_2, %add3A_658 : i32
    %dma_start3A_660 = arith.constant 0 : i32
    %dma_start3A_661 = arith.constant 0 : i32
    %dma_start3A_662 = tpu.memref_slice %arg5[%add3A_659, %dma_start3A_660, %dma_start3A_661] : memref<1024x200x128xf32, #tpu.memory_space<hbm>> -> memref<2x200x64xf32, #tpu.memory_space<hbm>>
    %dma_start3A_663 = arith.constant 0 : i32
    %dma_start3A_664 = arith.constant 0 : i32
    %dma_start3A_665 = tpu.memref_slice %arg5[%add3A_659, %dma_start3A_663, %dma_start3A_664] : memref<1024x200x128xf32, #tpu.memory_space<hbm>> -> memref<2x200x64xf32, #tpu.memory_space<hbm>>
    tpu.enqueue_dma source(%arg41 : memref<2x200x64xf32, #tpu.memory_space<vmem>>) target(%dma_start3A_665 : memref<2x200x64xf32, #tpu.memory_space<hbm>>) target_semaphore(%arg49 : memref<!tpu.dma_semaphore, #tpu.memory_space<semaphore_mem>>)
    %add3A_666 = arith.constant 0 : i32
    %add3A_667 = arith.addi %mul3A_2, %add3A_666 : i32
    %dma_wait3A_668 = arith.constant 0 : i32
    %dma_wait3A_669 = arith.constant 0 : i32
    %dma_wait3A_670 = tpu.memref_slice %arg5[%add3A_667, %dma_wait3A_668, %dma_wait3A_669] : memref<1024x200x128xf32, #tpu.memory_space<hbm>> -> memref<2x200x64xf32, #tpu.memory_space<hbm>>
    %dma_wait3A_671 = arith.constant 0 : i32
    %dma_wait3A_672 = arith.constant 0 : i32
    %dma_wait3A_673 = tpu.memref_slice %arg5[%add3A_667, %dma_wait3A_671, %dma_wait3A_672] : memref<1024x200x128xf32, #tpu.memory_space<hbm>> -> memref<2x200x64xf32, #tpu.memory_space<hbm>>
    tpu.wait_dma2 semaphore(%arg47 : memref<!tpu.dma_semaphore, #tpu.memory_space<semaphore_mem>>) src(%arg39 : memref<2x200x64xf32, #tpu.memory_space<vmem>>) dst(%dma_wait3A_673 : memref<2x200x64xf32, #tpu.memory_space<hbm>>)
    %dma_start3A_674 = arith.constant 0 : i32
    %dma_start3A_675 = arith.constant 0 : i32
    %dma_start3A_676 = arith.constant 0 : i32
    %dma_start3A_677 = tpu.memref_slice %arg39[%dma_start3A_674, %dma_start3A_675, %dma_start3A_676] : memref<2x200x64xf32, #tpu.memory_space<vmem>> -> memref<1x200x64xf32, #tpu.memory_space<vmem>>
    %dma_start3A_678 = tpu.memref_squeeze %dma_start3A_677 : memref<1x200x64xf32, #tpu.memory_space<vmem>> -> memref<200x64xf32, #tpu.memory_space<vmem>>
    %dma_start3A_679 = arith.constant 0 : i32
    %dma_start3A_680 = arith.constant 0 : i32
    %dma_start3A_681 = tpu.memref_slice %arg3[%dma_start3A_679, %dma_start3A_680] : memref<100000x64xf32, #tpu.memory_space<hbm>> -> memref<100000x64xf32, #tpu.memory_space<hbm>>
    tpu.enqueue_indirect_dma source(%dma_start3A_681 : memref<100000x64xf32, #tpu.memory_space<hbm>>) target(%dma_start3A_678 : memref<200x64xf32, #tpu.memory_space<vmem>>) offsets(%arg14 : memref<200xi32, #tpu.memory_space<vmem>>) semaphore(%arg43 : memref<!tpu.dma_semaphore, #tpu.memory_space<semaphore_mem>>)
    %dma_start3A_682 = arith.constant 1 : i32
    %dma_start3A_683 = arith.constant 0 : i32
    %dma_start3A_684 = arith.constant 0 : i32
    %dma_start3A_685 = tpu.memref_slice %arg39[%dma_start3A_682, %dma_start3A_683, %dma_start3A_684] : memref<2x200x64xf32, #tpu.memory_space<vmem>> -> memref<1x200x64xf32, #tpu.memory_space<vmem>>
    %dma_start3A_686 = tpu.memref_squeeze %dma_start3A_685 : memref<1x200x64xf32, #tpu.memory_space<vmem>> -> memref<200x64xf32, #tpu.memory_space<vmem>>
    %dma_start3A_687 = arith.constant 0 : i32
    %dma_start3A_688 = arith.constant 0 : i32
    %dma_start3A_689 = tpu.memref_slice %arg3[%dma_start3A_687, %dma_start3A_688] : memref<100000x64xf32, #tpu.memory_space<hbm>> -> memref<100000x64xf32, #tpu.memory_space<hbm>>
    tpu.enqueue_indirect_dma source(%dma_start3A_689 : memref<100000x64xf32, #tpu.memory_space<hbm>>) target(%dma_start3A_686 : memref<200x64xf32, #tpu.memory_space<vmem>>) offsets(%arg15 : memref<200xi32, #tpu.memory_space<vmem>>) semaphore(%arg43 : memref<!tpu.dma_semaphore, #tpu.memory_space<semaphore_mem>>)
    %dma_wait3A_690 = arith.constant 0 : i32
    %dma_wait3A_691 = arith.constant 0 : i32
    %dma_wait3A_692 = arith.constant 0 : i32
    %dma_wait3A_693 = tpu.memref_slice %arg42[%dma_wait3A_690, %dma_wait3A_691, %dma_wait3A_692] : memref<2x200x64xf32, #tpu.memory_space<vmem>> -> memref<1x200x64xf32, #tpu.memory_space<vmem>>
    %dma_wait3A_694 = tpu.memref_squeeze %dma_wait3A_693 : memref<1x200x64xf32, #tpu.memory_space<vmem>> -> memref<200x64xf32, #tpu.memory_space<vmem>>
    %dma_wait3A_695 = arith.constant 0 : i32
    %dma_wait3A_696 = arith.constant 0 : i32
    %dma_wait3A_697 = tpu.memref_slice %arg3[%dma_wait3A_695, %dma_wait3A_696] : memref<100000x64xf32, #tpu.memory_space<hbm>> -> memref<100000x64xf32, #tpu.memory_space<hbm>>
    tpu.wait_indirect_dma semaphore(%arg46 : memref<!tpu.dma_semaphore, #tpu.memory_space<semaphore_mem>>) src(%dma_wait3A_697 : memref<100000x64xf32, #tpu.memory_space<hbm>>) dst(%dma_wait3A_694 : memref<200x64xf32, #tpu.memory_space<vmem>>)
    %dma_wait3A_698 = arith.constant 1 : i32
    %dma_wait3A_699 = arith.constant 0 : i32
    %dma_wait3A_700 = arith.constant 0 : i32
    %dma_wait3A_701 = tpu.memref_slice %arg42[%dma_wait3A_698, %dma_wait3A_699, %dma_wait3A_700] : memref<2x200x64xf32, #tpu.memory_space<vmem>> -> memref<1x200x64xf32, #tpu.memory_space<vmem>>
    %dma_wait3A_702 = tpu.memref_squeeze %dma_wait3A_701 : memref<1x200x64xf32, #tpu.memory_space<vmem>> -> memref<200x64xf32, #tpu.memory_space<vmem>>
    %dma_wait3A_703 = arith.constant 0 : i32
    %dma_wait3A_704 = arith.constant 0 : i32
    %dma_wait3A_705 = tpu.memref_slice %arg3[%dma_wait3A_703, %dma_wait3A_704] : memref<100000x64xf32, #tpu.memory_space<hbm>> -> memref<100000x64xf32, #tpu.memory_space<hbm>>
    tpu.wait_indirect_dma semaphore(%arg46 : memref<!tpu.dma_semaphore, #tpu.memory_space<semaphore_mem>>) src(%dma_wait3A_705 : memref<100000x64xf32, #tpu.memory_space<hbm>>) dst(%dma_wait3A_702 : memref<200x64xf32, #tpu.memory_space<vmem>>)
    %scan3A_706 = arith.constant 0 : i32
    %scan3A_707 = arith.constant 0 : i32
    %scan3A_708 = arith.constant 200 : i32
    %scan3A_709 = arith.addi %scan3A_707, %scan3A_708 : i32
    %scan3A_710 = arith.constant 1 : i32
    scf.for %scan3A_1376 = %scan3A_707 to %scan3A_709 step %scan3A_710  : i32 {
      %get3A = arith.index_cast %scan3A_1376 : i32 to index
      %get3A_1377 = arith.constant 0 : index
      %get3A_1378 = tpu.vector_load %arg38[%get3A, %get3A_1377] {strides = array<i32>} : memref<200x64xf32, #tpu.memory_space<vmem>>, vector<1x16xf32>,
      %get3A_1379 = vector.shape_cast %get3A_1378 : vector<1x16xf32> to vector<16xf32>
      %get3A_1380 = arith.index_cast %scan3A_1376 : i32 to index
      %get3A_1381 = arith.constant 16 : index
      %get3A_1382 = tpu.vector_load %arg38[%get3A_1380, %get3A_1381] {strides = array<i32>} : memref<200x64xf32, #tpu.memory_space<vmem>>, vector<1x16xf32>,
      %get3A_1383 = vector.shape_cast %get3A_1382 : vector<1x16xf32> to vector<16xf32>
      %get3A_1384 = arith.index_cast %scan3A_1376 : i32 to index
      %get3A_1385 = arith.constant 32 : index
      %get3A_1386 = tpu.vector_load %arg38[%get3A_1384, %get3A_1385] {strides = array<i32>} : memref<200x64xf32, #tpu.memory_space<vmem>>, vector<1x16xf32>,
      %get3A_1387 = vector.shape_cast %get3A_1386 : vector<1x16xf32> to vector<16xf32>
      %get3A_1388 = arith.index_cast %scan3A_1376 : i32 to index
      %get3A_1389 = arith.constant 48 : index
      %get3A_1390 = tpu.vector_load %arg38[%get3A_1388, %get3A_1389] {strides = array<i32>} : memref<200x64xf32, #tpu.memory_space<vmem>>, vector<1x16xf32>,
      %get3A_1391 = vector.shape_cast %get3A_1390 : vector<1x16xf32> to vector<16xf32>
      %get3A_1392 = arith.constant 0 : i32
      %get3A_1393 = arith.index_cast %get3A_1392 : i32 to index
      %get3A_1394 = arith.index_cast %scan3A_1376 : i32 to index
      %get3A_1395 = arith.constant 0 : index
      %get3A_1396 = tpu.vector_load %arg42[%get3A_1393, %get3A_1394, %get3A_1395] {strides = array<i32>} : memref<2x200x64xf32, #tpu.memory_space<vmem>>, vector<1x1x16xf32>,
      %get3A_1397 = vector.shape_cast %get3A_1396 : vector<1x1x16xf32> to vector<16xf32>
      %add3A_1398 = arith.addf %get3A_1397, %get3A_1379 : vector<16xf32>
      %swap3A = arith.constant 0 : i32
      %swap3A_1399 = arith.index_cast %swap3A : i32 to index
      %swap3A_1400 = arith.index_cast %scan3A_1376 : i32 to index
      %swap3A_1401 = arith.constant 0 : index
      %swap3A_1402 = tpu.vector_load %arg42[%swap3A_1399, %swap3A_1400, %swap3A_1401] {strides = array<i32>} : memref<2x200x64xf32, #tpu.memory_space<vmem>>, vector<1x1x16xf32>,
      %swap3A_1403 = vector.shape_cast %swap3A_1402 : vector<1x1x16xf32> to vector<16xf32>
      %swap3A_1404 = vector.shape_cast %add3A_1398 : vector<16xf32> to vector<1x1x16xf32>
      tpu.vector_store %arg42[%swap3A_1399, %swap3A_1400, %swap3A_1401], %swap3A_1404 {strides = array<i32>} : memref<2x200x64xf32, #tpu.memory_space<vmem>>, vector<1x1x16xf32>,
      %get3A_1405 = arith.constant 0 : i32
      %get3A_1406 = arith.index_cast %get3A_1405 : i32 to index
      %get3A_1407 = arith.index_cast %scan3A_1376 : i32 to index
      %get3A_1408 = arith.constant 16 : index
      %get3A_1409 = tpu.vector_load %arg42[%get3A_1406, %get3A_1407, %get3A_1408] {strides = array<i32>} : memref<2x200x64xf32, #tpu.memory_space<vmem>>, vector<1x1x16xf32>,
      %get3A_1410 = vector.shape_cast %get3A_1409 : vector<1x1x16xf32> to vector<16xf32>
      %add3A_1411 = arith.addf %get3A_1410, %get3A_1383 : vector<16xf32>
      %swap3A_1412 = arith.constant 0 : i32
      %swap3A_1413 = arith.index_cast %swap3A_1412 : i32 to index
      %swap3A_1414 = arith.index_cast %scan3A_1376 : i32 to index
      %swap3A_1415 = arith.constant 16 : index
      %swap3A_1416 = tpu.vector_load %arg42[%swap3A_1413, %swap3A_1414, %swap3A_1415] {strides = array<i32>} : memref<2x200x64xf32, #tpu.memory_space<vmem>>, vector<1x1x16xf32>,
      %swap3A_1417 = vector.shape_cast %swap3A_1416 : vector<1x1x16xf32> to vector<16xf32>
      %swap3A_1418 = vector.shape_cast %add3A_1411 : vector<16xf32> to vector<1x1x16xf32>
      tpu.vector_store %arg42[%swap3A_1413, %swap3A_1414, %swap3A_1415], %swap3A_1418 {strides = array<i32>} : memref<2x200x64xf32, #tpu.memory_space<vmem>>, vector<1x1x16xf32>,
      %get3A_1419 = arith.constant 0 : i32
      %get3A_1420 = arith.index_cast %get3A_1419 : i32 to index
      %get3A_1421 = arith.index_cast %scan3A_1376 : i32 to index
      %get3A_1422 = arith.constant 32 : index
      %get3A_1423 = tpu.vector_load %arg42[%get3A_1420, %get3A_1421, %get3A_1422] {strides = array<i32>} : memref<2x200x64xf32, #tpu.memory_space<vmem>>, vector<1x1x16xf32>,
      %get3A_1424 = vector.shape_cast %get3A_1423 : vector<1x1x16xf32> to vector<16xf32>
      %add3A_1425 = arith.addf %get3A_1424, %get3A_1387 : vector<16xf32>
      %swap3A_1426 = arith.constant 0 : i32
      %swap3A_1427 = arith.index_cast %swap3A_1426 : i32 to index
      %swap3A_1428 = arith.index_cast %scan3A_1376 : i32 to index
      %swap3A_1429 = arith.constant 32 : index
      %swap3A_1430 = tpu.vector_load %arg42[%swap3A_1427, %swap3A_1428, %swap3A_1429] {strides = array<i32>} : memref<2x200x64xf32, #tpu.memory_space<vmem>>, vector<1x1x16xf32>,
      %swap3A_1431 = vector.shape_cast %swap3A_1430 : vector<1x1x16xf32> to vector<16xf32>
      %swap3A_1432 = vector.shape_cast %add3A_1425 : vector<16xf32> to vector<1x1x16xf32>
      tpu.vector_store %arg42[%swap3A_1427, %swap3A_1428, %swap3A_1429], %swap3A_1432 {strides = array<i32>} : memref<2x200x64xf32, #tpu.memory_space<vmem>>, vector<1x1x16xf32>,
      %get3A_1433 = arith.constant 0 : i32
      %get3A_1434 = arith.index_cast %get3A_1433 : i32 to index
      %get3A_1435 = arith.index_cast %scan3A_1376 : i32 to index
      %get3A_1436 = arith.constant 48 : index
      %get3A_1437 = tpu.vector_load %arg42[%get3A_1434, %get3A_1435, %get3A_1436] {strides = array<i32>} : memref<2x200x64xf32, #tpu.memory_space<vmem>>, vector<1x1x16xf32>,
      %get3A_1438 = vector.shape_cast %get3A_1437 : vector<1x1x16xf32> to vector<16xf32>
      %add3A_1439 = arith.addf %get3A_1438, %get3A_1391 : vector<16xf32>
      %swap3A_1440 = arith.constant 0 : i32
      %swap3A_1441 = arith.index_cast %swap3A_1440 : i32 to index
      %swap3A_1442 = arith.index_cast %scan3A_1376 : i32 to index
      %swap3A_1443 = arith.constant 48 : index
      %swap3A_1444 = tpu.vector_load %arg42[%swap3A_1441, %swap3A_1442, %swap3A_1443] {strides = array<i32>} : memref<2x200x64xf32, #tpu.memory_space<vmem>>, vector<1x1x16xf32>,
      %swap3A_1445 = vector.shape_cast %swap3A_1444 : vector<1x1x16xf32> to vector<16xf32>
      %swap3A_1446 = vector.shape_cast %add3A_1439 : vector<16xf32> to vector<1x1x16xf32>
      tpu.vector_store %arg42[%swap3A_1441, %swap3A_1442, %swap3A_1443], %swap3A_1446 {strides = array<i32>} : memref<2x200x64xf32, #tpu.memory_space<vmem>>, vector<1x1x16xf32>,
      %get3A_1447 = arith.constant 1 : i32
      %get3A_1448 = arith.index_cast %get3A_1447 : i32 to index
      %get3A_1449 = arith.index_cast %scan3A_1376 : i32 to index
      %get3A_1450 = arith.constant 0 : index
      %get3A_1451 = tpu.vector_load %arg42[%get3A_1448, %get3A_1449, %get3A_1450] {strides = array<i32>} : memref<2x200x64xf32, #tpu.memory_space<vmem>>, vector<1x1x16xf32>,
      %get3A_1452 = vector.shape_cast %get3A_1451 : vector<1x1x16xf32> to vector<16xf32>
      %add3A_1453 = arith.addf %get3A_1452, %get3A_1379 : vector<16xf32>
      %swap3A_1454 = arith.constant 1 : i32
      %swap3A_1455 = arith.index_cast %swap3A_1454 : i32 to index
      %swap3A_1456 = arith.index_cast %scan3A_1376 : i32 to index
      %swap3A_1457 = arith.constant 0 : index
      %swap3A_1458 = tpu.vector_load %arg42[%swap3A_1455, %swap3A_1456, %swap3A_1457] {strides = array<i32>} : memref<2x200x64xf32, #tpu.memory_space<vmem>>, vector<1x1x16xf32>,
      %swap3A_1459 = vector.shape_cast %swap3A_1458 : vector<1x1x16xf32> to vector<16xf32>
      %swap3A_1460 = vector.shape_cast %add3A_1453 : vector<16xf32> to vector<1x1x16xf32>
      tpu.vector_store %arg42[%swap3A_1455, %swap3A_1456, %swap3A_1457], %swap3A_1460 {strides = array<i32>} : memref<2x200x64xf32, #tpu.memory_space<vmem>>, vector<1x1x16xf32>,
      %get3A_1461 = arith.constant 1 : i32
      %get3A_1462 = arith.index_cast %get3A_1461 : i32 to index
      %get3A_1463 = arith.index_cast %scan3A_1376 : i32 to index
      %get3A_1464 = arith.constant 16 : index
      %get3A_1465 = tpu.vector_load %arg42[%get3A_1462, %get3A_1463, %get3A_1464] {strides = array<i32>} : memref<2x200x64xf32, #tpu.memory_space<vmem>>, vector<1x1x16xf32>,
      %get3A_1466 = vector.shape_cast %get3A_1465 : vector<1x1x16xf32> to vector<16xf32>
      %add3A_1467 = arith.addf %get3A_1466, %get3A_1383 : vector<16xf32>
      %swap3A_1468 = arith.constant 1 : i32
      %swap3A_1469 = arith.index_cast %swap3A_1468 : i32 to index
      %swap3A_1470 = arith.index_cast %scan3A_1376 : i32 to index
      %swap3A_1471 = arith.constant 16 : index
      %swap3A_1472 = tpu.vector_load %arg42[%swap3A_1469, %swap3A_1470, %swap3A_1471] {strides = array<i32>} : memref<2x200x64xf32, #tpu.memory_space<vmem>>, vector<1x1x16xf32>,
      %swap3A_1473 = vector.shape_cast %swap3A_1472 : vector<1x1x16xf32> to vector<16xf32>
      %swap3A_1474 = vector.shape_cast %add3A_1467 : vector<16xf32> to vector<1x1x16xf32>
      tpu.vector_store %arg42[%swap3A_1469, %swap3A_1470, %swap3A_1471], %swap3A_1474 {strides = array<i32>} : memref<2x200x64xf32, #tpu.memory_space<vmem>>, vector<1x1x16xf32>,
      %get3A_1475 = arith.constant 1 : i32
      %get3A_1476 = arith.index_cast %get3A_1475 : i32 to index
      %get3A_1477 = arith.index_cast %scan3A_1376 : i32 to index
      %get3A_1478 = arith.constant 32 : index
      %get3A_1479 = tpu.vector_load %arg42[%get3A_1476, %get3A_1477, %get3A_1478] {strides = array<i32>} : memref<2x200x64xf32, #tpu.memory_space<vmem>>, vector<1x1x16xf32>,
      %get3A_1480 = vector.shape_cast %get3A_1479 : vector<1x1x16xf32> to vector<16xf32>
      %add3A_1481 = arith.addf %get3A_1480, %get3A_1387 : vector<16xf32>
      %swap3A_1482 = arith.constant 1 : i32
      %swap3A_1483 = arith.index_cast %swap3A_1482 : i32 to index
      %swap3A_1484 = arith.index_cast %scan3A_1376 : i32 to index
      %swap3A_1485 = arith.constant 32 : index
      %swap3A_1486 = tpu.vector_load %arg42[%swap3A_1483, %swap3A_1484, %swap3A_1485] {strides = array<i32>} : memref<2x200x64xf32, #tpu.memory_space<vmem>>, vector<1x1x16xf32>,
      %swap3A_1487 = vector.shape_cast %swap3A_1486 : vector<1x1x16xf32> to vector<16xf32>
      %swap3A_1488 = vector.shape_cast %add3A_1481 : vector<16xf32> to vector<1x1x16xf32>
      tpu.vector_store %arg42[%swap3A_1483, %swap3A_1484, %swap3A_1485], %swap3A_1488 {strides = array<i32>} : memref<2x200x64xf32, #tpu.memory_space<vmem>>, vector<1x1x16xf32>,
      %get3A_1489 = arith.constant 1 : i32
      %get3A_1490 = arith.index_cast %get3A_1489 : i32 to index
      %get3A_1491 = arith.index_cast %scan3A_1376 : i32 to index
      %get3A_1492 = arith.constant 48 : index
      %get3A_1493 = tpu.vector_load %arg42[%get3A_1490, %get3A_1491, %get3A_1492] {strides = array<i32>} : memref<2x200x64xf32, #tpu.memory_space<vmem>>, vector<1x1x16xf32>,
      %get3A_1494 = vector.shape_cast %get3A_1493 : vector<1x1x16xf32> to vector<16xf32>
      %add3A_1495 = arith.addf %get3A_1494, %get3A_1391 : vector<16xf32>
      %swap3A_1496 = arith.constant 1 : i32
      %swap3A_1497 = arith.index_cast %swap3A_1496 : i32 to index
      %swap3A_1498 = arith.index_cast %scan3A_1376 : i32 to index
      %swap3A_1499 = arith.constant 48 : index
      %swap3A_1500 = tpu.vector_load %arg42[%swap3A_1497, %swap3A_1498, %swap3A_1499] {strides = array<i32>} : memref<2x200x64xf32, #tpu.memory_space<vmem>>, vector<1x1x16xf32>,
      %swap3A_1501 = vector.shape_cast %swap3A_1500 : vector<1x1x16xf32> to vector<16xf32>
      %swap3A_1502 = vector.shape_cast %add3A_1495 : vector<16xf32> to vector<1x1x16xf32>
      tpu.vector_store %arg42[%swap3A_1497, %swap3A_1498, %swap3A_1499], %swap3A_1502 {strides = array<i32>} : memref<2x200x64xf32, #tpu.memory_space<vmem>>, vector<1x1x16xf32>,
    }
    %scan3A_711 = arith.constant 200 : i32
    %add3A_712 = arith.constant 6 : i32
    %add3A_713 = arith.addi %mul3A_2, %add3A_712 : i32
    %dma_start3A_714 = arith.constant 0 : i32
    %dma_start3A_715 = arith.constant 0 : i32
    %dma_start3A_716 = tpu.memref_slice %arg5[%add3A_713, %dma_start3A_714, %dma_start3A_715] : memref<1024x200x128xf32, #tpu.memory_space<hbm>> -> memref<2x200x64xf32, #tpu.memory_space<hbm>>
    %dma_start3A_717 = arith.constant 0 : i32
    %dma_start3A_718 = arith.constant 0 : i32
    %dma_start3A_719 = tpu.memref_slice %arg5[%add3A_713, %dma_start3A_717, %dma_start3A_718] : memref<1024x200x128xf32, #tpu.memory_space<hbm>> -> memref<2x200x64xf32, #tpu.memory_space<hbm>>
    tpu.enqueue_dma source(%arg42 : memref<2x200x64xf32, #tpu.memory_space<vmem>>) target(%dma_start3A_719 : memref<2x200x64xf32, #tpu.memory_space<hbm>>) target_semaphore(%arg50 : memref<!tpu.dma_semaphore, #tpu.memory_space<semaphore_mem>>)
    %add3A_720 = arith.constant 2 : i32
    %add3A_721 = arith.addi %mul3A_2, %add3A_720 : i32
    %dma_wait3A_722 = arith.constant 0 : i32
    %dma_wait3A_723 = arith.constant 0 : i32
    %dma_wait3A_724 = tpu.memref_slice %arg5[%add3A_721, %dma_wait3A_722, %dma_wait3A_723] : memref<1024x200x128xf32, #tpu.memory_space<hbm>> -> memref<2x200x64xf32, #tpu.memory_space<hbm>>
    %dma_wait3A_725 = arith.constant 0 : i32
    %dma_wait3A_726 = arith.constant 0 : i32
    %dma_wait3A_727 = tpu.memref_slice %arg5[%add3A_721, %dma_wait3A_725, %dma_wait3A_726] : memref<1024x200x128xf32, #tpu.memory_space<hbm>> -> memref<2x200x64xf32, #tpu.memory_space<hbm>>
    tpu.wait_dma2 semaphore(%arg48 : memref<!tpu.dma_semaphore, #tpu.memory_space<semaphore_mem>>) src(%arg40 : memref<2x200x64xf32, #tpu.memory_space<vmem>>) dst(%dma_wait3A_727 : memref<2x200x64xf32, #tpu.memory_space<hbm>>)
    %dma_start3A_728 = arith.constant 0 : i32
    %dma_start3A_729 = arith.constant 0 : i32
    %dma_start3A_730 = arith.constant 0 : i32
    %dma_start3A_731 = tpu.memref_slice %arg40[%dma_start3A_728, %dma_start3A_729, %dma_start3A_730] : memref<2x200x64xf32, #tpu.memory_space<vmem>> -> memref<1x200x64xf32, #tpu.memory_space<vmem>>
    %dma_start3A_732 = tpu.memref_squeeze %dma_start3A_731 : memref<1x200x64xf32, #tpu.memory_space<vmem>> -> memref<200x64xf32, #tpu.memory_space<vmem>>
    %dma_start3A_733 = arith.constant 0 : i32
    %dma_start3A_734 = arith.constant 0 : i32
    %dma_start3A_735 = tpu.memref_slice %arg3[%dma_start3A_733, %dma_start3A_734] : memref<100000x64xf32, #tpu.memory_space<hbm>> -> memref<100000x64xf32, #tpu.memory_space<hbm>>
    tpu.enqueue_indirect_dma source(%dma_start3A_735 : memref<100000x64xf32, #tpu.memory_space<hbm>>) target(%dma_start3A_732 : memref<200x64xf32, #tpu.memory_space<vmem>>) offsets(%arg16 : memref<200xi32, #tpu.memory_space<vmem>>) semaphore(%arg44 : memref<!tpu.dma_semaphore, #tpu.memory_space<semaphore_mem>>)
    %dma_start3A_736 = arith.constant 1 : i32
    %dma_start3A_737 = arith.constant 0 : i32
    %dma_start3A_738 = arith.constant 0 : i32
    %dma_start3A_739 = tpu.memref_slice %arg40[%dma_start3A_736, %dma_start3A_737, %dma_start3A_738] : memref<2x200x64xf32, #tpu.memory_space<vmem>> -> memref<1x200x64xf32, #tpu.memory_space<vmem>>
    %dma_start3A_740 = tpu.memref_squeeze %dma_start3A_739 : memref<1x200x64xf32, #tpu.memory_space<vmem>> -> memref<200x64xf32, #tpu.memory_space<vmem>>
    %dma_start3A_741 = arith.constant 0 : i32
    %dma_start3A_742 = arith.constant 0 : i32
    %dma_start3A_743 = tpu.memref_slice %arg3[%dma_start3A_741, %dma_start3A_742] : memref<100000x64xf32, #tpu.memory_space<hbm>> -> memref<100000x64xf32, #tpu.memory_space<hbm>>
    tpu.enqueue_indirect_dma source(%dma_start3A_743 : memref<100000x64xf32, #tpu.memory_space<hbm>>) target(%dma_start3A_740 : memref<200x64xf32, #tpu.memory_space<vmem>>) offsets(%arg17 : memref<200xi32, #tpu.memory_space<vmem>>) semaphore(%arg44 : memref<!tpu.dma_semaphore, #tpu.memory_space<semaphore_mem>>)
    %dma_wait3A_744 = arith.constant 0 : i32
    %dma_wait3A_745 = arith.constant 0 : i32
    %dma_wait3A_746 = arith.constant 0 : i32
    %dma_wait3A_747 = tpu.memref_slice %arg39[%dma_wait3A_744, %dma_wait3A_745, %dma_wait3A_746] : memref<2x200x64xf32, #tpu.memory_space<vmem>> -> memref<1x200x64xf32, #tpu.memory_space<vmem>>
    %dma_wait3A_748 = tpu.memref_squeeze %dma_wait3A_747 : memref<1x200x64xf32, #tpu.memory_space<vmem>> -> memref<200x64xf32, #tpu.memory_space<vmem>>
    %dma_wait3A_749 = arith.constant 0 : i32
    %dma_wait3A_750 = arith.constant 0 : i32
    %dma_wait3A_751 = tpu.memref_slice %arg3[%dma_wait3A_749, %dma_wait3A_750] : memref<100000x64xf32, #tpu.memory_space<hbm>> -> memref<100000x64xf32, #tpu.memory_space<hbm>>
    tpu.wait_indirect_dma semaphore(%arg43 : memref<!tpu.dma_semaphore, #tpu.memory_space<semaphore_mem>>) src(%dma_wait3A_751 : memref<100000x64xf32, #tpu.memory_space<hbm>>) dst(%dma_wait3A_748 : memref<200x64xf32, #tpu.memory_space<vmem>>)
    %dma_wait3A_752 = arith.constant 1 : i32
    %dma_wait3A_753 = arith.constant 0 : i32
    %dma_wait3A_754 = arith.constant 0 : i32
    %dma_wait3A_755 = tpu.memref_slice %arg39[%dma_wait3A_752, %dma_wait3A_753, %dma_wait3A_754] : memref<2x200x64xf32, #tpu.memory_space<vmem>> -> memref<1x200x64xf32, #tpu.memory_space<vmem>>
    %dma_wait3A_756 = tpu.memref_squeeze %dma_wait3A_755 : memref<1x200x64xf32, #tpu.memory_space<vmem>> -> memref<200x64xf32, #tpu.memory_space<vmem>>
    %dma_wait3A_757 = arith.constant 0 : i32
    %dma_wait3A_758 = arith.constant 0 : i32
    %dma_wait3A_759 = tpu.memref_slice %arg3[%dma_wait3A_757, %dma_wait3A_758] : memref<100000x64xf32, #tpu.memory_space<hbm>> -> memref<100000x64xf32, #tpu.memory_space<hbm>>
    tpu.wait_indirect_dma semaphore(%arg43 : memref<!tpu.dma_semaphore, #tpu.memory_space<semaphore_mem>>) src(%dma_wait3A_759 : memref<100000x64xf32, #tpu.memory_space<hbm>>) dst(%dma_wait3A_756 : memref<200x64xf32, #tpu.memory_space<vmem>>)
    %scan3A_760 = arith.constant 0 : i32
    %scan3A_761 = arith.constant 0 : i32
    %scan3A_762 = arith.constant 200 : i32
    %scan3A_763 = arith.addi %scan3A_761, %scan3A_762 : i32
    %scan3A_764 = arith.constant 1 : i32
    scf.for %scan3A_1376 = %scan3A_761 to %scan3A_763 step %scan3A_764  : i32 {
      %get3A = arith.index_cast %scan3A_1376 : i32 to index
      %get3A_1377 = arith.constant 0 : index
      %get3A_1378 = tpu.vector_load %arg38[%get3A, %get3A_1377] {strides = array<i32>} : memref<200x64xf32, #tpu.memory_space<vmem>>, vector<1x16xf32>,
      %get3A_1379 = vector.shape_cast %get3A_1378 : vector<1x16xf32> to vector<16xf32>
      %get3A_1380 = arith.index_cast %scan3A_1376 : i32 to index
      %get3A_1381 = arith.constant 16 : index
      %get3A_1382 = tpu.vector_load %arg38[%get3A_1380, %get3A_1381] {strides = array<i32>} : memref<200x64xf32, #tpu.memory_space<vmem>>, vector<1x16xf32>,
      %get3A_1383 = vector.shape_cast %get3A_1382 : vector<1x16xf32> to vector<16xf32>
      %get3A_1384 = arith.index_cast %scan3A_1376 : i32 to index
      %get3A_1385 = arith.constant 32 : index
      %get3A_1386 = tpu.vector_load %arg38[%get3A_1384, %get3A_1385] {strides = array<i32>} : memref<200x64xf32, #tpu.memory_space<vmem>>, vector<1x16xf32>,
      %get3A_1387 = vector.shape_cast %get3A_1386 : vector<1x16xf32> to vector<16xf32>
      %get3A_1388 = arith.index_cast %scan3A_1376 : i32 to index
      %get3A_1389 = arith.constant 48 : index
      %get3A_1390 = tpu.vector_load %arg38[%get3A_1388, %get3A_1389] {strides = array<i32>} : memref<200x64xf32, #tpu.memory_space<vmem>>, vector<1x16xf32>,
      %get3A_1391 = vector.shape_cast %get3A_1390 : vector<1x16xf32> to vector<16xf32>
      %get3A_1392 = arith.constant 0 : i32
      %get3A_1393 = arith.index_cast %get3A_1392 : i32 to index
      %get3A_1394 = arith.index_cast %scan3A_1376 : i32 to index
      %get3A_1395 = arith.constant 0 : index
      %get3A_1396 = tpu.vector_load %arg39[%get3A_1393, %get3A_1394, %get3A_1395] {strides = array<i32>} : memref<2x200x64xf32, #tpu.memory_space<vmem>>, vector<1x1x16xf32>,
      %get3A_1397 = vector.shape_cast %get3A_1396 : vector<1x1x16xf32> to vector<16xf32>
      %add3A_1398 = arith.addf %get3A_1397, %get3A_1379 : vector<16xf32>
      %swap3A = arith.constant 0 : i32
      %swap3A_1399 = arith.index_cast %swap3A : i32 to index
      %swap3A_1400 = arith.index_cast %scan3A_1376 : i32 to index
      %swap3A_1401 = arith.constant 0 : index
      %swap3A_1402 = tpu.vector_load %arg39[%swap3A_1399, %swap3A_1400, %swap3A_1401] {strides = array<i32>} : memref<2x200x64xf32, #tpu.memory_space<vmem>>, vector<1x1x16xf32>,
      %swap3A_1403 = vector.shape_cast %swap3A_1402 : vector<1x1x16xf32> to vector<16xf32>
      %swap3A_1404 = vector.shape_cast %add3A_1398 : vector<16xf32> to vector<1x1x16xf32>
      tpu.vector_store %arg39[%swap3A_1399, %swap3A_1400, %swap3A_1401], %swap3A_1404 {strides = array<i32>} : memref<2x200x64xf32, #tpu.memory_space<vmem>>, vector<1x1x16xf32>,
      %get3A_1405 = arith.constant 0 : i32
      %get3A_1406 = arith.index_cast %get3A_1405 : i32 to index
      %get3A_1407 = arith.index_cast %scan3A_1376 : i32 to index
      %get3A_1408 = arith.constant 16 : index
      %get3A_1409 = tpu.vector_load %arg39[%get3A_1406, %get3A_1407, %get3A_1408] {strides = array<i32>} : memref<2x200x64xf32, #tpu.memory_space<vmem>>, vector<1x1x16xf32>,
      %get3A_1410 = vector.shape_cast %get3A_1409 : vector<1x1x16xf32> to vector<16xf32>
      %add3A_1411 = arith.addf %get3A_1410, %get3A_1383 : vector<16xf32>
      %swap3A_1412 = arith.constant 0 : i32
      %swap3A_1413 = arith.index_cast %swap3A_1412 : i32 to index
      %swap3A_1414 = arith.index_cast %scan3A_1376 : i32 to index
      %swap3A_1415 = arith.constant 16 : index
      %swap3A_1416 = tpu.vector_load %arg39[%swap3A_1413, %swap3A_1414, %swap3A_1415] {strides = array<i32>} : memref<2x200x64xf32, #tpu.memory_space<vmem>>, vector<1x1x16xf32>,
      %swap3A_1417 = vector.shape_cast %swap3A_1416 : vector<1x1x16xf32> to vector<16xf32>
      %swap3A_1418 = vector.shape_cast %add3A_1411 : vector<16xf32> to vector<1x1x16xf32>
      tpu.vector_store %arg39[%swap3A_1413, %swap3A_1414, %swap3A_1415], %swap3A_1418 {strides = array<i32>} : memref<2x200x64xf32, #tpu.memory_space<vmem>>, vector<1x1x16xf32>,
      %get3A_1419 = arith.constant 0 : i32
      %get3A_1420 = arith.index_cast %get3A_1419 : i32 to index
      %get3A_1421 = arith.index_cast %scan3A_1376 : i32 to index
      %get3A_1422 = arith.constant 32 : index
      %get3A_1423 = tpu.vector_load %arg39[%get3A_1420, %get3A_1421, %get3A_1422] {strides = array<i32>} : memref<2x200x64xf32, #tpu.memory_space<vmem>>, vector<1x1x16xf32>,
      %get3A_1424 = vector.shape_cast %get3A_1423 : vector<1x1x16xf32> to vector<16xf32>
      %add3A_1425 = arith.addf %get3A_1424, %get3A_1387 : vector<16xf32>
      %swap3A_1426 = arith.constant 0 : i32
      %swap3A_1427 = arith.index_cast %swap3A_1426 : i32 to index
      %swap3A_1428 = arith.index_cast %scan3A_1376 : i32 to index
      %swap3A_1429 = arith.constant 32 : index
      %swap3A_1430 = tpu.vector_load %arg39[%swap3A_1427, %swap3A_1428, %swap3A_1429] {strides = array<i32>} : memref<2x200x64xf32, #tpu.memory_space<vmem>>, vector<1x1x16xf32>,
      %swap3A_1431 = vector.shape_cast %swap3A_1430 : vector<1x1x16xf32> to vector<16xf32>
      %swap3A_1432 = vector.shape_cast %add3A_1425 : vector<16xf32> to vector<1x1x16xf32>
      tpu.vector_store %arg39[%swap3A_1427, %swap3A_1428, %swap3A_1429], %swap3A_1432 {strides = array<i32>} : memref<2x200x64xf32, #tpu.memory_space<vmem>>, vector<1x1x16xf32>,
      %get3A_1433 = arith.constant 0 : i32
      %get3A_1434 = arith.index_cast %get3A_1433 : i32 to index
      %get3A_1435 = arith.index_cast %scan3A_1376 : i32 to index
      %get3A_1436 = arith.constant 48 : index
      %get3A_1437 = tpu.vector_load %arg39[%get3A_1434, %get3A_1435, %get3A_1436] {strides = array<i32>} : memref<2x200x64xf32, #tpu.memory_space<vmem>>, vector<1x1x16xf32>,
      %get3A_1438 = vector.shape_cast %get3A_1437 : vector<1x1x16xf32> to vector<16xf32>
      %add3A_1439 = arith.addf %get3A_1438, %get3A_1391 : vector<16xf32>
      %swap3A_1440 = arith.constant 0 : i32
      %swap3A_1441 = arith.index_cast %swap3A_1440 : i32 to index
      %swap3A_1442 = arith.index_cast %scan3A_1376 : i32 to index
      %swap3A_1443 = arith.constant 48 : index
      %swap3A_1444 = tpu.vector_load %arg39[%swap3A_1441, %swap3A_1442, %swap3A_1443] {strides = array<i32>} : memref<2x200x64xf32, #tpu.memory_space<vmem>>, vector<1x1x16xf32>,
      %swap3A_1445 = vector.shape_cast %swap3A_1444 : vector<1x1x16xf32> to vector<16xf32>
      %swap3A_1446 = vector.shape_cast %add3A_1439 : vector<16xf32> to vector<1x1x16xf32>
      tpu.vector_store %arg39[%swap3A_1441, %swap3A_1442, %swap3A_1443], %swap3A_1446 {strides = array<i32>} : memref<2x200x64xf32, #tpu.memory_space<vmem>>, vector<1x1x16xf32>,
      %get3A_1447 = arith.constant 1 : i32
      %get3A_1448 = arith.index_cast %get3A_1447 : i32 to index
      %get3A_1449 = arith.index_cast %scan3A_1376 : i32 to index
      %get3A_1450 = arith.constant 0 : index
      %get3A_1451 = tpu.vector_load %arg39[%get3A_1448, %get3A_1449, %get3A_1450] {strides = array<i32>} : memref<2x200x64xf32, #tpu.memory_space<vmem>>, vector<1x1x16xf32>,
      %get3A_1452 = vector.shape_cast %get3A_1451 : vector<1x1x16xf32> to vector<16xf32>
      %add3A_1453 = arith.addf %get3A_1452, %get3A_1379 : vector<16xf32>
      %swap3A_1454 = arith.constant 1 : i32
      %swap3A_1455 = arith.index_cast %swap3A_1454 : i32 to index
      %swap3A_1456 = arith.index_cast %scan3A_1376 : i32 to index
      %swap3A_1457 = arith.constant 0 : index
      %swap3A_1458 = tpu.vector_load %arg39[%swap3A_1455, %swap3A_1456, %swap3A_1457] {strides = array<i32>} : memref<2x200x64xf32, #tpu.memory_space<vmem>>, vector<1x1x16xf32>,
      %swap3A_1459 = vector.shape_cast %swap3A_1458 : vector<1x1x16xf32> to vector<16xf32>
      %swap3A_1460 = vector.shape_cast %add3A_1453 : vector<16xf32> to vector<1x1x16xf32>
      tpu.vector_store %arg39[%swap3A_1455, %swap3A_1456, %swap3A_1457], %swap3A_1460 {strides = array<i32>} : memref<2x200x64xf32, #tpu.memory_space<vmem>>, vector<1x1x16xf32>,
      %get3A_1461 = arith.constant 1 : i32
      %get3A_1462 = arith.index_cast %get3A_1461 : i32 to index
      %get3A_1463 = arith.index_cast %scan3A_1376 : i32 to index
      %get3A_1464 = arith.constant 16 : index
      %get3A_1465 = tpu.vector_load %arg39[%get3A_1462, %get3A_1463, %get3A_1464] {strides = array<i32>} : memref<2x200x64xf32, #tpu.memory_space<vmem>>, vector<1x1x16xf32>,
      %get3A_1466 = vector.shape_cast %get3A_1465 : vector<1x1x16xf32> to vector<16xf32>
      %add3A_1467 = arith.addf %get3A_1466, %get3A_1383 : vector<16xf32>
      %swap3A_1468 = arith.constant 1 : i32
      %swap3A_1469 = arith.index_cast %swap3A_1468 : i32 to index
      %swap3A_1470 = arith.index_cast %scan3A_1376 : i32 to index
      %swap3A_1471 = arith.constant 16 : index
      %swap3A_1472 = tpu.vector_load %arg39[%swap3A_1469, %swap3A_1470, %swap3A_1471] {strides = array<i32>} : memref<2x200x64xf32, #tpu.memory_space<vmem>>, vector<1x1x16xf32>,
      %swap3A_1473 = vector.shape_cast %swap3A_1472 : vector<1x1x16xf32> to vector<16xf32>
      %swap3A_1474 = vector.shape_cast %add3A_1467 : vector<16xf32> to vector<1x1x16xf32>
      tpu.vector_store %arg39[%swap3A_1469, %swap3A_1470, %swap3A_1471], %swap3A_1474 {strides = array<i32>} : memref<2x200x64xf32, #tpu.memory_space<vmem>>, vector<1x1x16xf32>,
      %get3A_1475 = arith.constant 1 : i32
      %get3A_1476 = arith.index_cast %get3A_1475 : i32 to index
      %get3A_1477 = arith.index_cast %scan3A_1376 : i32 to index
      %get3A_1478 = arith.constant 32 : index
      %get3A_1479 = tpu.vector_load %arg39[%get3A_1476, %get3A_1477, %get3A_1478] {strides = array<i32>} : memref<2x200x64xf32, #tpu.memory_space<vmem>>, vector<1x1x16xf32>,
      %get3A_1480 = vector.shape_cast %get3A_1479 : vector<1x1x16xf32> to vector<16xf32>
      %add3A_1481 = arith.addf %get3A_1480, %get3A_1387 : vector<16xf32>
      %swap3A_1482 = arith.constant 1 : i32
      %swap3A_1483 = arith.index_cast %swap3A_1482 : i32 to index
      %swap3A_1484 = arith.index_cast %scan3A_1376 : i32 to index
      %swap3A_1485 = arith.constant 32 : index
      %swap3A_1486 = tpu.vector_load %arg39[%swap3A_1483, %swap3A_1484, %swap3A_1485] {strides = array<i32>} : memref<2x200x64xf32, #tpu.memory_space<vmem>>, vector<1x1x16xf32>,
      %swap3A_1487 = vector.shape_cast %swap3A_1486 : vector<1x1x16xf32> to vector<16xf32>
      %swap3A_1488 = vector.shape_cast %add3A_1481 : vector<16xf32> to vector<1x1x16xf32>
      tpu.vector_store %arg39[%swap3A_1483, %swap3A_1484, %swap3A_1485], %swap3A_1488 {strides = array<i32>} : memref<2x200x64xf32, #tpu.memory_space<vmem>>, vector<1x1x16xf32>,
      %get3A_1489 = arith.constant 1 : i32
      %get3A_1490 = arith.index_cast %get3A_1489 : i32 to index
      %get3A_1491 = arith.index_cast %scan3A_1376 : i32 to index
      %get3A_1492 = arith.constant 48 : index
      %get3A_1493 = tpu.vector_load %arg39[%get3A_1490, %get3A_1491, %get3A_1492] {strides = array<i32>} : memref<2x200x64xf32, #tpu.memory_space<vmem>>, vector<1x1x16xf32>,
      %get3A_1494 = vector.shape_cast %get3A_1493 : vector<1x1x16xf32> to vector<16xf32>
      %add3A_1495 = arith.addf %get3A_1494, %get3A_1391 : vector<16xf32>
      %swap3A_1496 = arith.constant 1 : i32
      %swap3A_1497 = arith.index_cast %swap3A_1496 : i32 to index
      %swap3A_1498 = arith.index_cast %scan3A_1376 : i32 to index
      %swap3A_1499 = arith.constant 48 : index
      %swap3A_1500 = tpu.vector_load %arg39[%swap3A_1497, %swap3A_1498, %swap3A_1499] {strides = array<i32>} : memref<2x200x64xf32, #tpu.memory_space<vmem>>, vector<1x1x16xf32>,
      %swap3A_1501 = vector.shape_cast %swap3A_1500 : vector<1x1x16xf32> to vector<16xf32>
      %swap3A_1502 = vector.shape_cast %add3A_1495 : vector<16xf32> to vector<1x1x16xf32>
      tpu.vector_store %arg39[%swap3A_1497, %swap3A_1498, %swap3A_1499], %swap3A_1502 {strides = array<i32>} : memref<2x200x64xf32, #tpu.memory_space<vmem>>, vector<1x1x16xf32>,
    }
    %scan3A_765 = arith.constant 200 : i32
    %add3A_766 = arith.constant 8 : i32
    %add3A_767 = arith.addi %mul3A_2, %add3A_766 : i32
    %dma_start3A_768 = arith.constant 0 : i32
    %dma_start3A_769 = arith.constant 0 : i32
    %dma_start3A_770 = tpu.memref_slice %arg5[%add3A_767, %dma_start3A_768, %dma_start3A_769] : memref<1024x200x128xf32, #tpu.memory_space<hbm>> -> memref<2x200x64xf32, #tpu.memory_space<hbm>>
    %dma_start3A_771 = arith.constant 0 : i32
    %dma_start3A_772 = arith.constant 0 : i32
    %dma_start3A_773 = tpu.memref_slice %arg5[%add3A_767, %dma_start3A_771, %dma_start3A_772] : memref<1024x200x128xf32, #tpu.memory_space<hbm>> -> memref<2x200x64xf32, #tpu.memory_space<hbm>>
    tpu.enqueue_dma source(%arg39 : memref<2x200x64xf32, #tpu.memory_space<vmem>>) target(%dma_start3A_773 : memref<2x200x64xf32, #tpu.memory_space<hbm>>) target_semaphore(%arg47 : memref<!tpu.dma_semaphore, #tpu.memory_space<semaphore_mem>>)
    %add3A_774 = arith.constant 4 : i32
    %add3A_775 = arith.addi %mul3A_2, %add3A_774 : i32
    %dma_wait3A_776 = arith.constant 0 : i32
    %dma_wait3A_777 = arith.constant 0 : i32
    %dma_wait3A_778 = tpu.memref_slice %arg5[%add3A_775, %dma_wait3A_776, %dma_wait3A_777] : memref<1024x200x128xf32, #tpu.memory_space<hbm>> -> memref<2x200x64xf32, #tpu.memory_space<hbm>>
    %dma_wait3A_779 = arith.constant 0 : i32
    %dma_wait3A_780 = arith.constant 0 : i32
    %dma_wait3A_781 = tpu.memref_slice %arg5[%add3A_775, %dma_wait3A_779, %dma_wait3A_780] : memref<1024x200x128xf32, #tpu.memory_space<hbm>> -> memref<2x200x64xf32, #tpu.memory_space<hbm>>
    tpu.wait_dma2 semaphore(%arg49 : memref<!tpu.dma_semaphore, #tpu.memory_space<semaphore_mem>>) src(%arg41 : memref<2x200x64xf32, #tpu.memory_space<vmem>>) dst(%dma_wait3A_781 : memref<2x200x64xf32, #tpu.memory_space<hbm>>)
    %dma_start3A_782 = arith.constant 0 : i32
    %dma_start3A_783 = arith.constant 0 : i32
    %dma_start3A_784 = arith.constant 0 : i32
    %dma_start3A_785 = tpu.memref_slice %arg41[%dma_start3A_782, %dma_start3A_783, %dma_start3A_784] : memref<2x200x64xf32, #tpu.memory_space<vmem>> -> memref<1x200x64xf32, #tpu.memory_space<vmem>>
    %dma_start3A_786 = tpu.memref_squeeze %dma_start3A_785 : memref<1x200x64xf32, #tpu.memory_space<vmem>> -> memref<200x64xf32, #tpu.memory_space<vmem>>
    %dma_start3A_787 = arith.constant 0 : i32
    %dma_start3A_788 = arith.constant 0 : i32
    %dma_start3A_789 = tpu.memref_slice %arg3[%dma_start3A_787, %dma_start3A_788] : memref<100000x64xf32, #tpu.memory_space<hbm>> -> memref<100000x64xf32, #tpu.memory_space<hbm>>
    tpu.enqueue_indirect_dma source(%dma_start3A_789 : memref<100000x64xf32, #tpu.memory_space<hbm>>) target(%dma_start3A_786 : memref<200x64xf32, #tpu.memory_space<vmem>>) offsets(%arg18 : memref<200xi32, #tpu.memory_space<vmem>>) semaphore(%arg45 : memref<!tpu.dma_semaphore, #tpu.memory_space<semaphore_mem>>)
    %dma_start3A_790 = arith.constant 1 : i32
    %dma_start3A_791 = arith.constant 0 : i32
    %dma_start3A_792 = arith.constant 0 : i32
    %dma_start3A_793 = tpu.memref_slice %arg41[%dma_start3A_790, %dma_start3A_791, %dma_start3A_792] : memref<2x200x64xf32, #tpu.memory_space<vmem>> -> memref<1x200x64xf32, #tpu.memory_space<vmem>>
    %dma_start3A_794 = tpu.memref_squeeze %dma_start3A_793 : memref<1x200x64xf32, #tpu.memory_space<vmem>> -> memref<200x64xf32, #tpu.memory_space<vmem>>
    %dma_start3A_795 = arith.constant 0 : i32
    %dma_start3A_796 = arith.constant 0 : i32
    %dma_start3A_797 = tpu.memref_slice %arg3[%dma_start3A_795, %dma_start3A_796] : memref<100000x64xf32, #tpu.memory_space<hbm>> -> memref<100000x64xf32, #tpu.memory_space<hbm>>
    tpu.enqueue_indirect_dma source(%dma_start3A_797 : memref<100000x64xf32, #tpu.memory_space<hbm>>) target(%dma_start3A_794 : memref<200x64xf32, #tpu.memory_space<vmem>>) offsets(%arg19 : memref<200xi32, #tpu.memory_space<vmem>>) semaphore(%arg45 : memref<!tpu.dma_semaphore, #tpu.memory_space<semaphore_mem>>)
    %dma_wait3A_798 = arith.constant 0 : i32
    %dma_wait3A_799 = arith.constant 0 : i32
    %dma_wait3A_800 = arith.constant 0 : i32
    %dma_wait3A_801 = tpu.memref_slice %arg40[%dma_wait3A_798, %dma_wait3A_799, %dma_wait3A_800] : memref<2x200x64xf32, #tpu.memory_space<vmem>> -> memref<1x200x64xf32, #tpu.memory_space<vmem>>
    %dma_wait3A_802 = tpu.memref_squeeze %dma_wait3A_801 : memref<1x200x64xf32, #tpu.memory_space<vmem>> -> memref<200x64xf32, #tpu.memory_space<vmem>>
    %dma_wait3A_803 = arith.constant 0 : i32
    %dma_wait3A_804 = arith.constant 0 : i32
    %dma_wait3A_805 = tpu.memref_slice %arg3[%dma_wait3A_803, %dma_wait3A_804] : memref<100000x64xf32, #tpu.memory_space<hbm>> -> memref<100000x64xf32, #tpu.memory_space<hbm>>
    tpu.wait_indirect_dma semaphore(%arg44 : memref<!tpu.dma_semaphore, #tpu.memory_space<semaphore_mem>>) src(%dma_wait3A_805 : memref<100000x64xf32, #tpu.memory_space<hbm>>) dst(%dma_wait3A_802 : memref<200x64xf32, #tpu.memory_space<vmem>>)
    %dma_wait3A_806 = arith.constant 1 : i32
    %dma_wait3A_807 = arith.constant 0 : i32
    %dma_wait3A_808 = arith.constant 0 : i32
    %dma_wait3A_809 = tpu.memref_slice %arg40[%dma_wait3A_806, %dma_wait3A_807, %dma_wait3A_808] : memref<2x200x64xf32, #tpu.memory_space<vmem>> -> memref<1x200x64xf32, #tpu.memory_space<vmem>>
    %dma_wait3A_810 = tpu.memref_squeeze %dma_wait3A_809 : memref<1x200x64xf32, #tpu.memory_space<vmem>> -> memref<200x64xf32, #tpu.memory_space<vmem>>
    %dma_wait3A_811 = arith.constant 0 : i32
    %dma_wait3A_812 = arith.constant 0 : i32
    %dma_wait3A_813 = tpu.memref_slice %arg3[%dma_wait3A_811, %dma_wait3A_812] : memref<100000x64xf32, #tpu.memory_space<hbm>> -> memref<100000x64xf32, #tpu.memory_space<hbm>>
    tpu.wait_indirect_dma semaphore(%arg44 : memref<!tpu.dma_semaphore, #tpu.memory_space<semaphore_mem>>) src(%dma_wait3A_813 : memref<100000x64xf32, #tpu.memory_space<hbm>>) dst(%dma_wait3A_810 : memref<200x64xf32, #tpu.memory_space<vmem>>)
    %scan3A_814 = arith.constant 0 : i32
    %scan3A_815 = arith.constant 0 : i32
    %scan3A_816 = arith.constant 200 : i32
    %scan3A_817 = arith.addi %scan3A_815, %scan3A_816 : i32
    %scan3A_818 = arith.constant 1 : i32
    scf.for %scan3A_1376 = %scan3A_815 to %scan3A_817 step %scan3A_818  : i32 {
      %get3A = arith.index_cast %scan3A_1376 : i32 to index
      %get3A_1377 = arith.constant 0 : index
      %get3A_1378 = tpu.vector_load %arg38[%get3A, %get3A_1377] {strides = array<i32>} : memref<200x64xf32, #tpu.memory_space<vmem>>, vector<1x16xf32>,
      %get3A_1379 = vector.shape_cast %get3A_1378 : vector<1x16xf32> to vector<16xf32>
      %get3A_1380 = arith.index_cast %scan3A_1376 : i32 to index
      %get3A_1381 = arith.constant 16 : index
      %get3A_1382 = tpu.vector_load %arg38[%get3A_1380, %get3A_1381] {strides = array<i32>} : memref<200x64xf32, #tpu.memory_space<vmem>>, vector<1x16xf32>,
      %get3A_1383 = vector.shape_cast %get3A_1382 : vector<1x16xf32> to vector<16xf32>
      %get3A_1384 = arith.index_cast %scan3A_1376 : i32 to index
      %get3A_1385 = arith.constant 32 : index
      %get3A_1386 = tpu.vector_load %arg38[%get3A_1384, %get3A_1385] {strides = array<i32>} : memref<200x64xf32, #tpu.memory_space<vmem>>, vector<1x16xf32>,
      %get3A_1387 = vector.shape_cast %get3A_1386 : vector<1x16xf32> to vector<16xf32>
      %get3A_1388 = arith.index_cast %scan3A_1376 : i32 to index
      %get3A_1389 = arith.constant 48 : index
      %get3A_1390 = tpu.vector_load %arg38[%get3A_1388, %get3A_1389] {strides = array<i32>} : memref<200x64xf32, #tpu.memory_space<vmem>>, vector<1x16xf32>,
      %get3A_1391 = vector.shape_cast %get3A_1390 : vector<1x16xf32> to vector<16xf32>
      %get3A_1392 = arith.constant 0 : i32
      %get3A_1393 = arith.index_cast %get3A_1392 : i32 to index
      %get3A_1394 = arith.index_cast %scan3A_1376 : i32 to index
      %get3A_1395 = arith.constant 0 : index
      %get3A_1396 = tpu.vector_load %arg40[%get3A_1393, %get3A_1394, %get3A_1395] {strides = array<i32>} : memref<2x200x64xf32, #tpu.memory_space<vmem>>, vector<1x1x16xf32>,
      %get3A_1397 = vector.shape_cast %get3A_1396 : vector<1x1x16xf32> to vector<16xf32>
      %add3A_1398 = arith.addf %get3A_1397, %get3A_1379 : vector<16xf32>
      %swap3A = arith.constant 0 : i32
      %swap3A_1399 = arith.index_cast %swap3A : i32 to index
      %swap3A_1400 = arith.index_cast %scan3A_1376 : i32 to index
      %swap3A_1401 = arith.constant 0 : index
      %swap3A_1402 = tpu.vector_load %arg40[%swap3A_1399, %swap3A_1400, %swap3A_1401] {strides = array<i32>} : memref<2x200x64xf32, #tpu.memory_space<vmem>>, vector<1x1x16xf32>,
      %swap3A_1403 = vector.shape_cast %swap3A_1402 : vector<1x1x16xf32> to vector<16xf32>
      %swap3A_1404 = vector.shape_cast %add3A_1398 : vector<16xf32> to vector<1x1x16xf32>
      tpu.vector_store %arg40[%swap3A_1399, %swap3A_1400, %swap3A_1401], %swap3A_1404 {strides = array<i32>} : memref<2x200x64xf32, #tpu.memory_space<vmem>>, vector<1x1x16xf32>,
      %get3A_1405 = arith.constant 0 : i32
      %get3A_1406 = arith.index_cast %get3A_1405 : i32 to index
      %get3A_1407 = arith.index_cast %scan3A_1376 : i32 to index
      %get3A_1408 = arith.constant 16 : index
      %get3A_1409 = tpu.vector_load %arg40[%get3A_1406, %get3A_1407, %get3A_1408] {strides = array<i32>} : memref<2x200x64xf32, #tpu.memory_space<vmem>>, vector<1x1x16xf32>,
      %get3A_1410 = vector.shape_cast %get3A_1409 : vector<1x1x16xf32> to vector<16xf32>
      %add3A_1411 = arith.addf %get3A_1410, %get3A_1383 : vector<16xf32>
      %swap3A_1412 = arith.constant 0 : i32
      %swap3A_1413 = arith.index_cast %swap3A_1412 : i32 to index
      %swap3A_1414 = arith.index_cast %scan3A_1376 : i32 to index
      %swap3A_1415 = arith.constant 16 : index
      %swap3A_1416 = tpu.vector_load %arg40[%swap3A_1413, %swap3A_1414, %swap3A_1415] {strides = array<i32>} : memref<2x200x64xf32, #tpu.memory_space<vmem>>, vector<1x1x16xf32>,
      %swap3A_1417 = vector.shape_cast %swap3A_1416 : vector<1x1x16xf32> to vector<16xf32>
      %swap3A_1418 = vector.shape_cast %add3A_1411 : vector<16xf32> to vector<1x1x16xf32>
      tpu.vector_store %arg40[%swap3A_1413, %swap3A_1414, %swap3A_1415], %swap3A_1418 {strides = array<i32>} : memref<2x200x64xf32, #tpu.memory_space<vmem>>, vector<1x1x16xf32>,
      %get3A_1419 = arith.constant 0 : i32
      %get3A_1420 = arith.index_cast %get3A_1419 : i32 to index
      %get3A_1421 = arith.index_cast %scan3A_1376 : i32 to index
      %get3A_1422 = arith.constant 32 : index
      %get3A_1423 = tpu.vector_load %arg40[%get3A_1420, %get3A_1421, %get3A_1422] {strides = array<i32>} : memref<2x200x64xf32, #tpu.memory_space<vmem>>, vector<1x1x16xf32>,
      %get3A_1424 = vector.shape_cast %get3A_1423 : vector<1x1x16xf32> to vector<16xf32>
      %add3A_1425 = arith.addf %get3A_1424, %get3A_1387 : vector<16xf32>
      %swap3A_1426 = arith.constant 0 : i32
      %swap3A_1427 = arith.index_cast %swap3A_1426 : i32 to index
      %swap3A_1428 = arith.index_cast %scan3A_1376 : i32 to index
      %swap3A_1429 = arith.constant 32 : index
      %swap3A_1430 = tpu.vector_load %arg40[%swap3A_1427, %swap3A_1428, %swap3A_1429] {strides = array<i32>} : memref<2x200x64xf32, #tpu.memory_space<vmem>>, vector<1x1x16xf32>,
      %swap3A_1431 = vector.shape_cast %swap3A_1430 : vector<1x1x16xf32> to vector<16xf32>
      %swap3A_1432 = vector.shape_cast %add3A_1425 : vector<16xf32> to vector<1x1x16xf32>
      tpu.vector_store %arg40[%swap3A_1427, %swap3A_1428, %swap3A_1429], %swap3A_1432 {strides = array<i32>} : memref<2x200x64xf32, #tpu.memory_space<vmem>>, vector<1x1x16xf32>,
      %get3A_1433 = arith.constant 0 : i32
      %get3A_1434 = arith.index_cast %get3A_1433 : i32 to index
      %get3A_1435 = arith.index_cast %scan3A_1376 : i32 to index
      %get3A_1436 = arith.constant 48 : index
      %get3A_1437 = tpu.vector_load %arg40[%get3A_1434, %get3A_1435, %get3A_1436] {strides = array<i32>} : memref<2x200x64xf32, #tpu.memory_space<vmem>>, vector<1x1x16xf32>,
      %get3A_1438 = vector.shape_cast %get3A_1437 : vector<1x1x16xf32> to vector<16xf32>
      %add3A_1439 = arith.addf %get3A_1438, %get3A_1391 : vector<16xf32>
      %swap3A_1440 = arith.constant 0 : i32
      %swap3A_1441 = arith.index_cast %swap3A_1440 : i32 to index
      %swap3A_1442 = arith.index_cast %scan3A_1376 : i32 to index
      %swap3A_1443 = arith.constant 48 : index
      %swap3A_1444 = tpu.vector_load %arg40[%swap3A_1441, %swap3A_1442, %swap3A_1443] {strides = array<i32>} : memref<2x200x64xf32, #tpu.memory_space<vmem>>, vector<1x1x16xf32>,
      %swap3A_1445 = vector.shape_cast %swap3A_1444 : vector<1x1x16xf32> to vector<16xf32>
      %swap3A_1446 = vector.shape_cast %add3A_1439 : vector<16xf32> to vector<1x1x16xf32>
      tpu.vector_store %arg40[%swap3A_1441, %swap3A_1442, %swap3A_1443], %swap3A_1446 {strides = array<i32>} : memref<2x200x64xf32, #tpu.memory_space<vmem>>, vector<1x1x16xf32>,
      %get3A_1447 = arith.constant 1 : i32
      %get3A_1448 = arith.index_cast %get3A_1447 : i32 to index
      %get3A_1449 = arith.index_cast %scan3A_1376 : i32 to index
      %get3A_1450 = arith.constant 0 : index
      %get3A_1451 = tpu.vector_load %arg40[%get3A_1448, %get3A_1449, %get3A_1450] {strides = array<i32>} : memref<2x200x64xf32, #tpu.memory_space<vmem>>, vector<1x1x16xf32>,
      %get3A_1452 = vector.shape_cast %get3A_1451 : vector<1x1x16xf32> to vector<16xf32>
      %add3A_1453 = arith.addf %get3A_1452, %get3A_1379 : vector<16xf32>
      %swap3A_1454 = arith.constant 1 : i32
      %swap3A_1455 = arith.index_cast %swap3A_1454 : i32 to index
      %swap3A_1456 = arith.index_cast %scan3A_1376 : i32 to index
      %swap3A_1457 = arith.constant 0 : index
      %swap3A_1458 = tpu.vector_load %arg40[%swap3A_1455, %swap3A_1456, %swap3A_1457] {strides = array<i32>} : memref<2x200x64xf32, #tpu.memory_space<vmem>>, vector<1x1x16xf32>,
      %swap3A_1459 = vector.shape_cast %swap3A_1458 : vector<1x1x16xf32> to vector<16xf32>
      %swap3A_1460 = vector.shape_cast %add3A_1453 : vector<16xf32> to vector<1x1x16xf32>
      tpu.vector_store %arg40[%swap3A_1455, %swap3A_1456, %swap3A_1457], %swap3A_1460 {strides = array<i32>} : memref<2x200x64xf32, #tpu.memory_space<vmem>>, vector<1x1x16xf32>,
      %get3A_1461 = arith.constant 1 : i32
      %get3A_1462 = arith.index_cast %get3A_1461 : i32 to index
      %get3A_1463 = arith.index_cast %scan3A_1376 : i32 to index
      %get3A_1464 = arith.constant 16 : index
      %get3A_1465 = tpu.vector_load %arg40[%get3A_1462, %get3A_1463, %get3A_1464] {strides = array<i32>} : memref<2x200x64xf32, #tpu.memory_space<vmem>>, vector<1x1x16xf32>,
      %get3A_1466 = vector.shape_cast %get3A_1465 : vector<1x1x16xf32> to vector<16xf32>
      %add3A_1467 = arith.addf %get3A_1466, %get3A_1383 : vector<16xf32>
      %swap3A_1468 = arith.constant 1 : i32
      %swap3A_1469 = arith.index_cast %swap3A_1468 : i32 to index
      %swap3A_1470 = arith.index_cast %scan3A_1376 : i32 to index
      %swap3A_1471 = arith.constant 16 : index
      %swap3A_1472 = tpu.vector_load %arg40[%swap3A_1469, %swap3A_1470, %swap3A_1471] {strides = array<i32>} : memref<2x200x64xf32, #tpu.memory_space<vmem>>, vector<1x1x16xf32>,
      %swap3A_1473 = vector.shape_cast %swap3A_1472 : vector<1x1x16xf32> to vector<16xf32>
      %swap3A_1474 = vector.shape_cast %add3A_1467 : vector<16xf32> to vector<1x1x16xf32>
      tpu.vector_store %arg40[%swap3A_1469, %swap3A_1470, %swap3A_1471], %swap3A_1474 {strides = array<i32>} : memref<2x200x64xf32, #tpu.memory_space<vmem>>, vector<1x1x16xf32>,
      %get3A_1475 = arith.constant 1 : i32
      %get3A_1476 = arith.index_cast %get3A_1475 : i32 to index
      %get3A_1477 = arith.index_cast %scan3A_1376 : i32 to index
      %get3A_1478 = arith.constant 32 : index
      %get3A_1479 = tpu.vector_load %arg40[%get3A_1476, %get3A_1477, %get3A_1478] {strides = array<i32>} : memref<2x200x64xf32, #tpu.memory_space<vmem>>, vector<1x1x16xf32>,
      %get3A_1480 = vector.shape_cast %get3A_1479 : vector<1x1x16xf32> to vector<16xf32>
      %add3A_1481 = arith.addf %get3A_1480, %get3A_1387 : vector<16xf32>
      %swap3A_1482 = arith.constant 1 : i32
      %swap3A_1483 = arith.index_cast %swap3A_1482 : i32 to index
      %swap3A_1484 = arith.index_cast %scan3A_1376 : i32 to index
      %swap3A_1485 = arith.constant 32 : index
      %swap3A_1486 = tpu.vector_load %arg40[%swap3A_1483, %swap3A_1484, %swap3A_1485] {strides = array<i32>} : memref<2x200x64xf32, #tpu.memory_space<vmem>>, vector<1x1x16xf32>,
      %swap3A_1487 = vector.shape_cast %swap3A_1486 : vector<1x1x16xf32> to vector<16xf32>
      %swap3A_1488 = vector.shape_cast %add3A_1481 : vector<16xf32> to vector<1x1x16xf32>
      tpu.vector_store %arg40[%swap3A_1483, %swap3A_1484, %swap3A_1485], %swap3A_1488 {strides = array<i32>} : memref<2x200x64xf32, #tpu.memory_space<vmem>>, vector<1x1x16xf32>,
      %get3A_1489 = arith.constant 1 : i32
      %get3A_1490 = arith.index_cast %get3A_1489 : i32 to index
      %get3A_1491 = arith.index_cast %scan3A_1376 : i32 to index
      %get3A_1492 = arith.constant 48 : index
      %get3A_1493 = tpu.vector_load %arg40[%get3A_1490, %get3A_1491, %get3A_1492] {strides = array<i32>} : memref<2x200x64xf32, #tpu.memory_space<vmem>>, vector<1x1x16xf32>,
      %get3A_1494 = vector.shape_cast %get3A_1493 : vector<1x1x16xf32> to vector<16xf32>
      %add3A_1495 = arith.addf %get3A_1494, %get3A_1391 : vector<16xf32>
      %swap3A_1496 = arith.constant 1 : i32
      %swap3A_1497 = arith.index_cast %swap3A_1496 : i32 to index
      %swap3A_1498 = arith.index_cast %scan3A_1376 : i32 to index
      %swap3A_1499 = arith.constant 48 : index
      %swap3A_1500 = tpu.vector_load %arg40[%swap3A_1497, %swap3A_1498, %swap3A_1499] {strides = array<i32>} : memref<2x200x64xf32, #tpu.memory_space<vmem>>, vector<1x1x16xf32>,
      %swap3A_1501 = vector.shape_cast %swap3A_1500 : vector<1x1x16xf32> to vector<16xf32>
      %swap3A_1502 = vector.shape_cast %add3A_1495 : vector<16xf32> to vector<1x1x16xf32>
      tpu.vector_store %arg40[%swap3A_1497, %swap3A_1498, %swap3A_1499], %swap3A_1502 {strides = array<i32>} : memref<2x200x64xf32, #tpu.memory_space<vmem>>, vector<1x1x16xf32>,
    }
    %scan3A_819 = arith.constant 200 : i32
    %add3A_820 = arith.constant 10 : i32
    %add3A_821 = arith.addi %mul3A_2, %add3A_820 : i32
    %dma_start3A_822 = arith.constant 0 : i32
    %dma_start3A_823 = arith.constant 0 : i32
    %dma_start3A_824 = tpu.memref_slice %arg5[%add3A_821, %dma_start3A_822, %dma_start3A_823] : memref<1024x200x128xf32, #tpu.memory_space<hbm>> -> memref<2x200x64xf32, #tpu.memory_space<hbm>>
    %dma_start3A_825 = arith.constant 0 : i32
    %dma_start3A_826 = arith.constant 0 : i32
    %dma_start3A_827 = tpu.memref_slice %arg5[%add3A_821, %dma_start3A_825, %dma_start3A_826] : memref<1024x200x128xf32, #tpu.memory_space<hbm>> -> memref<2x200x64xf32, #tpu.memory_space<hbm>>
    tpu.enqueue_dma source(%arg40 : memref<2x200x64xf32, #tpu.memory_space<vmem>>) target(%dma_start3A_827 : memref<2x200x64xf32, #tpu.memory_space<hbm>>) target_semaphore(%arg48 : memref<!tpu.dma_semaphore, #tpu.memory_space<semaphore_mem>>)
    %add3A_828 = arith.constant 6 : i32
    %add3A_829 = arith.addi %mul3A_2, %add3A_828 : i32
    %dma_wait3A_830 = arith.constant 0 : i32
    %dma_wait3A_831 = arith.constant 0 : i32
    %dma_wait3A_832 = tpu.memref_slice %arg5[%add3A_829, %dma_wait3A_830, %dma_wait3A_831] : memref<1024x200x128xf32, #tpu.memory_space<hbm>> -> memref<2x200x64xf32, #tpu.memory_space<hbm>>
    %dma_wait3A_833 = arith.constant 0 : i32
    %dma_wait3A_834 = arith.constant 0 : i32
    %dma_wait3A_835 = tpu.memref_slice %arg5[%add3A_829, %dma_wait3A_833, %dma_wait3A_834] : memref<1024x200x128xf32, #tpu.memory_space<hbm>> -> memref<2x200x64xf32, #tpu.memory_space<hbm>>
    tpu.wait_dma2 semaphore(%arg50 : memref<!tpu.dma_semaphore, #tpu.memory_space<semaphore_mem>>) src(%arg42 : memref<2x200x64xf32, #tpu.memory_space<vmem>>) dst(%dma_wait3A_835 : memref<2x200x64xf32, #tpu.memory_space<hbm>>)
    %dma_start3A_836 = arith.constant 0 : i32
    %dma_start3A_837 = arith.constant 0 : i32
    %dma_start3A_838 = arith.constant 0 : i32
    %dma_start3A_839 = tpu.memref_slice %arg42[%dma_start3A_836, %dma_start3A_837, %dma_start3A_838] : memref<2x200x64xf32, #tpu.memory_space<vmem>> -> memref<1x200x64xf32, #tpu.memory_space<vmem>>
    %dma_start3A_840 = tpu.memref_squeeze %dma_start3A_839 : memref<1x200x64xf32, #tpu.memory_space<vmem>> -> memref<200x64xf32, #tpu.memory_space<vmem>>
    %dma_start3A_841 = arith.constant 0 : i32
    %dma_start3A_842 = arith.constant 0 : i32
    %dma_start3A_843 = tpu.memref_slice %arg3[%dma_start3A_841, %dma_start3A_842] : memref<100000x64xf32, #tpu.memory_space<hbm>> -> memref<100000x64xf32, #tpu.memory_space<hbm>>
    tpu.enqueue_indirect_dma source(%dma_start3A_843 : memref<100000x64xf32, #tpu.memory_space<hbm>>) target(%dma_start3A_840 : memref<200x64xf32, #tpu.memory_space<vmem>>) offsets(%arg20 : memref<200xi32, #tpu.memory_space<vmem>>) semaphore(%arg46 : memref<!tpu.dma_semaphore, #tpu.memory_space<semaphore_mem>>)
    %dma_start3A_844 = arith.constant 1 : i32
    %dma_start3A_845 = arith.constant 0 : i32
    %dma_start3A_846 = arith.constant 0 : i32
    %dma_start3A_847 = tpu.memref_slice %arg42[%dma_start3A_844, %dma_start3A_845, %dma_start3A_846] : memref<2x200x64xf32, #tpu.memory_space<vmem>> -> memref<1x200x64xf32, #tpu.memory_space<vmem>>
    %dma_start3A_848 = tpu.memref_squeeze %dma_start3A_847 : memref<1x200x64xf32, #tpu.memory_space<vmem>> -> memref<200x64xf32, #tpu.memory_space<vmem>>
    %dma_start3A_849 = arith.constant 0 : i32
    %dma_start3A_850 = arith.constant 0 : i32
    %dma_start3A_851 = tpu.memref_slice %arg3[%dma_start3A_849, %dma_start3A_850] : memref<100000x64xf32, #tpu.memory_space<hbm>> -> memref<100000x64xf32, #tpu.memory_space<hbm>>
    tpu.enqueue_indirect_dma source(%dma_start3A_851 : memref<100000x64xf32, #tpu.memory_space<hbm>>) target(%dma_start3A_848 : memref<200x64xf32, #tpu.memory_space<vmem>>) offsets(%arg21 : memref<200xi32, #tpu.memory_space<vmem>>) semaphore(%arg46 : memref<!tpu.dma_semaphore, #tpu.memory_space<semaphore_mem>>)
    %dma_wait3A_852 = arith.constant 0 : i32
    %dma_wait3A_853 = arith.constant 0 : i32
    %dma_wait3A_854 = arith.constant 0 : i32
    %dma_wait3A_855 = tpu.memref_slice %arg41[%dma_wait3A_852, %dma_wait3A_853, %dma_wait3A_854] : memref<2x200x64xf32, #tpu.memory_space<vmem>> -> memref<1x200x64xf32, #tpu.memory_space<vmem>>
    %dma_wait3A_856 = tpu.memref_squeeze %dma_wait3A_855 : memref<1x200x64xf32, #tpu.memory_space<vmem>> -> memref<200x64xf32, #tpu.memory_space<vmem>>
    %dma_wait3A_857 = arith.constant 0 : i32
    %dma_wait3A_858 = arith.constant 0 : i32
    %dma_wait3A_859 = tpu.memref_slice %arg3[%dma_wait3A_857, %dma_wait3A_858] : memref<100000x64xf32, #tpu.memory_space<hbm>> -> memref<100000x64xf32, #tpu.memory_space<hbm>>
    tpu.wait_indirect_dma semaphore(%arg45 : memref<!tpu.dma_semaphore, #tpu.memory_space<semaphore_mem>>) src(%dma_wait3A_859 : memref<100000x64xf32, #tpu.memory_space<hbm>>) dst(%dma_wait3A_856 : memref<200x64xf32, #tpu.memory_space<vmem>>)
    %dma_wait3A_860 = arith.constant 1 : i32
    %dma_wait3A_861 = arith.constant 0 : i32
    %dma_wait3A_862 = arith.constant 0 : i32
    %dma_wait3A_863 = tpu.memref_slice %arg41[%dma_wait3A_860, %dma_wait3A_861, %dma_wait3A_862] : memref<2x200x64xf32, #tpu.memory_space<vmem>> -> memref<1x200x64xf32, #tpu.memory_space<vmem>>
    %dma_wait3A_864 = tpu.memref_squeeze %dma_wait3A_863 : memref<1x200x64xf32, #tpu.memory_space<vmem>> -> memref<200x64xf32, #tpu.memory_space<vmem>>
    %dma_wait3A_865 = arith.constant 0 : i32
    %dma_wait3A_866 = arith.constant 0 : i32
    %dma_wait3A_867 = tpu.memref_slice %arg3[%dma_wait3A_865, %dma_wait3A_866] : memref<100000x64xf32, #tpu.memory_space<hbm>> -> memref<100000x64xf32, #tpu.memory_space<hbm>>
    tpu.wait_indirect_dma semaphore(%arg45 : memref<!tpu.dma_semaphore, #tpu.memory_space<semaphore_mem>>) src(%dma_wait3A_867 : memref<100000x64xf32, #tpu.memory_space<hbm>>) dst(%dma_wait3A_864 : memref<200x64xf32, #tpu.memory_space<vmem>>)
    %scan3A_868 = arith.constant 0 : i32
    %scan3A_869 = arith.constant 0 : i32
    %scan3A_870 = arith.constant 200 : i32
    %scan3A_871 = arith.addi %scan3A_869, %scan3A_870 : i32
    %scan3A_872 = arith.constant 1 : i32
    scf.for %scan3A_1376 = %scan3A_869 to %scan3A_871 step %scan3A_872  : i32 {
      %get3A = arith.index_cast %scan3A_1376 : i32 to index
      %get3A_1377 = arith.constant 0 : index
      %get3A_1378 = tpu.vector_load %arg38[%get3A, %get3A_1377] {strides = array<i32>} : memref<200x64xf32, #tpu.memory_space<vmem>>, vector<1x16xf32>,
      %get3A_1379 = vector.shape_cast %get3A_1378 : vector<1x16xf32> to vector<16xf32>
      %get3A_1380 = arith.index_cast %scan3A_1376 : i32 to index
      %get3A_1381 = arith.constant 16 : index
      %get3A_1382 = tpu.vector_load %arg38[%get3A_1380, %get3A_1381] {strides = array<i32>} : memref<200x64xf32, #tpu.memory_space<vmem>>, vector<1x16xf32>,
      %get3A_1383 = vector.shape_cast %get3A_1382 : vector<1x16xf32> to vector<16xf32>
      %get3A_1384 = arith.index_cast %scan3A_1376 : i32 to index
      %get3A_1385 = arith.constant 32 : index
      %get3A_1386 = tpu.vector_load %arg38[%get3A_1384, %get3A_1385] {strides = array<i32>} : memref<200x64xf32, #tpu.memory_space<vmem>>, vector<1x16xf32>,
      %get3A_1387 = vector.shape_cast %get3A_1386 : vector<1x16xf32> to vector<16xf32>
      %get3A_1388 = arith.index_cast %scan3A_1376 : i32 to index
      %get3A_1389 = arith.constant 48 : index
      %get3A_1390 = tpu.vector_load %arg38[%get3A_1388, %get3A_1389] {strides = array<i32>} : memref<200x64xf32, #tpu.memory_space<vmem>>, vector<1x16xf32>,
      %get3A_1391 = vector.shape_cast %get3A_1390 : vector<1x16xf32> to vector<16xf32>
      %get3A_1392 = arith.constant 0 : i32
      %get3A_1393 = arith.index_cast %get3A_1392 : i32 to index
      %get3A_1394 = arith.index_cast %scan3A_1376 : i32 to index
      %get3A_1395 = arith.constant 0 : index
      %get3A_1396 = tpu.vector_load %arg41[%get3A_1393, %get3A_1394, %get3A_1395] {strides = array<i32>} : memref<2x200x64xf32, #tpu.memory_space<vmem>>, vector<1x1x16xf32>,
      %get3A_1397 = vector.shape_cast %get3A_1396 : vector<1x1x16xf32> to vector<16xf32>
      %add3A_1398 = arith.addf %get3A_1397, %get3A_1379 : vector<16xf32>
      %swap3A = arith.constant 0 : i32
      %swap3A_1399 = arith.index_cast %swap3A : i32 to index
      %swap3A_1400 = arith.index_cast %scan3A_1376 : i32 to index
      %swap3A_1401 = arith.constant 0 : index
      %swap3A_1402 = tpu.vector_load %arg41[%swap3A_1399, %swap3A_1400, %swap3A_1401] {strides = array<i32>} : memref<2x200x64xf32, #tpu.memory_space<vmem>>, vector<1x1x16xf32>,
      %swap3A_1403 = vector.shape_cast %swap3A_1402 : vector<1x1x16xf32> to vector<16xf32>
      %swap3A_1404 = vector.shape_cast %add3A_1398 : vector<16xf32> to vector<1x1x16xf32>
      tpu.vector_store %arg41[%swap3A_1399, %swap3A_1400, %swap3A_1401], %swap3A_1404 {strides = array<i32>} : memref<2x200x64xf32, #tpu.memory_space<vmem>>, vector<1x1x16xf32>,
      %get3A_1405 = arith.constant 0 : i32
      %get3A_1406 = arith.index_cast %get3A_1405 : i32 to index
      %get3A_1407 = arith.index_cast %scan3A_1376 : i32 to index
      %get3A_1408 = arith.constant 16 : index
      %get3A_1409 = tpu.vector_load %arg41[%get3A_1406, %get3A_1407, %get3A_1408] {strides = array<i32>} : memref<2x200x64xf32, #tpu.memory_space<vmem>>, vector<1x1x16xf32>,
      %get3A_1410 = vector.shape_cast %get3A_1409 : vector<1x1x16xf32> to vector<16xf32>
      %add3A_1411 = arith.addf %get3A_1410, %get3A_1383 : vector<16xf32>
      %swap3A_1412 = arith.constant 0 : i32
      %swap3A_1413 = arith.index_cast %swap3A_1412 : i32 to index
      %swap3A_1414 = arith.index_cast %scan3A_1376 : i32 to index
      %swap3A_1415 = arith.constant 16 : index
      %swap3A_1416 = tpu.vector_load %arg41[%swap3A_1413, %swap3A_1414, %swap3A_1415] {strides = array<i32>} : memref<2x200x64xf32, #tpu.memory_space<vmem>>, vector<1x1x16xf32>,
      %swap3A_1417 = vector.shape_cast %swap3A_1416 : vector<1x1x16xf32> to vector<16xf32>
      %swap3A_1418 = vector.shape_cast %add3A_1411 : vector<16xf32> to vector<1x1x16xf32>
      tpu.vector_store %arg41[%swap3A_1413, %swap3A_1414, %swap3A_1415], %swap3A_1418 {strides = array<i32>} : memref<2x200x64xf32, #tpu.memory_space<vmem>>, vector<1x1x16xf32>,
      %get3A_1419 = arith.constant 0 : i32
      %get3A_1420 = arith.index_cast %get3A_1419 : i32 to index
      %get3A_1421 = arith.index_cast %scan3A_1376 : i32 to index
      %get3A_1422 = arith.constant 32 : index
      %get3A_1423 = tpu.vector_load %arg41[%get3A_1420, %get3A_1421, %get3A_1422] {strides = array<i32>} : memref<2x200x64xf32, #tpu.memory_space<vmem>>, vector<1x1x16xf32>,
      %get3A_1424 = vector.shape_cast %get3A_1423 : vector<1x1x16xf32> to vector<16xf32>
      %add3A_1425 = arith.addf %get3A_1424, %get3A_1387 : vector<16xf32>
      %swap3A_1426 = arith.constant 0 : i32
      %swap3A_1427 = arith.index_cast %swap3A_1426 : i32 to index
      %swap3A_1428 = arith.index_cast %scan3A_1376 : i32 to index
      %swap3A_1429 = arith.constant 32 : index
      %swap3A_1430 = tpu.vector_load %arg41[%swap3A_1427, %swap3A_1428, %swap3A_1429] {strides = array<i32>} : memref<2x200x64xf32, #tpu.memory_space<vmem>>, vector<1x1x16xf32>,
      %swap3A_1431 = vector.shape_cast %swap3A_1430 : vector<1x1x16xf32> to vector<16xf32>
      %swap3A_1432 = vector.shape_cast %add3A_1425 : vector<16xf32> to vector<1x1x16xf32>
      tpu.vector_store %arg41[%swap3A_1427, %swap3A_1428, %swap3A_1429], %swap3A_1432 {strides = array<i32>} : memref<2x200x64xf32, #tpu.memory_space<vmem>>, vector<1x1x16xf32>,
      %get3A_1433 = arith.constant 0 : i32
      %get3A_1434 = arith.index_cast %get3A_1433 : i32 to index
      %get3A_1435 = arith.index_cast %scan3A_1376 : i32 to index
      %get3A_1436 = arith.constant 48 : index
      %get3A_1437 = tpu.vector_load %arg41[%get3A_1434, %get3A_1435, %get3A_1436] {strides = array<i32>} : memref<2x200x64xf32, #tpu.memory_space<vmem>>, vector<1x1x16xf32>,
      %get3A_1438 = vector.shape_cast %get3A_1437 : vector<1x1x16xf32> to vector<16xf32>
      %add3A_1439 = arith.addf %get3A_1438, %get3A_1391 : vector<16xf32>
      %swap3A_1440 = arith.constant 0 : i32
      %swap3A_1441 = arith.index_cast %swap3A_1440 : i32 to index
      %swap3A_1442 = arith.index_cast %scan3A_1376 : i32 to index
      %swap3A_1443 = arith.constant 48 : index
      %swap3A_1444 = tpu.vector_load %arg41[%swap3A_1441, %swap3A_1442, %swap3A_1443] {strides = array<i32>} : memref<2x200x64xf32, #tpu.memory_space<vmem>>, vector<1x1x16xf32>,
      %swap3A_1445 = vector.shape_cast %swap3A_1444 : vector<1x1x16xf32> to vector<16xf32>
      %swap3A_1446 = vector.shape_cast %add3A_1439 : vector<16xf32> to vector<1x1x16xf32>
      tpu.vector_store %arg41[%swap3A_1441, %swap3A_1442, %swap3A_1443], %swap3A_1446 {strides = array<i32>} : memref<2x200x64xf32, #tpu.memory_space<vmem>>, vector<1x1x16xf32>,
      %get3A_1447 = arith.constant 1 : i32
      %get3A_1448 = arith.index_cast %get3A_1447 : i32 to index
      %get3A_1449 = arith.index_cast %scan3A_1376 : i32 to index
      %get3A_1450 = arith.constant 0 : index
      %get3A_1451 = tpu.vector_load %arg41[%get3A_1448, %get3A_1449, %get3A_1450] {strides = array<i32>} : memref<2x200x64xf32, #tpu.memory_space<vmem>>, vector<1x1x16xf32>,
      %get3A_1452 = vector.shape_cast %get3A_1451 : vector<1x1x16xf32> to vector<16xf32>
      %add3A_1453 = arith.addf %get3A_1452, %get3A_1379 : vector<16xf32>
      %swap3A_1454 = arith.constant 1 : i32
      %swap3A_1455 = arith.index_cast %swap3A_1454 : i32 to index
      %swap3A_1456 = arith.index_cast %scan3A_1376 : i32 to index
      %swap3A_1457 = arith.constant 0 : index
      %swap3A_1458 = tpu.vector_load %arg41[%swap3A_1455, %swap3A_1456, %swap3A_1457] {strides = array<i32>} : memref<2x200x64xf32, #tpu.memory_space<vmem>>, vector<1x1x16xf32>,
      %swap3A_1459 = vector.shape_cast %swap3A_1458 : vector<1x1x16xf32> to vector<16xf32>
      %swap3A_1460 = vector.shape_cast %add3A_1453 : vector<16xf32> to vector<1x1x16xf32>
      tpu.vector_store %arg41[%swap3A_1455, %swap3A_1456, %swap3A_1457], %swap3A_1460 {strides = array<i32>} : memref<2x200x64xf32, #tpu.memory_space<vmem>>, vector<1x1x16xf32>,
      %get3A_1461 = arith.constant 1 : i32
      %get3A_1462 = arith.index_cast %get3A_1461 : i32 to index
      %get3A_1463 = arith.index_cast %scan3A_1376 : i32 to index
      %get3A_1464 = arith.constant 16 : index
      %get3A_1465 = tpu.vector_load %arg41[%get3A_1462, %get3A_1463, %get3A_1464] {strides = array<i32>} : memref<2x200x64xf32, #tpu.memory_space<vmem>>, vector<1x1x16xf32>,
      %get3A_1466 = vector.shape_cast %get3A_1465 : vector<1x1x16xf32> to vector<16xf32>
      %add3A_1467 = arith.addf %get3A_1466, %get3A_1383 : vector<16xf32>
      %swap3A_1468 = arith.constant 1 : i32
      %swap3A_1469 = arith.index_cast %swap3A_1468 : i32 to index
      %swap3A_1470 = arith.index_cast %scan3A_1376 : i32 to index
      %swap3A_1471 = arith.constant 16 : index
      %swap3A_1472 = tpu.vector_load %arg41[%swap3A_1469, %swap3A_1470, %swap3A_1471] {strides = array<i32>} : memref<2x200x64xf32, #tpu.memory_space<vmem>>, vector<1x1x16xf32>,
      %swap3A_1473 = vector.shape_cast %swap3A_1472 : vector<1x1x16xf32> to vector<16xf32>
      %swap3A_1474 = vector.shape_cast %add3A_1467 : vector<16xf32> to vector<1x1x16xf32>
      tpu.vector_store %arg41[%swap3A_1469, %swap3A_1470, %swap3A_1471], %swap3A_1474 {strides = array<i32>} : memref<2x200x64xf32, #tpu.memory_space<vmem>>, vector<1x1x16xf32>,
      %get3A_1475 = arith.constant 1 : i32
      %get3A_1476 = arith.index_cast %get3A_1475 : i32 to index
      %get3A_1477 = arith.index_cast %scan3A_1376 : i32 to index
      %get3A_1478 = arith.constant 32 : index
      %get3A_1479 = tpu.vector_load %arg41[%get3A_1476, %get3A_1477, %get3A_1478] {strides = array<i32>} : memref<2x200x64xf32, #tpu.memory_space<vmem>>, vector<1x1x16xf32>,
      %get3A_1480 = vector.shape_cast %get3A_1479 : vector<1x1x16xf32> to vector<16xf32>
      %add3A_1481 = arith.addf %get3A_1480, %get3A_1387 : vector<16xf32>
      %swap3A_1482 = arith.constant 1 : i32
      %swap3A_1483 = arith.index_cast %swap3A_1482 : i32 to index
      %swap3A_1484 = arith.index_cast %scan3A_1376 : i32 to index
      %swap3A_1485 = arith.constant 32 : index
      %swap3A_1486 = tpu.vector_load %arg41[%swap3A_1483, %swap3A_1484, %swap3A_1485] {strides = array<i32>} : memref<2x200x64xf32, #tpu.memory_space<vmem>>, vector<1x1x16xf32>,
      %swap3A_1487 = vector.shape_cast %swap3A_1486 : vector<1x1x16xf32> to vector<16xf32>
      %swap3A_1488 = vector.shape_cast %add3A_1481 : vector<16xf32> to vector<1x1x16xf32>
      tpu.vector_store %arg41[%swap3A_1483, %swap3A_1484, %swap3A_1485], %swap3A_1488 {strides = array<i32>} : memref<2x200x64xf32, #tpu.memory_space<vmem>>, vector<1x1x16xf32>,
      %get3A_1489 = arith.constant 1 : i32
      %get3A_1490 = arith.index_cast %get3A_1489 : i32 to index
      %get3A_1491 = arith.index_cast %scan3A_1376 : i32 to index
      %get3A_1492 = arith.constant 48 : index
      %get3A_1493 = tpu.vector_load %arg41[%get3A_1490, %get3A_1491, %get3A_1492] {strides = array<i32>} : memref<2x200x64xf32, #tpu.memory_space<vmem>>, vector<1x1x16xf32>,
      %get3A_1494 = vector.shape_cast %get3A_1493 : vector<1x1x16xf32> to vector<16xf32>
      %add3A_1495 = arith.addf %get3A_1494, %get3A_1391 : vector<16xf32>
      %swap3A_1496 = arith.constant 1 : i32
      %swap3A_1497 = arith.index_cast %swap3A_1496 : i32 to index
      %swap3A_1498 = arith.index_cast %scan3A_1376 : i32 to index
      %swap3A_1499 = arith.constant 48 : index
      %swap3A_1500 = tpu.vector_load %arg41[%swap3A_1497, %swap3A_1498, %swap3A_1499] {strides = array<i32>} : memref<2x200x64xf32, #tpu.memory_space<vmem>>, vector<1x1x16xf32>,
      %swap3A_1501 = vector.shape_cast %swap3A_1500 : vector<1x1x16xf32> to vector<16xf32>
      %swap3A_1502 = vector.shape_cast %add3A_1495 : vector<16xf32> to vector<1x1x16xf32>
      tpu.vector_store %arg41[%swap3A_1497, %swap3A_1498, %swap3A_1499], %swap3A_1502 {strides = array<i32>} : memref<2x200x64xf32, #tpu.memory_space<vmem>>, vector<1x1x16xf32>,
    }
    %scan3A_873 = arith.constant 200 : i32
    %add3A_874 = arith.constant 12 : i32
    %add3A_875 = arith.addi %mul3A_2, %add3A_874 : i32
    %dma_start3A_876 = arith.constant 0 : i32
    %dma_start3A_877 = arith.constant 0 : i32
    %dma_start3A_878 = tpu.memref_slice %arg5[%add3A_875, %dma_start3A_876, %dma_start3A_877] : memref<1024x200x128xf32, #tpu.memory_space<hbm>> -> memref<2x200x64xf32, #tpu.memory_space<hbm>>
    %dma_start3A_879 = arith.constant 0 : i32
    %dma_start3A_880 = arith.constant 0 : i32
    %dma_start3A_881 = tpu.memref_slice %arg5[%add3A_875, %dma_start3A_879, %dma_start3A_880] : memref<1024x200x128xf32, #tpu.memory_space<hbm>> -> memref<2x200x64xf32, #tpu.memory_space<hbm>>
    tpu.enqueue_dma source(%arg41 : memref<2x200x64xf32, #tpu.memory_space<vmem>>) target(%dma_start3A_881 : memref<2x200x64xf32, #tpu.memory_space<hbm>>) target_semaphore(%arg49 : memref<!tpu.dma_semaphore, #tpu.memory_space<semaphore_mem>>)
    %add3A_882 = arith.constant 8 : i32
    %add3A_883 = arith.addi %mul3A_2, %add3A_882 : i32
    %dma_wait3A_884 = arith.constant 0 : i32
    %dma_wait3A_885 = arith.constant 0 : i32
    %dma_wait3A_886 = tpu.memref_slice %arg5[%add3A_883, %dma_wait3A_884, %dma_wait3A_885] : memref<1024x200x128xf32, #tpu.memory_space<hbm>> -> memref<2x200x64xf32, #tpu.memory_space<hbm>>
    %dma_wait3A_887 = arith.constant 0 : i32
    %dma_wait3A_888 = arith.constant 0 : i32
    %dma_wait3A_889 = tpu.memref_slice %arg5[%add3A_883, %dma_wait3A_887, %dma_wait3A_888] : memref<1024x200x128xf32, #tpu.memory_space<hbm>> -> memref<2x200x64xf32, #tpu.memory_space<hbm>>
    tpu.wait_dma2 semaphore(%arg47 : memref<!tpu.dma_semaphore, #tpu.memory_space<semaphore_mem>>) src(%arg39 : memref<2x200x64xf32, #tpu.memory_space<vmem>>) dst(%dma_wait3A_889 : memref<2x200x64xf32, #tpu.memory_space<hbm>>)
    %dma_start3A_890 = arith.constant 0 : i32
    %dma_start3A_891 = arith.constant 0 : i32
    %dma_start3A_892 = arith.constant 0 : i32
    %dma_start3A_893 = tpu.memref_slice %arg39[%dma_start3A_890, %dma_start3A_891, %dma_start3A_892] : memref<2x200x64xf32, #tpu.memory_space<vmem>> -> memref<1x200x64xf32, #tpu.memory_space<vmem>>
    %dma_start3A_894 = tpu.memref_squeeze %dma_start3A_893 : memref<1x200x64xf32, #tpu.memory_space<vmem>> -> memref<200x64xf32, #tpu.memory_space<vmem>>
    %dma_start3A_895 = arith.constant 0 : i32
    %dma_start3A_896 = arith.constant 0 : i32
    %dma_start3A_897 = tpu.memref_slice %arg3[%dma_start3A_895, %dma_start3A_896] : memref<100000x64xf32, #tpu.memory_space<hbm>> -> memref<100000x64xf32, #tpu.memory_space<hbm>>
    tpu.enqueue_indirect_dma source(%dma_start3A_897 : memref<100000x64xf32, #tpu.memory_space<hbm>>) target(%dma_start3A_894 : memref<200x64xf32, #tpu.memory_space<vmem>>) offsets(%arg22 : memref<200xi32, #tpu.memory_space<vmem>>) semaphore(%arg43 : memref<!tpu.dma_semaphore, #tpu.memory_space<semaphore_mem>>)
    %dma_start3A_898 = arith.constant 1 : i32
    %dma_start3A_899 = arith.constant 0 : i32
    %dma_start3A_900 = arith.constant 0 : i32
    %dma_start3A_901 = tpu.memref_slice %arg39[%dma_start3A_898, %dma_start3A_899, %dma_start3A_900] : memref<2x200x64xf32, #tpu.memory_space<vmem>> -> memref<1x200x64xf32, #tpu.memory_space<vmem>>
    %dma_start3A_902 = tpu.memref_squeeze %dma_start3A_901 : memref<1x200x64xf32, #tpu.memory_space<vmem>> -> memref<200x64xf32, #tpu.memory_space<vmem>>
    %dma_start3A_903 = arith.constant 0 : i32
    %dma_start3A_904 = arith.constant 0 : i32
    %dma_start3A_905 = tpu.memref_slice %arg3[%dma_start3A_903, %dma_start3A_904] : memref<100000x64xf32, #tpu.memory_space<hbm>> -> memref<100000x64xf32, #tpu.memory_space<hbm>>
    tpu.enqueue_indirect_dma source(%dma_start3A_905 : memref<100000x64xf32, #tpu.memory_space<hbm>>) target(%dma_start3A_902 : memref<200x64xf32, #tpu.memory_space<vmem>>) offsets(%arg23 : memref<200xi32, #tpu.memory_space<vmem>>) semaphore(%arg43 : memref<!tpu.dma_semaphore, #tpu.memory_space<semaphore_mem>>)
    %dma_wait3A_906 = arith.constant 0 : i32
    %dma_wait3A_907 = arith.constant 0 : i32
    %dma_wait3A_908 = arith.constant 0 : i32
    %dma_wait3A_909 = tpu.memref_slice %arg42[%dma_wait3A_906, %dma_wait3A_907, %dma_wait3A_908] : memref<2x200x64xf32, #tpu.memory_space<vmem>> -> memref<1x200x64xf32, #tpu.memory_space<vmem>>
    %dma_wait3A_910 = tpu.memref_squeeze %dma_wait3A_909 : memref<1x200x64xf32, #tpu.memory_space<vmem>> -> memref<200x64xf32, #tpu.memory_space<vmem>>
    %dma_wait3A_911 = arith.constant 0 : i32
    %dma_wait3A_912 = arith.constant 0 : i32
    %dma_wait3A_913 = tpu.memref_slice %arg3[%dma_wait3A_911, %dma_wait3A_912] : memref<100000x64xf32, #tpu.memory_space<hbm>> -> memref<100000x64xf32, #tpu.memory_space<hbm>>
    tpu.wait_indirect_dma semaphore(%arg46 : memref<!tpu.dma_semaphore, #tpu.memory_space<semaphore_mem>>) src(%dma_wait3A_913 : memref<100000x64xf32, #tpu.memory_space<hbm>>) dst(%dma_wait3A_910 : memref<200x64xf32, #tpu.memory_space<vmem>>)
    %dma_wait3A_914 = arith.constant 1 : i32
    %dma_wait3A_915 = arith.constant 0 : i32
    %dma_wait3A_916 = arith.constant 0 : i32
    %dma_wait3A_917 = tpu.memref_slice %arg42[%dma_wait3A_914, %dma_wait3A_915, %dma_wait3A_916] : memref<2x200x64xf32, #tpu.memory_space<vmem>> -> memref<1x200x64xf32, #tpu.memory_space<vmem>>
    %dma_wait3A_918 = tpu.memref_squeeze %dma_wait3A_917 : memref<1x200x64xf32, #tpu.memory_space<vmem>> -> memref<200x64xf32, #tpu.memory_space<vmem>>
    %dma_wait3A_919 = arith.constant 0 : i32
    %dma_wait3A_920 = arith.constant 0 : i32
    %dma_wait3A_921 = tpu.memref_slice %arg3[%dma_wait3A_919, %dma_wait3A_920] : memref<100000x64xf32, #tpu.memory_space<hbm>> -> memref<100000x64xf32, #tpu.memory_space<hbm>>
    tpu.wait_indirect_dma semaphore(%arg46 : memref<!tpu.dma_semaphore, #tpu.memory_space<semaphore_mem>>) src(%dma_wait3A_921 : memref<100000x64xf32, #tpu.memory_space<hbm>>) dst(%dma_wait3A_918 : memref<200x64xf32, #tpu.memory_space<vmem>>)
    %scan3A_922 = arith.constant 0 : i32
    %scan3A_923 = arith.constant 0 : i32
    %scan3A_924 = arith.constant 200 : i32
    %scan3A_925 = arith.addi %scan3A_923, %scan3A_924 : i32
    %scan3A_926 = arith.constant 1 : i32
    scf.for %scan3A_1376 = %scan3A_923 to %scan3A_925 step %scan3A_926  : i32 {
      %get3A = arith.index_cast %scan3A_1376 : i32 to index
      %get3A_1377 = arith.constant 0 : index
      %get3A_1378 = tpu.vector_load %arg38[%get3A, %get3A_1377] {strides = array<i32>} : memref<200x64xf32, #tpu.memory_space<vmem>>, vector<1x16xf32>,
      %get3A_1379 = vector.shape_cast %get3A_1378 : vector<1x16xf32> to vector<16xf32>
      %get3A_1380 = arith.index_cast %scan3A_1376 : i32 to index
      %get3A_1381 = arith.constant 16 : index
      %get3A_1382 = tpu.vector_load %arg38[%get3A_1380, %get3A_1381] {strides = array<i32>} : memref<200x64xf32, #tpu.memory_space<vmem>>, vector<1x16xf32>,
      %get3A_1383 = vector.shape_cast %get3A_1382 : vector<1x16xf32> to vector<16xf32>
      %get3A_1384 = arith.index_cast %scan3A_1376 : i32 to index
      %get3A_1385 = arith.constant 32 : index
      %get3A_1386 = tpu.vector_load %arg38[%get3A_1384, %get3A_1385] {strides = array<i32>} : memref<200x64xf32, #tpu.memory_space<vmem>>, vector<1x16xf32>,
      %get3A_1387 = vector.shape_cast %get3A_1386 : vector<1x16xf32> to vector<16xf32>
      %get3A_1388 = arith.index_cast %scan3A_1376 : i32 to index
      %get3A_1389 = arith.constant 48 : index
      %get3A_1390 = tpu.vector_load %arg38[%get3A_1388, %get3A_1389] {strides = array<i32>} : memref<200x64xf32, #tpu.memory_space<vmem>>, vector<1x16xf32>,
      %get3A_1391 = vector.shape_cast %get3A_1390 : vector<1x16xf32> to vector<16xf32>
      %get3A_1392 = arith.constant 0 : i32
      %get3A_1393 = arith.index_cast %get3A_1392 : i32 to index
      %get3A_1394 = arith.index_cast %scan3A_1376 : i32 to index
      %get3A_1395 = arith.constant 0 : index
      %get3A_1396 = tpu.vector_load %arg42[%get3A_1393, %get3A_1394, %get3A_1395] {strides = array<i32>} : memref<2x200x64xf32, #tpu.memory_space<vmem>>, vector<1x1x16xf32>,
      %get3A_1397 = vector.shape_cast %get3A_1396 : vector<1x1x16xf32> to vector<16xf32>
      %add3A_1398 = arith.addf %get3A_1397, %get3A_1379 : vector<16xf32>
      %swap3A = arith.constant 0 : i32
      %swap3A_1399 = arith.index_cast %swap3A : i32 to index
      %swap3A_1400 = arith.index_cast %scan3A_1376 : i32 to index
      %swap3A_1401 = arith.constant 0 : index
      %swap3A_1402 = tpu.vector_load %arg42[%swap3A_1399, %swap3A_1400, %swap3A_1401] {strides = array<i32>} : memref<2x200x64xf32, #tpu.memory_space<vmem>>, vector<1x1x16xf32>,
      %swap3A_1403 = vector.shape_cast %swap3A_1402 : vector<1x1x16xf32> to vector<16xf32>
      %swap3A_1404 = vector.shape_cast %add3A_1398 : vector<16xf32> to vector<1x1x16xf32>
      tpu.vector_store %arg42[%swap3A_1399, %swap3A_1400, %swap3A_1401], %swap3A_1404 {strides = array<i32>} : memref<2x200x64xf32, #tpu.memory_space<vmem>>, vector<1x1x16xf32>,
      %get3A_1405 = arith.constant 0 : i32
      %get3A_1406 = arith.index_cast %get3A_1405 : i32 to index
      %get3A_1407 = arith.index_cast %scan3A_1376 : i32 to index
      %get3A_1408 = arith.constant 16 : index
      %get3A_1409 = tpu.vector_load %arg42[%get3A_1406, %get3A_1407, %get3A_1408] {strides = array<i32>} : memref<2x200x64xf32, #tpu.memory_space<vmem>>, vector<1x1x16xf32>,
      %get3A_1410 = vector.shape_cast %get3A_1409 : vector<1x1x16xf32> to vector<16xf32>
      %add3A_1411 = arith.addf %get3A_1410, %get3A_1383 : vector<16xf32>
      %swap3A_1412 = arith.constant 0 : i32
      %swap3A_1413 = arith.index_cast %swap3A_1412 : i32 to index
      %swap3A_1414 = arith.index_cast %scan3A_1376 : i32 to index
      %swap3A_1415 = arith.constant 16 : index
      %swap3A_1416 = tpu.vector_load %arg42[%swap3A_1413, %swap3A_1414, %swap3A_1415] {strides = array<i32>} : memref<2x200x64xf32, #tpu.memory_space<vmem>>, vector<1x1x16xf32>,
      %swap3A_1417 = vector.shape_cast %swap3A_1416 : vector<1x1x16xf32> to vector<16xf32>
      %swap3A_1418 = vector.shape_cast %add3A_1411 : vector<16xf32> to vector<1x1x16xf32>
      tpu.vector_store %arg42[%swap3A_1413, %swap3A_1414, %swap3A_1415], %swap3A_1418 {strides = array<i32>} : memref<2x200x64xf32, #tpu.memory_space<vmem>>, vector<1x1x16xf32>,
      %get3A_1419 = arith.constant 0 : i32
      %get3A_1420 = arith.index_cast %get3A_1419 : i32 to index
      %get3A_1421 = arith.index_cast %scan3A_1376 : i32 to index
      %get3A_1422 = arith.constant 32 : index
      %get3A_1423 = tpu.vector_load %arg42[%get3A_1420, %get3A_1421, %get3A_1422] {strides = array<i32>} : memref<2x200x64xf32, #tpu.memory_space<vmem>>, vector<1x1x16xf32>,
      %get3A_1424 = vector.shape_cast %get3A_1423 : vector<1x1x16xf32> to vector<16xf32>
      %add3A_1425 = arith.addf %get3A_1424, %get3A_1387 : vector<16xf32>
      %swap3A_1426 = arith.constant 0 : i32
      %swap3A_1427 = arith.index_cast %swap3A_1426 : i32 to index
      %swap3A_1428 = arith.index_cast %scan3A_1376 : i32 to index
      %swap3A_1429 = arith.constant 32 : index
      %swap3A_1430 = tpu.vector_load %arg42[%swap3A_1427, %swap3A_1428, %swap3A_1429] {strides = array<i32>} : memref<2x200x64xf32, #tpu.memory_space<vmem>>, vector<1x1x16xf32>,
      %swap3A_1431 = vector.shape_cast %swap3A_1430 : vector<1x1x16xf32> to vector<16xf32>
      %swap3A_1432 = vector.shape_cast %add3A_1425 : vector<16xf32> to vector<1x1x16xf32>
      tpu.vector_store %arg42[%swap3A_1427, %swap3A_1428, %swap3A_1429], %swap3A_1432 {strides = array<i32>} : memref<2x200x64xf32, #tpu.memory_space<vmem>>, vector<1x1x16xf32>,
      %get3A_1433 = arith.constant 0 : i32
      %get3A_1434 = arith.index_cast %get3A_1433 : i32 to index
      %get3A_1435 = arith.index_cast %scan3A_1376 : i32 to index
      %get3A_1436 = arith.constant 48 : index
      %get3A_1437 = tpu.vector_load %arg42[%get3A_1434, %get3A_1435, %get3A_1436] {strides = array<i32>} : memref<2x200x64xf32, #tpu.memory_space<vmem>>, vector<1x1x16xf32>,
      %get3A_1438 = vector.shape_cast %get3A_1437 : vector<1x1x16xf32> to vector<16xf32>
      %add3A_1439 = arith.addf %get3A_1438, %get3A_1391 : vector<16xf32>
      %swap3A_1440 = arith.constant 0 : i32
      %swap3A_1441 = arith.index_cast %swap3A_1440 : i32 to index
      %swap3A_1442 = arith.index_cast %scan3A_1376 : i32 to index
      %swap3A_1443 = arith.constant 48 : index
      %swap3A_1444 = tpu.vector_load %arg42[%swap3A_1441, %swap3A_1442, %swap3A_1443] {strides = array<i32>} : memref<2x200x64xf32, #tpu.memory_space<vmem>>, vector<1x1x16xf32>,
      %swap3A_1445 = vector.shape_cast %swap3A_1444 : vector<1x1x16xf32> to vector<16xf32>
      %swap3A_1446 = vector.shape_cast %add3A_1439 : vector<16xf32> to vector<1x1x16xf32>
      tpu.vector_store %arg42[%swap3A_1441, %swap3A_1442, %swap3A_1443], %swap3A_1446 {strides = array<i32>} : memref<2x200x64xf32, #tpu.memory_space<vmem>>, vector<1x1x16xf32>,
      %get3A_1447 = arith.constant 1 : i32
      %get3A_1448 = arith.index_cast %get3A_1447 : i32 to index
      %get3A_1449 = arith.index_cast %scan3A_1376 : i32 to index
      %get3A_1450 = arith.constant 0 : index
      %get3A_1451 = tpu.vector_load %arg42[%get3A_1448, %get3A_1449, %get3A_1450] {strides = array<i32>} : memref<2x200x64xf32, #tpu.memory_space<vmem>>, vector<1x1x16xf32>,
      %get3A_1452 = vector.shape_cast %get3A_1451 : vector<1x1x16xf32> to vector<16xf32>
      %add3A_1453 = arith.addf %get3A_1452, %get3A_1379 : vector<16xf32>
      %swap3A_1454 = arith.constant 1 : i32
      %swap3A_1455 = arith.index_cast %swap3A_1454 : i32 to index
      %swap3A_1456 = arith.index_cast %scan3A_1376 : i32 to index
      %swap3A_1457 = arith.constant 0 : index
      %swap3A_1458 = tpu.vector_load %arg42[%swap3A_1455, %swap3A_1456, %swap3A_1457] {strides = array<i32>} : memref<2x200x64xf32, #tpu.memory_space<vmem>>, vector<1x1x16xf32>,
      %swap3A_1459 = vector.shape_cast %swap3A_1458 : vector<1x1x16xf32> to vector<16xf32>
      %swap3A_1460 = vector.shape_cast %add3A_1453 : vector<16xf32> to vector<1x1x16xf32>
      tpu.vector_store %arg42[%swap3A_1455, %swap3A_1456, %swap3A_1457], %swap3A_1460 {strides = array<i32>} : memref<2x200x64xf32, #tpu.memory_space<vmem>>, vector<1x1x16xf32>,
      %get3A_1461 = arith.constant 1 : i32
      %get3A_1462 = arith.index_cast %get3A_1461 : i32 to index
      %get3A_1463 = arith.index_cast %scan3A_1376 : i32 to index
      %get3A_1464 = arith.constant 16 : index
      %get3A_1465 = tpu.vector_load %arg42[%get3A_1462, %get3A_1463, %get3A_1464] {strides = array<i32>} : memref<2x200x64xf32, #tpu.memory_space<vmem>>, vector<1x1x16xf32>,
      %get3A_1466 = vector.shape_cast %get3A_1465 : vector<1x1x16xf32> to vector<16xf32>
      %add3A_1467 = arith.addf %get3A_1466, %get3A_1383 : vector<16xf32>
      %swap3A_1468 = arith.constant 1 : i32
      %swap3A_1469 = arith.index_cast %swap3A_1468 : i32 to index
      %swap3A_1470 = arith.index_cast %scan3A_1376 : i32 to index
      %swap3A_1471 = arith.constant 16 : index
      %swap3A_1472 = tpu.vector_load %arg42[%swap3A_1469, %swap3A_1470, %swap3A_1471] {strides = array<i32>} : memref<2x200x64xf32, #tpu.memory_space<vmem>>, vector<1x1x16xf32>,
      %swap3A_1473 = vector.shape_cast %swap3A_1472 : vector<1x1x16xf32> to vector<16xf32>
      %swap3A_1474 = vector.shape_cast %add3A_1467 : vector<16xf32> to vector<1x1x16xf32>
      tpu.vector_store %arg42[%swap3A_1469, %swap3A_1470, %swap3A_1471], %swap3A_1474 {strides = array<i32>} : memref<2x200x64xf32, #tpu.memory_space<vmem>>, vector<1x1x16xf32>,
      %get3A_1475 = arith.constant 1 : i32
      %get3A_1476 = arith.index_cast %get3A_1475 : i32 to index
      %get3A_1477 = arith.index_cast %scan3A_1376 : i32 to index
      %get3A_1478 = arith.constant 32 : index
      %get3A_1479 = tpu.vector_load %arg42[%get3A_1476, %get3A_1477, %get3A_1478] {strides = array<i32>} : memref<2x200x64xf32, #tpu.memory_space<vmem>>, vector<1x1x16xf32>,
      %get3A_1480 = vector.shape_cast %get3A_1479 : vector<1x1x16xf32> to vector<16xf32>
      %add3A_1481 = arith.addf %get3A_1480, %get3A_1387 : vector<16xf32>
      %swap3A_1482 = arith.constant 1 : i32
      %swap3A_1483 = arith.index_cast %swap3A_1482 : i32 to index
      %swap3A_1484 = arith.index_cast %scan3A_1376 : i32 to index
      %swap3A_1485 = arith.constant 32 : index
      %swap3A_1486 = tpu.vector_load %arg42[%swap3A_1483, %swap3A_1484, %swap3A_1485] {strides = array<i32>} : memref<2x200x64xf32, #tpu.memory_space<vmem>>, vector<1x1x16xf32>,
      %swap3A_1487 = vector.shape_cast %swap3A_1486 : vector<1x1x16xf32> to vector<16xf32>
      %swap3A_1488 = vector.shape_cast %add3A_1481 : vector<16xf32> to vector<1x1x16xf32>
      tpu.vector_store %arg42[%swap3A_1483, %swap3A_1484, %swap3A_1485], %swap3A_1488 {strides = array<i32>} : memref<2x200x64xf32, #tpu.memory_space<vmem>>, vector<1x1x16xf32>,
      %get3A_1489 = arith.constant 1 : i32
      %get3A_1490 = arith.index_cast %get3A_1489 : i32 to index
      %get3A_1491 = arith.index_cast %scan3A_1376 : i32 to index
      %get3A_1492 = arith.constant 48 : index
      %get3A_1493 = tpu.vector_load %arg42[%get3A_1490, %get3A_1491, %get3A_1492] {strides = array<i32>} : memref<2x200x64xf32, #tpu.memory_space<vmem>>, vector<1x1x16xf32>,
      %get3A_1494 = vector.shape_cast %get3A_1493 : vector<1x1x16xf32> to vector<16xf32>
      %add3A_1495 = arith.addf %get3A_1494, %get3A_1391 : vector<16xf32>
      %swap3A_1496 = arith.constant 1 : i32
      %swap3A_1497 = arith.index_cast %swap3A_1496 : i32 to index
      %swap3A_1498 = arith.index_cast %scan3A_1376 : i32 to index
      %swap3A_1499 = arith.constant 48 : index
      %swap3A_1500 = tpu.vector_load %arg42[%swap3A_1497, %swap3A_1498, %swap3A_1499] {strides = array<i32>} : memref<2x200x64xf32, #tpu.memory_space<vmem>>, vector<1x1x16xf32>,
      %swap3A_1501 = vector.shape_cast %swap3A_1500 : vector<1x1x16xf32> to vector<16xf32>
      %swap3A_1502 = vector.shape_cast %add3A_1495 : vector<16xf32> to vector<1x1x16xf32>
      tpu.vector_store %arg42[%swap3A_1497, %swap3A_1498, %swap3A_1499], %swap3A_1502 {strides = array<i32>} : memref<2x200x64xf32, #tpu.memory_space<vmem>>, vector<1x1x16xf32>,
    }
    %scan3A_927 = arith.constant 200 : i32
    %add3A_928 = arith.constant 14 : i32
    %add3A_929 = arith.addi %mul3A_2, %add3A_928 : i32
    %dma_start3A_930 = arith.constant 0 : i32
    %dma_start3A_931 = arith.constant 0 : i32
    %dma_start3A_932 = tpu.memref_slice %arg5[%add3A_929, %dma_start3A_930, %dma_start3A_931] : memref<1024x200x128xf32, #tpu.memory_space<hbm>> -> memref<2x200x64xf32, #tpu.memory_space<hbm>>
    %dma_start3A_933 = arith.constant 0 : i32
    %dma_start3A_934 = arith.constant 0 : i32
    %dma_start3A_935 = tpu.memref_slice %arg5[%add3A_929, %dma_start3A_933, %dma_start3A_934] : memref<1024x200x128xf32, #tpu.memory_space<hbm>> -> memref<2x200x64xf32, #tpu.memory_space<hbm>>
    tpu.enqueue_dma source(%arg42 : memref<2x200x64xf32, #tpu.memory_space<vmem>>) target(%dma_start3A_935 : memref<2x200x64xf32, #tpu.memory_space<hbm>>) target_semaphore(%arg50 : memref<!tpu.dma_semaphore, #tpu.memory_space<semaphore_mem>>)
    %add3A_936 = arith.constant 10 : i32
    %add3A_937 = arith.addi %mul3A_2, %add3A_936 : i32
    %dma_wait3A_938 = arith.constant 0 : i32
    %dma_wait3A_939 = arith.constant 0 : i32
    %dma_wait3A_940 = tpu.memref_slice %arg5[%add3A_937, %dma_wait3A_938, %dma_wait3A_939] : memref<1024x200x128xf32, #tpu.memory_space<hbm>> -> memref<2x200x64xf32, #tpu.memory_space<hbm>>
    %dma_wait3A_941 = arith.constant 0 : i32
    %dma_wait3A_942 = arith.constant 0 : i32
    %dma_wait3A_943 = tpu.memref_slice %arg5[%add3A_937, %dma_wait3A_941, %dma_wait3A_942] : memref<1024x200x128xf32, #tpu.memory_space<hbm>> -> memref<2x200x64xf32, #tpu.memory_space<hbm>>
    tpu.wait_dma2 semaphore(%arg48 : memref<!tpu.dma_semaphore, #tpu.memory_space<semaphore_mem>>) src(%arg40 : memref<2x200x64xf32, #tpu.memory_space<vmem>>) dst(%dma_wait3A_943 : memref<2x200x64xf32, #tpu.memory_space<hbm>>)
    %dma_start3A_944 = arith.constant 0 : i32
    %dma_start3A_945 = arith.constant 0 : i32
    %dma_start3A_946 = arith.constant 0 : i32
    %dma_start3A_947 = tpu.memref_slice %arg40[%dma_start3A_944, %dma_start3A_945, %dma_start3A_946] : memref<2x200x64xf32, #tpu.memory_space<vmem>> -> memref<1x200x64xf32, #tpu.memory_space<vmem>>
    %dma_start3A_948 = tpu.memref_squeeze %dma_start3A_947 : memref<1x200x64xf32, #tpu.memory_space<vmem>> -> memref<200x64xf32, #tpu.memory_space<vmem>>
    %dma_start3A_949 = arith.constant 0 : i32
    %dma_start3A_950 = arith.constant 0 : i32
    %dma_start3A_951 = tpu.memref_slice %arg3[%dma_start3A_949, %dma_start3A_950] : memref<100000x64xf32, #tpu.memory_space<hbm>> -> memref<100000x64xf32, #tpu.memory_space<hbm>>
    tpu.enqueue_indirect_dma source(%dma_start3A_951 : memref<100000x64xf32, #tpu.memory_space<hbm>>) target(%dma_start3A_948 : memref<200x64xf32, #tpu.memory_space<vmem>>) offsets(%arg24 : memref<200xi32, #tpu.memory_space<vmem>>) semaphore(%arg44 : memref<!tpu.dma_semaphore, #tpu.memory_space<semaphore_mem>>)
    %dma_start3A_952 = arith.constant 1 : i32
    %dma_start3A_953 = arith.constant 0 : i32
    %dma_start3A_954 = arith.constant 0 : i32
    %dma_start3A_955 = tpu.memref_slice %arg40[%dma_start3A_952, %dma_start3A_953, %dma_start3A_954] : memref<2x200x64xf32, #tpu.memory_space<vmem>> -> memref<1x200x64xf32, #tpu.memory_space<vmem>>
    %dma_start3A_956 = tpu.memref_squeeze %dma_start3A_955 : memref<1x200x64xf32, #tpu.memory_space<vmem>> -> memref<200x64xf32, #tpu.memory_space<vmem>>
    %dma_start3A_957 = arith.constant 0 : i32
    %dma_start3A_958 = arith.constant 0 : i32
    %dma_start3A_959 = tpu.memref_slice %arg3[%dma_start3A_957, %dma_start3A_958] : memref<100000x64xf32, #tpu.memory_space<hbm>> -> memref<100000x64xf32, #tpu.memory_space<hbm>>
    tpu.enqueue_indirect_dma source(%dma_start3A_959 : memref<100000x64xf32, #tpu.memory_space<hbm>>) target(%dma_start3A_956 : memref<200x64xf32, #tpu.memory_space<vmem>>) offsets(%arg25 : memref<200xi32, #tpu.memory_space<vmem>>) semaphore(%arg44 : memref<!tpu.dma_semaphore, #tpu.memory_space<semaphore_mem>>)
    %dma_wait3A_960 = arith.constant 0 : i32
    %dma_wait3A_961 = arith.constant 0 : i32
    %dma_wait3A_962 = arith.constant 0 : i32
    %dma_wait3A_963 = tpu.memref_slice %arg39[%dma_wait3A_960, %dma_wait3A_961, %dma_wait3A_962] : memref<2x200x64xf32, #tpu.memory_space<vmem>> -> memref<1x200x64xf32, #tpu.memory_space<vmem>>
    %dma_wait3A_964 = tpu.memref_squeeze %dma_wait3A_963 : memref<1x200x64xf32, #tpu.memory_space<vmem>> -> memref<200x64xf32, #tpu.memory_space<vmem>>
    %dma_wait3A_965 = arith.constant 0 : i32
    %dma_wait3A_966 = arith.constant 0 : i32
    %dma_wait3A_967 = tpu.memref_slice %arg3[%dma_wait3A_965, %dma_wait3A_966] : memref<100000x64xf32, #tpu.memory_space<hbm>> -> memref<100000x64xf32, #tpu.memory_space<hbm>>
    tpu.wait_indirect_dma semaphore(%arg43 : memref<!tpu.dma_semaphore, #tpu.memory_space<semaphore_mem>>) src(%dma_wait3A_967 : memref<100000x64xf32, #tpu.memory_space<hbm>>) dst(%dma_wait3A_964 : memref<200x64xf32, #tpu.memory_space<vmem>>)
    %dma_wait3A_968 = arith.constant 1 : i32
    %dma_wait3A_969 = arith.constant 0 : i32
    %dma_wait3A_970 = arith.constant 0 : i32
    %dma_wait3A_971 = tpu.memref_slice %arg39[%dma_wait3A_968, %dma_wait3A_969, %dma_wait3A_970] : memref<2x200x64xf32, #tpu.memory_space<vmem>> -> memref<1x200x64xf32, #tpu.memory_space<vmem>>
    %dma_wait3A_972 = tpu.memref_squeeze %dma_wait3A_971 : memref<1x200x64xf32, #tpu.memory_space<vmem>> -> memref<200x64xf32, #tpu.memory_space<vmem>>
    %dma_wait3A_973 = arith.constant 0 : i32
    %dma_wait3A_974 = arith.constant 0 : i32
    %dma_wait3A_975 = tpu.memref_slice %arg3[%dma_wait3A_973, %dma_wait3A_974] : memref<100000x64xf32, #tpu.memory_space<hbm>> -> memref<100000x64xf32, #tpu.memory_space<hbm>>
    tpu.wait_indirect_dma semaphore(%arg43 : memref<!tpu.dma_semaphore, #tpu.memory_space<semaphore_mem>>) src(%dma_wait3A_975 : memref<100000x64xf32, #tpu.memory_space<hbm>>) dst(%dma_wait3A_972 : memref<200x64xf32, #tpu.memory_space<vmem>>)
    %scan3A_976 = arith.constant 0 : i32
    %scan3A_977 = arith.constant 0 : i32
    %scan3A_978 = arith.constant 200 : i32
    %scan3A_979 = arith.addi %scan3A_977, %scan3A_978 : i32
    %scan3A_980 = arith.constant 1 : i32
    scf.for %scan3A_1376 = %scan3A_977 to %scan3A_979 step %scan3A_980  : i32 {
      %get3A = arith.index_cast %scan3A_1376 : i32 to index
      %get3A_1377 = arith.constant 0 : index
      %get3A_1378 = tpu.vector_load %arg38[%get3A, %get3A_1377] {strides = array<i32>} : memref<200x64xf32, #tpu.memory_space<vmem>>, vector<1x16xf32>,
      %get3A_1379 = vector.shape_cast %get3A_1378 : vector<1x16xf32> to vector<16xf32>
      %get3A_1380 = arith.index_cast %scan3A_1376 : i32 to index
      %get3A_1381 = arith.constant 16 : index
      %get3A_1382 = tpu.vector_load %arg38[%get3A_1380, %get3A_1381] {strides = array<i32>} : memref<200x64xf32, #tpu.memory_space<vmem>>, vector<1x16xf32>,
      %get3A_1383 = vector.shape_cast %get3A_1382 : vector<1x16xf32> to vector<16xf32>
      %get3A_1384 = arith.index_cast %scan3A_1376 : i32 to index
      %get3A_1385 = arith.constant 32 : index
      %get3A_1386 = tpu.vector_load %arg38[%get3A_1384, %get3A_1385] {strides = array<i32>} : memref<200x64xf32, #tpu.memory_space<vmem>>, vector<1x16xf32>,
      %get3A_1387 = vector.shape_cast %get3A_1386 : vector<1x16xf32> to vector<16xf32>
      %get3A_1388 = arith.index_cast %scan3A_1376 : i32 to index
      %get3A_1389 = arith.constant 48 : index
      %get3A_1390 = tpu.vector_load %arg38[%get3A_1388, %get3A_1389] {strides = array<i32>} : memref<200x64xf32, #tpu.memory_space<vmem>>, vector<1x16xf32>,
      %get3A_1391 = vector.shape_cast %get3A_1390 : vector<1x16xf32> to vector<16xf32>
      %get3A_1392 = arith.constant 0 : i32
      %get3A_1393 = arith.index_cast %get3A_1392 : i32 to index
      %get3A_1394 = arith.index_cast %scan3A_1376 : i32 to index
      %get3A_1395 = arith.constant 0 : index
      %get3A_1396 = tpu.vector_load %arg39[%get3A_1393, %get3A_1394, %get3A_1395] {strides = array<i32>} : memref<2x200x64xf32, #tpu.memory_space<vmem>>, vector<1x1x16xf32>,
      %get3A_1397 = vector.shape_cast %get3A_1396 : vector<1x1x16xf32> to vector<16xf32>
      %add3A_1398 = arith.addf %get3A_1397, %get3A_1379 : vector<16xf32>
      %swap3A = arith.constant 0 : i32
      %swap3A_1399 = arith.index_cast %swap3A : i32 to index
      %swap3A_1400 = arith.index_cast %scan3A_1376 : i32 to index
      %swap3A_1401 = arith.constant 0 : index
      %swap3A_1402 = tpu.vector_load %arg39[%swap3A_1399, %swap3A_1400, %swap3A_1401] {strides = array<i32>} : memref<2x200x64xf32, #tpu.memory_space<vmem>>, vector<1x1x16xf32>,
      %swap3A_1403 = vector.shape_cast %swap3A_1402 : vector<1x1x16xf32> to vector<16xf32>
      %swap3A_1404 = vector.shape_cast %add3A_1398 : vector<16xf32> to vector<1x1x16xf32>
      tpu.vector_store %arg39[%swap3A_1399, %swap3A_1400, %swap3A_1401], %swap3A_1404 {strides = array<i32>} : memref<2x200x64xf32, #tpu.memory_space<vmem>>, vector<1x1x16xf32>,
      %get3A_1405 = arith.constant 0 : i32
      %get3A_1406 = arith.index_cast %get3A_1405 : i32 to index
      %get3A_1407 = arith.index_cast %scan3A_1376 : i32 to index
      %get3A_1408 = arith.constant 16 : index
      %get3A_1409 = tpu.vector_load %arg39[%get3A_1406, %get3A_1407, %get3A_1408] {strides = array<i32>} : memref<2x200x64xf32, #tpu.memory_space<vmem>>, vector<1x1x16xf32>,
      %get3A_1410 = vector.shape_cast %get3A_1409 : vector<1x1x16xf32> to vector<16xf32>
      %add3A_1411 = arith.addf %get3A_1410, %get3A_1383 : vector<16xf32>
      %swap3A_1412 = arith.constant 0 : i32
      %swap3A_1413 = arith.index_cast %swap3A_1412 : i32 to index
      %swap3A_1414 = arith.index_cast %scan3A_1376 : i32 to index
      %swap3A_1415 = arith.constant 16 : index
      %swap3A_1416 = tpu.vector_load %arg39[%swap3A_1413, %swap3A_1414, %swap3A_1415] {strides = array<i32>} : memref<2x200x64xf32, #tpu.memory_space<vmem>>, vector<1x1x16xf32>,
      %swap3A_1417 = vector.shape_cast %swap3A_1416 : vector<1x1x16xf32> to vector<16xf32>
      %swap3A_1418 = vector.shape_cast %add3A_1411 : vector<16xf32> to vector<1x1x16xf32>
      tpu.vector_store %arg39[%swap3A_1413, %swap3A_1414, %swap3A_1415], %swap3A_1418 {strides = array<i32>} : memref<2x200x64xf32, #tpu.memory_space<vmem>>, vector<1x1x16xf32>,
      %get3A_1419 = arith.constant 0 : i32
      %get3A_1420 = arith.index_cast %get3A_1419 : i32 to index
      %get3A_1421 = arith.index_cast %scan3A_1376 : i32 to index
      %get3A_1422 = arith.constant 32 : index
      %get3A_1423 = tpu.vector_load %arg39[%get3A_1420, %get3A_1421, %get3A_1422] {strides = array<i32>} : memref<2x200x64xf32, #tpu.memory_space<vmem>>, vector<1x1x16xf32>,
      %get3A_1424 = vector.shape_cast %get3A_1423 : vector<1x1x16xf32> to vector<16xf32>
      %add3A_1425 = arith.addf %get3A_1424, %get3A_1387 : vector<16xf32>
      %swap3A_1426 = arith.constant 0 : i32
      %swap3A_1427 = arith.index_cast %swap3A_1426 : i32 to index
      %swap3A_1428 = arith.index_cast %scan3A_1376 : i32 to index
      %swap3A_1429 = arith.constant 32 : index
      %swap3A_1430 = tpu.vector_load %arg39[%swap3A_1427, %swap3A_1428, %swap3A_1429] {strides = array<i32>} : memref<2x200x64xf32, #tpu.memory_space<vmem>>, vector<1x1x16xf32>,
      %swap3A_1431 = vector.shape_cast %swap3A_1430 : vector<1x1x16xf32> to vector<16xf32>
      %swap3A_1432 = vector.shape_cast %add3A_1425 : vector<16xf32> to vector<1x1x16xf32>
      tpu.vector_store %arg39[%swap3A_1427, %swap3A_1428, %swap3A_1429], %swap3A_1432 {strides = array<i32>} : memref<2x200x64xf32, #tpu.memory_space<vmem>>, vector<1x1x16xf32>,
      %get3A_1433 = arith.constant 0 : i32
      %get3A_1434 = arith.index_cast %get3A_1433 : i32 to index
      %get3A_1435 = arith.index_cast %scan3A_1376 : i32 to index
      %get3A_1436 = arith.constant 48 : index
      %get3A_1437 = tpu.vector_load %arg39[%get3A_1434, %get3A_1435, %get3A_1436] {strides = array<i32>} : memref<2x200x64xf32, #tpu.memory_space<vmem>>, vector<1x1x16xf32>,
      %get3A_1438 = vector.shape_cast %get3A_1437 : vector<1x1x16xf32> to vector<16xf32>
      %add3A_1439 = arith.addf %get3A_1438, %get3A_1391 : vector<16xf32>
      %swap3A_1440 = arith.constant 0 : i32
      %swap3A_1441 = arith.index_cast %swap3A_1440 : i32 to index
      %swap3A_1442 = arith.index_cast %scan3A_1376 : i32 to index
      %swap3A_1443 = arith.constant 48 : index
      %swap3A_1444 = tpu.vector_load %arg39[%swap3A_1441, %swap3A_1442, %swap3A_1443] {strides = array<i32>} : memref<2x200x64xf32, #tpu.memory_space<vmem>>, vector<1x1x16xf32>,
      %swap3A_1445 = vector.shape_cast %swap3A_1444 : vector<1x1x16xf32> to vector<16xf32>
      %swap3A_1446 = vector.shape_cast %add3A_1439 : vector<16xf32> to vector<1x1x16xf32>
      tpu.vector_store %arg39[%swap3A_1441, %swap3A_1442, %swap3A_1443], %swap3A_1446 {strides = array<i32>} : memref<2x200x64xf32, #tpu.memory_space<vmem>>, vector<1x1x16xf32>,
      %get3A_1447 = arith.constant 1 : i32
      %get3A_1448 = arith.index_cast %get3A_1447 : i32 to index
      %get3A_1449 = arith.index_cast %scan3A_1376 : i32 to index
      %get3A_1450 = arith.constant 0 : index
      %get3A_1451 = tpu.vector_load %arg39[%get3A_1448, %get3A_1449, %get3A_1450] {strides = array<i32>} : memref<2x200x64xf32, #tpu.memory_space<vmem>>, vector<1x1x16xf32>,
      %get3A_1452 = vector.shape_cast %get3A_1451 : vector<1x1x16xf32> to vector<16xf32>
      %add3A_1453 = arith.addf %get3A_1452, %get3A_1379 : vector<16xf32>
      %swap3A_1454 = arith.constant 1 : i32
      %swap3A_1455 = arith.index_cast %swap3A_1454 : i32 to index
      %swap3A_1456 = arith.index_cast %scan3A_1376 : i32 to index
      %swap3A_1457 = arith.constant 0 : index
      %swap3A_1458 = tpu.vector_load %arg39[%swap3A_1455, %swap3A_1456, %swap3A_1457] {strides = array<i32>} : memref<2x200x64xf32, #tpu.memory_space<vmem>>, vector<1x1x16xf32>,
      %swap3A_1459 = vector.shape_cast %swap3A_1458 : vector<1x1x16xf32> to vector<16xf32>
      %swap3A_1460 = vector.shape_cast %add3A_1453 : vector<16xf32> to vector<1x1x16xf32>
      tpu.vector_store %arg39[%swap3A_1455, %swap3A_1456, %swap3A_1457], %swap3A_1460 {strides = array<i32>} : memref<2x200x64xf32, #tpu.memory_space<vmem>>, vector<1x1x16xf32>,
      %get3A_1461 = arith.constant 1 : i32
      %get3A_1462 = arith.index_cast %get3A_1461 : i32 to index
      %get3A_1463 = arith.index_cast %scan3A_1376 : i32 to index
      %get3A_1464 = arith.constant 16 : index
      %get3A_1465 = tpu.vector_load %arg39[%get3A_1462, %get3A_1463, %get3A_1464] {strides = array<i32>} : memref<2x200x64xf32, #tpu.memory_space<vmem>>, vector<1x1x16xf32>,
      %get3A_1466 = vector.shape_cast %get3A_1465 : vector<1x1x16xf32> to vector<16xf32>
      %add3A_1467 = arith.addf %get3A_1466, %get3A_1383 : vector<16xf32>
      %swap3A_1468 = arith.constant 1 : i32
      %swap3A_1469 = arith.index_cast %swap3A_1468 : i32 to index
      %swap3A_1470 = arith.index_cast %scan3A_1376 : i32 to index
      %swap3A_1471 = arith.constant 16 : index
      %swap3A_1472 = tpu.vector_load %arg39[%swap3A_1469, %swap3A_1470, %swap3A_1471] {strides = array<i32>} : memref<2x200x64xf32, #tpu.memory_space<vmem>>, vector<1x1x16xf32>,
      %swap3A_1473 = vector.shape_cast %swap3A_1472 : vector<1x1x16xf32> to vector<16xf32>
      %swap3A_1474 = vector.shape_cast %add3A_1467 : vector<16xf32> to vector<1x1x16xf32>
      tpu.vector_store %arg39[%swap3A_1469, %swap3A_1470, %swap3A_1471], %swap3A_1474 {strides = array<i32>} : memref<2x200x64xf32, #tpu.memory_space<vmem>>, vector<1x1x16xf32>,
      %get3A_1475 = arith.constant 1 : i32
      %get3A_1476 = arith.index_cast %get3A_1475 : i32 to index
      %get3A_1477 = arith.index_cast %scan3A_1376 : i32 to index
      %get3A_1478 = arith.constant 32 : index
      %get3A_1479 = tpu.vector_load %arg39[%get3A_1476, %get3A_1477, %get3A_1478] {strides = array<i32>} : memref<2x200x64xf32, #tpu.memory_space<vmem>>, vector<1x1x16xf32>,
      %get3A_1480 = vector.shape_cast %get3A_1479 : vector<1x1x16xf32> to vector<16xf32>
      %add3A_1481 = arith.addf %get3A_1480, %get3A_1387 : vector<16xf32>
      %swap3A_1482 = arith.constant 1 : i32
      %swap3A_1483 = arith.index_cast %swap3A_1482 : i32 to index
      %swap3A_1484 = arith.index_cast %scan3A_1376 : i32 to index
      %swap3A_1485 = arith.constant 32 : index
      %swap3A_1486 = tpu.vector_load %arg39[%swap3A_1483, %swap3A_1484, %swap3A_1485] {strides = array<i32>} : memref<2x200x64xf32, #tpu.memory_space<vmem>>, vector<1x1x16xf32>,
      %swap3A_1487 = vector.shape_cast %swap3A_1486 : vector<1x1x16xf32> to vector<16xf32>
      %swap3A_1488 = vector.shape_cast %add3A_1481 : vector<16xf32> to vector<1x1x16xf32>
      tpu.vector_store %arg39[%swap3A_1483, %swap3A_1484, %swap3A_1485], %swap3A_1488 {strides = array<i32>} : memref<2x200x64xf32, #tpu.memory_space<vmem>>, vector<1x1x16xf32>,
      %get3A_1489 = arith.constant 1 : i32
      %get3A_1490 = arith.index_cast %get3A_1489 : i32 to index
      %get3A_1491 = arith.index_cast %scan3A_1376 : i32 to index
      %get3A_1492 = arith.constant 48 : index
      %get3A_1493 = tpu.vector_load %arg39[%get3A_1490, %get3A_1491, %get3A_1492] {strides = array<i32>} : memref<2x200x64xf32, #tpu.memory_space<vmem>>, vector<1x1x16xf32>,
      %get3A_1494 = vector.shape_cast %get3A_1493 : vector<1x1x16xf32> to vector<16xf32>
      %add3A_1495 = arith.addf %get3A_1494, %get3A_1391 : vector<16xf32>
      %swap3A_1496 = arith.constant 1 : i32
      %swap3A_1497 = arith.index_cast %swap3A_1496 : i32 to index
      %swap3A_1498 = arith.index_cast %scan3A_1376 : i32 to index
      %swap3A_1499 = arith.constant 48 : index
      %swap3A_1500 = tpu.vector_load %arg39[%swap3A_1497, %swap3A_1498, %swap3A_1499] {strides = array<i32>} : memref<2x200x64xf32, #tpu.memory_space<vmem>>, vector<1x1x16xf32>,
      %swap3A_1501 = vector.shape_cast %swap3A_1500 : vector<1x1x16xf32> to vector<16xf32>
      %swap3A_1502 = vector.shape_cast %add3A_1495 : vector<16xf32> to vector<1x1x16xf32>
      tpu.vector_store %arg39[%swap3A_1497, %swap3A_1498, %swap3A_1499], %swap3A_1502 {strides = array<i32>} : memref<2x200x64xf32, #tpu.memory_space<vmem>>, vector<1x1x16xf32>,
    }
    %scan3A_981 = arith.constant 200 : i32
    %add3A_982 = arith.constant 16 : i32
    %add3A_983 = arith.addi %mul3A_2, %add3A_982 : i32
    %dma_start3A_984 = arith.constant 0 : i32
    %dma_start3A_985 = arith.constant 0 : i32
    %dma_start3A_986 = tpu.memref_slice %arg5[%add3A_983, %dma_start3A_984, %dma_start3A_985] : memref<1024x200x128xf32, #tpu.memory_space<hbm>> -> memref<2x200x64xf32, #tpu.memory_space<hbm>>
    %dma_start3A_987 = arith.constant 0 : i32
    %dma_start3A_988 = arith.constant 0 : i32
    %dma_start3A_989 = tpu.memref_slice %arg5[%add3A_983, %dma_start3A_987, %dma_start3A_988] : memref<1024x200x128xf32, #tpu.memory_space<hbm>> -> memref<2x200x64xf32, #tpu.memory_space<hbm>>
    tpu.enqueue_dma source(%arg39 : memref<2x200x64xf32, #tpu.memory_space<vmem>>) target(%dma_start3A_989 : memref<2x200x64xf32, #tpu.memory_space<hbm>>) target_semaphore(%arg47 : memref<!tpu.dma_semaphore, #tpu.memory_space<semaphore_mem>>)
    %add3A_990 = arith.constant 12 : i32
    %add3A_991 = arith.addi %mul3A_2, %add3A_990 : i32
    %dma_wait3A_992 = arith.constant 0 : i32
    %dma_wait3A_993 = arith.constant 0 : i32
    %dma_wait3A_994 = tpu.memref_slice %arg5[%add3A_991, %dma_wait3A_992, %dma_wait3A_993] : memref<1024x200x128xf32, #tpu.memory_space<hbm>> -> memref<2x200x64xf32, #tpu.memory_space<hbm>>
    %dma_wait3A_995 = arith.constant 0 : i32
    %dma_wait3A_996 = arith.constant 0 : i32
    %dma_wait3A_997 = tpu.memref_slice %arg5[%add3A_991, %dma_wait3A_995, %dma_wait3A_996] : memref<1024x200x128xf32, #tpu.memory_space<hbm>> -> memref<2x200x64xf32, #tpu.memory_space<hbm>>
    tpu.wait_dma2 semaphore(%arg49 : memref<!tpu.dma_semaphore, #tpu.memory_space<semaphore_mem>>) src(%arg41 : memref<2x200x64xf32, #tpu.memory_space<vmem>>) dst(%dma_wait3A_997 : memref<2x200x64xf32, #tpu.memory_space<hbm>>)
    %dma_start3A_998 = arith.constant 0 : i32
    %dma_start3A_999 = arith.constant 0 : i32
    %dma_start3A_1000 = arith.constant 0 : i32
    %dma_start3A_1001 = tpu.memref_slice %arg41[%dma_start3A_998, %dma_start3A_999, %dma_start3A_1000] : memref<2x200x64xf32, #tpu.memory_space<vmem>> -> memref<1x200x64xf32, #tpu.memory_space<vmem>>
    %dma_start3A_1002 = tpu.memref_squeeze %dma_start3A_1001 : memref<1x200x64xf32, #tpu.memory_space<vmem>> -> memref<200x64xf32, #tpu.memory_space<vmem>>
    %dma_start3A_1003 = arith.constant 0 : i32
    %dma_start3A_1004 = arith.constant 0 : i32
    %dma_start3A_1005 = tpu.memref_slice %arg3[%dma_start3A_1003, %dma_start3A_1004] : memref<100000x64xf32, #tpu.memory_space<hbm>> -> memref<100000x64xf32, #tpu.memory_space<hbm>>
    tpu.enqueue_indirect_dma source(%dma_start3A_1005 : memref<100000x64xf32, #tpu.memory_space<hbm>>) target(%dma_start3A_1002 : memref<200x64xf32, #tpu.memory_space<vmem>>) offsets(%arg26 : memref<200xi32, #tpu.memory_space<vmem>>) semaphore(%arg45 : memref<!tpu.dma_semaphore, #tpu.memory_space<semaphore_mem>>)
    %dma_start3A_1006 = arith.constant 1 : i32
    %dma_start3A_1007 = arith.constant 0 : i32
    %dma_start3A_1008 = arith.constant 0 : i32
    %dma_start3A_1009 = tpu.memref_slice %arg41[%dma_start3A_1006, %dma_start3A_1007, %dma_start3A_1008] : memref<2x200x64xf32, #tpu.memory_space<vmem>> -> memref<1x200x64xf32, #tpu.memory_space<vmem>>
    %dma_start3A_1010 = tpu.memref_squeeze %dma_start3A_1009 : memref<1x200x64xf32, #tpu.memory_space<vmem>> -> memref<200x64xf32, #tpu.memory_space<vmem>>
    %dma_start3A_1011 = arith.constant 0 : i32
    %dma_start3A_1012 = arith.constant 0 : i32
    %dma_start3A_1013 = tpu.memref_slice %arg3[%dma_start3A_1011, %dma_start3A_1012] : memref<100000x64xf32, #tpu.memory_space<hbm>> -> memref<100000x64xf32, #tpu.memory_space<hbm>>
    tpu.enqueue_indirect_dma source(%dma_start3A_1013 : memref<100000x64xf32, #tpu.memory_space<hbm>>) target(%dma_start3A_1010 : memref<200x64xf32, #tpu.memory_space<vmem>>) offsets(%arg27 : memref<200xi32, #tpu.memory_space<vmem>>) semaphore(%arg45 : memref<!tpu.dma_semaphore, #tpu.memory_space<semaphore_mem>>)
    %dma_wait3A_1014 = arith.constant 0 : i32
    %dma_wait3A_1015 = arith.constant 0 : i32
    %dma_wait3A_1016 = arith.constant 0 : i32
    %dma_wait3A_1017 = tpu.memref_slice %arg40[%dma_wait3A_1014, %dma_wait3A_1015, %dma_wait3A_1016] : memref<2x200x64xf32, #tpu.memory_space<vmem>> -> memref<1x200x64xf32, #tpu.memory_space<vmem>>
    %dma_wait3A_1018 = tpu.memref_squeeze %dma_wait3A_1017 : memref<1x200x64xf32, #tpu.memory_space<vmem>> -> memref<200x64xf32, #tpu.memory_space<vmem>>
    %dma_wait3A_1019 = arith.constant 0 : i32
    %dma_wait3A_1020 = arith.constant 0 : i32
    %dma_wait3A_1021 = tpu.memref_slice %arg3[%dma_wait3A_1019, %dma_wait3A_1020] : memref<100000x64xf32, #tpu.memory_space<hbm>> -> memref<100000x64xf32, #tpu.memory_space<hbm>>
    tpu.wait_indirect_dma semaphore(%arg44 : memref<!tpu.dma_semaphore, #tpu.memory_space<semaphore_mem>>) src(%dma_wait3A_1021 : memref<100000x64xf32, #tpu.memory_space<hbm>>) dst(%dma_wait3A_1018 : memref<200x64xf32, #tpu.memory_space<vmem>>)
    %dma_wait3A_1022 = arith.constant 1 : i32
    %dma_wait3A_1023 = arith.constant 0 : i32
    %dma_wait3A_1024 = arith.constant 0 : i32
    %dma_wait3A_1025 = tpu.memref_slice %arg40[%dma_wait3A_1022, %dma_wait3A_1023, %dma_wait3A_1024] : memref<2x200x64xf32, #tpu.memory_space<vmem>> -> memref<1x200x64xf32, #tpu.memory_space<vmem>>
    %dma_wait3A_1026 = tpu.memref_squeeze %dma_wait3A_1025 : memref<1x200x64xf32, #tpu.memory_space<vmem>> -> memref<200x64xf32, #tpu.memory_space<vmem>>
    %dma_wait3A_1027 = arith.constant 0 : i32
    %dma_wait3A_1028 = arith.constant 0 : i32
    %dma_wait3A_1029 = tpu.memref_slice %arg3[%dma_wait3A_1027, %dma_wait3A_1028] : memref<100000x64xf32, #tpu.memory_space<hbm>> -> memref<100000x64xf32, #tpu.memory_space<hbm>>
    tpu.wait_indirect_dma semaphore(%arg44 : memref<!tpu.dma_semaphore, #tpu.memory_space<semaphore_mem>>) src(%dma_wait3A_1029 : memref<100000x64xf32, #tpu.memory_space<hbm>>) dst(%dma_wait3A_1026 : memref<200x64xf32, #tpu.memory_space<vmem>>)
    %scan3A_1030 = arith.constant 0 : i32
    %scan3A_1031 = arith.constant 0 : i32
    %scan3A_1032 = arith.constant 200 : i32
    %scan3A_1033 = arith.addi %scan3A_1031, %scan3A_1032 : i32
    %scan3A_1034 = arith.constant 1 : i32
    scf.for %scan3A_1376 = %scan3A_1031 to %scan3A_1033 step %scan3A_1034  : i32 {
      %get3A = arith.index_cast %scan3A_1376 : i32 to index
      %get3A_1377 = arith.constant 0 : index
      %get3A_1378 = tpu.vector_load %arg38[%get3A, %get3A_1377] {strides = array<i32>} : memref<200x64xf32, #tpu.memory_space<vmem>>, vector<1x16xf32>,
      %get3A_1379 = vector.shape_cast %get3A_1378 : vector<1x16xf32> to vector<16xf32>
      %get3A_1380 = arith.index_cast %scan3A_1376 : i32 to index
      %get3A_1381 = arith.constant 16 : index
      %get3A_1382 = tpu.vector_load %arg38[%get3A_1380, %get3A_1381] {strides = array<i32>} : memref<200x64xf32, #tpu.memory_space<vmem>>, vector<1x16xf32>,
      %get3A_1383 = vector.shape_cast %get3A_1382 : vector<1x16xf32> to vector<16xf32>
      %get3A_1384 = arith.index_cast %scan3A_1376 : i32 to index
      %get3A_1385 = arith.constant 32 : index
      %get3A_1386 = tpu.vector_load %arg38[%get3A_1384, %get3A_1385] {strides = array<i32>} : memref<200x64xf32, #tpu.memory_space<vmem>>, vector<1x16xf32>,
      %get3A_1387 = vector.shape_cast %get3A_1386 : vector<1x16xf32> to vector<16xf32>
      %get3A_1388 = arith.index_cast %scan3A_1376 : i32 to index
      %get3A_1389 = arith.constant 48 : index
      %get3A_1390 = tpu.vector_load %arg38[%get3A_1388, %get3A_1389] {strides = array<i32>} : memref<200x64xf32, #tpu.memory_space<vmem>>, vector<1x16xf32>,
      %get3A_1391 = vector.shape_cast %get3A_1390 : vector<1x16xf32> to vector<16xf32>
      %get3A_1392 = arith.constant 0 : i32
      %get3A_1393 = arith.index_cast %get3A_1392 : i32 to index
      %get3A_1394 = arith.index_cast %scan3A_1376 : i32 to index
      %get3A_1395 = arith.constant 0 : index
      %get3A_1396 = tpu.vector_load %arg40[%get3A_1393, %get3A_1394, %get3A_1395] {strides = array<i32>} : memref<2x200x64xf32, #tpu.memory_space<vmem>>, vector<1x1x16xf32>,
      %get3A_1397 = vector.shape_cast %get3A_1396 : vector<1x1x16xf32> to vector<16xf32>
      %add3A_1398 = arith.addf %get3A_1397, %get3A_1379 : vector<16xf32>
      %swap3A = arith.constant 0 : i32
      %swap3A_1399 = arith.index_cast %swap3A : i32 to index
      %swap3A_1400 = arith.index_cast %scan3A_1376 : i32 to index
      %swap3A_1401 = arith.constant 0 : index
      %swap3A_1402 = tpu.vector_load %arg40[%swap3A_1399, %swap3A_1400, %swap3A_1401] {strides = array<i32>} : memref<2x200x64xf32, #tpu.memory_space<vmem>>, vector<1x1x16xf32>,
      %swap3A_1403 = vector.shape_cast %swap3A_1402 : vector<1x1x16xf32> to vector<16xf32>
      %swap3A_1404 = vector.shape_cast %add3A_1398 : vector<16xf32> to vector<1x1x16xf32>
      tpu.vector_store %arg40[%swap3A_1399, %swap3A_1400, %swap3A_1401], %swap3A_1404 {strides = array<i32>} : memref<2x200x64xf32, #tpu.memory_space<vmem>>, vector<1x1x16xf32>,
      %get3A_1405 = arith.constant 0 : i32
      %get3A_1406 = arith.index_cast %get3A_1405 : i32 to index
      %get3A_1407 = arith.index_cast %scan3A_1376 : i32 to index
      %get3A_1408 = arith.constant 16 : index
      %get3A_1409 = tpu.vector_load %arg40[%get3A_1406, %get3A_1407, %get3A_1408] {strides = array<i32>} : memref<2x200x64xf32, #tpu.memory_space<vmem>>, vector<1x1x16xf32>,
      %get3A_1410 = vector.shape_cast %get3A_1409 : vector<1x1x16xf32> to vector<16xf32>
      %add3A_1411 = arith.addf %get3A_1410, %get3A_1383 : vector<16xf32>
      %swap3A_1412 = arith.constant 0 : i32
      %swap3A_1413 = arith.index_cast %swap3A_1412 : i32 to index
      %swap3A_1414 = arith.index_cast %scan3A_1376 : i32 to index
      %swap3A_1415 = arith.constant 16 : index
      %swap3A_1416 = tpu.vector_load %arg40[%swap3A_1413, %swap3A_1414, %swap3A_1415] {strides = array<i32>} : memref<2x200x64xf32, #tpu.memory_space<vmem>>, vector<1x1x16xf32>,
      %swap3A_1417 = vector.shape_cast %swap3A_1416 : vector<1x1x16xf32> to vector<16xf32>
      %swap3A_1418 = vector.shape_cast %add3A_1411 : vector<16xf32> to vector<1x1x16xf32>
      tpu.vector_store %arg40[%swap3A_1413, %swap3A_1414, %swap3A_1415], %swap3A_1418 {strides = array<i32>} : memref<2x200x64xf32, #tpu.memory_space<vmem>>, vector<1x1x16xf32>,
      %get3A_1419 = arith.constant 0 : i32
      %get3A_1420 = arith.index_cast %get3A_1419 : i32 to index
      %get3A_1421 = arith.index_cast %scan3A_1376 : i32 to index
      %get3A_1422 = arith.constant 32 : index
      %get3A_1423 = tpu.vector_load %arg40[%get3A_1420, %get3A_1421, %get3A_1422] {strides = array<i32>} : memref<2x200x64xf32, #tpu.memory_space<vmem>>, vector<1x1x16xf32>,
      %get3A_1424 = vector.shape_cast %get3A_1423 : vector<1x1x16xf32> to vector<16xf32>
      %add3A_1425 = arith.addf %get3A_1424, %get3A_1387 : vector<16xf32>
      %swap3A_1426 = arith.constant 0 : i32
      %swap3A_1427 = arith.index_cast %swap3A_1426 : i32 to index
      %swap3A_1428 = arith.index_cast %scan3A_1376 : i32 to index
      %swap3A_1429 = arith.constant 32 : index
      %swap3A_1430 = tpu.vector_load %arg40[%swap3A_1427, %swap3A_1428, %swap3A_1429] {strides = array<i32>} : memref<2x200x64xf32, #tpu.memory_space<vmem>>, vector<1x1x16xf32>,
      %swap3A_1431 = vector.shape_cast %swap3A_1430 : vector<1x1x16xf32> to vector<16xf32>
      %swap3A_1432 = vector.shape_cast %add3A_1425 : vector<16xf32> to vector<1x1x16xf32>
      tpu.vector_store %arg40[%swap3A_1427, %swap3A_1428, %swap3A_1429], %swap3A_1432 {strides = array<i32>} : memref<2x200x64xf32, #tpu.memory_space<vmem>>, vector<1x1x16xf32>,
      %get3A_1433 = arith.constant 0 : i32
      %get3A_1434 = arith.index_cast %get3A_1433 : i32 to index
      %get3A_1435 = arith.index_cast %scan3A_1376 : i32 to index
      %get3A_1436 = arith.constant 48 : index
      %get3A_1437 = tpu.vector_load %arg40[%get3A_1434, %get3A_1435, %get3A_1436] {strides = array<i32>} : memref<2x200x64xf32, #tpu.memory_space<vmem>>, vector<1x1x16xf32>,
      %get3A_1438 = vector.shape_cast %get3A_1437 : vector<1x1x16xf32> to vector<16xf32>
      %add3A_1439 = arith.addf %get3A_1438, %get3A_1391 : vector<16xf32>
      %swap3A_1440 = arith.constant 0 : i32
      %swap3A_1441 = arith.index_cast %swap3A_1440 : i32 to index
      %swap3A_1442 = arith.index_cast %scan3A_1376 : i32 to index
      %swap3A_1443 = arith.constant 48 : index
      %swap3A_1444 = tpu.vector_load %arg40[%swap3A_1441, %swap3A_1442, %swap3A_1443] {strides = array<i32>} : memref<2x200x64xf32, #tpu.memory_space<vmem>>, vector<1x1x16xf32>,
      %swap3A_1445 = vector.shape_cast %swap3A_1444 : vector<1x1x16xf32> to vector<16xf32>
      %swap3A_1446 = vector.shape_cast %add3A_1439 : vector<16xf32> to vector<1x1x16xf32>
      tpu.vector_store %arg40[%swap3A_1441, %swap3A_1442, %swap3A_1443], %swap3A_1446 {strides = array<i32>} : memref<2x200x64xf32, #tpu.memory_space<vmem>>, vector<1x1x16xf32>,
      %get3A_1447 = arith.constant 1 : i32
      %get3A_1448 = arith.index_cast %get3A_1447 : i32 to index
      %get3A_1449 = arith.index_cast %scan3A_1376 : i32 to index
      %get3A_1450 = arith.constant 0 : index
      %get3A_1451 = tpu.vector_load %arg40[%get3A_1448, %get3A_1449, %get3A_1450] {strides = array<i32>} : memref<2x200x64xf32, #tpu.memory_space<vmem>>, vector<1x1x16xf32>,
      %get3A_1452 = vector.shape_cast %get3A_1451 : vector<1x1x16xf32> to vector<16xf32>
      %add3A_1453 = arith.addf %get3A_1452, %get3A_1379 : vector<16xf32>
      %swap3A_1454 = arith.constant 1 : i32
      %swap3A_1455 = arith.index_cast %swap3A_1454 : i32 to index
      %swap3A_1456 = arith.index_cast %scan3A_1376 : i32 to index
      %swap3A_1457 = arith.constant 0 : index
      %swap3A_1458 = tpu.vector_load %arg40[%swap3A_1455, %swap3A_1456, %swap3A_1457] {strides = array<i32>} : memref<2x200x64xf32, #tpu.memory_space<vmem>>, vector<1x1x16xf32>,
      %swap3A_1459 = vector.shape_cast %swap3A_1458 : vector<1x1x16xf32> to vector<16xf32>
      %swap3A_1460 = vector.shape_cast %add3A_1453 : vector<16xf32> to vector<1x1x16xf32>
      tpu.vector_store %arg40[%swap3A_1455, %swap3A_1456, %swap3A_1457], %swap3A_1460 {strides = array<i32>} : memref<2x200x64xf32, #tpu.memory_space<vmem>>, vector<1x1x16xf32>,
      %get3A_1461 = arith.constant 1 : i32
      %get3A_1462 = arith.index_cast %get3A_1461 : i32 to index
      %get3A_1463 = arith.index_cast %scan3A_1376 : i32 to index
      %get3A_1464 = arith.constant 16 : index
      %get3A_1465 = tpu.vector_load %arg40[%get3A_1462, %get3A_1463, %get3A_1464] {strides = array<i32>} : memref<2x200x64xf32, #tpu.memory_space<vmem>>, vector<1x1x16xf32>,
      %get3A_1466 = vector.shape_cast %get3A_1465 : vector<1x1x16xf32> to vector<16xf32>
      %add3A_1467 = arith.addf %get3A_1466, %get3A_1383 : vector<16xf32>
      %swap3A_1468 = arith.constant 1 : i32
      %swap3A_1469 = arith.index_cast %swap3A_1468 : i32 to index
      %swap3A_1470 = arith.index_cast %scan3A_1376 : i32 to index
      %swap3A_1471 = arith.constant 16 : index
      %swap3A_1472 = tpu.vector_load %arg40[%swap3A_1469, %swap3A_1470, %swap3A_1471] {strides = array<i32>} : memref<2x200x64xf32, #tpu.memory_space<vmem>>, vector<1x1x16xf32>,
      %swap3A_1473 = vector.shape_cast %swap3A_1472 : vector<1x1x16xf32> to vector<16xf32>
      %swap3A_1474 = vector.shape_cast %add3A_1467 : vector<16xf32> to vector<1x1x16xf32>
      tpu.vector_store %arg40[%swap3A_1469, %swap3A_1470, %swap3A_1471], %swap3A_1474 {strides = array<i32>} : memref<2x200x64xf32, #tpu.memory_space<vmem>>, vector<1x1x16xf32>,
      %get3A_1475 = arith.constant 1 : i32
      %get3A_1476 = arith.index_cast %get3A_1475 : i32 to index
      %get3A_1477 = arith.index_cast %scan3A_1376 : i32 to index
      %get3A_1478 = arith.constant 32 : index
      %get3A_1479 = tpu.vector_load %arg40[%get3A_1476, %get3A_1477, %get3A_1478] {strides = array<i32>} : memref<2x200x64xf32, #tpu.memory_space<vmem>>, vector<1x1x16xf32>,
      %get3A_1480 = vector.shape_cast %get3A_1479 : vector<1x1x16xf32> to vector<16xf32>
      %add3A_1481 = arith.addf %get3A_1480, %get3A_1387 : vector<16xf32>
      %swap3A_1482 = arith.constant 1 : i32
      %swap3A_1483 = arith.index_cast %swap3A_1482 : i32 to index
      %swap3A_1484 = arith.index_cast %scan3A_1376 : i32 to index
      %swap3A_1485 = arith.constant 32 : index
      %swap3A_1486 = tpu.vector_load %arg40[%swap3A_1483, %swap3A_1484, %swap3A_1485] {strides = array<i32>} : memref<2x200x64xf32, #tpu.memory_space<vmem>>, vector<1x1x16xf32>,
      %swap3A_1487 = vector.shape_cast %swap3A_1486 : vector<1x1x16xf32> to vector<16xf32>
      %swap3A_1488 = vector.shape_cast %add3A_1481 : vector<16xf32> to vector<1x1x16xf32>
      tpu.vector_store %arg40[%swap3A_1483, %swap3A_1484, %swap3A_1485], %swap3A_1488 {strides = array<i32>} : memref<2x200x64xf32, #tpu.memory_space<vmem>>, vector<1x1x16xf32>,
      %get3A_1489 = arith.constant 1 : i32
      %get3A_1490 = arith.index_cast %get3A_1489 : i32 to index
      %get3A_1491 = arith.index_cast %scan3A_1376 : i32 to index
      %get3A_1492 = arith.constant 48 : index
      %get3A_1493 = tpu.vector_load %arg40[%get3A_1490, %get3A_1491, %get3A_1492] {strides = array<i32>} : memref<2x200x64xf32, #tpu.memory_space<vmem>>, vector<1x1x16xf32>,
      %get3A_1494 = vector.shape_cast %get3A_1493 : vector<1x1x16xf32> to vector<16xf32>
      %add3A_1495 = arith.addf %get3A_1494, %get3A_1391 : vector<16xf32>
      %swap3A_1496 = arith.constant 1 : i32
      %swap3A_1497 = arith.index_cast %swap3A_1496 : i32 to index
      %swap3A_1498 = arith.index_cast %scan3A_1376 : i32 to index
      %swap3A_1499 = arith.constant 48 : index
      %swap3A_1500 = tpu.vector_load %arg40[%swap3A_1497, %swap3A_1498, %swap3A_1499] {strides = array<i32>} : memref<2x200x64xf32, #tpu.memory_space<vmem>>, vector<1x1x16xf32>,
      %swap3A_1501 = vector.shape_cast %swap3A_1500 : vector<1x1x16xf32> to vector<16xf32>
      %swap3A_1502 = vector.shape_cast %add3A_1495 : vector<16xf32> to vector<1x1x16xf32>
      tpu.vector_store %arg40[%swap3A_1497, %swap3A_1498, %swap3A_1499], %swap3A_1502 {strides = array<i32>} : memref<2x200x64xf32, #tpu.memory_space<vmem>>, vector<1x1x16xf32>,
    }
    %scan3A_1035 = arith.constant 200 : i32
    %add3A_1036 = arith.constant 18 : i32
    %add3A_1037 = arith.addi %mul3A_2, %add3A_1036 : i32
    %dma_start3A_1038 = arith.constant 0 : i32
    %dma_start3A_1039 = arith.constant 0 : i32
    %dma_start3A_1040 = tpu.memref_slice %arg5[%add3A_1037, %dma_start3A_1038, %dma_start3A_1039] : memref<1024x200x128xf32, #tpu.memory_space<hbm>> -> memref<2x200x64xf32, #tpu.memory_space<hbm>>
    %dma_start3A_1041 = arith.constant 0 : i32
    %dma_start3A_1042 = arith.constant 0 : i32
    %dma_start3A_1043 = tpu.memref_slice %arg5[%add3A_1037, %dma_start3A_1041, %dma_start3A_1042] : memref<1024x200x128xf32, #tpu.memory_space<hbm>> -> memref<2x200x64xf32, #tpu.memory_space<hbm>>
    tpu.enqueue_dma source(%arg40 : memref<2x200x64xf32, #tpu.memory_space<vmem>>) target(%dma_start3A_1043 : memref<2x200x64xf32, #tpu.memory_space<hbm>>) target_semaphore(%arg48 : memref<!tpu.dma_semaphore, #tpu.memory_space<semaphore_mem>>)
    %add3A_1044 = arith.constant 14 : i32
    %add3A_1045 = arith.addi %mul3A_2, %add3A_1044 : i32
    %dma_wait3A_1046 = arith.constant 0 : i32
    %dma_wait3A_1047 = arith.constant 0 : i32
    %dma_wait3A_1048 = tpu.memref_slice %arg5[%add3A_1045, %dma_wait3A_1046, %dma_wait3A_1047] : memref<1024x200x128xf32, #tpu.memory_space<hbm>> -> memref<2x200x64xf32, #tpu.memory_space<hbm>>
    %dma_wait3A_1049 = arith.constant 0 : i32
    %dma_wait3A_1050 = arith.constant 0 : i32
    %dma_wait3A_1051 = tpu.memref_slice %arg5[%add3A_1045, %dma_wait3A_1049, %dma_wait3A_1050] : memref<1024x200x128xf32, #tpu.memory_space<hbm>> -> memref<2x200x64xf32, #tpu.memory_space<hbm>>
    tpu.wait_dma2 semaphore(%arg50 : memref<!tpu.dma_semaphore, #tpu.memory_space<semaphore_mem>>) src(%arg42 : memref<2x200x64xf32, #tpu.memory_space<vmem>>) dst(%dma_wait3A_1051 : memref<2x200x64xf32, #tpu.memory_space<hbm>>)
    %dma_start3A_1052 = arith.constant 0 : i32
    %dma_start3A_1053 = arith.constant 0 : i32
    %dma_start3A_1054 = arith.constant 0 : i32
    %dma_start3A_1055 = tpu.memref_slice %arg42[%dma_start3A_1052, %dma_start3A_1053, %dma_start3A_1054] : memref<2x200x64xf32, #tpu.memory_space<vmem>> -> memref<1x200x64xf32, #tpu.memory_space<vmem>>
    %dma_start3A_1056 = tpu.memref_squeeze %dma_start3A_1055 : memref<1x200x64xf32, #tpu.memory_space<vmem>> -> memref<200x64xf32, #tpu.memory_space<vmem>>
    %dma_start3A_1057 = arith.constant 0 : i32
    %dma_start3A_1058 = arith.constant 0 : i32
    %dma_start3A_1059 = tpu.memref_slice %arg3[%dma_start3A_1057, %dma_start3A_1058] : memref<100000x64xf32, #tpu.memory_space<hbm>> -> memref<100000x64xf32, #tpu.memory_space<hbm>>
    tpu.enqueue_indirect_dma source(%dma_start3A_1059 : memref<100000x64xf32, #tpu.memory_space<hbm>>) target(%dma_start3A_1056 : memref<200x64xf32, #tpu.memory_space<vmem>>) offsets(%arg28 : memref<200xi32, #tpu.memory_space<vmem>>) semaphore(%arg46 : memref<!tpu.dma_semaphore, #tpu.memory_space<semaphore_mem>>)
    %dma_start3A_1060 = arith.constant 1 : i32
    %dma_start3A_1061 = arith.constant 0 : i32
    %dma_start3A_1062 = arith.constant 0 : i32
    %dma_start3A_1063 = tpu.memref_slice %arg42[%dma_start3A_1060, %dma_start3A_1061, %dma_start3A_1062] : memref<2x200x64xf32, #tpu.memory_space<vmem>> -> memref<1x200x64xf32, #tpu.memory_space<vmem>>
    %dma_start3A_1064 = tpu.memref_squeeze %dma_start3A_1063 : memref<1x200x64xf32, #tpu.memory_space<vmem>> -> memref<200x64xf32, #tpu.memory_space<vmem>>
    %dma_start3A_1065 = arith.constant 0 : i32
    %dma_start3A_1066 = arith.constant 0 : i32
    %dma_start3A_1067 = tpu.memref_slice %arg3[%dma_start3A_1065, %dma_start3A_1066] : memref<100000x64xf32, #tpu.memory_space<hbm>> -> memref<100000x64xf32, #tpu.memory_space<hbm>>
    tpu.enqueue_indirect_dma source(%dma_start3A_1067 : memref<100000x64xf32, #tpu.memory_space<hbm>>) target(%dma_start3A_1064 : memref<200x64xf32, #tpu.memory_space<vmem>>) offsets(%arg29 : memref<200xi32, #tpu.memory_space<vmem>>) semaphore(%arg46 : memref<!tpu.dma_semaphore, #tpu.memory_space<semaphore_mem>>)
    %dma_wait3A_1068 = arith.constant 0 : i32
    %dma_wait3A_1069 = arith.constant 0 : i32
    %dma_wait3A_1070 = arith.constant 0 : i32
    %dma_wait3A_1071 = tpu.memref_slice %arg41[%dma_wait3A_1068, %dma_wait3A_1069, %dma_wait3A_1070] : memref<2x200x64xf32, #tpu.memory_space<vmem>> -> memref<1x200x64xf32, #tpu.memory_space<vmem>>
    %dma_wait3A_1072 = tpu.memref_squeeze %dma_wait3A_1071 : memref<1x200x64xf32, #tpu.memory_space<vmem>> -> memref<200x64xf32, #tpu.memory_space<vmem>>
    %dma_wait3A_1073 = arith.constant 0 : i32
    %dma_wait3A_1074 = arith.constant 0 : i32
    %dma_wait3A_1075 = tpu.memref_slice %arg3[%dma_wait3A_1073, %dma_wait3A_1074] : memref<100000x64xf32, #tpu.memory_space<hbm>> -> memref<100000x64xf32, #tpu.memory_space<hbm>>
    tpu.wait_indirect_dma semaphore(%arg45 : memref<!tpu.dma_semaphore, #tpu.memory_space<semaphore_mem>>) src(%dma_wait3A_1075 : memref<100000x64xf32, #tpu.memory_space<hbm>>) dst(%dma_wait3A_1072 : memref<200x64xf32, #tpu.memory_space<vmem>>)
    %dma_wait3A_1076 = arith.constant 1 : i32
    %dma_wait3A_1077 = arith.constant 0 : i32
    %dma_wait3A_1078 = arith.constant 0 : i32
    %dma_wait3A_1079 = tpu.memref_slice %arg41[%dma_wait3A_1076, %dma_wait3A_1077, %dma_wait3A_1078] : memref<2x200x64xf32, #tpu.memory_space<vmem>> -> memref<1x200x64xf32, #tpu.memory_space<vmem>>
    %dma_wait3A_1080 = tpu.memref_squeeze %dma_wait3A_1079 : memref<1x200x64xf32, #tpu.memory_space<vmem>> -> memref<200x64xf32, #tpu.memory_space<vmem>>
    %dma_wait3A_1081 = arith.constant 0 : i32
    %dma_wait3A_1082 = arith.constant 0 : i32
    %dma_wait3A_1083 = tpu.memref_slice %arg3[%dma_wait3A_1081, %dma_wait3A_1082] : memref<100000x64xf32, #tpu.memory_space<hbm>> -> memref<100000x64xf32, #tpu.memory_space<hbm>>
    tpu.wait_indirect_dma semaphore(%arg45 : memref<!tpu.dma_semaphore, #tpu.memory_space<semaphore_mem>>) src(%dma_wait3A_1083 : memref<100000x64xf32, #tpu.memory_space<hbm>>) dst(%dma_wait3A_1080 : memref<200x64xf32, #tpu.memory_space<vmem>>)
    %scan3A_1084 = arith.constant 0 : i32
    %scan3A_1085 = arith.constant 0 : i32
    %scan3A_1086 = arith.constant 200 : i32
    %scan3A_1087 = arith.addi %scan3A_1085, %scan3A_1086 : i32
    %scan3A_1088 = arith.constant 1 : i32
    scf.for %scan3A_1376 = %scan3A_1085 to %scan3A_1087 step %scan3A_1088  : i32 {
      %get3A = arith.index_cast %scan3A_1376 : i32 to index
      %get3A_1377 = arith.constant 0 : index
      %get3A_1378 = tpu.vector_load %arg38[%get3A, %get3A_1377] {strides = array<i32>} : memref<200x64xf32, #tpu.memory_space<vmem>>, vector<1x16xf32>,
      %get3A_1379 = vector.shape_cast %get3A_1378 : vector<1x16xf32> to vector<16xf32>
      %get3A_1380 = arith.index_cast %scan3A_1376 : i32 to index
      %get3A_1381 = arith.constant 16 : index
      %get3A_1382 = tpu.vector_load %arg38[%get3A_1380, %get3A_1381] {strides = array<i32>} : memref<200x64xf32, #tpu.memory_space<vmem>>, vector<1x16xf32>,
      %get3A_1383 = vector.shape_cast %get3A_1382 : vector<1x16xf32> to vector<16xf32>
      %get3A_1384 = arith.index_cast %scan3A_1376 : i32 to index
      %get3A_1385 = arith.constant 32 : index
      %get3A_1386 = tpu.vector_load %arg38[%get3A_1384, %get3A_1385] {strides = array<i32>} : memref<200x64xf32, #tpu.memory_space<vmem>>, vector<1x16xf32>,
      %get3A_1387 = vector.shape_cast %get3A_1386 : vector<1x16xf32> to vector<16xf32>
      %get3A_1388 = arith.index_cast %scan3A_1376 : i32 to index
      %get3A_1389 = arith.constant 48 : index
      %get3A_1390 = tpu.vector_load %arg38[%get3A_1388, %get3A_1389] {strides = array<i32>} : memref<200x64xf32, #tpu.memory_space<vmem>>, vector<1x16xf32>,
      %get3A_1391 = vector.shape_cast %get3A_1390 : vector<1x16xf32> to vector<16xf32>
      %get3A_1392 = arith.constant 0 : i32
      %get3A_1393 = arith.index_cast %get3A_1392 : i32 to index
      %get3A_1394 = arith.index_cast %scan3A_1376 : i32 to index
      %get3A_1395 = arith.constant 0 : index
      %get3A_1396 = tpu.vector_load %arg41[%get3A_1393, %get3A_1394, %get3A_1395] {strides = array<i32>} : memref<2x200x64xf32, #tpu.memory_space<vmem>>, vector<1x1x16xf32>,
      %get3A_1397 = vector.shape_cast %get3A_1396 : vector<1x1x16xf32> to vector<16xf32>
      %add3A_1398 = arith.addf %get3A_1397, %get3A_1379 : vector<16xf32>
      %swap3A = arith.constant 0 : i32
      %swap3A_1399 = arith.index_cast %swap3A : i32 to index
      %swap3A_1400 = arith.index_cast %scan3A_1376 : i32 to index
      %swap3A_1401 = arith.constant 0 : index
      %swap3A_1402 = tpu.vector_load %arg41[%swap3A_1399, %swap3A_1400, %swap3A_1401] {strides = array<i32>} : memref<2x200x64xf32, #tpu.memory_space<vmem>>, vector<1x1x16xf32>,
      %swap3A_1403 = vector.shape_cast %swap3A_1402 : vector<1x1x16xf32> to vector<16xf32>
      %swap3A_1404 = vector.shape_cast %add3A_1398 : vector<16xf32> to vector<1x1x16xf32>
      tpu.vector_store %arg41[%swap3A_1399, %swap3A_1400, %swap3A_1401], %swap3A_1404 {strides = array<i32>} : memref<2x200x64xf32, #tpu.memory_space<vmem>>, vector<1x1x16xf32>,
      %get3A_1405 = arith.constant 0 : i32
      %get3A_1406 = arith.index_cast %get3A_1405 : i32 to index
      %get3A_1407 = arith.index_cast %scan3A_1376 : i32 to index
      %get3A_1408 = arith.constant 16 : index
      %get3A_1409 = tpu.vector_load %arg41[%get3A_1406, %get3A_1407, %get3A_1408] {strides = array<i32>} : memref<2x200x64xf32, #tpu.memory_space<vmem>>, vector<1x1x16xf32>,
      %get3A_1410 = vector.shape_cast %get3A_1409 : vector<1x1x16xf32> to vector<16xf32>
      %add3A_1411 = arith.addf %get3A_1410, %get3A_1383 : vector<16xf32>
      %swap3A_1412 = arith.constant 0 : i32
      %swap3A_1413 = arith.index_cast %swap3A_1412 : i32 to index
      %swap3A_1414 = arith.index_cast %scan3A_1376 : i32 to index
      %swap3A_1415 = arith.constant 16 : index
      %swap3A_1416 = tpu.vector_load %arg41[%swap3A_1413, %swap3A_1414, %swap3A_1415] {strides = array<i32>} : memref<2x200x64xf32, #tpu.memory_space<vmem>>, vector<1x1x16xf32>,
      %swap3A_1417 = vector.shape_cast %swap3A_1416 : vector<1x1x16xf32> to vector<16xf32>
      %swap3A_1418 = vector.shape_cast %add3A_1411 : vector<16xf32> to vector<1x1x16xf32>
      tpu.vector_store %arg41[%swap3A_1413, %swap3A_1414, %swap3A_1415], %swap3A_1418 {strides = array<i32>} : memref<2x200x64xf32, #tpu.memory_space<vmem>>, vector<1x1x16xf32>,
      %get3A_1419 = arith.constant 0 : i32
      %get3A_1420 = arith.index_cast %get3A_1419 : i32 to index
      %get3A_1421 = arith.index_cast %scan3A_1376 : i32 to index
      %get3A_1422 = arith.constant 32 : index
      %get3A_1423 = tpu.vector_load %arg41[%get3A_1420, %get3A_1421, %get3A_1422] {strides = array<i32>} : memref<2x200x64xf32, #tpu.memory_space<vmem>>, vector<1x1x16xf32>,
      %get3A_1424 = vector.shape_cast %get3A_1423 : vector<1x1x16xf32> to vector<16xf32>
      %add3A_1425 = arith.addf %get3A_1424, %get3A_1387 : vector<16xf32>
      %swap3A_1426 = arith.constant 0 : i32
      %swap3A_1427 = arith.index_cast %swap3A_1426 : i32 to index
      %swap3A_1428 = arith.index_cast %scan3A_1376 : i32 to index
      %swap3A_1429 = arith.constant 32 : index
      %swap3A_1430 = tpu.vector_load %arg41[%swap3A_1427, %swap3A_1428, %swap3A_1429] {strides = array<i32>} : memref<2x200x64xf32, #tpu.memory_space<vmem>>, vector<1x1x16xf32>,
      %swap3A_1431 = vector.shape_cast %swap3A_1430 : vector<1x1x16xf32> to vector<16xf32>
      %swap3A_1432 = vector.shape_cast %add3A_1425 : vector<16xf32> to vector<1x1x16xf32>
      tpu.vector_store %arg41[%swap3A_1427, %swap3A_1428, %swap3A_1429], %swap3A_1432 {strides = array<i32>} : memref<2x200x64xf32, #tpu.memory_space<vmem>>, vector<1x1x16xf32>,
      %get3A_1433 = arith.constant 0 : i32
      %get3A_1434 = arith.index_cast %get3A_1433 : i32 to index
      %get3A_1435 = arith.index_cast %scan3A_1376 : i32 to index
      %get3A_1436 = arith.constant 48 : index
      %get3A_1437 = tpu.vector_load %arg41[%get3A_1434, %get3A_1435, %get3A_1436] {strides = array<i32>} : memref<2x200x64xf32, #tpu.memory_space<vmem>>, vector<1x1x16xf32>,
      %get3A_1438 = vector.shape_cast %get3A_1437 : vector<1x1x16xf32> to vector<16xf32>
      %add3A_1439 = arith.addf %get3A_1438, %get3A_1391 : vector<16xf32>
      %swap3A_1440 = arith.constant 0 : i32
      %swap3A_1441 = arith.index_cast %swap3A_1440 : i32 to index
      %swap3A_1442 = arith.index_cast %scan3A_1376 : i32 to index
      %swap3A_1443 = arith.constant 48 : index
      %swap3A_1444 = tpu.vector_load %arg41[%swap3A_1441, %swap3A_1442, %swap3A_1443] {strides = array<i32>} : memref<2x200x64xf32, #tpu.memory_space<vmem>>, vector<1x1x16xf32>,
      %swap3A_1445 = vector.shape_cast %swap3A_1444 : vector<1x1x16xf32> to vector<16xf32>
      %swap3A_1446 = vector.shape_cast %add3A_1439 : vector<16xf32> to vector<1x1x16xf32>
      tpu.vector_store %arg41[%swap3A_1441, %swap3A_1442, %swap3A_1443], %swap3A_1446 {strides = array<i32>} : memref<2x200x64xf32, #tpu.memory_space<vmem>>, vector<1x1x16xf32>,
      %get3A_1447 = arith.constant 1 : i32
      %get3A_1448 = arith.index_cast %get3A_1447 : i32 to index
      %get3A_1449 = arith.index_cast %scan3A_1376 : i32 to index
      %get3A_1450 = arith.constant 0 : index
      %get3A_1451 = tpu.vector_load %arg41[%get3A_1448, %get3A_1449, %get3A_1450] {strides = array<i32>} : memref<2x200x64xf32, #tpu.memory_space<vmem>>, vector<1x1x16xf32>,
      %get3A_1452 = vector.shape_cast %get3A_1451 : vector<1x1x16xf32> to vector<16xf32>
      %add3A_1453 = arith.addf %get3A_1452, %get3A_1379 : vector<16xf32>
      %swap3A_1454 = arith.constant 1 : i32
      %swap3A_1455 = arith.index_cast %swap3A_1454 : i32 to index
      %swap3A_1456 = arith.index_cast %scan3A_1376 : i32 to index
      %swap3A_1457 = arith.constant 0 : index
      %swap3A_1458 = tpu.vector_load %arg41[%swap3A_1455, %swap3A_1456, %swap3A_1457] {strides = array<i32>} : memref<2x200x64xf32, #tpu.memory_space<vmem>>, vector<1x1x16xf32>,
      %swap3A_1459 = vector.shape_cast %swap3A_1458 : vector<1x1x16xf32> to vector<16xf32>
      %swap3A_1460 = vector.shape_cast %add3A_1453 : vector<16xf32> to vector<1x1x16xf32>
      tpu.vector_store %arg41[%swap3A_1455, %swap3A_1456, %swap3A_1457], %swap3A_1460 {strides = array<i32>} : memref<2x200x64xf32, #tpu.memory_space<vmem>>, vector<1x1x16xf32>,
      %get3A_1461 = arith.constant 1 : i32
      %get3A_1462 = arith.index_cast %get3A_1461 : i32 to index
      %get3A_1463 = arith.index_cast %scan3A_1376 : i32 to index
      %get3A_1464 = arith.constant 16 : index
      %get3A_1465 = tpu.vector_load %arg41[%get3A_1462, %get3A_1463, %get3A_1464] {strides = array<i32>} : memref<2x200x64xf32, #tpu.memory_space<vmem>>, vector<1x1x16xf32>,
      %get3A_1466 = vector.shape_cast %get3A_1465 : vector<1x1x16xf32> to vector<16xf32>
      %add3A_1467 = arith.addf %get3A_1466, %get3A_1383 : vector<16xf32>
      %swap3A_1468 = arith.constant 1 : i32
      %swap3A_1469 = arith.index_cast %swap3A_1468 : i32 to index
      %swap3A_1470 = arith.index_cast %scan3A_1376 : i32 to index
      %swap3A_1471 = arith.constant 16 : index
      %swap3A_1472 = tpu.vector_load %arg41[%swap3A_1469, %swap3A_1470, %swap3A_1471] {strides = array<i32>} : memref<2x200x64xf32, #tpu.memory_space<vmem>>, vector<1x1x16xf32>,
      %swap3A_1473 = vector.shape_cast %swap3A_1472 : vector<1x1x16xf32> to vector<16xf32>
      %swap3A_1474 = vector.shape_cast %add3A_1467 : vector<16xf32> to vector<1x1x16xf32>
      tpu.vector_store %arg41[%swap3A_1469, %swap3A_1470, %swap3A_1471], %swap3A_1474 {strides = array<i32>} : memref<2x200x64xf32, #tpu.memory_space<vmem>>, vector<1x1x16xf32>,
      %get3A_1475 = arith.constant 1 : i32
      %get3A_1476 = arith.index_cast %get3A_1475 : i32 to index
      %get3A_1477 = arith.index_cast %scan3A_1376 : i32 to index
      %get3A_1478 = arith.constant 32 : index
      %get3A_1479 = tpu.vector_load %arg41[%get3A_1476, %get3A_1477, %get3A_1478] {strides = array<i32>} : memref<2x200x64xf32, #tpu.memory_space<vmem>>, vector<1x1x16xf32>,
      %get3A_1480 = vector.shape_cast %get3A_1479 : vector<1x1x16xf32> to vector<16xf32>
      %add3A_1481 = arith.addf %get3A_1480, %get3A_1387 : vector<16xf32>
      %swap3A_1482 = arith.constant 1 : i32
      %swap3A_1483 = arith.index_cast %swap3A_1482 : i32 to index
      %swap3A_1484 = arith.index_cast %scan3A_1376 : i32 to index
      %swap3A_1485 = arith.constant 32 : index
      %swap3A_1486 = tpu.vector_load %arg41[%swap3A_1483, %swap3A_1484, %swap3A_1485] {strides = array<i32>} : memref<2x200x64xf32, #tpu.memory_space<vmem>>, vector<1x1x16xf32>,
      %swap3A_1487 = vector.shape_cast %swap3A_1486 : vector<1x1x16xf32> to vector<16xf32>
      %swap3A_1488 = vector.shape_cast %add3A_1481 : vector<16xf32> to vector<1x1x16xf32>
      tpu.vector_store %arg41[%swap3A_1483, %swap3A_1484, %swap3A_1485], %swap3A_1488 {strides = array<i32>} : memref<2x200x64xf32, #tpu.memory_space<vmem>>, vector<1x1x16xf32>,
      %get3A_1489 = arith.constant 1 : i32
      %get3A_1490 = arith.index_cast %get3A_1489 : i32 to index
      %get3A_1491 = arith.index_cast %scan3A_1376 : i32 to index
      %get3A_1492 = arith.constant 48 : index
      %get3A_1493 = tpu.vector_load %arg41[%get3A_1490, %get3A_1491, %get3A_1492] {strides = array<i32>} : memref<2x200x64xf32, #tpu.memory_space<vmem>>, vector<1x1x16xf32>,
      %get3A_1494 = vector.shape_cast %get3A_1493 : vector<1x1x16xf32> to vector<16xf32>
      %add3A_1495 = arith.addf %get3A_1494, %get3A_1391 : vector<16xf32>
      %swap3A_1496 = arith.constant 1 : i32
      %swap3A_1497 = arith.index_cast %swap3A_1496 : i32 to index
      %swap3A_1498 = arith.index_cast %scan3A_1376 : i32 to index
      %swap3A_1499 = arith.constant 48 : index
      %swap3A_1500 = tpu.vector_load %arg41[%swap3A_1497, %swap3A_1498, %swap3A_1499] {strides = array<i32>} : memref<2x200x64xf32, #tpu.memory_space<vmem>>, vector<1x1x16xf32>,
      %swap3A_1501 = vector.shape_cast %swap3A_1500 : vector<1x1x16xf32> to vector<16xf32>
      %swap3A_1502 = vector.shape_cast %add3A_1495 : vector<16xf32> to vector<1x1x16xf32>
      tpu.vector_store %arg41[%swap3A_1497, %swap3A_1498, %swap3A_1499], %swap3A_1502 {strides = array<i32>} : memref<2x200x64xf32, #tpu.memory_space<vmem>>, vector<1x1x16xf32>,
    }
    %scan3A_1089 = arith.constant 200 : i32
    %add3A_1090 = arith.constant 20 : i32
    %add3A_1091 = arith.addi %mul3A_2, %add3A_1090 : i32
    %dma_start3A_1092 = arith.constant 0 : i32
    %dma_start3A_1093 = arith.constant 0 : i32
    %dma_start3A_1094 = tpu.memref_slice %arg5[%add3A_1091, %dma_start3A_1092, %dma_start3A_1093] : memref<1024x200x128xf32, #tpu.memory_space<hbm>> -> memref<2x200x64xf32, #tpu.memory_space<hbm>>
    %dma_start3A_1095 = arith.constant 0 : i32
    %dma_start3A_1096 = arith.constant 0 : i32
    %dma_start3A_1097 = tpu.memref_slice %arg5[%add3A_1091, %dma_start3A_1095, %dma_start3A_1096] : memref<1024x200x128xf32, #tpu.memory_space<hbm>> -> memref<2x200x64xf32, #tpu.memory_space<hbm>>
    tpu.enqueue_dma source(%arg41 : memref<2x200x64xf32, #tpu.memory_space<vmem>>) target(%dma_start3A_1097 : memref<2x200x64xf32, #tpu.memory_space<hbm>>) target_semaphore(%arg49 : memref<!tpu.dma_semaphore, #tpu.memory_space<semaphore_mem>>)
    %add3A_1098 = arith.constant 16 : i32
    %add3A_1099 = arith.addi %mul3A_2, %add3A_1098 : i32
    %dma_wait3A_1100 = arith.constant 0 : i32
    %dma_wait3A_1101 = arith.constant 0 : i32
    %dma_wait3A_1102 = tpu.memref_slice %arg5[%add3A_1099, %dma_wait3A_1100, %dma_wait3A_1101] : memref<1024x200x128xf32, #tpu.memory_space<hbm>> -> memref<2x200x64xf32, #tpu.memory_space<hbm>>
    %dma_wait3A_1103 = arith.constant 0 : i32
    %dma_wait3A_1104 = arith.constant 0 : i32
    %dma_wait3A_1105 = tpu.memref_slice %arg5[%add3A_1099, %dma_wait3A_1103, %dma_wait3A_1104] : memref<1024x200x128xf32, #tpu.memory_space<hbm>> -> memref<2x200x64xf32, #tpu.memory_space<hbm>>
    tpu.wait_dma2 semaphore(%arg47 : memref<!tpu.dma_semaphore, #tpu.memory_space<semaphore_mem>>) src(%arg39 : memref<2x200x64xf32, #tpu.memory_space<vmem>>) dst(%dma_wait3A_1105 : memref<2x200x64xf32, #tpu.memory_space<hbm>>)
    %dma_start3A_1106 = arith.constant 0 : i32
    %dma_start3A_1107 = arith.constant 0 : i32
    %dma_start3A_1108 = arith.constant 0 : i32
    %dma_start3A_1109 = tpu.memref_slice %arg39[%dma_start3A_1106, %dma_start3A_1107, %dma_start3A_1108] : memref<2x200x64xf32, #tpu.memory_space<vmem>> -> memref<1x200x64xf32, #tpu.memory_space<vmem>>
    %dma_start3A_1110 = tpu.memref_squeeze %dma_start3A_1109 : memref<1x200x64xf32, #tpu.memory_space<vmem>> -> memref<200x64xf32, #tpu.memory_space<vmem>>
    %dma_start3A_1111 = arith.constant 0 : i32
    %dma_start3A_1112 = arith.constant 0 : i32
    %dma_start3A_1113 = tpu.memref_slice %arg3[%dma_start3A_1111, %dma_start3A_1112] : memref<100000x64xf32, #tpu.memory_space<hbm>> -> memref<100000x64xf32, #tpu.memory_space<hbm>>
    tpu.enqueue_indirect_dma source(%dma_start3A_1113 : memref<100000x64xf32, #tpu.memory_space<hbm>>) target(%dma_start3A_1110 : memref<200x64xf32, #tpu.memory_space<vmem>>) offsets(%arg30 : memref<200xi32, #tpu.memory_space<vmem>>) semaphore(%arg43 : memref<!tpu.dma_semaphore, #tpu.memory_space<semaphore_mem>>)
    %dma_start3A_1114 = arith.constant 1 : i32
    %dma_start3A_1115 = arith.constant 0 : i32
    %dma_start3A_1116 = arith.constant 0 : i32
    %dma_start3A_1117 = tpu.memref_slice %arg39[%dma_start3A_1114, %dma_start3A_1115, %dma_start3A_1116] : memref<2x200x64xf32, #tpu.memory_space<vmem>> -> memref<1x200x64xf32, #tpu.memory_space<vmem>>
    %dma_start3A_1118 = tpu.memref_squeeze %dma_start3A_1117 : memref<1x200x64xf32, #tpu.memory_space<vmem>> -> memref<200x64xf32, #tpu.memory_space<vmem>>
    %dma_start3A_1119 = arith.constant 0 : i32
    %dma_start3A_1120 = arith.constant 0 : i32
    %dma_start3A_1121 = tpu.memref_slice %arg3[%dma_start3A_1119, %dma_start3A_1120] : memref<100000x64xf32, #tpu.memory_space<hbm>> -> memref<100000x64xf32, #tpu.memory_space<hbm>>
    tpu.enqueue_indirect_dma source(%dma_start3A_1121 : memref<100000x64xf32, #tpu.memory_space<hbm>>) target(%dma_start3A_1118 : memref<200x64xf32, #tpu.memory_space<vmem>>) offsets(%arg31 : memref<200xi32, #tpu.memory_space<vmem>>) semaphore(%arg43 : memref<!tpu.dma_semaphore, #tpu.memory_space<semaphore_mem>>)
    %dma_wait3A_1122 = arith.constant 0 : i32
    %dma_wait3A_1123 = arith.constant 0 : i32
    %dma_wait3A_1124 = arith.constant 0 : i32
    %dma_wait3A_1125 = tpu.memref_slice %arg42[%dma_wait3A_1122, %dma_wait3A_1123, %dma_wait3A_1124] : memref<2x200x64xf32, #tpu.memory_space<vmem>> -> memref<1x200x64xf32, #tpu.memory_space<vmem>>
    %dma_wait3A_1126 = tpu.memref_squeeze %dma_wait3A_1125 : memref<1x200x64xf32, #tpu.memory_space<vmem>> -> memref<200x64xf32, #tpu.memory_space<vmem>>
    %dma_wait3A_1127 = arith.constant 0 : i32
    %dma_wait3A_1128 = arith.constant 0 : i32
    %dma_wait3A_1129 = tpu.memref_slice %arg3[%dma_wait3A_1127, %dma_wait3A_1128] : memref<100000x64xf32, #tpu.memory_space<hbm>> -> memref<100000x64xf32, #tpu.memory_space<hbm>>
    tpu.wait_indirect_dma semaphore(%arg46 : memref<!tpu.dma_semaphore, #tpu.memory_space<semaphore_mem>>) src(%dma_wait3A_1129 : memref<100000x64xf32, #tpu.memory_space<hbm>>) dst(%dma_wait3A_1126 : memref<200x64xf32, #tpu.memory_space<vmem>>)
    %dma_wait3A_1130 = arith.constant 1 : i32
    %dma_wait3A_1131 = arith.constant 0 : i32
    %dma_wait3A_1132 = arith.constant 0 : i32
    %dma_wait3A_1133 = tpu.memref_slice %arg42[%dma_wait3A_1130, %dma_wait3A_1131, %dma_wait3A_1132] : memref<2x200x64xf32, #tpu.memory_space<vmem>> -> memref<1x200x64xf32, #tpu.memory_space<vmem>>
    %dma_wait3A_1134 = tpu.memref_squeeze %dma_wait3A_1133 : memref<1x200x64xf32, #tpu.memory_space<vmem>> -> memref<200x64xf32, #tpu.memory_space<vmem>>
    %dma_wait3A_1135 = arith.constant 0 : i32
    %dma_wait3A_1136 = arith.constant 0 : i32
    %dma_wait3A_1137 = tpu.memref_slice %arg3[%dma_wait3A_1135, %dma_wait3A_1136] : memref<100000x64xf32, #tpu.memory_space<hbm>> -> memref<100000x64xf32, #tpu.memory_space<hbm>>
    tpu.wait_indirect_dma semaphore(%arg46 : memref<!tpu.dma_semaphore, #tpu.memory_space<semaphore_mem>>) src(%dma_wait3A_1137 : memref<100000x64xf32, #tpu.memory_space<hbm>>) dst(%dma_wait3A_1134 : memref<200x64xf32, #tpu.memory_space<vmem>>)
    %scan3A_1138 = arith.constant 0 : i32
    %scan3A_1139 = arith.constant 0 : i32
    %scan3A_1140 = arith.constant 200 : i32
    %scan3A_1141 = arith.addi %scan3A_1139, %scan3A_1140 : i32
    %scan3A_1142 = arith.constant 1 : i32
    scf.for %scan3A_1376 = %scan3A_1139 to %scan3A_1141 step %scan3A_1142  : i32 {
      %get3A = arith.index_cast %scan3A_1376 : i32 to index
      %get3A_1377 = arith.constant 0 : index
      %get3A_1378 = tpu.vector_load %arg38[%get3A, %get3A_1377] {strides = array<i32>} : memref<200x64xf32, #tpu.memory_space<vmem>>, vector<1x16xf32>,
      %get3A_1379 = vector.shape_cast %get3A_1378 : vector<1x16xf32> to vector<16xf32>
      %get3A_1380 = arith.index_cast %scan3A_1376 : i32 to index
      %get3A_1381 = arith.constant 16 : index
      %get3A_1382 = tpu.vector_load %arg38[%get3A_1380, %get3A_1381] {strides = array<i32>} : memref<200x64xf32, #tpu.memory_space<vmem>>, vector<1x16xf32>,
      %get3A_1383 = vector.shape_cast %get3A_1382 : vector<1x16xf32> to vector<16xf32>
      %get3A_1384 = arith.index_cast %scan3A_1376 : i32 to index
      %get3A_1385 = arith.constant 32 : index
      %get3A_1386 = tpu.vector_load %arg38[%get3A_1384, %get3A_1385] {strides = array<i32>} : memref<200x64xf32, #tpu.memory_space<vmem>>, vector<1x16xf32>,
      %get3A_1387 = vector.shape_cast %get3A_1386 : vector<1x16xf32> to vector<16xf32>
      %get3A_1388 = arith.index_cast %scan3A_1376 : i32 to index
      %get3A_1389 = arith.constant 48 : index
      %get3A_1390 = tpu.vector_load %arg38[%get3A_1388, %get3A_1389] {strides = array<i32>} : memref<200x64xf32, #tpu.memory_space<vmem>>, vector<1x16xf32>,
      %get3A_1391 = vector.shape_cast %get3A_1390 : vector<1x16xf32> to vector<16xf32>
      %get3A_1392 = arith.constant 0 : i32
      %get3A_1393 = arith.index_cast %get3A_1392 : i32 to index
      %get3A_1394 = arith.index_cast %scan3A_1376 : i32 to index
      %get3A_1395 = arith.constant 0 : index
      %get3A_1396 = tpu.vector_load %arg42[%get3A_1393, %get3A_1394, %get3A_1395] {strides = array<i32>} : memref<2x200x64xf32, #tpu.memory_space<vmem>>, vector<1x1x16xf32>,
      %get3A_1397 = vector.shape_cast %get3A_1396 : vector<1x1x16xf32> to vector<16xf32>
      %add3A_1398 = arith.addf %get3A_1397, %get3A_1379 : vector<16xf32>
      %swap3A = arith.constant 0 : i32
      %swap3A_1399 = arith.index_cast %swap3A : i32 to index
      %swap3A_1400 = arith.index_cast %scan3A_1376 : i32 to index
      %swap3A_1401 = arith.constant 0 : index
      %swap3A_1402 = tpu.vector_load %arg42[%swap3A_1399, %swap3A_1400, %swap3A_1401] {strides = array<i32>} : memref<2x200x64xf32, #tpu.memory_space<vmem>>, vector<1x1x16xf32>,
      %swap3A_1403 = vector.shape_cast %swap3A_1402 : vector<1x1x16xf32> to vector<16xf32>
      %swap3A_1404 = vector.shape_cast %add3A_1398 : vector<16xf32> to vector<1x1x16xf32>
      tpu.vector_store %arg42[%swap3A_1399, %swap3A_1400, %swap3A_1401], %swap3A_1404 {strides = array<i32>} : memref<2x200x64xf32, #tpu.memory_space<vmem>>, vector<1x1x16xf32>,
      %get3A_1405 = arith.constant 0 : i32
      %get3A_1406 = arith.index_cast %get3A_1405 : i32 to index
      %get3A_1407 = arith.index_cast %scan3A_1376 : i32 to index
      %get3A_1408 = arith.constant 16 : index
      %get3A_1409 = tpu.vector_load %arg42[%get3A_1406, %get3A_1407, %get3A_1408] {strides = array<i32>} : memref<2x200x64xf32, #tpu.memory_space<vmem>>, vector<1x1x16xf32>,
      %get3A_1410 = vector.shape_cast %get3A_1409 : vector<1x1x16xf32> to vector<16xf32>
      %add3A_1411 = arith.addf %get3A_1410, %get3A_1383 : vector<16xf32>
      %swap3A_1412 = arith.constant 0 : i32
      %swap3A_1413 = arith.index_cast %swap3A_1412 : i32 to index
      %swap3A_1414 = arith.index_cast %scan3A_1376 : i32 to index
      %swap3A_1415 = arith.constant 16 : index
      %swap3A_1416 = tpu.vector_load %arg42[%swap3A_1413, %swap3A_1414, %swap3A_1415] {strides = array<i32>} : memref<2x200x64xf32, #tpu.memory_space<vmem>>, vector<1x1x16xf32>,
      %swap3A_1417 = vector.shape_cast %swap3A_1416 : vector<1x1x16xf32> to vector<16xf32>
      %swap3A_1418 = vector.shape_cast %add3A_1411 : vector<16xf32> to vector<1x1x16xf32>
      tpu.vector_store %arg42[%swap3A_1413, %swap3A_1414, %swap3A_1415], %swap3A_1418 {strides = array<i32>} : memref<2x200x64xf32, #tpu.memory_space<vmem>>, vector<1x1x16xf32>,
      %get3A_1419 = arith.constant 0 : i32
      %get3A_1420 = arith.index_cast %get3A_1419 : i32 to index
      %get3A_1421 = arith.index_cast %scan3A_1376 : i32 to index
      %get3A_1422 = arith.constant 32 : index
      %get3A_1423 = tpu.vector_load %arg42[%get3A_1420, %get3A_1421, %get3A_1422] {strides = array<i32>} : memref<2x200x64xf32, #tpu.memory_space<vmem>>, vector<1x1x16xf32>,
      %get3A_1424 = vector.shape_cast %get3A_1423 : vector<1x1x16xf32> to vector<16xf32>
      %add3A_1425 = arith.addf %get3A_1424, %get3A_1387 : vector<16xf32>
      %swap3A_1426 = arith.constant 0 : i32
      %swap3A_1427 = arith.index_cast %swap3A_1426 : i32 to index
      %swap3A_1428 = arith.index_cast %scan3A_1376 : i32 to index
      %swap3A_1429 = arith.constant 32 : index
      %swap3A_1430 = tpu.vector_load %arg42[%swap3A_1427, %swap3A_1428, %swap3A_1429] {strides = array<i32>} : memref<2x200x64xf32, #tpu.memory_space<vmem>>, vector<1x1x16xf32>,
      %swap3A_1431 = vector.shape_cast %swap3A_1430 : vector<1x1x16xf32> to vector<16xf32>
      %swap3A_1432 = vector.shape_cast %add3A_1425 : vector<16xf32> to vector<1x1x16xf32>
      tpu.vector_store %arg42[%swap3A_1427, %swap3A_1428, %swap3A_1429], %swap3A_1432 {strides = array<i32>} : memref<2x200x64xf32, #tpu.memory_space<vmem>>, vector<1x1x16xf32>,
      %get3A_1433 = arith.constant 0 : i32
      %get3A_1434 = arith.index_cast %get3A_1433 : i32 to index
      %get3A_1435 = arith.index_cast %scan3A_1376 : i32 to index
      %get3A_1436 = arith.constant 48 : index
      %get3A_1437 = tpu.vector_load %arg42[%get3A_1434, %get3A_1435, %get3A_1436] {strides = array<i32>} : memref<2x200x64xf32, #tpu.memory_space<vmem>>, vector<1x1x16xf32>,
      %get3A_1438 = vector.shape_cast %get3A_1437 : vector<1x1x16xf32> to vector<16xf32>
      %add3A_1439 = arith.addf %get3A_1438, %get3A_1391 : vector<16xf32>
      %swap3A_1440 = arith.constant 0 : i32
      %swap3A_1441 = arith.index_cast %swap3A_1440 : i32 to index
      %swap3A_1442 = arith.index_cast %scan3A_1376 : i32 to index
      %swap3A_1443 = arith.constant 48 : index
      %swap3A_1444 = tpu.vector_load %arg42[%swap3A_1441, %swap3A_1442, %swap3A_1443] {strides = array<i32>} : memref<2x200x64xf32, #tpu.memory_space<vmem>>, vector<1x1x16xf32>,
      %swap3A_1445 = vector.shape_cast %swap3A_1444 : vector<1x1x16xf32> to vector<16xf32>
      %swap3A_1446 = vector.shape_cast %add3A_1439 : vector<16xf32> to vector<1x1x16xf32>
      tpu.vector_store %arg42[%swap3A_1441, %swap3A_1442, %swap3A_1443], %swap3A_1446 {strides = array<i32>} : memref<2x200x64xf32, #tpu.memory_space<vmem>>, vector<1x1x16xf32>,
      %get3A_1447 = arith.constant 1 : i32
      %get3A_1448 = arith.index_cast %get3A_1447 : i32 to index
      %get3A_1449 = arith.index_cast %scan3A_1376 : i32 to index
      %get3A_1450 = arith.constant 0 : index
      %get3A_1451 = tpu.vector_load %arg42[%get3A_1448, %get3A_1449, %get3A_1450] {strides = array<i32>} : memref<2x200x64xf32, #tpu.memory_space<vmem>>, vector<1x1x16xf32>,
      %get3A_1452 = vector.shape_cast %get3A_1451 : vector<1x1x16xf32> to vector<16xf32>
      %add3A_1453 = arith.addf %get3A_1452, %get3A_1379 : vector<16xf32>
      %swap3A_1454 = arith.constant 1 : i32
      %swap3A_1455 = arith.index_cast %swap3A_1454 : i32 to index
      %swap3A_1456 = arith.index_cast %scan3A_1376 : i32 to index
      %swap3A_1457 = arith.constant 0 : index
      %swap3A_1458 = tpu.vector_load %arg42[%swap3A_1455, %swap3A_1456, %swap3A_1457] {strides = array<i32>} : memref<2x200x64xf32, #tpu.memory_space<vmem>>, vector<1x1x16xf32>,
      %swap3A_1459 = vector.shape_cast %swap3A_1458 : vector<1x1x16xf32> to vector<16xf32>
      %swap3A_1460 = vector.shape_cast %add3A_1453 : vector<16xf32> to vector<1x1x16xf32>
      tpu.vector_store %arg42[%swap3A_1455, %swap3A_1456, %swap3A_1457], %swap3A_1460 {strides = array<i32>} : memref<2x200x64xf32, #tpu.memory_space<vmem>>, vector<1x1x16xf32>,
      %get3A_1461 = arith.constant 1 : i32
      %get3A_1462 = arith.index_cast %get3A_1461 : i32 to index
      %get3A_1463 = arith.index_cast %scan3A_1376 : i32 to index
      %get3A_1464 = arith.constant 16 : index
      %get3A_1465 = tpu.vector_load %arg42[%get3A_1462, %get3A_1463, %get3A_1464] {strides = array<i32>} : memref<2x200x64xf32, #tpu.memory_space<vmem>>, vector<1x1x16xf32>,
      %get3A_1466 = vector.shape_cast %get3A_1465 : vector<1x1x16xf32> to vector<16xf32>
      %add3A_1467 = arith.addf %get3A_1466, %get3A_1383 : vector<16xf32>
      %swap3A_1468 = arith.constant 1 : i32
      %swap3A_1469 = arith.index_cast %swap3A_1468 : i32 to index
      %swap3A_1470 = arith.index_cast %scan3A_1376 : i32 to index
      %swap3A_1471 = arith.constant 16 : index
      %swap3A_1472 = tpu.vector_load %arg42[%swap3A_1469, %swap3A_1470, %swap3A_1471] {strides = array<i32>} : memref<2x200x64xf32, #tpu.memory_space<vmem>>, vector<1x1x16xf32>,
      %swap3A_1473 = vector.shape_cast %swap3A_1472 : vector<1x1x16xf32> to vector<16xf32>
      %swap3A_1474 = vector.shape_cast %add3A_1467 : vector<16xf32> to vector<1x1x16xf32>
      tpu.vector_store %arg42[%swap3A_1469, %swap3A_1470, %swap3A_1471], %swap3A_1474 {strides = array<i32>} : memref<2x200x64xf32, #tpu.memory_space<vmem>>, vector<1x1x16xf32>,
      %get3A_1475 = arith.constant 1 : i32
      %get3A_1476 = arith.index_cast %get3A_1475 : i32 to index
      %get3A_1477 = arith.index_cast %scan3A_1376 : i32 to index
      %get3A_1478 = arith.constant 32 : index
      %get3A_1479 = tpu.vector_load %arg42[%get3A_1476, %get3A_1477, %get3A_1478] {strides = array<i32>} : memref<2x200x64xf32, #tpu.memory_space<vmem>>, vector<1x1x16xf32>,
      %get3A_1480 = vector.shape_cast %get3A_1479 : vector<1x1x16xf32> to vector<16xf32>
      %add3A_1481 = arith.addf %get3A_1480, %get3A_1387 : vector<16xf32>
      %swap3A_1482 = arith.constant 1 : i32
      %swap3A_1483 = arith.index_cast %swap3A_1482 : i32 to index
      %swap3A_1484 = arith.index_cast %scan3A_1376 : i32 to index
      %swap3A_1485 = arith.constant 32 : index
      %swap3A_1486 = tpu.vector_load %arg42[%swap3A_1483, %swap3A_1484, %swap3A_1485] {strides = array<i32>} : memref<2x200x64xf32, #tpu.memory_space<vmem>>, vector<1x1x16xf32>,
      %swap3A_1487 = vector.shape_cast %swap3A_1486 : vector<1x1x16xf32> to vector<16xf32>
      %swap3A_1488 = vector.shape_cast %add3A_1481 : vector<16xf32> to vector<1x1x16xf32>
      tpu.vector_store %arg42[%swap3A_1483, %swap3A_1484, %swap3A_1485], %swap3A_1488 {strides = array<i32>} : memref<2x200x64xf32, #tpu.memory_space<vmem>>, vector<1x1x16xf32>,
      %get3A_1489 = arith.constant 1 : i32
      %get3A_1490 = arith.index_cast %get3A_1489 : i32 to index
      %get3A_1491 = arith.index_cast %scan3A_1376 : i32 to index
      %get3A_1492 = arith.constant 48 : index
      %get3A_1493 = tpu.vector_load %arg42[%get3A_1490, %get3A_1491, %get3A_1492] {strides = array<i32>} : memref<2x200x64xf32, #tpu.memory_space<vmem>>, vector<1x1x16xf32>,
      %get3A_1494 = vector.shape_cast %get3A_1493 : vector<1x1x16xf32> to vector<16xf32>
      %add3A_1495 = arith.addf %get3A_1494, %get3A_1391 : vector<16xf32>
      %swap3A_1496 = arith.constant 1 : i32
      %swap3A_1497 = arith.index_cast %swap3A_1496 : i32 to index
      %swap3A_1498 = arith.index_cast %scan3A_1376 : i32 to index
      %swap3A_1499 = arith.constant 48 : index
      %swap3A_1500 = tpu.vector_load %arg42[%swap3A_1497, %swap3A_1498, %swap3A_1499] {strides = array<i32>} : memref<2x200x64xf32, #tpu.memory_space<vmem>>, vector<1x1x16xf32>,
      %swap3A_1501 = vector.shape_cast %swap3A_1500 : vector<1x1x16xf32> to vector<16xf32>
      %swap3A_1502 = vector.shape_cast %add3A_1495 : vector<16xf32> to vector<1x1x16xf32>
      tpu.vector_store %arg42[%swap3A_1497, %swap3A_1498, %swap3A_1499], %swap3A_1502 {strides = array<i32>} : memref<2x200x64xf32, #tpu.memory_space<vmem>>, vector<1x1x16xf32>,
    }
    %scan3A_1143 = arith.constant 200 : i32
    %add3A_1144 = arith.constant 22 : i32
    %add3A_1145 = arith.addi %mul3A_2, %add3A_1144 : i32
    %dma_start3A_1146 = arith.constant 0 : i32
    %dma_start3A_1147 = arith.constant 0 : i32
    %dma_start3A_1148 = tpu.memref_slice %arg5[%add3A_1145, %dma_start3A_1146, %dma_start3A_1147] : memref<1024x200x128xf32, #tpu.memory_space<hbm>> -> memref<2x200x64xf32, #tpu.memory_space<hbm>>
    %dma_start3A_1149 = arith.constant 0 : i32
    %dma_start3A_1150 = arith.constant 0 : i32
    %dma_start3A_1151 = tpu.memref_slice %arg5[%add3A_1145, %dma_start3A_1149, %dma_start3A_1150] : memref<1024x200x128xf32, #tpu.memory_space<hbm>> -> memref<2x200x64xf32, #tpu.memory_space<hbm>>
    tpu.enqueue_dma source(%arg42 : memref<2x200x64xf32, #tpu.memory_space<vmem>>) target(%dma_start3A_1151 : memref<2x200x64xf32, #tpu.memory_space<hbm>>) target_semaphore(%arg50 : memref<!tpu.dma_semaphore, #tpu.memory_space<semaphore_mem>>)
    %add3A_1152 = arith.constant 18 : i32
    %add3A_1153 = arith.addi %mul3A_2, %add3A_1152 : i32
    %dma_wait3A_1154 = arith.constant 0 : i32
    %dma_wait3A_1155 = arith.constant 0 : i32
    %dma_wait3A_1156 = tpu.memref_slice %arg5[%add3A_1153, %dma_wait3A_1154, %dma_wait3A_1155] : memref<1024x200x128xf32, #tpu.memory_space<hbm>> -> memref<2x200x64xf32, #tpu.memory_space<hbm>>
    %dma_wait3A_1157 = arith.constant 0 : i32
    %dma_wait3A_1158 = arith.constant 0 : i32
    %dma_wait3A_1159 = tpu.memref_slice %arg5[%add3A_1153, %dma_wait3A_1157, %dma_wait3A_1158] : memref<1024x200x128xf32, #tpu.memory_space<hbm>> -> memref<2x200x64xf32, #tpu.memory_space<hbm>>
    tpu.wait_dma2 semaphore(%arg48 : memref<!tpu.dma_semaphore, #tpu.memory_space<semaphore_mem>>) src(%arg40 : memref<2x200x64xf32, #tpu.memory_space<vmem>>) dst(%dma_wait3A_1159 : memref<2x200x64xf32, #tpu.memory_space<hbm>>)
    %dma_start3A_1160 = arith.constant 0 : i32
    %dma_start3A_1161 = arith.constant 0 : i32
    %dma_start3A_1162 = arith.constant 0 : i32
    %dma_start3A_1163 = tpu.memref_slice %arg40[%dma_start3A_1160, %dma_start3A_1161, %dma_start3A_1162] : memref<2x200x64xf32, #tpu.memory_space<vmem>> -> memref<1x200x64xf32, #tpu.memory_space<vmem>>
    %dma_start3A_1164 = tpu.memref_squeeze %dma_start3A_1163 : memref<1x200x64xf32, #tpu.memory_space<vmem>> -> memref<200x64xf32, #tpu.memory_space<vmem>>
    %dma_start3A_1165 = arith.constant 0 : i32
    %dma_start3A_1166 = arith.constant 0 : i32
    %dma_start3A_1167 = tpu.memref_slice %arg3[%dma_start3A_1165, %dma_start3A_1166] : memref<100000x64xf32, #tpu.memory_space<hbm>> -> memref<100000x64xf32, #tpu.memory_space<hbm>>
    tpu.enqueue_indirect_dma source(%dma_start3A_1167 : memref<100000x64xf32, #tpu.memory_space<hbm>>) target(%dma_start3A_1164 : memref<200x64xf32, #tpu.memory_space<vmem>>) offsets(%arg32 : memref<200xi32, #tpu.memory_space<vmem>>) semaphore(%arg44 : memref<!tpu.dma_semaphore, #tpu.memory_space<semaphore_mem>>)
    %dma_start3A_1168 = arith.constant 1 : i32
    %dma_start3A_1169 = arith.constant 0 : i32
    %dma_start3A_1170 = arith.constant 0 : i32
    %dma_start3A_1171 = tpu.memref_slice %arg40[%dma_start3A_1168, %dma_start3A_1169, %dma_start3A_1170] : memref<2x200x64xf32, #tpu.memory_space<vmem>> -> memref<1x200x64xf32, #tpu.memory_space<vmem>>
    %dma_start3A_1172 = tpu.memref_squeeze %dma_start3A_1171 : memref<1x200x64xf32, #tpu.memory_space<vmem>> -> memref<200x64xf32, #tpu.memory_space<vmem>>
    %dma_start3A_1173 = arith.constant 0 : i32
    %dma_start3A_1174 = arith.constant 0 : i32
    %dma_start3A_1175 = tpu.memref_slice %arg3[%dma_start3A_1173, %dma_start3A_1174] : memref<100000x64xf32, #tpu.memory_space<hbm>> -> memref<100000x64xf32, #tpu.memory_space<hbm>>
    tpu.enqueue_indirect_dma source(%dma_start3A_1175 : memref<100000x64xf32, #tpu.memory_space<hbm>>) target(%dma_start3A_1172 : memref<200x64xf32, #tpu.memory_space<vmem>>) offsets(%arg33 : memref<200xi32, #tpu.memory_space<vmem>>) semaphore(%arg44 : memref<!tpu.dma_semaphore, #tpu.memory_space<semaphore_mem>>)
    %dma_wait3A_1176 = arith.constant 0 : i32
    %dma_wait3A_1177 = arith.constant 0 : i32
    %dma_wait3A_1178 = arith.constant 0 : i32
    %dma_wait3A_1179 = tpu.memref_slice %arg39[%dma_wait3A_1176, %dma_wait3A_1177, %dma_wait3A_1178] : memref<2x200x64xf32, #tpu.memory_space<vmem>> -> memref<1x200x64xf32, #tpu.memory_space<vmem>>
    %dma_wait3A_1180 = tpu.memref_squeeze %dma_wait3A_1179 : memref<1x200x64xf32, #tpu.memory_space<vmem>> -> memref<200x64xf32, #tpu.memory_space<vmem>>
    %dma_wait3A_1181 = arith.constant 0 : i32
    %dma_wait3A_1182 = arith.constant 0 : i32
    %dma_wait3A_1183 = tpu.memref_slice %arg3[%dma_wait3A_1181, %dma_wait3A_1182] : memref<100000x64xf32, #tpu.memory_space<hbm>> -> memref<100000x64xf32, #tpu.memory_space<hbm>>
    tpu.wait_indirect_dma semaphore(%arg43 : memref<!tpu.dma_semaphore, #tpu.memory_space<semaphore_mem>>) src(%dma_wait3A_1183 : memref<100000x64xf32, #tpu.memory_space<hbm>>) dst(%dma_wait3A_1180 : memref<200x64xf32, #tpu.memory_space<vmem>>)
    %dma_wait3A_1184 = arith.constant 1 : i32
    %dma_wait3A_1185 = arith.constant 0 : i32
    %dma_wait3A_1186 = arith.constant 0 : i32
    %dma_wait3A_1187 = tpu.memref_slice %arg39[%dma_wait3A_1184, %dma_wait3A_1185, %dma_wait3A_1186] : memref<2x200x64xf32, #tpu.memory_space<vmem>> -> memref<1x200x64xf32, #tpu.memory_space<vmem>>
    %dma_wait3A_1188 = tpu.memref_squeeze %dma_wait3A_1187 : memref<1x200x64xf32, #tpu.memory_space<vmem>> -> memref<200x64xf32, #tpu.memory_space<vmem>>
    %dma_wait3A_1189 = arith.constant 0 : i32
    %dma_wait3A_1190 = arith.constant 0 : i32
    %dma_wait3A_1191 = tpu.memref_slice %arg3[%dma_wait3A_1189, %dma_wait3A_1190] : memref<100000x64xf32, #tpu.memory_space<hbm>> -> memref<100000x64xf32, #tpu.memory_space<hbm>>
    tpu.wait_indirect_dma semaphore(%arg43 : memref<!tpu.dma_semaphore, #tpu.memory_space<semaphore_mem>>) src(%dma_wait3A_1191 : memref<100000x64xf32, #tpu.memory_space<hbm>>) dst(%dma_wait3A_1188 : memref<200x64xf32, #tpu.memory_space<vmem>>)
    %scan3A_1192 = arith.constant 0 : i32
    %scan3A_1193 = arith.constant 0 : i32
    %scan3A_1194 = arith.constant 200 : i32
    %scan3A_1195 = arith.addi %scan3A_1193, %scan3A_1194 : i32
    %scan3A_1196 = arith.constant 1 : i32
    scf.for %scan3A_1376 = %scan3A_1193 to %scan3A_1195 step %scan3A_1196  : i32 {
      %get3A = arith.index_cast %scan3A_1376 : i32 to index
      %get3A_1377 = arith.constant 0 : index
      %get3A_1378 = tpu.vector_load %arg38[%get3A, %get3A_1377] {strides = array<i32>} : memref<200x64xf32, #tpu.memory_space<vmem>>, vector<1x16xf32>,
      %get3A_1379 = vector.shape_cast %get3A_1378 : vector<1x16xf32> to vector<16xf32>
      %get3A_1380 = arith.index_cast %scan3A_1376 : i32 to index
      %get3A_1381 = arith.constant 16 : index
      %get3A_1382 = tpu.vector_load %arg38[%get3A_1380, %get3A_1381] {strides = array<i32>} : memref<200x64xf32, #tpu.memory_space<vmem>>, vector<1x16xf32>,
      %get3A_1383 = vector.shape_cast %get3A_1382 : vector<1x16xf32> to vector<16xf32>
      %get3A_1384 = arith.index_cast %scan3A_1376 : i32 to index
      %get3A_1385 = arith.constant 32 : index
      %get3A_1386 = tpu.vector_load %arg38[%get3A_1384, %get3A_1385] {strides = array<i32>} : memref<200x64xf32, #tpu.memory_space<vmem>>, vector<1x16xf32>,
      %get3A_1387 = vector.shape_cast %get3A_1386 : vector<1x16xf32> to vector<16xf32>
      %get3A_1388 = arith.index_cast %scan3A_1376 : i32 to index
      %get3A_1389 = arith.constant 48 : index
      %get3A_1390 = tpu.vector_load %arg38[%get3A_1388, %get3A_1389] {strides = array<i32>} : memref<200x64xf32, #tpu.memory_space<vmem>>, vector<1x16xf32>,
      %get3A_1391 = vector.shape_cast %get3A_1390 : vector<1x16xf32> to vector<16xf32>
      %get3A_1392 = arith.constant 0 : i32
      %get3A_1393 = arith.index_cast %get3A_1392 : i32 to index
      %get3A_1394 = arith.index_cast %scan3A_1376 : i32 to index
      %get3A_1395 = arith.constant 0 : index
      %get3A_1396 = tpu.vector_load %arg39[%get3A_1393, %get3A_1394, %get3A_1395] {strides = array<i32>} : memref<2x200x64xf32, #tpu.memory_space<vmem>>, vector<1x1x16xf32>,
      %get3A_1397 = vector.shape_cast %get3A_1396 : vector<1x1x16xf32> to vector<16xf32>
      %add3A_1398 = arith.addf %get3A_1397, %get3A_1379 : vector<16xf32>
      %swap3A = arith.constant 0 : i32
      %swap3A_1399 = arith.index_cast %swap3A : i32 to index
      %swap3A_1400 = arith.index_cast %scan3A_1376 : i32 to index
      %swap3A_1401 = arith.constant 0 : index
      %swap3A_1402 = tpu.vector_load %arg39[%swap3A_1399, %swap3A_1400, %swap3A_1401] {strides = array<i32>} : memref<2x200x64xf32, #tpu.memory_space<vmem>>, vector<1x1x16xf32>,
      %swap3A_1403 = vector.shape_cast %swap3A_1402 : vector<1x1x16xf32> to vector<16xf32>
      %swap3A_1404 = vector.shape_cast %add3A_1398 : vector<16xf32> to vector<1x1x16xf32>
      tpu.vector_store %arg39[%swap3A_1399, %swap3A_1400, %swap3A_1401], %swap3A_1404 {strides = array<i32>} : memref<2x200x64xf32, #tpu.memory_space<vmem>>, vector<1x1x16xf32>,
      %get3A_1405 = arith.constant 0 : i32
      %get3A_1406 = arith.index_cast %get3A_1405 : i32 to index
      %get3A_1407 = arith.index_cast %scan3A_1376 : i32 to index
      %get3A_1408 = arith.constant 16 : index
      %get3A_1409 = tpu.vector_load %arg39[%get3A_1406, %get3A_1407, %get3A_1408] {strides = array<i32>} : memref<2x200x64xf32, #tpu.memory_space<vmem>>, vector<1x1x16xf32>,
      %get3A_1410 = vector.shape_cast %get3A_1409 : vector<1x1x16xf32> to vector<16xf32>
      %add3A_1411 = arith.addf %get3A_1410, %get3A_1383 : vector<16xf32>
      %swap3A_1412 = arith.constant 0 : i32
      %swap3A_1413 = arith.index_cast %swap3A_1412 : i32 to index
      %swap3A_1414 = arith.index_cast %scan3A_1376 : i32 to index
      %swap3A_1415 = arith.constant 16 : index
      %swap3A_1416 = tpu.vector_load %arg39[%swap3A_1413, %swap3A_1414, %swap3A_1415] {strides = array<i32>} : memref<2x200x64xf32, #tpu.memory_space<vmem>>, vector<1x1x16xf32>,
      %swap3A_1417 = vector.shape_cast %swap3A_1416 : vector<1x1x16xf32> to vector<16xf32>
      %swap3A_1418 = vector.shape_cast %add3A_1411 : vector<16xf32> to vector<1x1x16xf32>
      tpu.vector_store %arg39[%swap3A_1413, %swap3A_1414, %swap3A_1415], %swap3A_1418 {strides = array<i32>} : memref<2x200x64xf32, #tpu.memory_space<vmem>>, vector<1x1x16xf32>,
      %get3A_1419 = arith.constant 0 : i32
      %get3A_1420 = arith.index_cast %get3A_1419 : i32 to index
      %get3A_1421 = arith.index_cast %scan3A_1376 : i32 to index
      %get3A_1422 = arith.constant 32 : index
      %get3A_1423 = tpu.vector_load %arg39[%get3A_1420, %get3A_1421, %get3A_1422] {strides = array<i32>} : memref<2x200x64xf32, #tpu.memory_space<vmem>>, vector<1x1x16xf32>,
      %get3A_1424 = vector.shape_cast %get3A_1423 : vector<1x1x16xf32> to vector<16xf32>
      %add3A_1425 = arith.addf %get3A_1424, %get3A_1387 : vector<16xf32>
      %swap3A_1426 = arith.constant 0 : i32
      %swap3A_1427 = arith.index_cast %swap3A_1426 : i32 to index
      %swap3A_1428 = arith.index_cast %scan3A_1376 : i32 to index
      %swap3A_1429 = arith.constant 32 : index
      %swap3A_1430 = tpu.vector_load %arg39[%swap3A_1427, %swap3A_1428, %swap3A_1429] {strides = array<i32>} : memref<2x200x64xf32, #tpu.memory_space<vmem>>, vector<1x1x16xf32>,
      %swap3A_1431 = vector.shape_cast %swap3A_1430 : vector<1x1x16xf32> to vector<16xf32>
      %swap3A_1432 = vector.shape_cast %add3A_1425 : vector<16xf32> to vector<1x1x16xf32>
      tpu.vector_store %arg39[%swap3A_1427, %swap3A_1428, %swap3A_1429], %swap3A_1432 {strides = array<i32>} : memref<2x200x64xf32, #tpu.memory_space<vmem>>, vector<1x1x16xf32>,
      %get3A_1433 = arith.constant 0 : i32
      %get3A_1434 = arith.index_cast %get3A_1433 : i32 to index
      %get3A_1435 = arith.index_cast %scan3A_1376 : i32 to index
      %get3A_1436 = arith.constant 48 : index
      %get3A_1437 = tpu.vector_load %arg39[%get3A_1434, %get3A_1435, %get3A_1436] {strides = array<i32>} : memref<2x200x64xf32, #tpu.memory_space<vmem>>, vector<1x1x16xf32>,
      %get3A_1438 = vector.shape_cast %get3A_1437 : vector<1x1x16xf32> to vector<16xf32>
      %add3A_1439 = arith.addf %get3A_1438, %get3A_1391 : vector<16xf32>
      %swap3A_1440 = arith.constant 0 : i32
      %swap3A_1441 = arith.index_cast %swap3A_1440 : i32 to index
      %swap3A_1442 = arith.index_cast %scan3A_1376 : i32 to index
      %swap3A_1443 = arith.constant 48 : index
      %swap3A_1444 = tpu.vector_load %arg39[%swap3A_1441, %swap3A_1442, %swap3A_1443] {strides = array<i32>} : memref<2x200x64xf32, #tpu.memory_space<vmem>>, vector<1x1x16xf32>,
      %swap3A_1445 = vector.shape_cast %swap3A_1444 : vector<1x1x16xf32> to vector<16xf32>
      %swap3A_1446 = vector.shape_cast %add3A_1439 : vector<16xf32> to vector<1x1x16xf32>
      tpu.vector_store %arg39[%swap3A_1441, %swap3A_1442, %swap3A_1443], %swap3A_1446 {strides = array<i32>} : memref<2x200x64xf32, #tpu.memory_space<vmem>>, vector<1x1x16xf32>,
      %get3A_1447 = arith.constant 1 : i32
      %get3A_1448 = arith.index_cast %get3A_1447 : i32 to index
      %get3A_1449 = arith.index_cast %scan3A_1376 : i32 to index
      %get3A_1450 = arith.constant 0 : index
      %get3A_1451 = tpu.vector_load %arg39[%get3A_1448, %get3A_1449, %get3A_1450] {strides = array<i32>} : memref<2x200x64xf32, #tpu.memory_space<vmem>>, vector<1x1x16xf32>,
      %get3A_1452 = vector.shape_cast %get3A_1451 : vector<1x1x16xf32> to vector<16xf32>
      %add3A_1453 = arith.addf %get3A_1452, %get3A_1379 : vector<16xf32>
      %swap3A_1454 = arith.constant 1 : i32
      %swap3A_1455 = arith.index_cast %swap3A_1454 : i32 to index
      %swap3A_1456 = arith.index_cast %scan3A_1376 : i32 to index
      %swap3A_1457 = arith.constant 0 : index
      %swap3A_1458 = tpu.vector_load %arg39[%swap3A_1455, %swap3A_1456, %swap3A_1457] {strides = array<i32>} : memref<2x200x64xf32, #tpu.memory_space<vmem>>, vector<1x1x16xf32>,
      %swap3A_1459 = vector.shape_cast %swap3A_1458 : vector<1x1x16xf32> to vector<16xf32>
      %swap3A_1460 = vector.shape_cast %add3A_1453 : vector<16xf32> to vector<1x1x16xf32>
      tpu.vector_store %arg39[%swap3A_1455, %swap3A_1456, %swap3A_1457], %swap3A_1460 {strides = array<i32>} : memref<2x200x64xf32, #tpu.memory_space<vmem>>, vector<1x1x16xf32>,
      %get3A_1461 = arith.constant 1 : i32
      %get3A_1462 = arith.index_cast %get3A_1461 : i32 to index
      %get3A_1463 = arith.index_cast %scan3A_1376 : i32 to index
      %get3A_1464 = arith.constant 16 : index
      %get3A_1465 = tpu.vector_load %arg39[%get3A_1462, %get3A_1463, %get3A_1464] {strides = array<i32>} : memref<2x200x64xf32, #tpu.memory_space<vmem>>, vector<1x1x16xf32>,
      %get3A_1466 = vector.shape_cast %get3A_1465 : vector<1x1x16xf32> to vector<16xf32>
      %add3A_1467 = arith.addf %get3A_1466, %get3A_1383 : vector<16xf32>
      %swap3A_1468 = arith.constant 1 : i32
      %swap3A_1469 = arith.index_cast %swap3A_1468 : i32 to index
      %swap3A_1470 = arith.index_cast %scan3A_1376 : i32 to index
      %swap3A_1471 = arith.constant 16 : index
      %swap3A_1472 = tpu.vector_load %arg39[%swap3A_1469, %swap3A_1470, %swap3A_1471] {strides = array<i32>} : memref<2x200x64xf32, #tpu.memory_space<vmem>>, vector<1x1x16xf32>,
      %swap3A_1473 = vector.shape_cast %swap3A_1472 : vector<1x1x16xf32> to vector<16xf32>
      %swap3A_1474 = vector.shape_cast %add3A_1467 : vector<16xf32> to vector<1x1x16xf32>
      tpu.vector_store %arg39[%swap3A_1469, %swap3A_1470, %swap3A_1471], %swap3A_1474 {strides = array<i32>} : memref<2x200x64xf32, #tpu.memory_space<vmem>>, vector<1x1x16xf32>,
      %get3A_1475 = arith.constant 1 : i32
      %get3A_1476 = arith.index_cast %get3A_1475 : i32 to index
      %get3A_1477 = arith.index_cast %scan3A_1376 : i32 to index
      %get3A_1478 = arith.constant 32 : index
      %get3A_1479 = tpu.vector_load %arg39[%get3A_1476, %get3A_1477, %get3A_1478] {strides = array<i32>} : memref<2x200x64xf32, #tpu.memory_space<vmem>>, vector<1x1x16xf32>,
      %get3A_1480 = vector.shape_cast %get3A_1479 : vector<1x1x16xf32> to vector<16xf32>
      %add3A_1481 = arith.addf %get3A_1480, %get3A_1387 : vector<16xf32>
      %swap3A_1482 = arith.constant 1 : i32
      %swap3A_1483 = arith.index_cast %swap3A_1482 : i32 to index
      %swap3A_1484 = arith.index_cast %scan3A_1376 : i32 to index
      %swap3A_1485 = arith.constant 32 : index
      %swap3A_1486 = tpu.vector_load %arg39[%swap3A_1483, %swap3A_1484, %swap3A_1485] {strides = array<i32>} : memref<2x200x64xf32, #tpu.memory_space<vmem>>, vector<1x1x16xf32>,
      %swap3A_1487 = vector.shape_cast %swap3A_1486 : vector<1x1x16xf32> to vector<16xf32>
      %swap3A_1488 = vector.shape_cast %add3A_1481 : vector<16xf32> to vector<1x1x16xf32>
      tpu.vector_store %arg39[%swap3A_1483, %swap3A_1484, %swap3A_1485], %swap3A_1488 {strides = array<i32>} : memref<2x200x64xf32, #tpu.memory_space<vmem>>, vector<1x1x16xf32>,
      %get3A_1489 = arith.constant 1 : i32
      %get3A_1490 = arith.index_cast %get3A_1489 : i32 to index
      %get3A_1491 = arith.index_cast %scan3A_1376 : i32 to index
      %get3A_1492 = arith.constant 48 : index
      %get3A_1493 = tpu.vector_load %arg39[%get3A_1490, %get3A_1491, %get3A_1492] {strides = array<i32>} : memref<2x200x64xf32, #tpu.memory_space<vmem>>, vector<1x1x16xf32>,
      %get3A_1494 = vector.shape_cast %get3A_1493 : vector<1x1x16xf32> to vector<16xf32>
      %add3A_1495 = arith.addf %get3A_1494, %get3A_1391 : vector<16xf32>
      %swap3A_1496 = arith.constant 1 : i32
      %swap3A_1497 = arith.index_cast %swap3A_1496 : i32 to index
      %swap3A_1498 = arith.index_cast %scan3A_1376 : i32 to index
      %swap3A_1499 = arith.constant 48 : index
      %swap3A_1500 = tpu.vector_load %arg39[%swap3A_1497, %swap3A_1498, %swap3A_1499] {strides = array<i32>} : memref<2x200x64xf32, #tpu.memory_space<vmem>>, vector<1x1x16xf32>,
      %swap3A_1501 = vector.shape_cast %swap3A_1500 : vector<1x1x16xf32> to vector<16xf32>
      %swap3A_1502 = vector.shape_cast %add3A_1495 : vector<16xf32> to vector<1x1x16xf32>
      tpu.vector_store %arg39[%swap3A_1497, %swap3A_1498, %swap3A_1499], %swap3A_1502 {strides = array<i32>} : memref<2x200x64xf32, #tpu.memory_space<vmem>>, vector<1x1x16xf32>,
    }
    %scan3A_1197 = arith.constant 200 : i32
    %add3A_1198 = arith.constant 24 : i32
    %add3A_1199 = arith.addi %mul3A_2, %add3A_1198 : i32
    %dma_start3A_1200 = arith.constant 0 : i32
    %dma_start3A_1201 = arith.constant 0 : i32
    %dma_start3A_1202 = tpu.memref_slice %arg5[%add3A_1199, %dma_start3A_1200, %dma_start3A_1201] : memref<1024x200x128xf32, #tpu.memory_space<hbm>> -> memref<2x200x64xf32, #tpu.memory_space<hbm>>
    %dma_start3A_1203 = arith.constant 0 : i32
    %dma_start3A_1204 = arith.constant 0 : i32
    %dma_start3A_1205 = tpu.memref_slice %arg5[%add3A_1199, %dma_start3A_1203, %dma_start3A_1204] : memref<1024x200x128xf32, #tpu.memory_space<hbm>> -> memref<2x200x64xf32, #tpu.memory_space<hbm>>
    tpu.enqueue_dma source(%arg39 : memref<2x200x64xf32, #tpu.memory_space<vmem>>) target(%dma_start3A_1205 : memref<2x200x64xf32, #tpu.memory_space<hbm>>) target_semaphore(%arg47 : memref<!tpu.dma_semaphore, #tpu.memory_space<semaphore_mem>>)
    %add3A_1206 = arith.constant 20 : i32
    %add3A_1207 = arith.addi %mul3A_2, %add3A_1206 : i32
    %dma_wait3A_1208 = arith.constant 0 : i32
    %dma_wait3A_1209 = arith.constant 0 : i32
    %dma_wait3A_1210 = tpu.memref_slice %arg5[%add3A_1207, %dma_wait3A_1208, %dma_wait3A_1209] : memref<1024x200x128xf32, #tpu.memory_space<hbm>> -> memref<2x200x64xf32, #tpu.memory_space<hbm>>
    %dma_wait3A_1211 = arith.constant 0 : i32
    %dma_wait3A_1212 = arith.constant 0 : i32
    %dma_wait3A_1213 = tpu.memref_slice %arg5[%add3A_1207, %dma_wait3A_1211, %dma_wait3A_1212] : memref<1024x200x128xf32, #tpu.memory_space<hbm>> -> memref<2x200x64xf32, #tpu.memory_space<hbm>>
    tpu.wait_dma2 semaphore(%arg49 : memref<!tpu.dma_semaphore, #tpu.memory_space<semaphore_mem>>) src(%arg41 : memref<2x200x64xf32, #tpu.memory_space<vmem>>) dst(%dma_wait3A_1213 : memref<2x200x64xf32, #tpu.memory_space<hbm>>)
    %dma_start3A_1214 = arith.constant 0 : i32
    %dma_start3A_1215 = arith.constant 0 : i32
    %dma_start3A_1216 = arith.constant 0 : i32
    %dma_start3A_1217 = tpu.memref_slice %arg41[%dma_start3A_1214, %dma_start3A_1215, %dma_start3A_1216] : memref<2x200x64xf32, #tpu.memory_space<vmem>> -> memref<1x200x64xf32, #tpu.memory_space<vmem>>
    %dma_start3A_1218 = tpu.memref_squeeze %dma_start3A_1217 : memref<1x200x64xf32, #tpu.memory_space<vmem>> -> memref<200x64xf32, #tpu.memory_space<vmem>>
    %dma_start3A_1219 = arith.constant 0 : i32
    %dma_start3A_1220 = arith.constant 0 : i32
    %dma_start3A_1221 = tpu.memref_slice %arg3[%dma_start3A_1219, %dma_start3A_1220] : memref<100000x64xf32, #tpu.memory_space<hbm>> -> memref<100000x64xf32, #tpu.memory_space<hbm>>
    tpu.enqueue_indirect_dma source(%dma_start3A_1221 : memref<100000x64xf32, #tpu.memory_space<hbm>>) target(%dma_start3A_1218 : memref<200x64xf32, #tpu.memory_space<vmem>>) offsets(%arg34 : memref<200xi32, #tpu.memory_space<vmem>>) semaphore(%arg45 : memref<!tpu.dma_semaphore, #tpu.memory_space<semaphore_mem>>)
    %dma_start3A_1222 = arith.constant 1 : i32
    %dma_start3A_1223 = arith.constant 0 : i32
    %dma_start3A_1224 = arith.constant 0 : i32
    %dma_start3A_1225 = tpu.memref_slice %arg41[%dma_start3A_1222, %dma_start3A_1223, %dma_start3A_1224] : memref<2x200x64xf32, #tpu.memory_space<vmem>> -> memref<1x200x64xf32, #tpu.memory_space<vmem>>
    %dma_start3A_1226 = tpu.memref_squeeze %dma_start3A_1225 : memref<1x200x64xf32, #tpu.memory_space<vmem>> -> memref<200x64xf32, #tpu.memory_space<vmem>>
    %dma_start3A_1227 = arith.constant 0 : i32
    %dma_start3A_1228 = arith.constant 0 : i32
    %dma_start3A_1229 = tpu.memref_slice %arg3[%dma_start3A_1227, %dma_start3A_1228] : memref<100000x64xf32, #tpu.memory_space<hbm>> -> memref<100000x64xf32, #tpu.memory_space<hbm>>
    tpu.enqueue_indirect_dma source(%dma_start3A_1229 : memref<100000x64xf32, #tpu.memory_space<hbm>>) target(%dma_start3A_1226 : memref<200x64xf32, #tpu.memory_space<vmem>>) offsets(%arg35 : memref<200xi32, #tpu.memory_space<vmem>>) semaphore(%arg45 : memref<!tpu.dma_semaphore, #tpu.memory_space<semaphore_mem>>)
    %dma_wait3A_1230 = arith.constant 0 : i32
    %dma_wait3A_1231 = arith.constant 0 : i32
    %dma_wait3A_1232 = arith.constant 0 : i32
    %dma_wait3A_1233 = tpu.memref_slice %arg40[%dma_wait3A_1230, %dma_wait3A_1231, %dma_wait3A_1232] : memref<2x200x64xf32, #tpu.memory_space<vmem>> -> memref<1x200x64xf32, #tpu.memory_space<vmem>>
    %dma_wait3A_1234 = tpu.memref_squeeze %dma_wait3A_1233 : memref<1x200x64xf32, #tpu.memory_space<vmem>> -> memref<200x64xf32, #tpu.memory_space<vmem>>
    %dma_wait3A_1235 = arith.constant 0 : i32
    %dma_wait3A_1236 = arith.constant 0 : i32
    %dma_wait3A_1237 = tpu.memref_slice %arg3[%dma_wait3A_1235, %dma_wait3A_1236] : memref<100000x64xf32, #tpu.memory_space<hbm>> -> memref<100000x64xf32, #tpu.memory_space<hbm>>
    tpu.wait_indirect_dma semaphore(%arg44 : memref<!tpu.dma_semaphore, #tpu.memory_space<semaphore_mem>>) src(%dma_wait3A_1237 : memref<100000x64xf32, #tpu.memory_space<hbm>>) dst(%dma_wait3A_1234 : memref<200x64xf32, #tpu.memory_space<vmem>>)
    %dma_wait3A_1238 = arith.constant 1 : i32
    %dma_wait3A_1239 = arith.constant 0 : i32
    %dma_wait3A_1240 = arith.constant 0 : i32
    %dma_wait3A_1241 = tpu.memref_slice %arg40[%dma_wait3A_1238, %dma_wait3A_1239, %dma_wait3A_1240] : memref<2x200x64xf32, #tpu.memory_space<vmem>> -> memref<1x200x64xf32, #tpu.memory_space<vmem>>
    %dma_wait3A_1242 = tpu.memref_squeeze %dma_wait3A_1241 : memref<1x200x64xf32, #tpu.memory_space<vmem>> -> memref<200x64xf32, #tpu.memory_space<vmem>>
    %dma_wait3A_1243 = arith.constant 0 : i32
    %dma_wait3A_1244 = arith.constant 0 : i32
    %dma_wait3A_1245 = tpu.memref_slice %arg3[%dma_wait3A_1243, %dma_wait3A_1244] : memref<100000x64xf32, #tpu.memory_space<hbm>> -> memref<100000x64xf32, #tpu.memory_space<hbm>>
    tpu.wait_indirect_dma semaphore(%arg44 : memref<!tpu.dma_semaphore, #tpu.memory_space<semaphore_mem>>) src(%dma_wait3A_1245 : memref<100000x64xf32, #tpu.memory_space<hbm>>) dst(%dma_wait3A_1242 : memref<200x64xf32, #tpu.memory_space<vmem>>)
    %scan3A_1246 = arith.constant 0 : i32
    %scan3A_1247 = arith.constant 0 : i32
    %scan3A_1248 = arith.constant 200 : i32
    %scan3A_1249 = arith.addi %scan3A_1247, %scan3A_1248 : i32
    %scan3A_1250 = arith.constant 1 : i32
    scf.for %scan3A_1376 = %scan3A_1247 to %scan3A_1249 step %scan3A_1250  : i32 {
      %get3A = arith.index_cast %scan3A_1376 : i32 to index
      %get3A_1377 = arith.constant 0 : index
      %get3A_1378 = tpu.vector_load %arg38[%get3A, %get3A_1377] {strides = array<i32>} : memref<200x64xf32, #tpu.memory_space<vmem>>, vector<1x16xf32>,
      %get3A_1379 = vector.shape_cast %get3A_1378 : vector<1x16xf32> to vector<16xf32>
      %get3A_1380 = arith.index_cast %scan3A_1376 : i32 to index
      %get3A_1381 = arith.constant 16 : index
      %get3A_1382 = tpu.vector_load %arg38[%get3A_1380, %get3A_1381] {strides = array<i32>} : memref<200x64xf32, #tpu.memory_space<vmem>>, vector<1x16xf32>,
      %get3A_1383 = vector.shape_cast %get3A_1382 : vector<1x16xf32> to vector<16xf32>
      %get3A_1384 = arith.index_cast %scan3A_1376 : i32 to index
      %get3A_1385 = arith.constant 32 : index
      %get3A_1386 = tpu.vector_load %arg38[%get3A_1384, %get3A_1385] {strides = array<i32>} : memref<200x64xf32, #tpu.memory_space<vmem>>, vector<1x16xf32>,
      %get3A_1387 = vector.shape_cast %get3A_1386 : vector<1x16xf32> to vector<16xf32>
      %get3A_1388 = arith.index_cast %scan3A_1376 : i32 to index
      %get3A_1389 = arith.constant 48 : index
      %get3A_1390 = tpu.vector_load %arg38[%get3A_1388, %get3A_1389] {strides = array<i32>} : memref<200x64xf32, #tpu.memory_space<vmem>>, vector<1x16xf32>,
      %get3A_1391 = vector.shape_cast %get3A_1390 : vector<1x16xf32> to vector<16xf32>
      %get3A_1392 = arith.constant 0 : i32
      %get3A_1393 = arith.index_cast %get3A_1392 : i32 to index
      %get3A_1394 = arith.index_cast %scan3A_1376 : i32 to index
      %get3A_1395 = arith.constant 0 : index
      %get3A_1396 = tpu.vector_load %arg40[%get3A_1393, %get3A_1394, %get3A_1395] {strides = array<i32>} : memref<2x200x64xf32, #tpu.memory_space<vmem>>, vector<1x1x16xf32>,
      %get3A_1397 = vector.shape_cast %get3A_1396 : vector<1x1x16xf32> to vector<16xf32>
      %add3A_1398 = arith.addf %get3A_1397, %get3A_1379 : vector<16xf32>
      %swap3A = arith.constant 0 : i32
      %swap3A_1399 = arith.index_cast %swap3A : i32 to index
      %swap3A_1400 = arith.index_cast %scan3A_1376 : i32 to index
      %swap3A_1401 = arith.constant 0 : index
      %swap3A_1402 = tpu.vector_load %arg40[%swap3A_1399, %swap3A_1400, %swap3A_1401] {strides = array<i32>} : memref<2x200x64xf32, #tpu.memory_space<vmem>>, vector<1x1x16xf32>,
      %swap3A_1403 = vector.shape_cast %swap3A_1402 : vector<1x1x16xf32> to vector<16xf32>
      %swap3A_1404 = vector.shape_cast %add3A_1398 : vector<16xf32> to vector<1x1x16xf32>
      tpu.vector_store %arg40[%swap3A_1399, %swap3A_1400, %swap3A_1401], %swap3A_1404 {strides = array<i32>} : memref<2x200x64xf32, #tpu.memory_space<vmem>>, vector<1x1x16xf32>,
      %get3A_1405 = arith.constant 0 : i32
      %get3A_1406 = arith.index_cast %get3A_1405 : i32 to index
      %get3A_1407 = arith.index_cast %scan3A_1376 : i32 to index
      %get3A_1408 = arith.constant 16 : index
      %get3A_1409 = tpu.vector_load %arg40[%get3A_1406, %get3A_1407, %get3A_1408] {strides = array<i32>} : memref<2x200x64xf32, #tpu.memory_space<vmem>>, vector<1x1x16xf32>,
      %get3A_1410 = vector.shape_cast %get3A_1409 : vector<1x1x16xf32> to vector<16xf32>
      %add3A_1411 = arith.addf %get3A_1410, %get3A_1383 : vector<16xf32>
      %swap3A_1412 = arith.constant 0 : i32
      %swap3A_1413 = arith.index_cast %swap3A_1412 : i32 to index
      %swap3A_1414 = arith.index_cast %scan3A_1376 : i32 to index
      %swap3A_1415 = arith.constant 16 : index
      %swap3A_1416 = tpu.vector_load %arg40[%swap3A_1413, %swap3A_1414, %swap3A_1415] {strides = array<i32>} : memref<2x200x64xf32, #tpu.memory_space<vmem>>, vector<1x1x16xf32>,
      %swap3A_1417 = vector.shape_cast %swap3A_1416 : vector<1x1x16xf32> to vector<16xf32>
      %swap3A_1418 = vector.shape_cast %add3A_1411 : vector<16xf32> to vector<1x1x16xf32>
      tpu.vector_store %arg40[%swap3A_1413, %swap3A_1414, %swap3A_1415], %swap3A_1418 {strides = array<i32>} : memref<2x200x64xf32, #tpu.memory_space<vmem>>, vector<1x1x16xf32>,
      %get3A_1419 = arith.constant 0 : i32
      %get3A_1420 = arith.index_cast %get3A_1419 : i32 to index
      %get3A_1421 = arith.index_cast %scan3A_1376 : i32 to index
      %get3A_1422 = arith.constant 32 : index
      %get3A_1423 = tpu.vector_load %arg40[%get3A_1420, %get3A_1421, %get3A_1422] {strides = array<i32>} : memref<2x200x64xf32, #tpu.memory_space<vmem>>, vector<1x1x16xf32>,
      %get3A_1424 = vector.shape_cast %get3A_1423 : vector<1x1x16xf32> to vector<16xf32>
      %add3A_1425 = arith.addf %get3A_1424, %get3A_1387 : vector<16xf32>
      %swap3A_1426 = arith.constant 0 : i32
      %swap3A_1427 = arith.index_cast %swap3A_1426 : i32 to index
      %swap3A_1428 = arith.index_cast %scan3A_1376 : i32 to index
      %swap3A_1429 = arith.constant 32 : index
      %swap3A_1430 = tpu.vector_load %arg40[%swap3A_1427, %swap3A_1428, %swap3A_1429] {strides = array<i32>} : memref<2x200x64xf32, #tpu.memory_space<vmem>>, vector<1x1x16xf32>,
      %swap3A_1431 = vector.shape_cast %swap3A_1430 : vector<1x1x16xf32> to vector<16xf32>
      %swap3A_1432 = vector.shape_cast %add3A_1425 : vector<16xf32> to vector<1x1x16xf32>
      tpu.vector_store %arg40[%swap3A_1427, %swap3A_1428, %swap3A_1429], %swap3A_1432 {strides = array<i32>} : memref<2x200x64xf32, #tpu.memory_space<vmem>>, vector<1x1x16xf32>,
      %get3A_1433 = arith.constant 0 : i32
      %get3A_1434 = arith.index_cast %get3A_1433 : i32 to index
      %get3A_1435 = arith.index_cast %scan3A_1376 : i32 to index
      %get3A_1436 = arith.constant 48 : index
      %get3A_1437 = tpu.vector_load %arg40[%get3A_1434, %get3A_1435, %get3A_1436] {strides = array<i32>} : memref<2x200x64xf32, #tpu.memory_space<vmem>>, vector<1x1x16xf32>,
      %get3A_1438 = vector.shape_cast %get3A_1437 : vector<1x1x16xf32> to vector<16xf32>
      %add3A_1439 = arith.addf %get3A_1438, %get3A_1391 : vector<16xf32>
      %swap3A_1440 = arith.constant 0 : i32
      %swap3A_1441 = arith.index_cast %swap3A_1440 : i32 to index
      %swap3A_1442 = arith.index_cast %scan3A_1376 : i32 to index
      %swap3A_1443 = arith.constant 48 : index
      %swap3A_1444 = tpu.vector_load %arg40[%swap3A_1441, %swap3A_1442, %swap3A_1443] {strides = array<i32>} : memref<2x200x64xf32, #tpu.memory_space<vmem>>, vector<1x1x16xf32>,
      %swap3A_1445 = vector.shape_cast %swap3A_1444 : vector<1x1x16xf32> to vector<16xf32>
      %swap3A_1446 = vector.shape_cast %add3A_1439 : vector<16xf32> to vector<1x1x16xf32>
      tpu.vector_store %arg40[%swap3A_1441, %swap3A_1442, %swap3A_1443], %swap3A_1446 {strides = array<i32>} : memref<2x200x64xf32, #tpu.memory_space<vmem>>, vector<1x1x16xf32>,
      %get3A_1447 = arith.constant 1 : i32
      %get3A_1448 = arith.index_cast %get3A_1447 : i32 to index
      %get3A_1449 = arith.index_cast %scan3A_1376 : i32 to index
      %get3A_1450 = arith.constant 0 : index
      %get3A_1451 = tpu.vector_load %arg40[%get3A_1448, %get3A_1449, %get3A_1450] {strides = array<i32>} : memref<2x200x64xf32, #tpu.memory_space<vmem>>, vector<1x1x16xf32>,
      %get3A_1452 = vector.shape_cast %get3A_1451 : vector<1x1x16xf32> to vector<16xf32>
      %add3A_1453 = arith.addf %get3A_1452, %get3A_1379 : vector<16xf32>
      %swap3A_1454 = arith.constant 1 : i32
      %swap3A_1455 = arith.index_cast %swap3A_1454 : i32 to index
      %swap3A_1456 = arith.index_cast %scan3A_1376 : i32 to index
      %swap3A_1457 = arith.constant 0 : index
      %swap3A_1458 = tpu.vector_load %arg40[%swap3A_1455, %swap3A_1456, %swap3A_1457] {strides = array<i32>} : memref<2x200x64xf32, #tpu.memory_space<vmem>>, vector<1x1x16xf32>,
      %swap3A_1459 = vector.shape_cast %swap3A_1458 : vector<1x1x16xf32> to vector<16xf32>
      %swap3A_1460 = vector.shape_cast %add3A_1453 : vector<16xf32> to vector<1x1x16xf32>
      tpu.vector_store %arg40[%swap3A_1455, %swap3A_1456, %swap3A_1457], %swap3A_1460 {strides = array<i32>} : memref<2x200x64xf32, #tpu.memory_space<vmem>>, vector<1x1x16xf32>,
      %get3A_1461 = arith.constant 1 : i32
      %get3A_1462 = arith.index_cast %get3A_1461 : i32 to index
      %get3A_1463 = arith.index_cast %scan3A_1376 : i32 to index
      %get3A_1464 = arith.constant 16 : index
      %get3A_1465 = tpu.vector_load %arg40[%get3A_1462, %get3A_1463, %get3A_1464] {strides = array<i32>} : memref<2x200x64xf32, #tpu.memory_space<vmem>>, vector<1x1x16xf32>,
      %get3A_1466 = vector.shape_cast %get3A_1465 : vector<1x1x16xf32> to vector<16xf32>
      %add3A_1467 = arith.addf %get3A_1466, %get3A_1383 : vector<16xf32>
      %swap3A_1468 = arith.constant 1 : i32
      %swap3A_1469 = arith.index_cast %swap3A_1468 : i32 to index
      %swap3A_1470 = arith.index_cast %scan3A_1376 : i32 to index
      %swap3A_1471 = arith.constant 16 : index
      %swap3A_1472 = tpu.vector_load %arg40[%swap3A_1469, %swap3A_1470, %swap3A_1471] {strides = array<i32>} : memref<2x200x64xf32, #tpu.memory_space<vmem>>, vector<1x1x16xf32>,
      %swap3A_1473 = vector.shape_cast %swap3A_1472 : vector<1x1x16xf32> to vector<16xf32>
      %swap3A_1474 = vector.shape_cast %add3A_1467 : vector<16xf32> to vector<1x1x16xf32>
      tpu.vector_store %arg40[%swap3A_1469, %swap3A_1470, %swap3A_1471], %swap3A_1474 {strides = array<i32>} : memref<2x200x64xf32, #tpu.memory_space<vmem>>, vector<1x1x16xf32>,
      %get3A_1475 = arith.constant 1 : i32
      %get3A_1476 = arith.index_cast %get3A_1475 : i32 to index
      %get3A_1477 = arith.index_cast %scan3A_1376 : i32 to index
      %get3A_1478 = arith.constant 32 : index
      %get3A_1479 = tpu.vector_load %arg40[%get3A_1476, %get3A_1477, %get3A_1478] {strides = array<i32>} : memref<2x200x64xf32, #tpu.memory_space<vmem>>, vector<1x1x16xf32>,
      %get3A_1480 = vector.shape_cast %get3A_1479 : vector<1x1x16xf32> to vector<16xf32>
      %add3A_1481 = arith.addf %get3A_1480, %get3A_1387 : vector<16xf32>
      %swap3A_1482 = arith.constant 1 : i32
      %swap3A_1483 = arith.index_cast %swap3A_1482 : i32 to index
      %swap3A_1484 = arith.index_cast %scan3A_1376 : i32 to index
      %swap3A_1485 = arith.constant 32 : index
      %swap3A_1486 = tpu.vector_load %arg40[%swap3A_1483, %swap3A_1484, %swap3A_1485] {strides = array<i32>} : memref<2x200x64xf32, #tpu.memory_space<vmem>>, vector<1x1x16xf32>,
      %swap3A_1487 = vector.shape_cast %swap3A_1486 : vector<1x1x16xf32> to vector<16xf32>
      %swap3A_1488 = vector.shape_cast %add3A_1481 : vector<16xf32> to vector<1x1x16xf32>
      tpu.vector_store %arg40[%swap3A_1483, %swap3A_1484, %swap3A_1485], %swap3A_1488 {strides = array<i32>} : memref<2x200x64xf32, #tpu.memory_space<vmem>>, vector<1x1x16xf32>,
      %get3A_1489 = arith.constant 1 : i32
      %get3A_1490 = arith.index_cast %get3A_1489 : i32 to index
      %get3A_1491 = arith.index_cast %scan3A_1376 : i32 to index
      %get3A_1492 = arith.constant 48 : index
      %get3A_1493 = tpu.vector_load %arg40[%get3A_1490, %get3A_1491, %get3A_1492] {strides = array<i32>} : memref<2x200x64xf32, #tpu.memory_space<vmem>>, vector<1x1x16xf32>,
      %get3A_1494 = vector.shape_cast %get3A_1493 : vector<1x1x16xf32> to vector<16xf32>
      %add3A_1495 = arith.addf %get3A_1494, %get3A_1391 : vector<16xf32>
      %swap3A_1496 = arith.constant 1 : i32
      %swap3A_1497 = arith.index_cast %swap3A_1496 : i32 to index
      %swap3A_1498 = arith.index_cast %scan3A_1376 : i32 to index
      %swap3A_1499 = arith.constant 48 : index
      %swap3A_1500 = tpu.vector_load %arg40[%swap3A_1497, %swap3A_1498, %swap3A_1499] {strides = array<i32>} : memref<2x200x64xf32, #tpu.memory_space<vmem>>, vector<1x1x16xf32>,
      %swap3A_1501 = vector.shape_cast %swap3A_1500 : vector<1x1x16xf32> to vector<16xf32>
      %swap3A_1502 = vector.shape_cast %add3A_1495 : vector<16xf32> to vector<1x1x16xf32>
      tpu.vector_store %arg40[%swap3A_1497, %swap3A_1498, %swap3A_1499], %swap3A_1502 {strides = array<i32>} : memref<2x200x64xf32, #tpu.memory_space<vmem>>, vector<1x1x16xf32>,
    }
    %scan3A_1251 = arith.constant 200 : i32
    %add3A_1252 = arith.constant 26 : i32
    %add3A_1253 = arith.addi %mul3A_2, %add3A_1252 : i32
    %dma_start3A_1254 = arith.constant 0 : i32
    %dma_start3A_1255 = arith.constant 0 : i32
    %dma_start3A_1256 = tpu.memref_slice %arg5[%add3A_1253, %dma_start3A_1254, %dma_start3A_1255] : memref<1024x200x128xf32, #tpu.memory_space<hbm>> -> memref<2x200x64xf32, #tpu.memory_space<hbm>>
    %dma_start3A_1257 = arith.constant 0 : i32
    %dma_start3A_1258 = arith.constant 0 : i32
    %dma_start3A_1259 = tpu.memref_slice %arg5[%add3A_1253, %dma_start3A_1257, %dma_start3A_1258] : memref<1024x200x128xf32, #tpu.memory_space<hbm>> -> memref<2x200x64xf32, #tpu.memory_space<hbm>>
    tpu.enqueue_dma source(%arg40 : memref<2x200x64xf32, #tpu.memory_space<vmem>>) target(%dma_start3A_1259 : memref<2x200x64xf32, #tpu.memory_space<hbm>>) target_semaphore(%arg48 : memref<!tpu.dma_semaphore, #tpu.memory_space<semaphore_mem>>)
    %add3A_1260 = arith.constant 22 : i32
    %add3A_1261 = arith.addi %mul3A_2, %add3A_1260 : i32
    %dma_wait3A_1262 = arith.constant 0 : i32
    %dma_wait3A_1263 = arith.constant 0 : i32
    %dma_wait3A_1264 = tpu.memref_slice %arg5[%add3A_1261, %dma_wait3A_1262, %dma_wait3A_1263] : memref<1024x200x128xf32, #tpu.memory_space<hbm>> -> memref<2x200x64xf32, #tpu.memory_space<hbm>>
    %dma_wait3A_1265 = arith.constant 0 : i32
    %dma_wait3A_1266 = arith.constant 0 : i32
    %dma_wait3A_1267 = tpu.memref_slice %arg5[%add3A_1261, %dma_wait3A_1265, %dma_wait3A_1266] : memref<1024x200x128xf32, #tpu.memory_space<hbm>> -> memref<2x200x64xf32, #tpu.memory_space<hbm>>
    tpu.wait_dma2 semaphore(%arg50 : memref<!tpu.dma_semaphore, #tpu.memory_space<semaphore_mem>>) src(%arg42 : memref<2x200x64xf32, #tpu.memory_space<vmem>>) dst(%dma_wait3A_1267 : memref<2x200x64xf32, #tpu.memory_space<hbm>>)
    %dma_start3A_1268 = arith.constant 0 : i32
    %dma_start3A_1269 = arith.constant 0 : i32
    %dma_start3A_1270 = arith.constant 0 : i32
    %dma_start3A_1271 = tpu.memref_slice %arg42[%dma_start3A_1268, %dma_start3A_1269, %dma_start3A_1270] : memref<2x200x64xf32, #tpu.memory_space<vmem>> -> memref<1x200x64xf32, #tpu.memory_space<vmem>>
    %dma_start3A_1272 = tpu.memref_squeeze %dma_start3A_1271 : memref<1x200x64xf32, #tpu.memory_space<vmem>> -> memref<200x64xf32, #tpu.memory_space<vmem>>
    %dma_start3A_1273 = arith.constant 0 : i32
    %dma_start3A_1274 = arith.constant 0 : i32
    %dma_start3A_1275 = tpu.memref_slice %arg3[%dma_start3A_1273, %dma_start3A_1274] : memref<100000x64xf32, #tpu.memory_space<hbm>> -> memref<100000x64xf32, #tpu.memory_space<hbm>>
    tpu.enqueue_indirect_dma source(%dma_start3A_1275 : memref<100000x64xf32, #tpu.memory_space<hbm>>) target(%dma_start3A_1272 : memref<200x64xf32, #tpu.memory_space<vmem>>) offsets(%arg36 : memref<200xi32, #tpu.memory_space<vmem>>) semaphore(%arg46 : memref<!tpu.dma_semaphore, #tpu.memory_space<semaphore_mem>>)
    %dma_start3A_1276 = arith.constant 1 : i32
    %dma_start3A_1277 = arith.constant 0 : i32
    %dma_start3A_1278 = arith.constant 0 : i32
    %dma_start3A_1279 = tpu.memref_slice %arg42[%dma_start3A_1276, %dma_start3A_1277, %dma_start3A_1278] : memref<2x200x64xf32, #tpu.memory_space<vmem>> -> memref<1x200x64xf32, #tpu.memory_space<vmem>>
    %dma_start3A_1280 = tpu.memref_squeeze %dma_start3A_1279 : memref<1x200x64xf32, #tpu.memory_space<vmem>> -> memref<200x64xf32, #tpu.memory_space<vmem>>
    %dma_start3A_1281 = arith.constant 0 : i32
    %dma_start3A_1282 = arith.constant 0 : i32
    %dma_start3A_1283 = tpu.memref_slice %arg3[%dma_start3A_1281, %dma_start3A_1282] : memref<100000x64xf32, #tpu.memory_space<hbm>> -> memref<100000x64xf32, #tpu.memory_space<hbm>>
    tpu.enqueue_indirect_dma source(%dma_start3A_1283 : memref<100000x64xf32, #tpu.memory_space<hbm>>) target(%dma_start3A_1280 : memref<200x64xf32, #tpu.memory_space<vmem>>) offsets(%arg37 : memref<200xi32, #tpu.memory_space<vmem>>) semaphore(%arg46 : memref<!tpu.dma_semaphore, #tpu.memory_space<semaphore_mem>>)
    %dma_wait3A_1284 = arith.constant 0 : i32
    %dma_wait3A_1285 = arith.constant 0 : i32
    %dma_wait3A_1286 = arith.constant 0 : i32
    %dma_wait3A_1287 = tpu.memref_slice %arg41[%dma_wait3A_1284, %dma_wait3A_1285, %dma_wait3A_1286] : memref<2x200x64xf32, #tpu.memory_space<vmem>> -> memref<1x200x64xf32, #tpu.memory_space<vmem>>
    %dma_wait3A_1288 = tpu.memref_squeeze %dma_wait3A_1287 : memref<1x200x64xf32, #tpu.memory_space<vmem>> -> memref<200x64xf32, #tpu.memory_space<vmem>>
    %dma_wait3A_1289 = arith.constant 0 : i32
    %dma_wait3A_1290 = arith.constant 0 : i32
    %dma_wait3A_1291 = tpu.memref_slice %arg3[%dma_wait3A_1289, %dma_wait3A_1290] : memref<100000x64xf32, #tpu.memory_space<hbm>> -> memref<100000x64xf32, #tpu.memory_space<hbm>>
    tpu.wait_indirect_dma semaphore(%arg45 : memref<!tpu.dma_semaphore, #tpu.memory_space<semaphore_mem>>) src(%dma_wait3A_1291 : memref<100000x64xf32, #tpu.memory_space<hbm>>) dst(%dma_wait3A_1288 : memref<200x64xf32, #tpu.memory_space<vmem>>)
    %dma_wait3A_1292 = arith.constant 1 : i32
    %dma_wait3A_1293 = arith.constant 0 : i32
    %dma_wait3A_1294 = arith.constant 0 : i32
    %dma_wait3A_1295 = tpu.memref_slice %arg41[%dma_wait3A_1292, %dma_wait3A_1293, %dma_wait3A_1294] : memref<2x200x64xf32, #tpu.memory_space<vmem>> -> memref<1x200x64xf32, #tpu.memory_space<vmem>>
    %dma_wait3A_1296 = tpu.memref_squeeze %dma_wait3A_1295 : memref<1x200x64xf32, #tpu.memory_space<vmem>> -> memref<200x64xf32, #tpu.memory_space<vmem>>
    %dma_wait3A_1297 = arith.constant 0 : i32
    %dma_wait3A_1298 = arith.constant 0 : i32
    %dma_wait3A_1299 = tpu.memref_slice %arg3[%dma_wait3A_1297, %dma_wait3A_1298] : memref<100000x64xf32, #tpu.memory_space<hbm>> -> memref<100000x64xf32, #tpu.memory_space<hbm>>
    tpu.wait_indirect_dma semaphore(%arg45 : memref<!tpu.dma_semaphore, #tpu.memory_space<semaphore_mem>>) src(%dma_wait3A_1299 : memref<100000x64xf32, #tpu.memory_space<hbm>>) dst(%dma_wait3A_1296 : memref<200x64xf32, #tpu.memory_space<vmem>>)
    %scan3A_1300 = arith.constant 0 : i32
    %scan3A_1301 = arith.constant 0 : i32
    %scan3A_1302 = arith.constant 200 : i32
    %scan3A_1303 = arith.addi %scan3A_1301, %scan3A_1302 : i32
    %scan3A_1304 = arith.constant 1 : i32
    scf.for %scan3A_1376 = %scan3A_1301 to %scan3A_1303 step %scan3A_1304  : i32 {
      %get3A = arith.index_cast %scan3A_1376 : i32 to index
      %get3A_1377 = arith.constant 0 : index
      %get3A_1378 = tpu.vector_load %arg38[%get3A, %get3A_1377] {strides = array<i32>} : memref<200x64xf32, #tpu.memory_space<vmem>>, vector<1x16xf32>,
      %get3A_1379 = vector.shape_cast %get3A_1378 : vector<1x16xf32> to vector<16xf32>
      %get3A_1380 = arith.index_cast %scan3A_1376 : i32 to index
      %get3A_1381 = arith.constant 16 : index
      %get3A_1382 = tpu.vector_load %arg38[%get3A_1380, %get3A_1381] {strides = array<i32>} : memref<200x64xf32, #tpu.memory_space<vmem>>, vector<1x16xf32>,
      %get3A_1383 = vector.shape_cast %get3A_1382 : vector<1x16xf32> to vector<16xf32>
      %get3A_1384 = arith.index_cast %scan3A_1376 : i32 to index
      %get3A_1385 = arith.constant 32 : index
      %get3A_1386 = tpu.vector_load %arg38[%get3A_1384, %get3A_1385] {strides = array<i32>} : memref<200x64xf32, #tpu.memory_space<vmem>>, vector<1x16xf32>,
      %get3A_1387 = vector.shape_cast %get3A_1386 : vector<1x16xf32> to vector<16xf32>
      %get3A_1388 = arith.index_cast %scan3A_1376 : i32 to index
      %get3A_1389 = arith.constant 48 : index
      %get3A_1390 = tpu.vector_load %arg38[%get3A_1388, %get3A_1389] {strides = array<i32>} : memref<200x64xf32, #tpu.memory_space<vmem>>, vector<1x16xf32>,
      %get3A_1391 = vector.shape_cast %get3A_1390 : vector<1x16xf32> to vector<16xf32>
      %get3A_1392 = arith.constant 0 : i32
      %get3A_1393 = arith.index_cast %get3A_1392 : i32 to index
      %get3A_1394 = arith.index_cast %scan3A_1376 : i32 to index
      %get3A_1395 = arith.constant 0 : index
      %get3A_1396 = tpu.vector_load %arg41[%get3A_1393, %get3A_1394, %get3A_1395] {strides = array<i32>} : memref<2x200x64xf32, #tpu.memory_space<vmem>>, vector<1x1x16xf32>,
      %get3A_1397 = vector.shape_cast %get3A_1396 : vector<1x1x16xf32> to vector<16xf32>
      %add3A_1398 = arith.addf %get3A_1397, %get3A_1379 : vector<16xf32>
      %swap3A = arith.constant 0 : i32
      %swap3A_1399 = arith.index_cast %swap3A : i32 to index
      %swap3A_1400 = arith.index_cast %scan3A_1376 : i32 to index
      %swap3A_1401 = arith.constant 0 : index
      %swap3A_1402 = tpu.vector_load %arg41[%swap3A_1399, %swap3A_1400, %swap3A_1401] {strides = array<i32>} : memref<2x200x64xf32, #tpu.memory_space<vmem>>, vector<1x1x16xf32>,
      %swap3A_1403 = vector.shape_cast %swap3A_1402 : vector<1x1x16xf32> to vector<16xf32>
      %swap3A_1404 = vector.shape_cast %add3A_1398 : vector<16xf32> to vector<1x1x16xf32>
      tpu.vector_store %arg41[%swap3A_1399, %swap3A_1400, %swap3A_1401], %swap3A_1404 {strides = array<i32>} : memref<2x200x64xf32, #tpu.memory_space<vmem>>, vector<1x1x16xf32>,
      %get3A_1405 = arith.constant 0 : i32
      %get3A_1406 = arith.index_cast %get3A_1405 : i32 to index
      %get3A_1407 = arith.index_cast %scan3A_1376 : i32 to index
      %get3A_1408 = arith.constant 16 : index
      %get3A_1409 = tpu.vector_load %arg41[%get3A_1406, %get3A_1407, %get3A_1408] {strides = array<i32>} : memref<2x200x64xf32, #tpu.memory_space<vmem>>, vector<1x1x16xf32>,
      %get3A_1410 = vector.shape_cast %get3A_1409 : vector<1x1x16xf32> to vector<16xf32>
      %add3A_1411 = arith.addf %get3A_1410, %get3A_1383 : vector<16xf32>
      %swap3A_1412 = arith.constant 0 : i32
      %swap3A_1413 = arith.index_cast %swap3A_1412 : i32 to index
      %swap3A_1414 = arith.index_cast %scan3A_1376 : i32 to index
      %swap3A_1415 = arith.constant 16 : index
      %swap3A_1416 = tpu.vector_load %arg41[%swap3A_1413, %swap3A_1414, %swap3A_1415] {strides = array<i32>} : memref<2x200x64xf32, #tpu.memory_space<vmem>>, vector<1x1x16xf32>,
      %swap3A_1417 = vector.shape_cast %swap3A_1416 : vector<1x1x16xf32> to vector<16xf32>
      %swap3A_1418 = vector.shape_cast %add3A_1411 : vector<16xf32> to vector<1x1x16xf32>
      tpu.vector_store %arg41[%swap3A_1413, %swap3A_1414, %swap3A_1415], %swap3A_1418 {strides = array<i32>} : memref<2x200x64xf32, #tpu.memory_space<vmem>>, vector<1x1x16xf32>,
      %get3A_1419 = arith.constant 0 : i32
      %get3A_1420 = arith.index_cast %get3A_1419 : i32 to index
      %get3A_1421 = arith.index_cast %scan3A_1376 : i32 to index
      %get3A_1422 = arith.constant 32 : index
      %get3A_1423 = tpu.vector_load %arg41[%get3A_1420, %get3A_1421, %get3A_1422] {strides = array<i32>} : memref<2x200x64xf32, #tpu.memory_space<vmem>>, vector<1x1x16xf32>,
      %get3A_1424 = vector.shape_cast %get3A_1423 : vector<1x1x16xf32> to vector<16xf32>
      %add3A_1425 = arith.addf %get3A_1424, %get3A_1387 : vector<16xf32>
      %swap3A_1426 = arith.constant 0 : i32
      %swap3A_1427 = arith.index_cast %swap3A_1426 : i32 to index
      %swap3A_1428 = arith.index_cast %scan3A_1376 : i32 to index
      %swap3A_1429 = arith.constant 32 : index
      %swap3A_1430 = tpu.vector_load %arg41[%swap3A_1427, %swap3A_1428, %swap3A_1429] {strides = array<i32>} : memref<2x200x64xf32, #tpu.memory_space<vmem>>, vector<1x1x16xf32>,
      %swap3A_1431 = vector.shape_cast %swap3A_1430 : vector<1x1x16xf32> to vector<16xf32>
      %swap3A_1432 = vector.shape_cast %add3A_1425 : vector<16xf32> to vector<1x1x16xf32>
      tpu.vector_store %arg41[%swap3A_1427, %swap3A_1428, %swap3A_1429], %swap3A_1432 {strides = array<i32>} : memref<2x200x64xf32, #tpu.memory_space<vmem>>, vector<1x1x16xf32>,
      %get3A_1433 = arith.constant 0 : i32
      %get3A_1434 = arith.index_cast %get3A_1433 : i32 to index
      %get3A_1435 = arith.index_cast %scan3A_1376 : i32 to index
      %get3A_1436 = arith.constant 48 : index
      %get3A_1437 = tpu.vector_load %arg41[%get3A_1434, %get3A_1435, %get3A_1436] {strides = array<i32>} : memref<2x200x64xf32, #tpu.memory_space<vmem>>, vector<1x1x16xf32>,
      %get3A_1438 = vector.shape_cast %get3A_1437 : vector<1x1x16xf32> to vector<16xf32>
      %add3A_1439 = arith.addf %get3A_1438, %get3A_1391 : vector<16xf32>
      %swap3A_1440 = arith.constant 0 : i32
      %swap3A_1441 = arith.index_cast %swap3A_1440 : i32 to index
      %swap3A_1442 = arith.index_cast %scan3A_1376 : i32 to index
      %swap3A_1443 = arith.constant 48 : index
      %swap3A_1444 = tpu.vector_load %arg41[%swap3A_1441, %swap3A_1442, %swap3A_1443] {strides = array<i32>} : memref<2x200x64xf32, #tpu.memory_space<vmem>>, vector<1x1x16xf32>,
      %swap3A_1445 = vector.shape_cast %swap3A_1444 : vector<1x1x16xf32> to vector<16xf32>
      %swap3A_1446 = vector.shape_cast %add3A_1439 : vector<16xf32> to vector<1x1x16xf32>
      tpu.vector_store %arg41[%swap3A_1441, %swap3A_1442, %swap3A_1443], %swap3A_1446 {strides = array<i32>} : memref<2x200x64xf32, #tpu.memory_space<vmem>>, vector<1x1x16xf32>,
      %get3A_1447 = arith.constant 1 : i32
      %get3A_1448 = arith.index_cast %get3A_1447 : i32 to index
      %get3A_1449 = arith.index_cast %scan3A_1376 : i32 to index
      %get3A_1450 = arith.constant 0 : index
      %get3A_1451 = tpu.vector_load %arg41[%get3A_1448, %get3A_1449, %get3A_1450] {strides = array<i32>} : memref<2x200x64xf32, #tpu.memory_space<vmem>>, vector<1x1x16xf32>,
      %get3A_1452 = vector.shape_cast %get3A_1451 : vector<1x1x16xf32> to vector<16xf32>
      %add3A_1453 = arith.addf %get3A_1452, %get3A_1379 : vector<16xf32>
      %swap3A_1454 = arith.constant 1 : i32
      %swap3A_1455 = arith.index_cast %swap3A_1454 : i32 to index
      %swap3A_1456 = arith.index_cast %scan3A_1376 : i32 to index
      %swap3A_1457 = arith.constant 0 : index
      %swap3A_1458 = tpu.vector_load %arg41[%swap3A_1455, %swap3A_1456, %swap3A_1457] {strides = array<i32>} : memref<2x200x64xf32, #tpu.memory_space<vmem>>, vector<1x1x16xf32>,
      %swap3A_1459 = vector.shape_cast %swap3A_1458 : vector<1x1x16xf32> to vector<16xf32>
      %swap3A_1460 = vector.shape_cast %add3A_1453 : vector<16xf32> to vector<1x1x16xf32>
      tpu.vector_store %arg41[%swap3A_1455, %swap3A_1456, %swap3A_1457], %swap3A_1460 {strides = array<i32>} : memref<2x200x64xf32, #tpu.memory_space<vmem>>, vector<1x1x16xf32>,
      %get3A_1461 = arith.constant 1 : i32
      %get3A_1462 = arith.index_cast %get3A_1461 : i32 to index
      %get3A_1463 = arith.index_cast %scan3A_1376 : i32 to index
      %get3A_1464 = arith.constant 16 : index
      %get3A_1465 = tpu.vector_load %arg41[%get3A_1462, %get3A_1463, %get3A_1464] {strides = array<i32>} : memref<2x200x64xf32, #tpu.memory_space<vmem>>, vector<1x1x16xf32>,
      %get3A_1466 = vector.shape_cast %get3A_1465 : vector<1x1x16xf32> to vector<16xf32>
      %add3A_1467 = arith.addf %get3A_1466, %get3A_1383 : vector<16xf32>
      %swap3A_1468 = arith.constant 1 : i32
      %swap3A_1469 = arith.index_cast %swap3A_1468 : i32 to index
      %swap3A_1470 = arith.index_cast %scan3A_1376 : i32 to index
      %swap3A_1471 = arith.constant 16 : index
      %swap3A_1472 = tpu.vector_load %arg41[%swap3A_1469, %swap3A_1470, %swap3A_1471] {strides = array<i32>} : memref<2x200x64xf32, #tpu.memory_space<vmem>>, vector<1x1x16xf32>,
      %swap3A_1473 = vector.shape_cast %swap3A_1472 : vector<1x1x16xf32> to vector<16xf32>
      %swap3A_1474 = vector.shape_cast %add3A_1467 : vector<16xf32> to vector<1x1x16xf32>
      tpu.vector_store %arg41[%swap3A_1469, %swap3A_1470, %swap3A_1471], %swap3A_1474 {strides = array<i32>} : memref<2x200x64xf32, #tpu.memory_space<vmem>>, vector<1x1x16xf32>,
      %get3A_1475 = arith.constant 1 : i32
      %get3A_1476 = arith.index_cast %get3A_1475 : i32 to index
      %get3A_1477 = arith.index_cast %scan3A_1376 : i32 to index
      %get3A_1478 = arith.constant 32 : index
      %get3A_1479 = tpu.vector_load %arg41[%get3A_1476, %get3A_1477, %get3A_1478] {strides = array<i32>} : memref<2x200x64xf32, #tpu.memory_space<vmem>>, vector<1x1x16xf32>,
      %get3A_1480 = vector.shape_cast %get3A_1479 : vector<1x1x16xf32> to vector<16xf32>
      %add3A_1481 = arith.addf %get3A_1480, %get3A_1387 : vector<16xf32>
      %swap3A_1482 = arith.constant 1 : i32
      %swap3A_1483 = arith.index_cast %swap3A_1482 : i32 to index
      %swap3A_1484 = arith.index_cast %scan3A_1376 : i32 to index
      %swap3A_1485 = arith.constant 32 : index
      %swap3A_1486 = tpu.vector_load %arg41[%swap3A_1483, %swap3A_1484, %swap3A_1485] {strides = array<i32>} : memref<2x200x64xf32, #tpu.memory_space<vmem>>, vector<1x1x16xf32>,
      %swap3A_1487 = vector.shape_cast %swap3A_1486 : vector<1x1x16xf32> to vector<16xf32>
      %swap3A_1488 = vector.shape_cast %add3A_1481 : vector<16xf32> to vector<1x1x16xf32>
      tpu.vector_store %arg41[%swap3A_1483, %swap3A_1484, %swap3A_1485], %swap3A_1488 {strides = array<i32>} : memref<2x200x64xf32, #tpu.memory_space<vmem>>, vector<1x1x16xf32>,
      %get3A_1489 = arith.constant 1 : i32
      %get3A_1490 = arith.index_cast %get3A_1489 : i32 to index
      %get3A_1491 = arith.index_cast %scan3A_1376 : i32 to index
      %get3A_1492 = arith.constant 48 : index
      %get3A_1493 = tpu.vector_load %arg41[%get3A_1490, %get3A_1491, %get3A_1492] {strides = array<i32>} : memref<2x200x64xf32, #tpu.memory_space<vmem>>, vector<1x1x16xf32>,
      %get3A_1494 = vector.shape_cast %get3A_1493 : vector<1x1x16xf32> to vector<16xf32>
      %add3A_1495 = arith.addf %get3A_1494, %get3A_1391 : vector<16xf32>
      %swap3A_1496 = arith.constant 1 : i32
      %swap3A_1497 = arith.index_cast %swap3A_1496 : i32 to index
      %swap3A_1498 = arith.index_cast %scan3A_1376 : i32 to index
      %swap3A_1499 = arith.constant 48 : index
      %swap3A_1500 = tpu.vector_load %arg41[%swap3A_1497, %swap3A_1498, %swap3A_1499] {strides = array<i32>} : memref<2x200x64xf32, #tpu.memory_space<vmem>>, vector<1x1x16xf32>,
      %swap3A_1501 = vector.shape_cast %swap3A_1500 : vector<1x1x16xf32> to vector<16xf32>
      %swap3A_1502 = vector.shape_cast %add3A_1495 : vector<16xf32> to vector<1x1x16xf32>
      tpu.vector_store %arg41[%swap3A_1497, %swap3A_1498, %swap3A_1499], %swap3A_1502 {strides = array<i32>} : memref<2x200x64xf32, #tpu.memory_space<vmem>>, vector<1x1x16xf32>,
    }
    %scan3A_1305 = arith.constant 200 : i32
    %add3A_1306 = arith.constant 28 : i32
    %add3A_1307 = arith.addi %mul3A_2, %add3A_1306 : i32
    %dma_start3A_1308 = arith.constant 0 : i32
    %dma_start3A_1309 = arith.constant 0 : i32
    %dma_start3A_1310 = tpu.memref_slice %arg5[%add3A_1307, %dma_start3A_1308, %dma_start3A_1309] : memref<1024x200x128xf32, #tpu.memory_space<hbm>> -> memref<2x200x64xf32, #tpu.memory_space<hbm>>
    %dma_start3A_1311 = arith.constant 0 : i32
    %dma_start3A_1312 = arith.constant 0 : i32
    %dma_start3A_1313 = tpu.memref_slice %arg5[%add3A_1307, %dma_start3A_1311, %dma_start3A_1312] : memref<1024x200x128xf32, #tpu.memory_space<hbm>> -> memref<2x200x64xf32, #tpu.memory_space<hbm>>
    tpu.enqueue_dma source(%arg41 : memref<2x200x64xf32, #tpu.memory_space<vmem>>) target(%dma_start3A_1313 : memref<2x200x64xf32, #tpu.memory_space<hbm>>) target_semaphore(%arg49 : memref<!tpu.dma_semaphore, #tpu.memory_space<semaphore_mem>>)
    %add3A_1314 = arith.constant 24 : i32
    %add3A_1315 = arith.addi %mul3A_2, %add3A_1314 : i32
    %dma_wait3A_1316 = arith.constant 0 : i32
    %dma_wait3A_1317 = arith.constant 0 : i32
    %dma_wait3A_1318 = tpu.memref_slice %arg5[%add3A_1315, %dma_wait3A_1316, %dma_wait3A_1317] : memref<1024x200x128xf32, #tpu.memory_space<hbm>> -> memref<2x200x64xf32, #tpu.memory_space<hbm>>
    %dma_wait3A_1319 = arith.constant 0 : i32
    %dma_wait3A_1320 = arith.constant 0 : i32
    %dma_wait3A_1321 = tpu.memref_slice %arg5[%add3A_1315, %dma_wait3A_1319, %dma_wait3A_1320] : memref<1024x200x128xf32, #tpu.memory_space<hbm>> -> memref<2x200x64xf32, #tpu.memory_space<hbm>>
    tpu.wait_dma2 semaphore(%arg47 : memref<!tpu.dma_semaphore, #tpu.memory_space<semaphore_mem>>) src(%arg39 : memref<2x200x64xf32, #tpu.memory_space<vmem>>) dst(%dma_wait3A_1321 : memref<2x200x64xf32, #tpu.memory_space<hbm>>)
    %dma_wait3A_1322 = arith.constant 0 : i32
    %dma_wait3A_1323 = arith.constant 0 : i32
    %dma_wait3A_1324 = arith.constant 0 : i32
    %dma_wait3A_1325 = tpu.memref_slice %arg42[%dma_wait3A_1322, %dma_wait3A_1323, %dma_wait3A_1324] : memref<2x200x64xf32, #tpu.memory_space<vmem>> -> memref<1x200x64xf32, #tpu.memory_space<vmem>>
    %dma_wait3A_1326 = tpu.memref_squeeze %dma_wait3A_1325 : memref<1x200x64xf32, #tpu.memory_space<vmem>> -> memref<200x64xf32, #tpu.memory_space<vmem>>
    %dma_wait3A_1327 = arith.constant 0 : i32
    %dma_wait3A_1328 = arith.constant 0 : i32
    %dma_wait3A_1329 = tpu.memref_slice %arg3[%dma_wait3A_1327, %dma_wait3A_1328] : memref<100000x64xf32, #tpu.memory_space<hbm>> -> memref<100000x64xf32, #tpu.memory_space<hbm>>
    tpu.wait_indirect_dma semaphore(%arg46 : memref<!tpu.dma_semaphore, #tpu.memory_space<semaphore_mem>>) src(%dma_wait3A_1329 : memref<100000x64xf32, #tpu.memory_space<hbm>>) dst(%dma_wait3A_1326 : memref<200x64xf32, #tpu.memory_space<vmem>>)
    %dma_wait3A_1330 = arith.constant 1 : i32
    %dma_wait3A_1331 = arith.constant 0 : i32
    %dma_wait3A_1332 = arith.constant 0 : i32
    %dma_wait3A_1333 = tpu.memref_slice %arg42[%dma_wait3A_1330, %dma_wait3A_1331, %dma_wait3A_1332] : memref<2x200x64xf32, #tpu.memory_space<vmem>> -> memref<1x200x64xf32, #tpu.memory_space<vmem>>
    %dma_wait3A_1334 = tpu.memref_squeeze %dma_wait3A_1333 : memref<1x200x64xf32, #tpu.memory_space<vmem>> -> memref<200x64xf32, #tpu.memory_space<vmem>>
    %dma_wait3A_1335 = arith.constant 0 : i32
    %dma_wait3A_1336 = arith.constant 0 : i32
    %dma_wait3A_1337 = tpu.memref_slice %arg3[%dma_wait3A_1335, %dma_wait3A_1336] : memref<100000x64xf32, #tpu.memory_space<hbm>> -> memref<100000x64xf32, #tpu.memory_space<hbm>>
    tpu.wait_indirect_dma semaphore(%arg46 : memref<!tpu.dma_semaphore, #tpu.memory_space<semaphore_mem>>) src(%dma_wait3A_1337 : memref<100000x64xf32, #tpu.memory_space<hbm>>) dst(%dma_wait3A_1334 : memref<200x64xf32, #tpu.memory_space<vmem>>)
    %scan3A_1338 = arith.constant 0 : i32
    %scan3A_1339 = arith.constant 0 : i32
    %scan3A_1340 = arith.constant 200 : i32
    %scan3A_1341 = arith.addi %scan3A_1339, %scan3A_1340 : i32
    %scan3A_1342 = arith.constant 1 : i32
    scf.for %scan3A_1376 = %scan3A_1339 to %scan3A_1341 step %scan3A_1342  : i32 {
      %get3A = arith.index_cast %scan3A_1376 : i32 to index
      %get3A_1377 = arith.constant 0 : index
      %get3A_1378 = tpu.vector_load %arg38[%get3A, %get3A_1377] {strides = array<i32>} : memref<200x64xf32, #tpu.memory_space<vmem>>, vector<1x16xf32>,
      %get3A_1379 = vector.shape_cast %get3A_1378 : vector<1x16xf32> to vector<16xf32>
      %get3A_1380 = arith.index_cast %scan3A_1376 : i32 to index
      %get3A_1381 = arith.constant 16 : index
      %get3A_1382 = tpu.vector_load %arg38[%get3A_1380, %get3A_1381] {strides = array<i32>} : memref<200x64xf32, #tpu.memory_space<vmem>>, vector<1x16xf32>,
      %get3A_1383 = vector.shape_cast %get3A_1382 : vector<1x16xf32> to vector<16xf32>
      %get3A_1384 = arith.index_cast %scan3A_1376 : i32 to index
      %get3A_1385 = arith.constant 32 : index
      %get3A_1386 = tpu.vector_load %arg38[%get3A_1384, %get3A_1385] {strides = array<i32>} : memref<200x64xf32, #tpu.memory_space<vmem>>, vector<1x16xf32>,
      %get3A_1387 = vector.shape_cast %get3A_1386 : vector<1x16xf32> to vector<16xf32>
      %get3A_1388 = arith.index_cast %scan3A_1376 : i32 to index
      %get3A_1389 = arith.constant 48 : index
      %get3A_1390 = tpu.vector_load %arg38[%get3A_1388, %get3A_1389] {strides = array<i32>} : memref<200x64xf32, #tpu.memory_space<vmem>>, vector<1x16xf32>,
      %get3A_1391 = vector.shape_cast %get3A_1390 : vector<1x16xf32> to vector<16xf32>
      %get3A_1392 = arith.constant 0 : i32
      %get3A_1393 = arith.index_cast %get3A_1392 : i32 to index
      %get3A_1394 = arith.index_cast %scan3A_1376 : i32 to index
      %get3A_1395 = arith.constant 0 : index
      %get3A_1396 = tpu.vector_load %arg42[%get3A_1393, %get3A_1394, %get3A_1395] {strides = array<i32>} : memref<2x200x64xf32, #tpu.memory_space<vmem>>, vector<1x1x16xf32>,
      %get3A_1397 = vector.shape_cast %get3A_1396 : vector<1x1x16xf32> to vector<16xf32>
      %add3A_1398 = arith.addf %get3A_1397, %get3A_1379 : vector<16xf32>
      %swap3A = arith.constant 0 : i32
      %swap3A_1399 = arith.index_cast %swap3A : i32 to index
      %swap3A_1400 = arith.index_cast %scan3A_1376 : i32 to index
      %swap3A_1401 = arith.constant 0 : index
      %swap3A_1402 = tpu.vector_load %arg42[%swap3A_1399, %swap3A_1400, %swap3A_1401] {strides = array<i32>} : memref<2x200x64xf32, #tpu.memory_space<vmem>>, vector<1x1x16xf32>,
      %swap3A_1403 = vector.shape_cast %swap3A_1402 : vector<1x1x16xf32> to vector<16xf32>
      %swap3A_1404 = vector.shape_cast %add3A_1398 : vector<16xf32> to vector<1x1x16xf32>
      tpu.vector_store %arg42[%swap3A_1399, %swap3A_1400, %swap3A_1401], %swap3A_1404 {strides = array<i32>} : memref<2x200x64xf32, #tpu.memory_space<vmem>>, vector<1x1x16xf32>,
      %get3A_1405 = arith.constant 0 : i32
      %get3A_1406 = arith.index_cast %get3A_1405 : i32 to index
      %get3A_1407 = arith.index_cast %scan3A_1376 : i32 to index
      %get3A_1408 = arith.constant 16 : index
      %get3A_1409 = tpu.vector_load %arg42[%get3A_1406, %get3A_1407, %get3A_1408] {strides = array<i32>} : memref<2x200x64xf32, #tpu.memory_space<vmem>>, vector<1x1x16xf32>,
      %get3A_1410 = vector.shape_cast %get3A_1409 : vector<1x1x16xf32> to vector<16xf32>
      %add3A_1411 = arith.addf %get3A_1410, %get3A_1383 : vector<16xf32>
      %swap3A_1412 = arith.constant 0 : i32
      %swap3A_1413 = arith.index_cast %swap3A_1412 : i32 to index
      %swap3A_1414 = arith.index_cast %scan3A_1376 : i32 to index
      %swap3A_1415 = arith.constant 16 : index
      %swap3A_1416 = tpu.vector_load %arg42[%swap3A_1413, %swap3A_1414, %swap3A_1415] {strides = array<i32>} : memref<2x200x64xf32, #tpu.memory_space<vmem>>, vector<1x1x16xf32>,
      %swap3A_1417 = vector.shape_cast %swap3A_1416 : vector<1x1x16xf32> to vector<16xf32>
      %swap3A_1418 = vector.shape_cast %add3A_1411 : vector<16xf32> to vector<1x1x16xf32>
      tpu.vector_store %arg42[%swap3A_1413, %swap3A_1414, %swap3A_1415], %swap3A_1418 {strides = array<i32>} : memref<2x200x64xf32, #tpu.memory_space<vmem>>, vector<1x1x16xf32>,
      %get3A_1419 = arith.constant 0 : i32
      %get3A_1420 = arith.index_cast %get3A_1419 : i32 to index
      %get3A_1421 = arith.index_cast %scan3A_1376 : i32 to index
      %get3A_1422 = arith.constant 32 : index
      %get3A_1423 = tpu.vector_load %arg42[%get3A_1420, %get3A_1421, %get3A_1422] {strides = array<i32>} : memref<2x200x64xf32, #tpu.memory_space<vmem>>, vector<1x1x16xf32>,
      %get3A_1424 = vector.shape_cast %get3A_1423 : vector<1x1x16xf32> to vector<16xf32>
      %add3A_1425 = arith.addf %get3A_1424, %get3A_1387 : vector<16xf32>
      %swap3A_1426 = arith.constant 0 : i32
      %swap3A_1427 = arith.index_cast %swap3A_1426 : i32 to index
      %swap3A_1428 = arith.index_cast %scan3A_1376 : i32 to index
      %swap3A_1429 = arith.constant 32 : index
      %swap3A_1430 = tpu.vector_load %arg42[%swap3A_1427, %swap3A_1428, %swap3A_1429] {strides = array<i32>} : memref<2x200x64xf32, #tpu.memory_space<vmem>>, vector<1x1x16xf32>,
      %swap3A_1431 = vector.shape_cast %swap3A_1430 : vector<1x1x16xf32> to vector<16xf32>
      %swap3A_1432 = vector.shape_cast %add3A_1425 : vector<16xf32> to vector<1x1x16xf32>
      tpu.vector_store %arg42[%swap3A_1427, %swap3A_1428, %swap3A_1429], %swap3A_1432 {strides = array<i32>} : memref<2x200x64xf32, #tpu.memory_space<vmem>>, vector<1x1x16xf32>,
      %get3A_1433 = arith.constant 0 : i32
      %get3A_1434 = arith.index_cast %get3A_1433 : i32 to index
      %get3A_1435 = arith.index_cast %scan3A_1376 : i32 to index
      %get3A_1436 = arith.constant 48 : index
      %get3A_1437 = tpu.vector_load %arg42[%get3A_1434, %get3A_1435, %get3A_1436] {strides = array<i32>} : memref<2x200x64xf32, #tpu.memory_space<vmem>>, vector<1x1x16xf32>,
      %get3A_1438 = vector.shape_cast %get3A_1437 : vector<1x1x16xf32> to vector<16xf32>
      %add3A_1439 = arith.addf %get3A_1438, %get3A_1391 : vector<16xf32>
      %swap3A_1440 = arith.constant 0 : i32
      %swap3A_1441 = arith.index_cast %swap3A_1440 : i32 to index
      %swap3A_1442 = arith.index_cast %scan3A_1376 : i32 to index
      %swap3A_1443 = arith.constant 48 : index
      %swap3A_1444 = tpu.vector_load %arg42[%swap3A_1441, %swap3A_1442, %swap3A_1443] {strides = array<i32>} : memref<2x200x64xf32, #tpu.memory_space<vmem>>, vector<1x1x16xf32>,
      %swap3A_1445 = vector.shape_cast %swap3A_1444 : vector<1x1x16xf32> to vector<16xf32>
      %swap3A_1446 = vector.shape_cast %add3A_1439 : vector<16xf32> to vector<1x1x16xf32>
      tpu.vector_store %arg42[%swap3A_1441, %swap3A_1442, %swap3A_1443], %swap3A_1446 {strides = array<i32>} : memref<2x200x64xf32, #tpu.memory_space<vmem>>, vector<1x1x16xf32>,
      %get3A_1447 = arith.constant 1 : i32
      %get3A_1448 = arith.index_cast %get3A_1447 : i32 to index
      %get3A_1449 = arith.index_cast %scan3A_1376 : i32 to index
      %get3A_1450 = arith.constant 0 : index
      %get3A_1451 = tpu.vector_load %arg42[%get3A_1448, %get3A_1449, %get3A_1450] {strides = array<i32>} : memref<2x200x64xf32, #tpu.memory_space<vmem>>, vector<1x1x16xf32>,
      %get3A_1452 = vector.shape_cast %get3A_1451 : vector<1x1x16xf32> to vector<16xf32>
      %add3A_1453 = arith.addf %get3A_1452, %get3A_1379 : vector<16xf32>
      %swap3A_1454 = arith.constant 1 : i32
      %swap3A_1455 = arith.index_cast %swap3A_1454 : i32 to index
      %swap3A_1456 = arith.index_cast %scan3A_1376 : i32 to index
      %swap3A_1457 = arith.constant 0 : index
      %swap3A_1458 = tpu.vector_load %arg42[%swap3A_1455, %swap3A_1456, %swap3A_1457] {strides = array<i32>} : memref<2x200x64xf32, #tpu.memory_space<vmem>>, vector<1x1x16xf32>,
      %swap3A_1459 = vector.shape_cast %swap3A_1458 : vector<1x1x16xf32> to vector<16xf32>
      %swap3A_1460 = vector.shape_cast %add3A_1453 : vector<16xf32> to vector<1x1x16xf32>
      tpu.vector_store %arg42[%swap3A_1455, %swap3A_1456, %swap3A_1457], %swap3A_1460 {strides = array<i32>} : memref<2x200x64xf32, #tpu.memory_space<vmem>>, vector<1x1x16xf32>,
      %get3A_1461 = arith.constant 1 : i32
      %get3A_1462 = arith.index_cast %get3A_1461 : i32 to index
      %get3A_1463 = arith.index_cast %scan3A_1376 : i32 to index
      %get3A_1464 = arith.constant 16 : index
      %get3A_1465 = tpu.vector_load %arg42[%get3A_1462, %get3A_1463, %get3A_1464] {strides = array<i32>} : memref<2x200x64xf32, #tpu.memory_space<vmem>>, vector<1x1x16xf32>,
      %get3A_1466 = vector.shape_cast %get3A_1465 : vector<1x1x16xf32> to vector<16xf32>
      %add3A_1467 = arith.addf %get3A_1466, %get3A_1383 : vector<16xf32>
      %swap3A_1468 = arith.constant 1 : i32
      %swap3A_1469 = arith.index_cast %swap3A_1468 : i32 to index
      %swap3A_1470 = arith.index_cast %scan3A_1376 : i32 to index
      %swap3A_1471 = arith.constant 16 : index
      %swap3A_1472 = tpu.vector_load %arg42[%swap3A_1469, %swap3A_1470, %swap3A_1471] {strides = array<i32>} : memref<2x200x64xf32, #tpu.memory_space<vmem>>, vector<1x1x16xf32>,
      %swap3A_1473 = vector.shape_cast %swap3A_1472 : vector<1x1x16xf32> to vector<16xf32>
      %swap3A_1474 = vector.shape_cast %add3A_1467 : vector<16xf32> to vector<1x1x16xf32>
      tpu.vector_store %arg42[%swap3A_1469, %swap3A_1470, %swap3A_1471], %swap3A_1474 {strides = array<i32>} : memref<2x200x64xf32, #tpu.memory_space<vmem>>, vector<1x1x16xf32>,
      %get3A_1475 = arith.constant 1 : i32
      %get3A_1476 = arith.index_cast %get3A_1475 : i32 to index
      %get3A_1477 = arith.index_cast %scan3A_1376 : i32 to index
      %get3A_1478 = arith.constant 32 : index
      %get3A_1479 = tpu.vector_load %arg42[%get3A_1476, %get3A_1477, %get3A_1478] {strides = array<i32>} : memref<2x200x64xf32, #tpu.memory_space<vmem>>, vector<1x1x16xf32>,
      %get3A_1480 = vector.shape_cast %get3A_1479 : vector<1x1x16xf32> to vector<16xf32>
      %add3A_1481 = arith.addf %get3A_1480, %get3A_1387 : vector<16xf32>
      %swap3A_1482 = arith.constant 1 : i32
      %swap3A_1483 = arith.index_cast %swap3A_1482 : i32 to index
      %swap3A_1484 = arith.index_cast %scan3A_1376 : i32 to index
      %swap3A_1485 = arith.constant 32 : index
      %swap3A_1486 = tpu.vector_load %arg42[%swap3A_1483, %swap3A_1484, %swap3A_1485] {strides = array<i32>} : memref<2x200x64xf32, #tpu.memory_space<vmem>>, vector<1x1x16xf32>,
      %swap3A_1487 = vector.shape_cast %swap3A_1486 : vector<1x1x16xf32> to vector<16xf32>
      %swap3A_1488 = vector.shape_cast %add3A_1481 : vector<16xf32> to vector<1x1x16xf32>
      tpu.vector_store %arg42[%swap3A_1483, %swap3A_1484, %swap3A_1485], %swap3A_1488 {strides = array<i32>} : memref<2x200x64xf32, #tpu.memory_space<vmem>>, vector<1x1x16xf32>,
      %get3A_1489 = arith.constant 1 : i32
      %get3A_1490 = arith.index_cast %get3A_1489 : i32 to index
      %get3A_1491 = arith.index_cast %scan3A_1376 : i32 to index
      %get3A_1492 = arith.constant 48 : index
      %get3A_1493 = tpu.vector_load %arg42[%get3A_1490, %get3A_1491, %get3A_1492] {strides = array<i32>} : memref<2x200x64xf32, #tpu.memory_space<vmem>>, vector<1x1x16xf32>,
      %get3A_1494 = vector.shape_cast %get3A_1493 : vector<1x1x16xf32> to vector<16xf32>
      %add3A_1495 = arith.addf %get3A_1494, %get3A_1391 : vector<16xf32>
      %swap3A_1496 = arith.constant 1 : i32
      %swap3A_1497 = arith.index_cast %swap3A_1496 : i32 to index
      %swap3A_1498 = arith.index_cast %scan3A_1376 : i32 to index
      %swap3A_1499 = arith.constant 48 : index
      %swap3A_1500 = tpu.vector_load %arg42[%swap3A_1497, %swap3A_1498, %swap3A_1499] {strides = array<i32>} : memref<2x200x64xf32, #tpu.memory_space<vmem>>, vector<1x1x16xf32>,
      %swap3A_1501 = vector.shape_cast %swap3A_1500 : vector<1x1x16xf32> to vector<16xf32>
      %swap3A_1502 = vector.shape_cast %add3A_1495 : vector<16xf32> to vector<1x1x16xf32>
      tpu.vector_store %arg42[%swap3A_1497, %swap3A_1498, %swap3A_1499], %swap3A_1502 {strides = array<i32>} : memref<2x200x64xf32, #tpu.memory_space<vmem>>, vector<1x1x16xf32>,
    }
    %scan3A_1343 = arith.constant 200 : i32
    %add3A_1344 = arith.constant 30 : i32
    %add3A_1345 = arith.addi %mul3A_2, %add3A_1344 : i32
    %dma_start3A_1346 = arith.constant 0 : i32
    %dma_start3A_1347 = arith.constant 0 : i32
    %dma_start3A_1348 = tpu.memref_slice %arg5[%add3A_1345, %dma_start3A_1346, %dma_start3A_1347] : memref<1024x200x128xf32, #tpu.memory_space<hbm>> -> memref<2x200x64xf32, #tpu.memory_space<hbm>>
    %dma_start3A_1349 = arith.constant 0 : i32
    %dma_start3A_1350 = arith.constant 0 : i32
    %dma_start3A_1351 = tpu.memref_slice %arg5[%add3A_1345, %dma_start3A_1349, %dma_start3A_1350] : memref<1024x200x128xf32, #tpu.memory_space<hbm>> -> memref<2x200x64xf32, #tpu.memory_space<hbm>>
    tpu.enqueue_dma source(%arg42 : memref<2x200x64xf32, #tpu.memory_space<vmem>>) target(%dma_start3A_1351 : memref<2x200x64xf32, #tpu.memory_space<hbm>>) target_semaphore(%arg50 : memref<!tpu.dma_semaphore, #tpu.memory_space<semaphore_mem>>)
    %add3A_1352 = arith.constant 26 : i32
    %add3A_1353 = arith.addi %mul3A_2, %add3A_1352 : i32
    %dma_wait3A_1354 = arith.constant 0 : i32
    %dma_wait3A_1355 = arith.constant 0 : i32
    %dma_wait3A_1356 = tpu.memref_slice %arg5[%add3A_1353, %dma_wait3A_1354, %dma_wait3A_1355] : memref<1024x200x128xf32, #tpu.memory_space<hbm>> -> memref<2x200x64xf32, #tpu.memory_space<hbm>>
    %dma_wait3A_1357 = arith.constant 0 : i32
    %dma_wait3A_1358 = arith.constant 0 : i32
    %dma_wait3A_1359 = tpu.memref_slice %arg5[%add3A_1353, %dma_wait3A_1357, %dma_wait3A_1358] : memref<1024x200x128xf32, #tpu.memory_space<hbm>> -> memref<2x200x64xf32, #tpu.memory_space<hbm>>
    tpu.wait_dma2 semaphore(%arg48 : memref<!tpu.dma_semaphore, #tpu.memory_space<semaphore_mem>>) src(%arg40 : memref<2x200x64xf32, #tpu.memory_space<vmem>>) dst(%dma_wait3A_1359 : memref<2x200x64xf32, #tpu.memory_space<hbm>>)
    %add3A_1360 = arith.constant 28 : i32
    %add3A_1361 = arith.addi %mul3A_2, %add3A_1360 : i32
    %dma_wait3A_1362 = arith.constant 0 : i32
    %dma_wait3A_1363 = arith.constant 0 : i32
    %dma_wait3A_1364 = tpu.memref_slice %arg5[%add3A_1361, %dma_wait3A_1362, %dma_wait3A_1363] : memref<1024x200x128xf32, #tpu.memory_space<hbm>> -> memref<2x200x64xf32, #tpu.memory_space<hbm>>
    %dma_wait3A_1365 = arith.constant 0 : i32
    %dma_wait3A_1366 = arith.constant 0 : i32
    %dma_wait3A_1367 = tpu.memref_slice %arg5[%add3A_1361, %dma_wait3A_1365, %dma_wait3A_1366] : memref<1024x200x128xf32, #tpu.memory_space<hbm>> -> memref<2x200x64xf32, #tpu.memory_space<hbm>>
    tpu.wait_dma2 semaphore(%arg49 : memref<!tpu.dma_semaphore, #tpu.memory_space<semaphore_mem>>) src(%arg41 : memref<2x200x64xf32, #tpu.memory_space<vmem>>) dst(%dma_wait3A_1367 : memref<2x200x64xf32, #tpu.memory_space<hbm>>)
    %add3A_1368 = arith.constant 30 : i32
    %add3A_1369 = arith.addi %mul3A_2, %add3A_1368 : i32
    %dma_wait3A_1370 = arith.constant 0 : i32
    %dma_wait3A_1371 = arith.constant 0 : i32
    %dma_wait3A_1372 = tpu.memref_slice %arg5[%add3A_1369, %dma_wait3A_1370, %dma_wait3A_1371] : memref<1024x200x128xf32, #tpu.memory_space<hbm>> -> memref<2x200x64xf32, #tpu.memory_space<hbm>>
    %dma_wait3A_1373 = arith.constant 0 : i32
    %dma_wait3A_1374 = arith.constant 0 : i32
    %dma_wait3A_1375 = tpu.memref_slice %arg5[%add3A_1369, %dma_wait3A_1373, %dma_wait3A_1374] : memref<1024x200x128xf32, #tpu.memory_space<hbm>> -> memref<2x200x64xf32, #tpu.memory_space<hbm>>
    tpu.wait_dma2 semaphore(%arg50 : memref<!tpu.dma_semaphore, #tpu.memory_space<semaphore_mem>>) src(%arg42 : memref<2x200x64xf32, #tpu.memory_space<vmem>>) dst(%dma_wait3A_1375 : memref<2x200x64xf32, #tpu.memory_space<hbm>>)
    return
  }
}

</mosaic_0001>

<sc_bundles>
// kernel: kernel.3.cloned.1.call-start
scs
__scs_entry_jumppad:
0x0: {  	(pc) =	sbr.rel $0x88, $3  }
0x1: {  	(tag) =	ssettag $0x0;
	lr =	simm.s32 $0x1  }
0x2: {  	[smem:$0x3F9E] =	sst lr;
	_ =	strace $0xD0000000  }
0x3: {  	_ = 	snop  }
0x4: {  	_ = 	snop  }
0x5: {  	_ = 	snop  }
0x6: {  	_ = 	snop  }
0x7: {  	_ = 	snop  }
__scs_overlays_trampoline_lowered:
0x8: {  	[smem:$0x3FAD] =	sst s0  }
0x9: {  	[smem:$0x3FAE] =	sst s1  }
0xa: {  	[smem:$0x3FAF] =	sst s2  }
0xb: {  	[smem:$0x3FB0] =	sst s3  }
0xc: {  	[smem:$0x3FB1] =	sst s4  }
0xd: {  	[smem:$0x3FB2] =	sst s5  }
0xe: {  	[smem:$0x3FB3] =	sst s6  }
0xf: {  	[smem:$0x3FB4] =	sst s7  }
0x10: {  	[smem:$0x3FB5] =	sst s8  }
0x11: {  	[smem:$0x3FB6] =	sst s9;
	s0 =	simm.s32 @!p0 $0x0  }
0x12: {  	s1 =	sld [smem:$0x3F9C];
	s0 =	simm.s32 @p0 $0x1  }
0x13: {  	[smem:$0x3FB7] =	sst s0;
	s0 =	simm.s32 @!p1 $0x0  }
0x14: {  	s2 =	sld [smem:$0x3F9B];
	s0 =	simm.s32 @p1 $0x1  }
0x15: {  	[smem:$0x3FB8] =	sst s0;
	s0 =	simm.s32 @!p2 $0x0  }
0x16: {  	s3 =	sld [smem:$0x3FDB];
	s0 =	simm.s32 @p2 $0x1  }
0x17: {  	s4 =	simm.s32 $0x1BF5;
	[smem:$0x3FBA] =	sst s0  }
0x18: {  	s0 =	sld [smem:$0x3F9D];
	_ =	swait.ge [sflag:s4], $0x0  }
0x19: {  	s7 =	sld [smem:$0x3F9E]  }
0x1a: {  	s8 =	sadd.s32 $0xFFFFE003, lr  }
0x1b: {  	s9 =	sadd.s32 $0xFFFFFEF7, lr;
	s5 =	simm.s32 $0xFFFFFFFF;
	p2 =	slt.u32 s8, $0xFFFFF086  }
0x1c: {  	p1 =	slt.u32 s9, $0xF7A;
	s5 =	simm.s32 @!p2 $0x0  }
0x1d: {  	s5 =	simm.s32 @p1 $0x1;
	p0 =	seq.s32 s7, s2  }
0x1e: {  	s7 =	smul.u32 @!p0 $0xF7A, s2;
	p2 =	seq.s32 @!p0 s5, $0x0  }
0x1f: {  	s9 =	smul.u32 $0xF7A, s1;
	s8 =	simm.s32 @!p0 $0x1BF5;
	p2 =	por !p2, p0  }
0x20: {  	[sflag:s8] =	ssyncset.s32 @!p0 $0xFFFFF086;
	s6 =	sadd.s32 @!p0 s3, s7;
	s7 =	simm.s32 @!p0 $0x108  }
0x21: {  	s3 =	sadd.s32 s3, s9;
	s6 =	sadd.s32 @!p0 $0x88, s6;
	s7 =	simm.s32 @p2 $0x1082  }
0x22: {  	[simem:s7], [sflag:s8] =	dma.local @!p0 [hbm:s6], $0xF7A  }
0x23: {  	s9 =	sor.u32 $0xD0000000, s2;
	s6 =	simm.s32 $0x108;
	_ =	swait.ge @!p0 [sflag:s8], $0x0  }
0x24: {  	s3 =	sadd.s32 $0x88, s3;
	s6 =	simm.s32 @!p1 $0x1082;
	[sflag:s4] =	ssyncset.s32 $0xFFFFF086  }
0x25: {  	[simem:s6], [sflag:s4] =	dma.local [hbm:s3], $0xF7A  }
0x26: {  	[smem:$0x3F9E] =	sst s1;
	(tag) =	ssettag s2;
	_ =	strace s9  }
0x27: {  	s1 =	sld [smem:$0x3FAE]  }
0x28: {  	s2 =	sld [smem:$0x3FAF]  }
0x29: {  	s4 =	sld [smem:$0x3FB1]  }
0x2a: {  	p0 =	seq.s32 s5, $0x0;
	s5 =	sld [smem:$0x3FB2]  }
0x2b: {  	s6 =	sld [smem:$0x3FB3]  }
0x2c: {  	s7 =	sld [smem:$0x3FB4]  }
0x2d: {  	s3 =	simm.s32 $0x108;
	s8 =	sld [smem:$0x3FB5]  }
0x2e: {  	s3 =	simm.s32 @!p0 $0x1082;
	s9 =	sld [smem:$0x3FB6]  }
0x2f: {  	lr =	sadd.s32 s0, s3;
	s0 =	sld [smem:$0x3FAD]  }
0x30: {  	s3 =	sld [smem:$0x3FB0]  }
0x31: {  	[smem:$0x3FB9] =	sst s10  }
0x32: {  	s10 =	sld [smem:$0x3FB7];
	_ =	sdelay $0x3  }
0x33: {  	p0 =	seq.s32 s10, $0x1;
	s10 =	sld [smem:$0x3FB9];
	_ =	sdelay $0x3  }
0x34: {  	[smem:$0x3FB9] =	sst s10  }
0x35: {  	s10 =	sld [smem:$0x3FB8];
	_ =	sdelay $0x3  }
0x36: {  	p1 =	seq.s32 s10, $0x1;
	s10 =	sld [smem:$0x3FB9];
	_ =	sdelay $0x3  }
0x37: {  	[smem:$0x3FB9] =	sst s10  }
0x38: {  	s10 =	sld [smem:$0x3FBA]  }
0x39: {  	_ = 	snop;
	(pc) =	sbr.ind lr, $3  }
0x3a: {  	_ = 	snop  }
0x3b: {  	_ = 	snop  }
0x3c: {  	p2 =	seq.s32 s10, $0x1;
	s10 =	sld [smem:$0x3FB9]  }
0x3d: {  	_ =	shalt  }
0x3e: {  	_ =	shalt  }
0x3f: {  	_ =	shalt  }
0x40: {  	_ =	shalt  }
0x41: {  	_ =	shalt  }
0x42: {  	_ =	shalt  }
0x43: {  	_ =	shalt  }
0x44: {  	_ =	shalt  }
0x45: {  	_ =	shalt  }
0x46: {  	_ =	shalt  }
0x47: {  	_ =	shalt  }
0x48: {  	_ =	shalt  }
0x49: {  	_ =	shalt  }
0x4a: {  	_ =	shalt  }
0x4b: {  	_ =	shalt  }
0x4c: {  	_ =	shalt  }
0x4d: {  	_ =	shalt  }
0x4e: {  	_ =	shalt  }
0x4f: {  	_ =	shalt  }
0x50: {  	_ =	shalt  }
0x51: {  	_ =	shalt  }
0x52: {  	_ =	shalt  }
0x53: {  	_ =	shalt  }
0x54: {  	_ =	shalt  }
0x55: {  	_ =	shalt  }
0x56: {  	_ =	shalt  }
0x57: {  	_ =	shalt  }
0x58: {  	_ =	shalt  }
0x59: {  	_ =	shalt  }
0x5a: {  	_ =	shalt  }
0x5b: {  	_ =	shalt  }
0x5c: {  	_ =	shalt  }
0x5d: {  	_ =	shalt  }
0x5e: {  	_ =	shalt  }
0x5f: {  	_ =	shalt  }
0x60: {  	_ =	shalt  }
0x61: {  	_ =	shalt  }
0x62: {  	_ =	shalt  }
0x63: {  	_ =	shalt  }
0x64: {  	_ =	shalt  }
0x65: {  	_ =	shalt  }
0x66: {  	_ =	shalt  }
0x67: {  	_ =	shalt  }
0x68: {  	_ =	shalt  }
0x69: {  	_ =	shalt  }
0x6a: {  	_ =	shalt  }
0x6b: {  	_ =	shalt  }
0x6c: {  	_ =	shalt  }
0x6d: {  	_ =	shalt  }
0x6e: {  	_ =	shalt  }
0x6f: {  	_ =	shalt  }
0x70: {  	_ =	shalt  }
0x71: {  	_ =	shalt  }
0x72: {  	_ =	shalt  }
0x73: {  	_ =	shalt  }
0x74: {  	_ =	shalt  }
0x75: {  	_ =	shalt  }
0x76: {  	_ =	shalt  }
0x77: {  	_ =	shalt  }
0x78: {  	_ =	shalt  }
0x79: {  	_ =	shalt  }
0x7a: {  	_ =	shalt  }
0x7b: {  	_ =	shalt  }
0x7c: {  	_ =	shalt  }
0x7d: {  	_ =	shalt  }
0x7e: {  	_ =	shalt  }
0x7f: {  	_ =	shalt  }
0x80: {  	_ =	shalt  }
0x81: {  	_ =	shalt  }
0x82: {  	_ =	shalt  }
0x83: {  	_ =	shalt  }
0x84: {  	_ =	shalt  }
0x85: {  	_ =	shalt  }
0x86: {  	_ =	shalt  }
0x87: {  	_ =	shalt  }
.Lfunc_end0:
.L_simem_size_0:
called_computation.1_lowered:
.L_overlay_start_0:
0x88: {  	s2 =	sld [smem:$0x3FD9]  }
0x89: {  	s3 =	sld [smem:$0x3FFE];
	_ =	sdelay $0x1  }
0x8a: {  	s1 =	srdreg.scid  }
0x8b: {  	s0 =	sand.u32 $0x1, s1  }
0x8c: {  	s16 =	sshll.u32 s0, $0xA;
	s2 =	sadd.s32 s3, s2  }
0x8d: {  	s2 =	sadd.s32 s2, s16  }
0x8e: {  	[smem:$0x3FC5] =	sst s2  }
0x8f: {  	_ = 	snop  }
0x90: {  	(tm) =	ssettm $0x1  }
0x91: {  	s17 =	sld [smem:$0x3FFB];
	_ =	sdelay $0x3  }
0x92: {  	_ =	strace s17  }
0x93: {  	s2 =	sld [smem:$0x3FFC];
	_ =	sdelay $0x3  }
0x94: {  	_ =	strace s2  }
0x95: {  	s2 =	sld [smem:$0x3FFD];
	_ =	sdelay $0x3  }
0x96: {  	_ =	strace s2  }
0x97: {  	_ =	strace $0x8FFFFFFF  }
0x98: {  	s18 =	sld [smem:$0x3FDB];
	_ =	sdelay $0x1  }
0x99: {  	s19 =	simm.s32 $_scs_section_size  }
0x9a: {  	s4 =	simm.s32 $_size__tile_overlayer_lowered;
	s5 =	simm.s32 $_tile_overlayer_lowered  }
0x9b: {  	s22 =	simm.s32 $0x1BFF;
	s21 =	sshll.u32 s5, $0x1;
	s2 =	sadd.s32 s19, s18  }
0x9c: {  	s6 =	simm.s32 $0x0;
	s20 =	sshll.u32 s4, $0x1;
	s4 =	sadd.s32 s21, s2  }
0x9d: {  	[timem:s6], [sflag:s22] =	dma.local [hbm:s4], s20  }
0x9e: {  	_ =	swait.ge [sflag:s22], s20  }
0x9f: {  	s3 =	ssub.s32 $0x0, s20;
	[sflag:s22] =	ssyncset.done $0x0  }
0xa0: {  	[sflag:s22] =	ssyncadd.s32 s3;
	_ =	sdelay $0x1  }
0xa1: {  	s23 =	simm.s32 $0x1B8B  }
0xa2: {  	_ =	swait.ge [sflag:s23], $0x1  }
0xa3: {  	[sflag:s23] =	ssyncset.done $0x0  }
0xa4: {  	s25 =	simm.s32 $0x1B8E;
	s24 =	sld [smem:$0x3FFE];
	[sflag:s23] =	ssyncadd.s32 $0xFFFFFFFF  }
0xa5: {  	s26 =	simm.s32 $execute0_lowered;
	[smem:$0x3FD2] =	sst s25  }
0xa6: {  	s4 =	sshll.u32 s26, $0x1;
	_ =	strace $0x80000046;
	[dreg:$0x1] =	wrdreg $0xFFFFFFFF  }
0xa7: {  	s28 =	simm.s32 $_size_execute0_lowered;
	s2 =	sadd.s32 s2, s4;
	[dreg:$0x0] =	wrdreg $0x0  }
0xa8: {  	s4 =	sshll.u32 s28, $0x1;
	[dreg:$0x2] =	wrdreg s2  }
0xa9: {  	[dreg:$0x3] =	wrdreg s4  }
0xaa: {  	[dreg:$0x4] =	wrdreg $0xC0  }
0xab: {  	_ =	task [dreg:s6], $0x5FFFF  }
0xac: {  	[dreg:$0x1] =	wrdreg $0xFFFFFFFF  }
0xad: {  	[dreg:$0x0] =	wrdreg $0x60  }
0xae: {  	[dreg:$0x2] =	wrdreg s24  }
0xaf: {  	[dreg:$0x3] =	wrdreg $0x9  }
0xb0: {  	_ =	task.clear_ibuf [dreg:s6], $0x4FFFF;
	_ =	strace $0x90000046  }
0xb1: {  	s29 =	simm.s32 $0x9;
	_ =	strace $0x80000048  }
0xb2: {  	_ =	swait.ge [sflag:s29], $0x1  }
0xb3: {  	[sflag:s29] =	ssyncadd.s32 $0xFFFFFFFF  }
0xb4: {  	_ =	strace $0x90000048  }
0xb5: {  	_ =	sfence  }
0xb6: {  	s30 =	sld [smem:$0x0];
	_ =	sdelay $0x2  }
0xb7: {  	s31 =	sshll.u32 s1, $0xD;
	s1 =	sshrl.u32 s1, $0x2  }
0xb8: {  	s3 =	sand.u32 $0x4000, s31;
	s1 =	sadd.s32 s1, s30  }
0xb9: {  	s0 =	sor.u32 s3, s0;
	s1 =	sshll.u32 s1, $0x11  }
0xba: {  	s0 =	sor.u32 s1, s0  }
0xbb: {  	s0 =	sadd.s32 $0x8F2B, s0  }
0xbc: {  	[sflag:s0] =	ssyncadd.remote.s32 $0x1  }
0xbd: {  	_ =	sfence.sel $0xFFFF  }
0xbe: {  	[dreg:$0x0] =	wrdreg $0xFFFFFFFF;
	(pc) =	sbr.abs _section_cstart, $3  }
0xbf: {  	[dreg:$0x1] =	wrdreg $0xFFFFFFFF  }
0xc0: {  	_ =	task.clear_ibuf [dreg:s6], $0x2FFFF;
	_ =	strace $0x9FFFFFFF  }
0xc1: {  	(tm) =	ssettm $0x7FFFFFFF  }
tec
execute0_lowered:
.L_overlay_start_1:
0x0: {  	(tag) =	ssettag $0x1  }
0x1: {  	s0 =	srdreg.scid  }
0x2: {  	s2 =	stileid.u32;
	s1 =	sand.u32 $0x1, s0  }
0x3: {  	s6 =	sshll.u32 s2, $0x6;
	s7 =	sshll.u32 s1, $0x5  }
0x4: {  	s3 =	sor.u32 s7, s6  }
0x5: {  	s1 =	ssub.s32 $0x2, s1;
	s5 =	smul.u32 $0x19, s3  }
0x6: {  	s6 =	sshrl.u32 s1, $0x1;
	s9 =	sor.u32 $0x2, s3;
	s4 =	smul.u32 $0xC8, s3  }
0x7: {  	s1 =	ssub.s32 s1, s6;
	s6 =	sor.u32 $0x6, s3;
	s7 =	smul.u32 $0x19, s9  }
0x8: {  	s29 =	simm.s32 $0x5;
	s0 =	rddreg [dreg:$0x0];
	s13 =	smul.u32 $0x19, s6  }
0x9: {  	s30 =	simm.s32 $0x6;
	s2 =	sadd.s32 $0x1000, s0;
	s9 =	smul.u32 $0xC80, s9  }
0xa: {  	s6 =	smul.u32 $0xC80, s6;
	s22 =	sadd.s32 s2, s5;
	s8 =	sadd.s32 $0x258, s4  }
0xb: {  	s5 =	sor.u32 $0x4, s3;
	s14 =	sadd.s32 $0x578, s4;
	s19 =	sadd.s32 $0x898, s4  }
0xc: {  	s25 =	sadd.s32 $0xBB8, s4;
	s10 =	sadd.s32 s2, s7;
	s11 =	sshrl.u32 s8, $0x3  }
0xd: {  	s8 =	smul.u32 $0x19, s5;
	s15 =	sadd.s32 s2, s13;
	s16 =	sshrl.u32 s14, $0x3  }
0xe: {  	s21 =	sshrl.u32 s19, $0x3;
	s14 =	sadd.s32 $0xA28, s4;
	s5 =	smul.u32 $0xC80, s5  }
0xf: {  	[dreg:$0x2] =	wrdreg s10;
	s10 =	sadd.s32 $0x3E8, s4;
	s7 =	sadd.s32 s2, s11  }
0x10: {  	[dreg:$0x6] =	wrdreg s15;
	s23 =	sshrl.u32 s14, $0x3;
	s14 =	sor.u32 $0x12, s3  }
0x11: {  	s15 =	sadd.s32 $0xD48, s4;
	[dreg:$0x3] =	wrdreg s7;
	s12 =	sshrl.u32 s10, $0x3  }
0x12: {  	s8 =	sadd.s32 s2, s8;
	s10 =	sor.u32 $0x8, s3;
	s15 =	sshrl.u32 s15, $0x3  }
0x13: {  	[dreg:$0x4] =	wrdreg s8;
	s7 =	sadd.s32 s2, s12;
	s11 =	smul.u32 $0x19, s10  }
0x14: {  	s12 =	sadd.s32 $0x708, s4;
	s8 =	sadd.s32 s2, s16;
	s16 =	smul.u32 $0x19, s14  }
0x15: {  	s15 =	sadd.s32 s2, s15;
	s10 =	smul.u32 $0xC80, s10;
	[dreg:$0x5] =	wrdreg s7  }
0x16: {  	s7 =	sor.u32 $0xA, s3;
	[dreg:$0x7] =	wrdreg s8;
	s17 =	sshrl.u32 s12, $0x3  }
0x17: {  	s12 =	sor.u32 $0xC, s3;
	[dreg:$0x11] =	wrdreg s15;
	s18 =	smul.u32 $0x19, s7  }
0x18: {  	s15 =	sor.u32 $0x16, s3;
	s11 =	sadd.s32 s2, s11;
	s13 =	smul.u32 $0x19, s12  }
0x19: {  	s8 =	sadd.s32 s2, s17;
	s7 =	smul.u32 $0xC80, s7;
	[dreg:$0x8] =	wrdreg s11  }
0x1a: {  	s17 =	sor.u32 $0x14, s3;
	s12 =	smul.u32 $0xC80, s12;
	[dreg:$0x9] =	wrdreg s8  }
0x1b: {  	s8 =	sor.u32 $0xE, s3;
	s11 =	sadd.s32 s2, s21;
	s19 =	smul.u32 $0x19, s17  }
0x1c: {  	s21 =	sadd.s32 s2, s16;
	s20 =	sadd.s32 s2, s18;
	[dreg:$0xb] =	wrdreg s11  }
0x1d: {  	s24 =	smul.u32 $0x19, s8;
	s13 =	sadd.s32 s2, s13;
	[dreg:$0x12] =	wrdreg s21  }
0x1e: {  	s11 =	sadd.s32 s2, s23;
	s18 =	sadd.s32 $0xED8, s4;
	[dreg:$0xa] =	wrdreg s20  }
0x1f: {  	s21 =	sadd.s32 $0x1388, s4;
	s8 =	smul.u32 $0xC80, s8;
	[dreg:$0xc] =	wrdreg s13  }
0x20: {  	[dreg:$0xd] =	wrdreg s11;
	s11 =	sshrl.u32 s25, $0x3;
	s13 =	sor.u32 $0x10, s3  }
0x21: {  	s20 =	sshrl.u32 s18, $0x3;
	s23 =	sadd.s32 s2, s19;
	s25 =	smul.u32 $0x19, s15  }
0x22: {  	s18 =	sor.u32 $0x18, s3;
	s26 =	sadd.s32 s2, s24;
	[dreg:$0x14] =	wrdreg s23  }
0x23: {  	s11 =	sadd.s32 s2, s11;
	s28 =	smul.u32 $0x19, s13;
	[dreg:$0xe] =	wrdreg s26  }
0x24: {  	s24 =	sadd.s32 $0x1068, s4;
	[dreg:$0xf] =	wrdreg s11;
	s16 =	sadd.s32 s2, s25  }
0x25: {  	s11 =	sadd.s32 s2, s28;
	s28 =	smul.u32 $0x19, s18;
	[dreg:$0x16] =	wrdreg s16  }
0x26: {  	s16 =	sor.u32 $0x1A, s3;
	[dreg:$0x10] =	wrdreg s11;
	s11 =	sadd.s32 s2, s20  }
0x27: {  	s26 =	sadd.s32 $0x11F8, s4;
	s23 =	smul.u32 $0x19, s16;
	[dreg:$0x13] =	wrdreg s11  }
0x28: {  	s11 =	sshrl.u32 s24, $0x3;
	s20 =	sadd.s32 s2, s28;
	s24 =	sadd.s32 $0x1518, s4  }
0x29: {  	s11 =	sadd.s32 s2, s11;
	[dreg:$0x18] =	wrdreg s20;
	s19 =	sadd.s32 s2, s23  }
0x2a: {  	[dreg:$0x15] =	wrdreg s11;
	s11 =	sshrl.u32 s26, $0x3;
	s26 =	sadd.s32 $0x16A8, s4  }
0x2b: {  	[dreg:$0x1a] =	wrdreg s19;
	s11 =	sadd.s32 s2, s11;
	s19 =	sshrl.u32 s26, $0x3  }
0x2c: {  	s26 =	sadd.s32 $0xCAA00, s0;
	[dreg:$0x17] =	wrdreg s11;
	s19 =	sadd.s32 s2, s19  }
0x2d: {  	s20 =	sor.u32 $0x1C, s3;
	s9 =	sadd.s32 s26, s9;
	[dreg:$0x1d] =	wrdreg s19  }
0x2e: {  	s4 =	sadd.s32 $0x1838, s4;
	s5 =	sadd.s32 s26, s5;
	[smem:$0x7EB] =	sst s9  }
0x2f: {  	s4 =	sshrl.u32 s4, $0x3;
	s6 =	sadd.s32 s26, s6;
	[smem:$0x7EC] =	sst s5  }
0x30: {  	s11 =	sshrl.u32 s21, $0x3;
	s7 =	sadd.s32 s26, s7;
	[smem:$0x7ED] =	sst s6  }
0x31: {  	s21 =	smul.u32 $0x19, s20;
	s8 =	sadd.s32 s26, s8;
	[smem:$0x7EF] =	sst s7  }
0x32: {  	s11 =	sadd.s32 s2, s11;
	s9 =	smul.u32 $0xC80, s15;
	[smem:$0x7F1] =	sst s8  }
0x33: {  	s15 =	sadd.s32 s26, s10;
	s19 =	smul.u32 $0xC80, s16;
	[dreg:$0x19] =	wrdreg s11  }
0x34: {  	s11 =	sshrl.u32 s24, $0x3;
	s25 =	sadd.s32 s2, s21;
	[smem:$0x7EE] =	sst s15  }
0x35: {  	s11 =	sadd.s32 s2, s11;
	[dreg:$0x1c] =	wrdreg s25;
	s25 =	smul.u32 $0xC80, s14  }
0x36: {  	s5 =	sadd.s32 s26, s9;
	[dreg:$0x1b] =	wrdreg s11;
	s11 =	smul.u32 $0xC80, s3  }
0x37: {  	s3 =	sor.u32 $0x1E, s3;
	[smem:$0x7F5] =	sst s5;
	s21 =	sadd.s32 s26, s25  }
0x38: {  	s28 =	smul.u32 $0x19, s3;
	s25 =	sadd.s32 s26, s19;
	[smem:$0x7F3] =	sst s21  }
0x39: {  	s24 =	smul.u32 $0xC80, s13;
	s11 =	sadd.s32 s26, s11;
	[smem:$0x7F7] =	sst s25  }
0x3a: {  	s3 =	smul.u32 $0xC80, s3;
	s23 =	sadd.s32 s2, s28;
	[smem:$0x7EA] =	sst s11  }
0x3b: {  	s2 =	sadd.s32 s2, s4;
	s28 =	smul.u32 $0xC80, s17;
	[dreg:$0x1e] =	wrdreg s23  }
0x3c: {  	s17 =	smul.u32 $0xC80, s18;
	s18 =	sadd.s32 s26, s12;
	[dreg:$0x1f] =	wrdreg s2  }
0x3d: {  	s31 =	simm.s32 $0x0;
	s4 =	sadd.s32 s26, s24;
	[smem:$0x7F0] =	sst s18  }
0x3e: {  	s20 =	smul.u32 $0xC80, s20;
	s3 =	sadd.s32 s26, s3;
	[smem:$0x7F2] =	sst s4  }
0x3f: {  	s6 =	simm.s32 $0x40;
	s2 =	simm.s32 $0x0;
	[smem:$0x7F9] =	sst s3  }
0x40: {  	s7 =	simm.s32 $0x2;
	s4 =	sadd.s32 s26, s20;
	[smem:$0x7FF] =	sst s2  }
0x41: {  	s8 =	simm.s32 $0x4;
	s23 =	sadd.s32 s26, s28;
	[smem:$0x7F8] =	sst s4  }
0x42: {  	s15 =	simm.s32 $0x80;
	s24 =	sadd.s32 s26, s17;
	[smem:$0x7F4] =	sst s23  }
0x43: {  	s19 =	sadd.s32 $0x7400, s0;
	s0 =	sadd.s32 $0x800, s0;
	[smem:$0x7F6] =	sst s24  }
0x44: {  	s26 =	smax.u32 s1, $0x1;
	_ =	strace $0x80000047;
	[smem:$0x7FA] =	sst s0  }
0x45: {  	s9 =	simm.s32 $0x7;
	s12 =	simm.s32 $0x1;
	[smem:$0x7FB] =	sst s26  }
0x46: {  	s18 =	simm.s32 $0x3;
	s28 =	sadd.s32 $0x19, s22;
	[smem:$0x7FC] =	sst s22  }
0x47: {  	s1 =	simm.s32 $0x8;
	[smem:$0x7FD] =	sst s28;
	s22 =	simm.s32 $0xC8  }
.LBB2_1:
0x48: {  	s0 =	sld [smem:$0x7FC];
	_ =	sdelay $0x1  }
0x49: {  	s3 =	sld [smem:$0x7FD]  }
0x4a: {  	[tilespmem:s2], [sflag:$0x1] =	stream.linear.gather [hbm4b:s0+s2], $0xC8, $0x38;
	[tilespmem:$0x1DB00] =	vst v63  }
0x4b: {  	_ = 	snop  }
0x4c: {  	[tilespmem:s22], [sflag:$0x1] =	stream.linear.gather [hbm4b:s3+s2], $0xC8, $0x38;
	[tilespmem:$0x1DB00] =	vst v63  }
0x4d: {  	s4 =	rddreg [dreg:$0x2];
	s20 =	simm.s32 $0x190  }
0x4e: {  	[tilespmem:s20], [sflag:$0x1] =	stream.linear.gather [hbm4b:s4+s2], $0xC8, $0x38;
	[tilespmem:$0x1DB00] =	vst v63  }
0x4f: {  	s5 =	rddreg [dreg:$0x3];
	s21 =	simm.s32 $0x258  }
0x50: {  	[tilespmem:s21], [sflag:$0x1] =	stream.linear.gather [hbm4b:s5+s2], $0xC8, $0x38;
	[tilespmem:$0x1DB00] =	vst v63  }
0x51: {  	s10 =	rddreg [dreg:$0x4];
	s3 =	simm.s32 $0x320  }
0x52: {  	[tilespmem:s3], [sflag:$0x1] =	stream.linear.gather [hbm4b:s10+s2], $0xC8, $0x38;
	[tilespmem:$0x1DB00] =	vst v63  }
0x53: {  	s11 =	rddreg [dreg:$0x5];
	s3 =	simm.s32 $0x3E8  }
0x54: {  	[tilespmem:s3], [sflag:$0x1] =	stream.linear.gather [hbm4b:s11+s2], $0xC8, $0x38;
	[tilespmem:$0x1DB00] =	vst v63  }
0x55: {  	s14 =	rddreg [dreg:$0x6];
	s11 =	simm.s32 $0x4B0  }
0x56: {  	[tilespmem:s11], [sflag:$0x1] =	stream.linear.gather [hbm4b:s14+s2], $0xC8, $0x38;
	[tilespmem:$0x1DB00] =	vst v63  }
0x57: {  	s16 =	rddreg [dreg:$0x7];
	s11 =	simm.s32 $0x578  }
0x58: {  	[tilespmem:s11], [sflag:$0x1] =	stream.linear.gather [hbm4b:s16+s2], $0xC8, $0x38;
	[tilespmem:$0x1DB00] =	vst v63  }
0x59: {  	s23 =	rddreg [dreg:$0x8];
	s4 =	simm.s32 $0x640  }
0x5a: {  	[tilespmem:s4], [sflag:$0x1] =	stream.linear.gather [hbm4b:s23+s2], $0xC8, $0x38;
	[tilespmem:$0x1DB00] =	vst v63  }
0x5b: {  	s24 =	rddreg [dreg:$0x9];
	s4 =	simm.s32 $0x708  }
0x5c: {  	[tilespmem:s4], [sflag:$0x1] =	stream.linear.gather [hbm4b:s24+s2], $0xC8, $0x38;
	[tilespmem:$0x1DB00] =	vst v63  }
0x5d: {  	s5 =	rddreg [dreg:$0xa];
	s23 =	simm.s32 $0x7D0  }
0x5e: {  	[tilespmem:s23], [sflag:$0x1] =	stream.linear.gather [hbm4b:s5+s2], $0xC8, $0x38;
	[tilespmem:$0x1DB00] =	vst v63  }
0x5f: {  	s10 =	rddreg [dreg:$0xb];
	s23 =	simm.s32 $0x898  }
0x60: {  	[tilespmem:s23], [sflag:$0x1] =	stream.linear.gather [hbm4b:s10+s2], $0xC8, $0x38;
	[tilespmem:$0x1DB00] =	vst v63  }
0x61: {  	s14 =	rddreg [dreg:$0xc];
	s10 =	simm.s32 $0x960  }
0x62: {  	[tilespmem:s10], [sflag:$0x1] =	stream.linear.gather [hbm4b:s14+s2], $0xC8, $0x38;
	[tilespmem:$0x1DB00] =	vst v63  }
0x63: {  	s16 =	rddreg [dreg:$0xd];
	s10 =	simm.s32 $0xA28  }
0x64: {  	[tilespmem:s10], [sflag:$0x1] =	stream.linear.gather [hbm4b:s16+s2], $0xC8, $0x38;
	[tilespmem:$0x1DB00] =	vst v63  }
0x65: {  	s24 =	rddreg [dreg:$0xe];
	s5 =	simm.s32 $0xAF0  }
0x66: {  	[tilespmem:s5], [sflag:$0x1] =	stream.linear.gather [hbm4b:s24+s2], $0xC8, $0x38;
	[tilespmem:$0x1DB00] =	vst v63  }
0x67: {  	s14 =	rddreg [dreg:$0xf];
	s5 =	simm.s32 $0xBB8  }
0x68: {  	[tilespmem:s5], [sflag:$0x1] =	stream.linear.gather [hbm4b:s14+s2], $0xC8, $0x38;
	[tilespmem:$0x1DB00] =	vst v63  }
0x69: {  	s16 =	rddreg [dreg:$0x10];
	s24 =	simm.s32 $0xC80  }
0x6a: {  	[tilespmem:s24], [sflag:$0x1] =	stream.linear.gather [hbm4b:s16+s2], $0xC8, $0x38;
	[tilespmem:$0x1DB00] =	vst v63  }
0x6b: {  	s14 =	rddreg [dreg:$0x11];
	s24 =	simm.s32 $0xD48  }
0x6c: {  	[tilespmem:s24], [sflag:$0x1] =	stream.linear.gather [hbm4b:s14+s2], $0xC8, $0x38;
	[tilespmem:$0x1DB00] =	vst v63  }
0x6d: {  	s16 =	rddreg [dreg:$0x12];
	s14 =	simm.s32 $0xE10  }
0x6e: {  	[tilespmem:s14], [sflag:$0x1] =	stream.linear.gather [hbm4b:s16+s2], $0xC8, $0x38;
	[tilespmem:$0x1DB00] =	vst v63  }
0x6f: {  	s14 =	simm.s32 $0xED8;
	s16 =	rddreg [dreg:$0x13]  }
0x70: {  	[tilespmem:s14], [sflag:$0x1] =	stream.linear.gather [hbm4b:s16+s2], $0xC8, $0x38;
	[tilespmem:$0x1DB00] =	vst v63  }
0x71: {  	s0 =	rddreg [dreg:$0x14];
	s16 =	simm.s32 $0xFA0  }
0x72: {  	[tilespmem:s16], [sflag:$0x1] =	stream.linear.gather [hbm4b:s0+s2], $0xC8, $0x38;
	[tilespmem:$0x1DB00] =	vst v63  }
0x73: {  	s16 =	simm.s32 $0x1068;
	s0 =	rddreg [dreg:$0x15]  }
0x74: {  	[tilespmem:s16], [sflag:$0x1] =	stream.linear.gather [hbm4b:s0+s2], $0xC8, $0x38;
	[tilespmem:$0x1DB00] =	vst v63  }
0x75: {  	s28 =	simm.s32 $0x1130;
	s0 =	rddreg [dreg:$0x16]  }
0x76: {  	[tilespmem:s28], [sflag:$0x1] =	stream.linear.gather [hbm4b:s0+s2], $0xC8, $0x38;
	[tilespmem:$0x1DB00] =	vst v63  }
0x77: {  	s28 =	simm.s32 $0x11F8;
	s0 =	rddreg [dreg:$0x17]  }
0x78: {  	[tilespmem:s28], [sflag:$0x1] =	stream.linear.gather [hbm4b:s0+s2], $0xC8, $0x38;
	[tilespmem:$0x1DB00] =	vst v63  }
0x79: {  	s0 =	rddreg [dreg:$0x18];
	s28 =	simm.s32 $0x12C0  }
0x7a: {  	[tilespmem:s28], [sflag:$0x1] =	stream.linear.gather [hbm4b:s0+s2], $0xC8, $0x38;
	[tilespmem:$0x1DB00] =	vst v63  }
0x7b: {  	s28 =	simm.s32 $0x1388;
	s0 =	rddreg [dreg:$0x19]  }
0x7c: {  	[tilespmem:s28], [sflag:$0x1] =	stream.linear.gather [hbm4b:s0+s2], $0xC8, $0x38;
	[tilespmem:$0x1DB00] =	vst v63  }
0x7d: {  	s0 =	rddreg [dreg:$0x1a];
	s28 =	simm.s32 $0x1450  }
0x7e: {  	[tilespmem:s28], [sflag:$0x1] =	stream.linear.gather [hbm4b:s0+s2], $0xC8, $0x38;
	[tilespmem:$0x1DB00] =	vst v63  }
0x7f: {  	s28 =	simm.s32 $0x1518;
	s0 =	rddreg [dreg:$0x1b]  }
0x80: {  	[tilespmem:s28], [sflag:$0x1] =	stream.linear.gather [hbm4b:s0+s2], $0xC8, $0x38;
	[tilespmem:$0x1DB00] =	vst v63  }
0x81: {  	s0 =	rddreg [dreg:$0x1c];
	s28 =	simm.s32 $0x15E0  }
0x82: {  	[tilespmem:s28], [sflag:$0x1] =	stream.linear.gather [hbm4b:s0+s2], $0xC8, $0x38;
	[tilespmem:$0x1DB00] =	vst v63  }
0x83: {  	s28 =	simm.s32 $0x16A8;
	s0 =	rddreg [dreg:$0x1d]  }
0x84: {  	[tilespmem:s28], [sflag:$0x1] =	stream.linear.gather [hbm4b:s0+s2], $0xC8, $0x38;
	[tilespmem:$0x1DB00] =	vst v63  }
0x85: {  	s0 =	rddreg [dreg:$0x1e];
	s28 =	simm.s32 $0x1770  }
0x86: {  	[tilespmem:s28], [sflag:$0x1] =	stream.linear.gather [hbm4b:s0+s2], $0xC8, $0x38;
	[tilespmem:$0x1DB00] =	vst v63  }
0x87: {  	s28 =	simm.s32 $0x1838;
	s0 =	rddreg [dreg:$0x1f]  }
0x88: {  	[tilespmem:s28], [sflag:$0x1] =	stream.linear.gather [hbm4b:s0+s2], $0xC8, $0x38;
	[tilespmem:$0x1DB00] =	vst v63  }
0x89: {  	_ =	swait.ge [sflag:s12], $0xC8  }
0x8a: {  	[sflag:s12] =	ssyncset.done $0x0  }
0x8b: {  	[sflag:s12] =	ssyncadd.s32 $0xFFFFFF38  }
0x8c: {  	_ =	swait.ge [sflag:s12], $0xC8  }
0x8d: {  	[sflag:s12] =	ssyncset.done $0x0  }
0x8e: {  	[sflag:s12] =	ssyncadd.s32 $0xFFFFFF38  }
0x8f: {  	_ =	swait.ge [sflag:s12], $0xC8  }
0x90: {  	[sflag:s12] =	ssyncset.done $0x0  }
0x91: {  	[sflag:s12] =	ssyncadd.s32 $0xFFFFFF38  }
0x92: {  	_ =	swait.ge [sflag:s12], $0xC8  }
0x93: {  	[sflag:s12] =	ssyncset.done $0x0  }
0x94: {  	[sflag:s12] =	ssyncadd.s32 $0xFFFFFF38  }
0x95: {  	_ =	swait.ge [sflag:s12], $0xC8  }
0x96: {  	[sflag:s12] =	ssyncset.done $0x0  }
0x97: {  	[sflag:s12] =	ssyncadd.s32 $0xFFFFFF38  }
0x98: {  	_ =	swait.ge [sflag:s12], $0xC8  }
0x99: {  	[sflag:s12] =	ssyncset.done $0x0  }
0x9a: {  	[sflag:s12] =	ssyncadd.s32 $0xFFFFFF38  }
0x9b: {  	_ =	swait.ge [sflag:s12], $0xC8  }
0x9c: {  	[sflag:s12] =	ssyncset.done $0x0  }
0x9d: {  	[sflag:s12] =	ssyncadd.s32 $0xFFFFFF38  }
0x9e: {  	_ =	swait.ge [sflag:s12], $0xC8  }
0x9f: {  	[sflag:s12] =	ssyncset.done $0x0  }
0xa0: {  	[sflag:s12] =	ssyncadd.s32 $0xFFFFFF38  }
0xa1: {  	_ =	swait.ge [sflag:s12], $0xC8  }
0xa2: {  	[sflag:s12] =	ssyncset.done $0x0  }
0xa3: {  	[sflag:s12] =	ssyncadd.s32 $0xFFFFFF38  }
0xa4: {  	_ =	swait.ge [sflag:s12], $0xC8  }
0xa5: {  	[sflag:s12] =	ssyncset.done $0x0  }
0xa6: {  	[sflag:s12] =	ssyncadd.s32 $0xFFFFFF38  }
0xa7: {  	_ =	swait.ge [sflag:s12], $0xC8  }
0xa8: {  	[sflag:s12] =	ssyncset.done $0x0  }
0xa9: {  	[sflag:s12] =	ssyncadd.s32 $0xFFFFFF38  }
0xaa: {  	_ =	swait.ge [sflag:s12], $0xC8  }
0xab: {  	[sflag:s12] =	ssyncset.done $0x0  }
0xac: {  	[sflag:s12] =	ssyncadd.s32 $0xFFFFFF38  }
0xad: {  	_ =	swait.ge [sflag:s12], $0xC8  }
0xae: {  	[sflag:s12] =	ssyncset.done $0x0  }
0xaf: {  	[sflag:s12] =	ssyncadd.s32 $0xFFFFFF38  }
0xb0: {  	_ =	swait.ge [sflag:s12], $0xC8  }
0xb1: {  	[sflag:s12] =	ssyncset.done $0x0  }
0xb2: {  	[sflag:s12] =	ssyncadd.s32 $0xFFFFFF38  }
0xb3: {  	_ =	swait.ge [sflag:s12], $0xC8  }
0xb4: {  	[sflag:s12] =	ssyncset.done $0x0  }
0xb5: {  	[sflag:s12] =	ssyncadd.s32 $0xFFFFFF38  }
0xb6: {  	_ =	swait.ge [sflag:s12], $0xC8  }
0xb7: {  	[sflag:s12] =	ssyncset.done $0x0  }
0xb8: {  	[sflag:s12] =	ssyncadd.s32 $0xFFFFFF38  }
0xb9: {  	_ =	swait.ge [sflag:s12], $0xC8  }
0xba: {  	[sflag:s12] =	ssyncset.done $0x0  }
0xbb: {  	[sflag:s12] =	ssyncadd.s32 $0xFFFFFF38  }
0xbc: {  	_ =	swait.ge [sflag:s12], $0xC8  }
0xbd: {  	[sflag:s12] =	ssyncset.done $0x0  }
0xbe: {  	[sflag:s12] =	ssyncadd.s32 $0xFFFFFF38  }
0xbf: {  	_ =	swait.ge [sflag:s12], $0xC8  }
0xc0: {  	[sflag:s12] =	ssyncset.done $0x0  }
0xc1: {  	[sflag:s12] =	ssyncadd.s32 $0xFFFFFF38  }
0xc2: {  	_ =	swait.ge [sflag:s12], $0xC8  }
0xc3: {  	[sflag:s12] =	ssyncset.done $0x0  }
0xc4: {  	[sflag:s12] =	ssyncadd.s32 $0xFFFFFF38  }
0xc5: {  	_ =	swait.ge [sflag:s12], $0xC8  }
0xc6: {  	[sflag:s12] =	ssyncset.done $0x0  }
0xc7: {  	[sflag:s12] =	ssyncadd.s32 $0xFFFFFF38  }
0xc8: {  	_ =	swait.ge [sflag:s12], $0xC8  }
0xc9: {  	[sflag:s12] =	ssyncset.done $0x0  }
0xca: {  	[sflag:s12] =	ssyncadd.s32 $0xFFFFFF38  }
0xcb: {  	_ =	swait.ge [sflag:s12], $0xC8  }
0xcc: {  	[sflag:s12] =	ssyncset.done $0x0  }
0xcd: {  	[sflag:s12] =	ssyncadd.s32 $0xFFFFFF38  }
0xce: {  	_ =	swait.ge [sflag:s12], $0xC8  }
0xcf: {  	[sflag:s12] =	ssyncset.done $0x0  }
0xd0: {  	[sflag:s12] =	ssyncadd.s32 $0xFFFFFF38  }
0xd1: {  	_ =	swait.ge [sflag:s12], $0xC8  }
0xd2: {  	[sflag:s12] =	ssyncset.done $0x0  }
0xd3: {  	[sflag:s12] =	ssyncadd.s32 $0xFFFFFF38  }
0xd4: {  	_ =	swait.ge [sflag:s12], $0xC8  }
0xd5: {  	[sflag:s12] =	ssyncset.done $0x0  }
0xd6: {  	[sflag:s12] =	ssyncadd.s32 $0xFFFFFF38  }
0xd7: {  	_ =	swait.ge [sflag:s12], $0xC8  }
0xd8: {  	[sflag:s12] =	ssyncset.done $0x0  }
0xd9: {  	[sflag:s12] =	ssyncadd.s32 $0xFFFFFF38  }
0xda: {  	_ =	swait.ge [sflag:s12], $0xC8  }
0xdb: {  	[sflag:s12] =	ssyncset.done $0x0  }
0xdc: {  	[sflag:s12] =	ssyncadd.s32 $0xFFFFFF38  }
0xdd: {  	_ =	swait.ge [sflag:s12], $0xC8  }
0xde: {  	[sflag:s12] =	ssyncset.done $0x0  }
0xdf: {  	[sflag:s12] =	ssyncadd.s32 $0xFFFFFF38  }
0xe0: {  	_ =	swait.ge [sflag:s12], $0xC8  }
0xe1: {  	[sflag:s12] =	ssyncset.done $0x0  }
0xe2: {  	[sflag:s12] =	ssyncadd.s32 $0xFFFFFF38  }
0xe3: {  	_ =	swait.ge [sflag:s12], $0xC8  }
0xe4: {  	[sflag:s12] =	ssyncset.done $0x0  }
0xe5: {  	[sflag:s12] =	ssyncadd.s32 $0xFFFFFF38  }
0xe6: {  	_ =	swait.ge [sflag:s12], $0xC8  }
0xe7: {  	s0 =	sld [smem:$0x7FA]  }
0xe8: {  	[sflag:s12] =	ssyncset.done $0x0  }
0xe9: {  	s28 =	simm.s32 $0x1900;
	[sflag:s12] =	ssyncadd.s32 $0xFFFFFF38  }
0xea: {  	[tilespmem:s28], [sflag:$0x9] =	stream.linear.gather [hbm4b:s0+s2], $0x3200, $0x38;
	[tilespmem:$0x1DB00] =	vst v63  }
0xeb: {  	s0 =	simm.s32 $0x9  }
0xec: {  	_ =	swait.ge [sflag:s0], $0x3200  }
0xed: {  	[sflag:s0] =	ssyncset.done $0x0  }
0xee: {  	s25 =	simm.s32 $0x4B00;
	[sflag:s0] =	ssyncadd.s32 $0xFFFFCE00  }
0xef: {  	[tilespmem:s25], [sflag:$0x1] =	stream.indirect.gather [hbm4b:s19+s22], $0x40, s2, s22, $0xb8;
	[tilespmem:$0x1DB00] =	vst v63  }
0xf0: {  	s28 =	simm.s32 $0x7D00  }
0xf1: {  	[tilespmem:s28], [sflag:$0x1] =	stream.indirect.gather [hbm4b:s19+s22], $0x40, s22, s22, $0xb8;
	[tilespmem:$0x1DB00] =	vst v63  }
0xf2: {  	s25 =	simm.s32 $0xAF00  }
0xf3: {  	[tilespmem:s25], [sflag:$0x2] =	stream.indirect.gather [hbm4b:s19+s22], $0x40, s20, s22, $0xb8;
	[tilespmem:$0x1DB00] =	vst v63  }
0xf4: {  	s13 =	simm.s32 $0xE100  }
0xf5: {  	[tilespmem:s13], [sflag:$0x2] =	stream.indirect.gather [hbm4b:s19+s22], $0x40, s21, s22, $0xb8;
	[tilespmem:$0x1DB00] =	vst v63  }
0xf6: {  	_ =	swait.ge [sflag:s12], $0x3200  }
0xf7: {  	[sflag:s12] =	ssyncset.done $0x0  }
0xf8: {  	[sflag:s12] =	ssyncadd.s32 $0xFFFFCE00  }
0xf9: {  	_ =	swait.ge [sflag:s12], $0x3200  }
0xfa: {  	[sflag:s12] =	ssyncset.done $0x0  }
0xfb: {  	s20 =	simm.s32 $0x0;
	[sflag:s12] =	ssyncadd.s32 $0xFFFFCE00  }
0xfc: {  	v3 =	vld [tilespmem:s20+$0x1900]  }
0xfd: {  	v2 =	vld [tilespmem:s20+$0x1910]  }
0xfe: {  	v1 =	vld [tilespmem:s20+$0x1920]  }
0xff: {  	v0 =	vld [tilespmem:s20+$0x1930]  }
0x100: {  	v5 =	vld [tilespmem:s20+$0x4B00]  }
0x101: {  	v9 =	vld [tilespmem:s20+$0x4B10]  }
0x102: {  	v8 =	vld [tilespmem:s20+$0x4B20]  }
0x103: {  	v7 =	vld [tilespmem:s20+$0x4B30]  }
0x104: {  	v6 =	vld [tilespmem:s20+$0x7D00]  }
0x105: {  	v4 =	vld [tilespmem:s20+$0x7D10];
	v10 =	vadd.f32 v5, v3  }
0x106: {  	s17 =	simm.s32 $0x11300;
	s26 =	simm.s32 $0x14500;
	s0 =	simm.s32 $0x100;
	v9 =	vadd.f32 v9, v2;
	v5 =	vld [tilespmem:s20+$0x7D20]  }
.LBB2_2:
0x107: {  	s21 =	sshra.s32 s0, $0x2;
	p0 =	sne.s32 s0, $0xC700;
	[tilespmem:s20+$0x4B00] =	vst v10;
	v8 =	vadd.f32 v8, v1;
	v10 =	vld [tilespmem:s20+$0x7D30]  }
0x108: {  	v11 =	vld [tilespmem:s21+$0x1900];
	[tilespmem:s20+$0x4B10] =	vst v9;
	v7 =	vadd.f32 v7, v0  }
0x109: {  	v9 =	vld [tilespmem:s21+$0x1910];
	[tilespmem:s20+$0x4B20] =	vst v8;
	v3 =	vadd.f32 v6, v3  }
0x10a: {  	v6 =	vld [tilespmem:s21+$0x1920];
	[tilespmem:s20+$0x4B30] =	vst v7;
	v2 =	vadd.f32 v4, v2  }
0x10b: {  	v4 =	vld [tilespmem:s21+$0x1930];
	[tilespmem:s20+$0x7D00] =	vst v3;
	v1 =	vadd.f32 v5, v1  }
0x10c: {  	v5 =	vld [tilespmem:s21+$0x4B00];
	[tilespmem:s20+$0x7D10] =	vst v2;
	v0 =	vadd.f32 v10, v0  }
0x10d: {  	v12 =	vld [tilespmem:s21+$0x4B10];
	[tilespmem:s20+$0x7D20] =	vst v1;
	v3 =	vmov v11  }
.Ltmp0:
0x10e: {  	v8 =	vld [tilespmem:s21+$0x4B20];
	[tilespmem:s20+$0x7D30] =	vst v0;
	v2 =	vmov v9;
	s20 =	smov.u32 s21;
	(pc) =	sbr.rel @p0 .LBB2_2-.Ltmp0, $4  }
0x10f: {  	v7 =	vld [tilespmem:s20+$0x4B30];
	v1 =	vmov v6  }
0x110: {  	v6 =	vld [tilespmem:s20+$0x7D00];
	v0 =	vmov v4  }
0x111: {  	v10 =	vadd.f32 v5, v3;
	v4 =	vld [tilespmem:s20+$0x7D10]  }
0x112: {  	s0 =	sadd.s32 $0x100, s0;
	v9 =	vadd.f32 v12, v2;
	v5 =	vld [tilespmem:s20+$0x7D20]  }
0x113: {  	[tilespmem:s20+$0x4B00] =	vst v10;
	v8 =	vadd.f32 v8, v1;
	v10 =	vld [tilespmem:s20+$0x7D30]  }
0x114: {  	[tilespmem:s20+$0x4B10] =	vst v9;
	v7 =	vadd.f32 v7, v0  }
0x115: {  	[tilespmem:s20+$0x4B20] =	vst v8;
	v3 =	vadd.f32 v6, v3  }
0x116: {  	[tilespmem:s20+$0x4B30] =	vst v7;
	v2 =	vadd.f32 v4, v2  }
0x117: {  	[tilespmem:s20+$0x7D00] =	vst v3;
	v1 =	vadd.f32 v5, v1  }
0x118: {  	s0 =	sld [smem:$0x7EA];
	[tilespmem:s20+$0x7D10] =	vst v2;
	v0 =	vadd.f32 v10, v0  }
0x119: {  	[tilespmem:s20+$0x7D20] =	vst v1  }
0x11a: {  	s13 =	simm.s32 $0x4B00;
	[tilespmem:s20+$0x7D30] =	vst v0  }
0x11b: {  	[hbm4b:s0+s6] =	stream.strided.scatter [tilespmem:s13], [sflag:$0x5], $0x6400, s15, s6, $0x38;
	[tilespmem:$0x1DB00] =	vst v63  }
0x11c: {  	s21 =	simm.s32 $0x320  }
0x11d: {  	[tilespmem:s17], [sflag:$0x3] =	stream.indirect.gather [hbm4b:s19+s22], $0x40, s21, s22, $0xb8;
	[tilespmem:$0x1DB00] =	vst v63  }
0x11e: {  	_ = 	snop  }
0x11f: {  	[tilespmem:s26], [sflag:$0x3] =	stream.indirect.gather [hbm4b:s19+s22], $0x40, s3, s22, $0xb8;
	[tilespmem:$0x1DB00] =	vst v63  }
0x120: {  	_ =	swait.ge [sflag:s7], $0x3200  }
0x121: {  	[sflag:s7] =	ssyncset.done $0x0  }
0x122: {  	[sflag:s7] =	ssyncadd.s32 $0xFFFFCE00  }
0x123: {  	_ =	swait.ge [sflag:s7], $0x3200  }
0x124: {  	[sflag:s7] =	ssyncset.done $0x0  }
0x125: {  	s20 =	simm.s32 $0x0;
	[sflag:s7] =	ssyncadd.s32 $0xFFFFCE00  }
0x126: {  	v3 =	vld [tilespmem:s20+$0x1900]  }
0x127: {  	v2 =	vld [tilespmem:s20+$0x1910]  }
0x128: {  	v1 =	vld [tilespmem:s20+$0x1920]  }
0x129: {  	v0 =	vld [tilespmem:s20+$0x1930]  }
0x12a: {  	v5 =	vld [tilespmem:s20+$0xAF00]  }
0x12b: {  	v9 =	vld [tilespmem:s20+$0xAF10]  }
0x12c: {  	v8 =	vld [tilespmem:s20+$0xAF20]  }
0x12d: {  	v7 =	vld [tilespmem:s20+$0xAF30]  }
0x12e: {  	v6 =	vld [tilespmem:s20+$0xE100]  }
0x12f: {  	v4 =	vld [tilespmem:s20+$0xE110];
	v10 =	vadd.f32 v5, v3  }
0x130: {  	s0 =	simm.s32 $0x100;
	v9 =	vadd.f32 v9, v2;
	v5 =	vld [tilespmem:s20+$0xE120]  }
.LBB2_4:
0x131: {  	s21 =	sshra.s32 s0, $0x2;
	p0 =	sne.s32 s0, $0xC700;
	[tilespmem:s20+$0xAF00] =	vst v10;
	v8 =	vadd.f32 v8, v1;
	v10 =	vld [tilespmem:s20+$0xE130]  }
0x132: {  	v11 =	vld [tilespmem:s21+$0x1900];
	[tilespmem:s20+$0xAF10] =	vst v9;
	v7 =	vadd.f32 v7, v0  }
0x133: {  	v9 =	vld [tilespmem:s21+$0x1910];
	[tilespmem:s20+$0xAF20] =	vst v8;
	v3 =	vadd.f32 v6, v3  }
0x134: {  	v6 =	vld [tilespmem:s21+$0x1920];
	[tilespmem:s20+$0xAF30] =	vst v7;
	v2 =	vadd.f32 v4, v2  }
0x135: {  	v4 =	vld [tilespmem:s21+$0x1930];
	[tilespmem:s20+$0xE100] =	vst v3;
	v1 =	vadd.f32 v5, v1  }
0x136: {  	v5 =	vld [tilespmem:s21+$0xAF00];
	[tilespmem:s20+$0xE110] =	vst v2;
	v0 =	vadd.f32 v10, v0  }
0x137: {  	v12 =	vld [tilespmem:s21+$0xAF10];
	[tilespmem:s20+$0xE120] =	vst v1;
	v3 =	vmov v11  }
.Ltmp1:
0x138: {  	v8 =	vld [tilespmem:s21+$0xAF20];
	[tilespmem:s20+$0xE130] =	vst v0;
	v2 =	vmov v9;
	s20 =	smov.u32 s21;
	(pc) =	sbr.rel @p0 .LBB2_4-.Ltmp1, $4  }
0x139: {  	v7 =	vld [tilespmem:s20+$0xAF30];
	v1 =	vmov v6  }
0x13a: {  	v6 =	vld [tilespmem:s20+$0xE100];
	v0 =	vmov v4  }
0x13b: {  	v10 =	vadd.f32 v5, v3;
	v4 =	vld [tilespmem:s20+$0xE110]  }
0x13c: {  	s0 =	sadd.s32 $0x100, s0;
	v9 =	vadd.f32 v12, v2;
	v5 =	vld [tilespmem:s20+$0xE120]  }
0x13d: {  	[tilespmem:s20+$0xAF00] =	vst v10;
	v8 =	vadd.f32 v8, v1;
	v10 =	vld [tilespmem:s20+$0xE130]  }
0x13e: {  	[tilespmem:s20+$0xAF10] =	vst v9;
	v7 =	vadd.f32 v7, v0  }
0x13f: {  	[tilespmem:s20+$0xAF20] =	vst v8;
	v3 =	vadd.f32 v6, v3  }
0x140: {  	[tilespmem:s20+$0xAF30] =	vst v7;
	v2 =	vadd.f32 v4, v2  }
0x141: {  	[tilespmem:s20+$0xE100] =	vst v3;
	v1 =	vadd.f32 v5, v1  }
0x142: {  	s0 =	sld [smem:$0x7EB];
	[tilespmem:s20+$0xE110] =	vst v2;
	v0 =	vadd.f32 v10, v0  }
0x143: {  	[tilespmem:s20+$0xE120] =	vst v1  }
0x144: {  	[tilespmem:s20+$0xE130] =	vst v0  }
0x145: {  	[hbm4b:s0+s6] =	stream.strided.scatter [tilespmem:s25], [sflag:$0x6], $0x6400, s15, s6, $0x38;
	[tilespmem:$0x1DB00] =	vst v63  }
0x146: {  	s26 =	simm.s32 $0x4B0;
	s17 =	simm.s32 $0x17700  }
0x147: {  	[tilespmem:s17], [sflag:$0x4] =	stream.indirect.gather [hbm4b:s19+s22], $0x40, s26, s22, $0xb8;
	[tilespmem:$0x1DB00] =	vst v63  }
0x148: {  	s26 =	simm.s32 $0x1A900  }
0x149: {  	[tilespmem:s26], [sflag:$0x4] =	stream.indirect.gather [hbm4b:s19+s22], $0x40, s11, s22, $0xb8;
	[tilespmem:$0x1DB00] =	vst v63  }
0x14a: {  	_ =	swait.ge [sflag:s18], $0x3200  }
0x14b: {  	[sflag:s18] =	ssyncset.done $0x0  }
0x14c: {  	[sflag:s18] =	ssyncadd.s32 $0xFFFFCE00  }
0x14d: {  	_ =	swait.ge [sflag:s18], $0x3200  }
0x14e: {  	[sflag:s18] =	ssyncset.done $0x0  }
0x14f: {  	s20 =	simm.s32 $0x0;
	[sflag:s18] =	ssyncadd.s32 $0xFFFFCE00  }
0x150: {  	v3 =	vld [tilespmem:s20+$0x1900]  }
0x151: {  	v2 =	vld [tilespmem:s20+$0x1910]  }
0x152: {  	v1 =	vld [tilespmem:s20+$0x1920]  }
0x153: {  	v0 =	vld [tilespmem:s20+$0x1930]  }
0x154: {  	v5 =	vld [tilespmem:s20+$0x11300]  }
0x155: {  	v9 =	vld [tilespmem:s20+$0x11310]  }
0x156: {  	v8 =	vld [tilespmem:s20+$0x11320]  }
0x157: {  	v7 =	vld [tilespmem:s20+$0x11330]  }
0x158: {  	v6 =	vld [tilespmem:s20+$0x14500]  }
0x159: {  	v4 =	vld [tilespmem:s20+$0x14510];
	v10 =	vadd.f32 v5, v3  }
0x15a: {  	s3 =	simm.s32 $0xE100;
	s0 =	simm.s32 $0x100;
	v9 =	vadd.f32 v9, v2;
	v5 =	vld [tilespmem:s20+$0x14520]  }
.LBB2_6:
0x15b: {  	s21 =	sshra.s32 s0, $0x2;
	p0 =	sne.s32 s0, $0xC700;
	[tilespmem:s20+$0x11300] =	vst v10;
	v8 =	vadd.f32 v8, v1;
	v10 =	vld [tilespmem:s20+$0x14530]  }
0x15c: {  	v11 =	vld [tilespmem:s21+$0x1900];
	[tilespmem:s20+$0x11310] =	vst v9;
	v7 =	vadd.f32 v7, v0  }
0x15d: {  	v9 =	vld [tilespmem:s21+$0x1910];
	[tilespmem:s20+$0x11320] =	vst v8;
	v3 =	vadd.f32 v6, v3  }
0x15e: {  	v6 =	vld [tilespmem:s21+$0x1920];
	[tilespmem:s20+$0x11330] =	vst v7;
	v2 =	vadd.f32 v4, v2  }
0x15f: {  	v4 =	vld [tilespmem:s21+$0x1930];
	[tilespmem:s20+$0x14500] =	vst v3;
	v1 =	vadd.f32 v5, v1  }
0x160: {  	v5 =	vld [tilespmem:s21+$0x11300];
	[tilespmem:s20+$0x14510] =	vst v2;
	v0 =	vadd.f32 v10, v0  }
0x161: {  	v12 =	vld [tilespmem:s21+$0x11310];
	[tilespmem:s20+$0x14520] =	vst v1;
	v3 =	vmov v11  }
.Ltmp2:
0x162: {  	v8 =	vld [tilespmem:s21+$0x11320];
	[tilespmem:s20+$0x14530] =	vst v0;
	v2 =	vmov v9;
	s20 =	smov.u32 s21;
	(pc) =	sbr.rel @p0 .LBB2_6-.Ltmp2, $4  }
0x163: {  	v7 =	vld [tilespmem:s20+$0x11330];
	v1 =	vmov v6  }
0x164: {  	v6 =	vld [tilespmem:s20+$0x14500];
	v0 =	vmov v4  }
0x165: {  	v10 =	vadd.f32 v5, v3;
	v4 =	vld [tilespmem:s20+$0x14510]  }
0x166: {  	s0 =	sadd.s32 $0x100, s0;
	v9 =	vadd.f32 v12, v2;
	v5 =	vld [tilespmem:s20+$0x14520]  }
0x167: {  	[tilespmem:s20+$0x11300] =	vst v10;
	v8 =	vadd.f32 v8, v1;
	v10 =	vld [tilespmem:s20+$0x14530]  }
0x168: {  	[tilespmem:s20+$0x11310] =	vst v9;
	v7 =	vadd.f32 v7, v0  }
0x169: {  	[tilespmem:s20+$0x11320] =	vst v8;
	v3 =	vadd.f32 v6, v3  }
0x16a: {  	[tilespmem:s20+$0x11330] =	vst v7;
	v2 =	vadd.f32 v4, v2  }
0x16b: {  	[tilespmem:s20+$0x14500] =	vst v3;
	v1 =	vadd.f32 v5, v1  }
0x16c: {  	s0 =	sld [smem:$0x7EC];
	[tilespmem:s20+$0x14510] =	vst v2;
	v0 =	vadd.f32 v10, v0  }
0x16d: {  	[tilespmem:s20+$0x14520] =	vst v1  }
0x16e: {  	s11 =	simm.s32 $0x11300;
	[tilespmem:s20+$0x14530] =	vst v0  }
0x16f: {  	[hbm4b:s0+s6] =	stream.strided.scatter [tilespmem:s11], [sflag:$0x7], $0x6400, s15, s6, $0x38;
	[tilespmem:$0x1DB00] =	vst v63  }
0x170: {  	_ =	swait.ge [sflag:s29], $0x6400  }
0x171: {  	[sflag:s29] =	ssyncset.done $0x0  }
0x172: {  	s21 =	simm.s32 $0x640;
	[sflag:s29] =	ssyncadd.s32 $0xFFFF9C00  }
0x173: {  	[tilespmem:s13], [sflag:$0x1] =	stream.indirect.gather [hbm4b:s19+s22], $0x40, s21, s22, $0xb8;
	[tilespmem:$0x1DB00] =	vst v63  }
0x174: {  	_ = 	snop  }
0x175: {  	[tilespmem:s28], [sflag:$0x1] =	stream.indirect.gather [hbm4b:s19+s22], $0x40, s4, s22, $0xb8;
	[tilespmem:$0x1DB00] =	vst v63  }
0x176: {  	_ =	swait.ge [sflag:s8], $0x3200  }
0x177: {  	[sflag:s8] =	ssyncset.done $0x0  }
0x178: {  	[sflag:s8] =	ssyncadd.s32 $0xFFFFCE00  }
0x179: {  	_ =	swait.ge [sflag:s8], $0x3200  }
0x17a: {  	[sflag:s8] =	ssyncset.done $0x0  }
0x17b: {  	s20 =	simm.s32 $0x0;
	[sflag:s8] =	ssyncadd.s32 $0xFFFFCE00  }
0x17c: {  	v3 =	vld [tilespmem:s20+$0x1900]  }
0x17d: {  	v2 =	vld [tilespmem:s20+$0x1910]  }
0x17e: {  	v1 =	vld [tilespmem:s20+$0x1920]  }
0x17f: {  	v0 =	vld [tilespmem:s20+$0x1930]  }
0x180: {  	v5 =	vld [tilespmem:s20+$0x17700]  }
0x181: {  	v9 =	vld [tilespmem:s20+$0x17710]  }
0x182: {  	v8 =	vld [tilespmem:s20+$0x17720]  }
0x183: {  	v7 =	vld [tilespmem:s20+$0x17730]  }
0x184: {  	v6 =	vld [tilespmem:s20+$0x1A900]  }
0x185: {  	v4 =	vld [tilespmem:s20+$0x1A910];
	v10 =	vadd.f32 v5, v3  }
0x186: {  	s0 =	simm.s32 $0x100;
	v9 =	vadd.f32 v9, v2;
	v5 =	vld [tilespmem:s20+$0x1A920]  }
.LBB2_8:
0x187: {  	s21 =	sshra.s32 s0, $0x2;
	p0 =	sne.s32 s0, $0xC700;
	[tilespmem:s20+$0x17700] =	vst v10;
	v8 =	vadd.f32 v8, v1;
	v10 =	vld [tilespmem:s20+$0x1A930]  }
0x188: {  	v11 =	vld [tilespmem:s21+$0x1900];
	[tilespmem:s20+$0x17710] =	vst v9;
	v7 =	vadd.f32 v7, v0  }
0x189: {  	v9 =	vld [tilespmem:s21+$0x1910];
	[tilespmem:s20+$0x17720] =	vst v8;
	v3 =	vadd.f32 v6, v3  }
0x18a: {  	v6 =	vld [tilespmem:s21+$0x1920];
	[tilespmem:s20+$0x17730] =	vst v7;
	v2 =	vadd.f32 v4, v2  }
0x18b: {  	v4 =	vld [tilespmem:s21+$0x1930];
	[tilespmem:s20+$0x1A900] =	vst v3;
	v1 =	vadd.f32 v5, v1  }
0x18c: {  	v5 =	vld [tilespmem:s21+$0x17700];
	[tilespmem:s20+$0x1A910] =	vst v2;
	v0 =	vadd.f32 v10, v0  }
0x18d: {  	v12 =	vld [tilespmem:s21+$0x17710];
	[tilespmem:s20+$0x1A920] =	vst v1;
	v3 =	vmov v11  }
.Ltmp3:
0x18e: {  	v8 =	vld [tilespmem:s21+$0x17720];
	[tilespmem:s20+$0x1A930] =	vst v0;
	v2 =	vmov v9;
	s20 =	smov.u32 s21;
	(pc) =	sbr.rel @p0 .LBB2_8-.Ltmp3, $4  }
0x18f: {  	v7 =	vld [tilespmem:s20+$0x17730];
	v1 =	vmov v6  }
0x190: {  	v6 =	vld [tilespmem:s20+$0x1A900];
	v0 =	vmov v4  }
0x191: {  	v10 =	vadd.f32 v5, v3;
	v4 =	vld [tilespmem:s20+$0x1A910]  }
0x192: {  	s0 =	sadd.s32 $0x100, s0;
	v9 =	vadd.f32 v12, v2;
	v5 =	vld [tilespmem:s20+$0x1A920]  }
0x193: {  	[tilespmem:s20+$0x17700] =	vst v10;
	v8 =	vadd.f32 v8, v1;
	v10 =	vld [tilespmem:s20+$0x1A930]  }
0x194: {  	[tilespmem:s20+$0x17710] =	vst v9;
	v7 =	vadd.f32 v7, v0  }
0x195: {  	[tilespmem:s20+$0x17720] =	vst v8;
	v3 =	vadd.f32 v6, v3  }
0x196: {  	[tilespmem:s20+$0x17730] =	vst v7;
	v2 =	vadd.f32 v4, v2  }
0x197: {  	[tilespmem:s20+$0x1A900] =	vst v3;
	v1 =	vadd.f32 v5, v1  }
0x198: {  	s0 =	sld [smem:$0x7ED];
	[tilespmem:s20+$0x1A910] =	vst v2;
	v0 =	vadd.f32 v10, v0  }
0x199: {  	[tilespmem:s20+$0x1A920] =	vst v1  }
0x19a: {  	[tilespmem:s20+$0x1A930] =	vst v0  }
0x19b: {  	[hbm4b:s0+s6] =	stream.strided.scatter [tilespmem:s17], [sflag:$0x8], $0x6400, s15, s6, $0x38;
	[tilespmem:$0x1DB00] =	vst v63  }
0x19c: {  	_ =	swait.ge [sflag:s30], $0x6400  }
0x19d: {  	[sflag:s30] =	ssyncset.done $0x0  }
0x19e: {  	s21 =	simm.s32 $0x7D0;
	[sflag:s30] =	ssyncadd.s32 $0xFFFF9C00  }
0x19f: {  	[tilespmem:s25], [sflag:$0x2] =	stream.indirect.gather [hbm4b:s19+s22], $0x40, s21, s22, $0xb8;
	[tilespmem:$0x1DB00] =	vst v63  }
0x1a0: {  	_ = 	snop  }
0x1a1: {  	[tilespmem:s3], [sflag:$0x2] =	stream.indirect.gather [hbm4b:s19+s22], $0x40, s23, s22, $0xb8;
	[tilespmem:$0x1DB00] =	vst v63  }
0x1a2: {  	_ =	swait.ge [sflag:s12], $0x3200  }
0x1a3: {  	[sflag:s12] =	ssyncset.done $0x0  }
0x1a4: {  	[sflag:s12] =	ssyncadd.s32 $0xFFFFCE00  }
0x1a5: {  	_ =	swait.ge [sflag:s12], $0x3200  }
0x1a6: {  	[sflag:s12] =	ssyncset.done $0x0  }
0x1a7: {  	s20 =	simm.s32 $0x0;
	[sflag:s12] =	ssyncadd.s32 $0xFFFFCE00  }
0x1a8: {  	v3 =	vld [tilespmem:s20+$0x1900]  }
0x1a9: {  	v2 =	vld [tilespmem:s20+$0x1910]  }
0x1aa: {  	v1 =	vld [tilespmem:s20+$0x1920]  }
0x1ab: {  	v0 =	vld [tilespmem:s20+$0x1930]  }
0x1ac: {  	v5 =	vld [tilespmem:s20+$0x4B00]  }
0x1ad: {  	v9 =	vld [tilespmem:s20+$0x4B10]  }
0x1ae: {  	v8 =	vld [tilespmem:s20+$0x4B20]  }
0x1af: {  	v7 =	vld [tilespmem:s20+$0x4B30]  }
0x1b0: {  	v6 =	vld [tilespmem:s20+$0x7D00]  }
0x1b1: {  	v4 =	vld [tilespmem:s20+$0x7D10];
	v10 =	vadd.f32 v5, v3  }
0x1b2: {  	s4 =	simm.s32 $0x14500;
	s0 =	simm.s32 $0x100;
	v9 =	vadd.f32 v9, v2;
	v5 =	vld [tilespmem:s20+$0x7D20]  }
.LBB2_10:
0x1b3: {  	s21 =	sshra.s32 s0, $0x2;
	p0 =	sne.s32 s0, $0xC700;
	[tilespmem:s20+$0x4B00] =	vst v10;
	v8 =	vadd.f32 v8, v1;
	v10 =	vld [tilespmem:s20+$0x7D30]  }
0x1b4: {  	v11 =	vld [tilespmem:s21+$0x1900];
	[tilespmem:s20+$0x4B10] =	vst v9;
	v7 =	vadd.f32 v7, v0  }
0x1b5: {  	v9 =	vld [tilespmem:s21+$0x1910];
	[tilespmem:s20+$0x4B20] =	vst v8;
	v3 =	vadd.f32 v6, v3  }
0x1b6: {  	v6 =	vld [tilespmem:s21+$0x1920];
	[tilespmem:s20+$0x4B30] =	vst v7;
	v2 =	vadd.f32 v4, v2  }
0x1b7: {  	v4 =	vld [tilespmem:s21+$0x1930];
	[tilespmem:s20+$0x7D00] =	vst v3;
	v1 =	vadd.f32 v5, v1  }
0x1b8: {  	v5 =	vld [tilespmem:s21+$0x4B00];
	[tilespmem:s20+$0x7D10] =	vst v2;
	v0 =	vadd.f32 v10, v0  }
0x1b9: {  	v12 =	vld [tilespmem:s21+$0x4B10];
	[tilespmem:s20+$0x7D20] =	vst v1;
	v3 =	vmov v11  }
.Ltmp4:
0x1ba: {  	v8 =	vld [tilespmem:s21+$0x4B20];
	[tilespmem:s20+$0x7D30] =	vst v0;
	v2 =	vmov v9;
	s20 =	smov.u32 s21;
	(pc) =	sbr.rel @p0 .LBB2_10-.Ltmp4, $4  }
0x1bb: {  	v7 =	vld [tilespmem:s20+$0x4B30];
	v1 =	vmov v6  }
0x1bc: {  	v6 =	vld [tilespmem:s20+$0x7D00];
	v0 =	vmov v4  }
0x1bd: {  	v10 =	vadd.f32 v5, v3;
	v4 =	vld [tilespmem:s20+$0x7D10]  }
0x1be: {  	s0 =	sadd.s32 $0x100, s0;
	v9 =	vadd.f32 v12, v2;
	v5 =	vld [tilespmem:s20+$0x7D20]  }
0x1bf: {  	[tilespmem:s20+$0x4B00] =	vst v10;
	v8 =	vadd.f32 v8, v1;
	v10 =	vld [tilespmem:s20+$0x7D30]  }
0x1c0: {  	[tilespmem:s20+$0x4B10] =	vst v9;
	v7 =	vadd.f32 v7, v0  }
0x1c1: {  	[tilespmem:s20+$0x4B20] =	vst v8;
	v3 =	vadd.f32 v6, v3  }
0x1c2: {  	[tilespmem:s20+$0x4B30] =	vst v7;
	v2 =	vadd.f32 v4, v2  }
0x1c3: {  	[tilespmem:s20+$0x7D00] =	vst v3;
	v1 =	vadd.f32 v5, v1  }
0x1c4: {  	s0 =	sld [smem:$0x7EE];
	[tilespmem:s20+$0x7D10] =	vst v2;
	v0 =	vadd.f32 v10, v0  }
0x1c5: {  	[tilespmem:s20+$0x7D20] =	vst v1  }
0x1c6: {  	[tilespmem:s20+$0x7D30] =	vst v0  }
0x1c7: {  	[hbm4b:s0+s6] =	stream.strided.scatter [tilespmem:s13], [sflag:$0x5], $0x6400, s15, s6, $0x38;
	[tilespmem:$0x1DB00] =	vst v63  }
0x1c8: {  	_ =	swait.ge [sflag:s9], $0x6400  }
0x1c9: {  	[sflag:s9] =	ssyncset.done $0x0  }
0x1ca: {  	s23 =	simm.s32 $0x960;
	[sflag:s9] =	ssyncadd.s32 $0xFFFF9C00  }
0x1cb: {  	[tilespmem:s11], [sflag:$0x3] =	stream.indirect.gather [hbm4b:s19+s22], $0x40, s23, s22, $0xb8;
	[tilespmem:$0x1DB00] =	vst v63  }
0x1cc: {  	_ = 	snop  }
0x1cd: {  	[tilespmem:s4], [sflag:$0x3] =	stream.indirect.gather [hbm4b:s19+s22], $0x40, s10, s22, $0xb8;
	[tilespmem:$0x1DB00] =	vst v63  }
0x1ce: {  	_ =	swait.ge [sflag:s7], $0x3200  }
0x1cf: {  	[sflag:s7] =	ssyncset.done $0x0  }
0x1d0: {  	[sflag:s7] =	ssyncadd.s32 $0xFFFFCE00  }
0x1d1: {  	_ =	swait.ge [sflag:s7], $0x3200  }
0x1d2: {  	[sflag:s7] =	ssyncset.done $0x0  }
0x1d3: {  	s20 =	simm.s32 $0x0;
	[sflag:s7] =	ssyncadd.s32 $0xFFFFCE00  }
0x1d4: {  	v3 =	vld [tilespmem:s20+$0x1900]  }
0x1d5: {  	v2 =	vld [tilespmem:s20+$0x1910]  }
0x1d6: {  	v1 =	vld [tilespmem:s20+$0x1920]  }
0x1d7: {  	v0 =	vld [tilespmem:s20+$0x1930]  }
0x1d8: {  	v5 =	vld [tilespmem:s20+$0xAF00]  }
0x1d9: {  	v9 =	vld [tilespmem:s20+$0xAF10]  }
0x1da: {  	v8 =	vld [tilespmem:s20+$0xAF20]  }
0x1db: {  	v7 =	vld [tilespmem:s20+$0xAF30]  }
0x1dc: {  	v6 =	vld [tilespmem:s20+$0xE100]  }
0x1dd: {  	v4 =	vld [tilespmem:s20+$0xE110];
	v10 =	vadd.f32 v5, v3  }
0x1de: {  	s0 =	simm.s32 $0x100;
	v9 =	vadd.f32 v9, v2;
	v5 =	vld [tilespmem:s20+$0xE120]  }
.LBB2_12:
0x1df: {  	s21 =	sshra.s32 s0, $0x2;
	p0 =	sne.s32 s0, $0xC700;
	[tilespmem:s20+$0xAF00] =	vst v10;
	v8 =	vadd.f32 v8, v1;
	v10 =	vld [tilespmem:s20+$0xE130]  }
0x1e0: {  	v11 =	vld [tilespmem:s21+$0x1900];
	[tilespmem:s20+$0xAF10] =	vst v9;
	v7 =	vadd.f32 v7, v0  }
0x1e1: {  	v9 =	vld [tilespmem:s21+$0x1910];
	[tilespmem:s20+$0xAF20] =	vst v8;
	v3 =	vadd.f32 v6, v3  }
0x1e2: {  	v6 =	vld [tilespmem:s21+$0x1920];
	[tilespmem:s20+$0xAF30] =	vst v7;
	v2 =	vadd.f32 v4, v2  }
0x1e3: {  	v4 =	vld [tilespmem:s21+$0x1930];
	[tilespmem:s20+$0xE100] =	vst v3;
	v1 =	vadd.f32 v5, v1  }
0x1e4: {  	v5 =	vld [tilespmem:s21+$0xAF00];
	[tilespmem:s20+$0xE110] =	vst v2;
	v0 =	vadd.f32 v10, v0  }
0x1e5: {  	v12 =	vld [tilespmem:s21+$0xAF10];
	[tilespmem:s20+$0xE120] =	vst v1;
	v3 =	vmov v11  }
.Ltmp5:
0x1e6: {  	v8 =	vld [tilespmem:s21+$0xAF20];
	[tilespmem:s20+$0xE130] =	vst v0;
	v2 =	vmov v9;
	s20 =	smov.u32 s21;
	(pc) =	sbr.rel @p0 .LBB2_12-.Ltmp5, $4  }
0x1e7: {  	v7 =	vld [tilespmem:s20+$0xAF30];
	v1 =	vmov v6  }
0x1e8: {  	v6 =	vld [tilespmem:s20+$0xE100];
	v0 =	vmov v4  }
0x1e9: {  	v10 =	vadd.f32 v5, v3;
	v4 =	vld [tilespmem:s20+$0xE110]  }
0x1ea: {  	s0 =	sadd.s32 $0x100, s0;
	v9 =	vadd.f32 v12, v2;
	v5 =	vld [tilespmem:s20+$0xE120]  }
0x1eb: {  	[tilespmem:s20+$0xAF00] =	vst v10;
	v8 =	vadd.f32 v8, v1;
	v10 =	vld [tilespmem:s20+$0xE130]  }
0x1ec: {  	[tilespmem:s20+$0xAF10] =	vst v9;
	v7 =	vadd.f32 v7, v0  }
0x1ed: {  	[tilespmem:s20+$0xAF20] =	vst v8;
	v3 =	vadd.f32 v6, v3  }
0x1ee: {  	[tilespmem:s20+$0xAF30] =	vst v7;
	v2 =	vadd.f32 v4, v2  }
0x1ef: {  	[tilespmem:s20+$0xE100] =	vst v3;
	v1 =	vadd.f32 v5, v1  }
0x1f0: {  	s0 =	sld [smem:$0x7EF];
	[tilespmem:s20+$0xE110] =	vst v2;
	v0 =	vadd.f32 v10, v0  }
0x1f1: {  	[tilespmem:s20+$0xE120] =	vst v1  }
0x1f2: {  	[tilespmem:s20+$0xE130] =	vst v0  }
0x1f3: {  	[hbm4b:s0+s6] =	stream.strided.scatter [tilespmem:s25], [sflag:$0x6], $0x6400, s15, s6, $0x38;
	[tilespmem:$0x1DB00] =	vst v63  }
0x1f4: {  	_ =	swait.ge [sflag:s1], $0x6400  }
0x1f5: {  	[sflag:s1] =	ssyncset.done $0x0  }
0x1f6: {  	s23 =	simm.s32 $0xAF0;
	[sflag:s1] =	ssyncadd.s32 $0xFFFF9C00  }
0x1f7: {  	[tilespmem:s17], [sflag:$0x4] =	stream.indirect.gather [hbm4b:s19+s22], $0x40, s23, s22, $0xb8;
	[tilespmem:$0x1DB00] =	vst v63  }
0x1f8: {  	_ = 	snop  }
0x1f9: {  	[tilespmem:s26], [sflag:$0x4] =	stream.indirect.gather [hbm4b:s19+s22], $0x40, s5, s22, $0xb8;
	[tilespmem:$0x1DB00] =	vst v63  }
0x1fa: {  	_ =	swait.ge [sflag:s18], $0x3200  }
0x1fb: {  	[sflag:s18] =	ssyncset.done $0x0  }
0x1fc: {  	[sflag:s18] =	ssyncadd.s32 $0xFFFFCE00  }
0x1fd: {  	_ =	swait.ge [sflag:s18], $0x3200  }
0x1fe: {  	[sflag:s18] =	ssyncset.done $0x0  }
0x1ff: {  	s20 =	simm.s32 $0x0;
	[sflag:s18] =	ssyncadd.s32 $0xFFFFCE00  }
0x200: {  	v3 =	vld [tilespmem:s20+$0x1900]  }
0x201: {  	v2 =	vld [tilespmem:s20+$0x1910]  }
0x202: {  	v1 =	vld [tilespmem:s20+$0x1920]  }
0x203: {  	v0 =	vld [tilespmem:s20+$0x1930]  }
0x204: {  	v5 =	vld [tilespmem:s20+$0x11300]  }
0x205: {  	v9 =	vld [tilespmem:s20+$0x11310]  }
0x206: {  	v8 =	vld [tilespmem:s20+$0x11320]  }
0x207: {  	v7 =	vld [tilespmem:s20+$0x11330]  }
0x208: {  	v6 =	vld [tilespmem:s20+$0x14500]  }
0x209: {  	v4 =	vld [tilespmem:s20+$0x14510];
	v10 =	vadd.f32 v5, v3  }
0x20a: {  	s0 =	simm.s32 $0x100;
	v9 =	vadd.f32 v9, v2;
	v5 =	vld [tilespmem:s20+$0x14520]  }
.LBB2_14:
0x20b: {  	s21 =	sshra.s32 s0, $0x2;
	p0 =	sne.s32 s0, $0xC700;
	[tilespmem:s20+$0x11300] =	vst v10;
	v8 =	vadd.f32 v8, v1;
	v10 =	vld [tilespmem:s20+$0x14530]  }
0x20c: {  	v11 =	vld [tilespmem:s21+$0x1900];
	[tilespmem:s20+$0x11310] =	vst v9;
	v7 =	vadd.f32 v7, v0  }
0x20d: {  	v9 =	vld [tilespmem:s21+$0x1910];
	[tilespmem:s20+$0x11320] =	vst v8;
	v3 =	vadd.f32 v6, v3  }
0x20e: {  	v6 =	vld [tilespmem:s21+$0x1920];
	[tilespmem:s20+$0x11330] =	vst v7;
	v2 =	vadd.f32 v4, v2  }
0x20f: {  	v4 =	vld [tilespmem:s21+$0x1930];
	[tilespmem:s20+$0x14500] =	vst v3;
	v1 =	vadd.f32 v5, v1  }
0x210: {  	v5 =	vld [tilespmem:s21+$0x11300];
	[tilespmem:s20+$0x14510] =	vst v2;
	v0 =	vadd.f32 v10, v0  }
0x211: {  	v12 =	vld [tilespmem:s21+$0x11310];
	[tilespmem:s20+$0x14520] =	vst v1;
	v3 =	vmov v11  }
.Ltmp6:
0x212: {  	v8 =	vld [tilespmem:s21+$0x11320];
	[tilespmem:s20+$0x14530] =	vst v0;
	v2 =	vmov v9;
	s20 =	smov.u32 s21;
	(pc) =	sbr.rel @p0 .LBB2_14-.Ltmp6, $4  }
0x213: {  	v7 =	vld [tilespmem:s20+$0x11330];
	v1 =	vmov v6  }
0x214: {  	v6 =	vld [tilespmem:s20+$0x14500];
	v0 =	vmov v4  }
0x215: {  	v10 =	vadd.f32 v5, v3;
	v4 =	vld [tilespmem:s20+$0x14510]  }
0x216: {  	s0 =	sadd.s32 $0x100, s0;
	v9 =	vadd.f32 v12, v2;
	v5 =	vld [tilespmem:s20+$0x14520]  }
0x217: {  	[tilespmem:s20+$0x11300] =	vst v10;
	v8 =	vadd.f32 v8, v1;
	v10 =	vld [tilespmem:s20+$0x14530]  }
0x218: {  	[tilespmem:s20+$0x11310] =	vst v9;
	v7 =	vadd.f32 v7, v0  }
0x219: {  	[tilespmem:s20+$0x11320] =	vst v8;
	v3 =	vadd.f32 v6, v3  }
0x21a: {  	[tilespmem:s20+$0x11330] =	vst v7;
	v2 =	vadd.f32 v4, v2  }
0x21b: {  	[tilespmem:s20+$0x14500] =	vst v3;
	v1 =	vadd.f32 v5, v1  }
0x21c: {  	s0 =	sld [smem:$0x7F0];
	[tilespmem:s20+$0x14510] =	vst v2;
	v0 =	vadd.f32 v10, v0  }
0x21d: {  	[tilespmem:s20+$0x14520] =	vst v1  }
0x21e: {  	[tilespmem:s20+$0x14530] =	vst v0  }
0x21f: {  	[hbm4b:s0+s6] =	stream.strided.scatter [tilespmem:s11], [sflag:$0x7], $0x6400, s15, s6, $0x38;
	[tilespmem:$0x1DB00] =	vst v63  }
0x220: {  	_ =	swait.ge [sflag:s29], $0x6400  }
0x221: {  	[sflag:s29] =	ssyncset.done $0x0  }
0x222: {  	s23 =	simm.s32 $0xC80;
	[sflag:s29] =	ssyncadd.s32 $0xFFFF9C00  }
0x223: {  	[tilespmem:s13], [sflag:$0x1] =	stream.indirect.gather [hbm4b:s19+s22], $0x40, s23, s22, $0xb8;
	[tilespmem:$0x1DB00] =	vst v63  }
0x224: {  	_ = 	snop  }
0x225: {  	[tilespmem:s28], [sflag:$0x1] =	stream.indirect.gather [hbm4b:s19+s22], $0x40, s24, s22, $0xb8;
	[tilespmem:$0x1DB00] =	vst v63  }
0x226: {  	_ =	swait.ge [sflag:s8], $0x3200  }
0x227: {  	[sflag:s8] =	ssyncset.done $0x0  }
0x228: {  	[sflag:s8] =	ssyncadd.s32 $0xFFFFCE00  }
0x229: {  	_ =	swait.ge [sflag:s8], $0x3200  }
0x22a: {  	[sflag:s8] =	ssyncset.done $0x0  }
0x22b: {  	s20 =	simm.s32 $0x0;
	[sflag:s8] =	ssyncadd.s32 $0xFFFFCE00  }
0x22c: {  	v3 =	vld [tilespmem:s20+$0x1900]  }
0x22d: {  	v2 =	vld [tilespmem:s20+$0x1910]  }
0x22e: {  	v1 =	vld [tilespmem:s20+$0x1920]  }
0x22f: {  	v0 =	vld [tilespmem:s20+$0x1930]  }
0x230: {  	v5 =	vld [tilespmem:s20+$0x17700]  }
0x231: {  	v9 =	vld [tilespmem:s20+$0x17710]  }
0x232: {  	v8 =	vld [tilespmem:s20+$0x17720]  }
0x233: {  	v7 =	vld [tilespmem:s20+$0x17730]  }
0x234: {  	v6 =	vld [tilespmem:s20+$0x1A900]  }
0x235: {  	v4 =	vld [tilespmem:s20+$0x1A910];
	v10 =	vadd.f32 v5, v3  }
0x236: {  	s0 =	simm.s32 $0x100;
	v9 =	vadd.f32 v9, v2;
	v5 =	vld [tilespmem:s20+$0x1A920]  }
.LBB2_16:
0x237: {  	s21 =	sshra.s32 s0, $0x2;
	p0 =	sne.s32 s0, $0xC700;
	[tilespmem:s20+$0x17700] =	vst v10;
	v8 =	vadd.f32 v8, v1;
	v10 =	vld [tilespmem:s20+$0x1A930]  }
0x238: {  	v11 =	vld [tilespmem:s21+$0x1900];
	[tilespmem:s20+$0x17710] =	vst v9;
	v7 =	vadd.f32 v7, v0  }
0x239: {  	v9 =	vld [tilespmem:s21+$0x1910];
	[tilespmem:s20+$0x17720] =	vst v8;
	v3 =	vadd.f32 v6, v3  }
0x23a: {  	v6 =	vld [tilespmem:s21+$0x1920];
	[tilespmem:s20+$0x17730] =	vst v7;
	v2 =	vadd.f32 v4, v2  }
0x23b: {  	v4 =	vld [tilespmem:s21+$0x1930];
	[tilespmem:s20+$0x1A900] =	vst v3;
	v1 =	vadd.f32 v5, v1  }
0x23c: {  	v5 =	vld [tilespmem:s21+$0x17700];
	[tilespmem:s20+$0x1A910] =	vst v2;
	v0 =	vadd.f32 v10, v0  }
0x23d: {  	v12 =	vld [tilespmem:s21+$0x17710];
	[tilespmem:s20+$0x1A920] =	vst v1;
	v3 =	vmov v11  }
.Ltmp7:
0x23e: {  	v8 =	vld [tilespmem:s21+$0x17720];
	[tilespmem:s20+$0x1A930] =	vst v0;
	v2 =	vmov v9;
	s20 =	smov.u32 s21;
	(pc) =	sbr.rel @p0 .LBB2_16-.Ltmp7, $4  }
0x23f: {  	v7 =	vld [tilespmem:s20+$0x17730];
	v1 =	vmov v6  }
0x240: {  	v6 =	vld [tilespmem:s20+$0x1A900];
	v0 =	vmov v4  }
0x241: {  	v10 =	vadd.f32 v5, v3;
	v4 =	vld [tilespmem:s20+$0x1A910]  }
0x242: {  	s0 =	sadd.s32 $0x100, s0;
	v9 =	vadd.f32 v12, v2;
	v5 =	vld [tilespmem:s20+$0x1A920]  }
0x243: {  	[tilespmem:s20+$0x17700] =	vst v10;
	v8 =	vadd.f32 v8, v1;
	v10 =	vld [tilespmem:s20+$0x1A930]  }
0x244: {  	[tilespmem:s20+$0x17710] =	vst v9;
	v7 =	vadd.f32 v7, v0  }
0x245: {  	[tilespmem:s20+$0x17720] =	vst v8;
	v3 =	vadd.f32 v6, v3  }
0x246: {  	[tilespmem:s20+$0x17730] =	vst v7;
	v2 =	vadd.f32 v4, v2  }
0x247: {  	[tilespmem:s20+$0x1A900] =	vst v3;
	v1 =	vadd.f32 v5, v1  }
0x248: {  	s0 =	sld [smem:$0x7F1];
	[tilespmem:s20+$0x1A910] =	vst v2;
	v0 =	vadd.f32 v10, v0  }
0x249: {  	[tilespmem:s20+$0x1A920] =	vst v1  }
0x24a: {  	[tilespmem:s20+$0x1A930] =	vst v0  }
0x24b: {  	[hbm4b:s0+s6] =	stream.strided.scatter [tilespmem:s17], [sflag:$0x8], $0x6400, s15, s6, $0x38;
	[tilespmem:$0x1DB00] =	vst v63  }
0x24c: {  	_ =	swait.ge [sflag:s30], $0x6400  }
0x24d: {  	[sflag:s30] =	ssyncset.done $0x0  }
0x24e: {  	s24 =	simm.s32 $0xE10;
	[sflag:s30] =	ssyncadd.s32 $0xFFFF9C00  }
0x24f: {  	[tilespmem:s25], [sflag:$0x2] =	stream.indirect.gather [hbm4b:s19+s22], $0x40, s24, s22, $0xb8;
	[tilespmem:$0x1DB00] =	vst v63  }
0x250: {  	_ = 	snop  }
0x251: {  	[tilespmem:s3], [sflag:$0x2] =	stream.indirect.gather [hbm4b:s19+s22], $0x40, s14, s22, $0xb8;
	[tilespmem:$0x1DB00] =	vst v63  }
0x252: {  	_ =	swait.ge [sflag:s12], $0x3200  }
0x253: {  	[sflag:s12] =	ssyncset.done $0x0  }
0x254: {  	[sflag:s12] =	ssyncadd.s32 $0xFFFFCE00  }
0x255: {  	_ =	swait.ge [sflag:s12], $0x3200  }
0x256: {  	[sflag:s12] =	ssyncset.done $0x0  }
0x257: {  	s20 =	simm.s32 $0x0;
	[sflag:s12] =	ssyncadd.s32 $0xFFFFCE00  }
0x258: {  	v3 =	vld [tilespmem:s20+$0x1900]  }
0x259: {  	v2 =	vld [tilespmem:s20+$0x1910]  }
0x25a: {  	v1 =	vld [tilespmem:s20+$0x1920]  }
0x25b: {  	v0 =	vld [tilespmem:s20+$0x1930]  }
0x25c: {  	v5 =	vld [tilespmem:s20+$0x4B00]  }
0x25d: {  	v9 =	vld [tilespmem:s20+$0x4B10]  }
0x25e: {  	v8 =	vld [tilespmem:s20+$0x4B20]  }
0x25f: {  	v7 =	vld [tilespmem:s20+$0x4B30]  }
0x260: {  	v6 =	vld [tilespmem:s20+$0x7D00]  }
0x261: {  	v4 =	vld [tilespmem:s20+$0x7D10];
	v10 =	vadd.f32 v5, v3  }
0x262: {  	s0 =	simm.s32 $0x100;
	v9 =	vadd.f32 v9, v2;
	v5 =	vld [tilespmem:s20+$0x7D20]  }
.LBB2_18:
0x263: {  	s21 =	sshra.s32 s0, $0x2;
	p0 =	sne.s32 s0, $0xC700;
	[tilespmem:s20+$0x4B00] =	vst v10;
	v8 =	vadd.f32 v8, v1;
	v10 =	vld [tilespmem:s20+$0x7D30]  }
0x264: {  	v11 =	vld [tilespmem:s21+$0x1900];
	[tilespmem:s20+$0x4B10] =	vst v9;
	v7 =	vadd.f32 v7, v0  }
0x265: {  	v9 =	vld [tilespmem:s21+$0x1910];
	[tilespmem:s20+$0x4B20] =	vst v8;
	v3 =	vadd.f32 v6, v3  }
0x266: {  	v6 =	vld [tilespmem:s21+$0x1920];
	[tilespmem:s20+$0x4B30] =	vst v7;
	v2 =	vadd.f32 v4, v2  }
0x267: {  	v4 =	vld [tilespmem:s21+$0x1930];
	[tilespmem:s20+$0x7D00] =	vst v3;
	v1 =	vadd.f32 v5, v1  }
0x268: {  	v5 =	vld [tilespmem:s21+$0x4B00];
	[tilespmem:s20+$0x7D10] =	vst v2;
	v0 =	vadd.f32 v10, v0  }
0x269: {  	v12 =	vld [tilespmem:s21+$0x4B10];
	[tilespmem:s20+$0x7D20] =	vst v1;
	v3 =	vmov v11  }
.Ltmp8:
0x26a: {  	v8 =	vld [tilespmem:s21+$0x4B20];
	[tilespmem:s20+$0x7D30] =	vst v0;
	v2 =	vmov v9;
	s20 =	smov.u32 s21;
	(pc) =	sbr.rel @p0 .LBB2_18-.Ltmp8, $4  }
0x26b: {  	v7 =	vld [tilespmem:s20+$0x4B30];
	v1 =	vmov v6  }
0x26c: {  	v6 =	vld [tilespmem:s20+$0x7D00];
	v0 =	vmov v4  }
0x26d: {  	v10 =	vadd.f32 v5, v3;
	v4 =	vld [tilespmem:s20+$0x7D10]  }
0x26e: {  	s0 =	sadd.s32 $0x100, s0;
	v9 =	vadd.f32 v12, v2;
	v5 =	vld [tilespmem:s20+$0x7D20]  }
0x26f: {  	[tilespmem:s20+$0x4B00] =	vst v10;
	v8 =	vadd.f32 v8, v1;
	v10 =	vld [tilespmem:s20+$0x7D30]  }
0x270: {  	[tilespmem:s20+$0x4B10] =	vst v9;
	v7 =	vadd.f32 v7, v0  }
0x271: {  	[tilespmem:s20+$0x4B20] =	vst v8;
	v3 =	vadd.f32 v6, v3  }
0x272: {  	[tilespmem:s20+$0x4B30] =	vst v7;
	v2 =	vadd.f32 v4, v2  }
0x273: {  	[tilespmem:s20+$0x7D00] =	vst v3;
	v1 =	vadd.f32 v5, v1  }
0x274: {  	s0 =	sld [smem:$0x7F2];
	[tilespmem:s20+$0x7D10] =	vst v2;
	v0 =	vadd.f32 v10, v0  }
0x275: {  	[tilespmem:s20+$0x7D20] =	vst v1  }
0x276: {  	[tilespmem:s20+$0x7D30] =	vst v0  }
0x277: {  	[hbm4b:s0+s6] =	stream.strided.scatter [tilespmem:s13], [sflag:$0x5], $0x6400, s15, s6, $0x38;
	[tilespmem:$0x1DB00] =	vst v63  }
0x278: {  	_ =	swait.ge [sflag:s9], $0x6400  }
0x279: {  	[sflag:s9] =	ssyncset.done $0x0  }
0x27a: {  	s24 =	simm.s32 $0xFA0;
	[sflag:s9] =	ssyncadd.s32 $0xFFFF9C00  }
0x27b: {  	[tilespmem:s11], [sflag:$0x3] =	stream.indirect.gather [hbm4b:s19+s22], $0x40, s24, s22, $0xb8;
	[tilespmem:$0x1DB00] =	vst v63  }
0x27c: {  	_ = 	snop  }
0x27d: {  	[tilespmem:s4], [sflag:$0x3] =	stream.indirect.gather [hbm4b:s19+s22], $0x40, s16, s22, $0xb8;
	[tilespmem:$0x1DB00] =	vst v63  }
0x27e: {  	_ =	swait.ge [sflag:s7], $0x3200  }
0x27f: {  	[sflag:s7] =	ssyncset.done $0x0  }
0x280: {  	[sflag:s7] =	ssyncadd.s32 $0xFFFFCE00  }
0x281: {  	_ =	swait.ge [sflag:s7], $0x3200  }
0x282: {  	[sflag:s7] =	ssyncset.done $0x0  }
0x283: {  	s20 =	simm.s32 $0x0;
	[sflag:s7] =	ssyncadd.s32 $0xFFFFCE00  }
0x284: {  	v3 =	vld [tilespmem:s20+$0x1900]  }
0x285: {  	v2 =	vld [tilespmem:s20+$0x1910]  }
0x286: {  	v1 =	vld [tilespmem:s20+$0x1920]  }
0x287: {  	v0 =	vld [tilespmem:s20+$0x1930]  }
0x288: {  	v5 =	vld [tilespmem:s20+$0xAF00]  }
0x289: {  	v9 =	vld [tilespmem:s20+$0xAF10]  }
0x28a: {  	v8 =	vld [tilespmem:s20+$0xAF20]  }
0x28b: {  	v7 =	vld [tilespmem:s20+$0xAF30]  }
0x28c: {  	v6 =	vld [tilespmem:s20+$0xE100]  }
0x28d: {  	v4 =	vld [tilespmem:s20+$0xE110];
	v10 =	vadd.f32 v5, v3  }
0x28e: {  	s0 =	simm.s32 $0x100;
	v9 =	vadd.f32 v9, v2;
	v5 =	vld [tilespmem:s20+$0xE120]  }
.LBB2_20:
0x28f: {  	s21 =	sshra.s32 s0, $0x2;
	p0 =	sne.s32 s0, $0xC700;
	[tilespmem:s20+$0xAF00] =	vst v10;
	v8 =	vadd.f32 v8, v1;
	v10 =	vld [tilespmem:s20+$0xE130]  }
0x290: {  	v11 =	vld [tilespmem:s21+$0x1900];
	[tilespmem:s20+$0xAF10] =	vst v9;
	v7 =	vadd.f32 v7, v0  }
0x291: {  	v9 =	vld [tilespmem:s21+$0x1910];
	[tilespmem:s20+$0xAF20] =	vst v8;
	v3 =	vadd.f32 v6, v3  }
0x292: {  	v6 =	vld [tilespmem:s21+$0x1920];
	[tilespmem:s20+$0xAF30] =	vst v7;
	v2 =	vadd.f32 v4, v2  }
0x293: {  	v4 =	vld [tilespmem:s21+$0x1930];
	[tilespmem:s20+$0xE100] =	vst v3;
	v1 =	vadd.f32 v5, v1  }
0x294: {  	v5 =	vld [tilespmem:s21+$0xAF00];
	[tilespmem:s20+$0xE110] =	vst v2;
	v0 =	vadd.f32 v10, v0  }
0x295: {  	v12 =	vld [tilespmem:s21+$0xAF10];
	[tilespmem:s20+$0xE120] =	vst v1;
	v3 =	vmov v11  }
.Ltmp9:
0x296: {  	v8 =	vld [tilespmem:s21+$0xAF20];
	[tilespmem:s20+$0xE130] =	vst v0;
	v2 =	vmov v9;
	s20 =	smov.u32 s21;
	(pc) =	sbr.rel @p0 .LBB2_20-.Ltmp9, $4  }
0x297: {  	v7 =	vld [tilespmem:s20+$0xAF30];
	v1 =	vmov v6  }
0x298: {  	v6 =	vld [tilespmem:s20+$0xE100];
	v0 =	vmov v4  }
0x299: {  	v10 =	vadd.f32 v5, v3;
	v4 =	vld [tilespmem:s20+$0xE110]  }
0x29a: {  	s0 =	sadd.s32 $0x100, s0;
	v9 =	vadd.f32 v12, v2;
	v5 =	vld [tilespmem:s20+$0xE120]  }
0x29b: {  	[tilespmem:s20+$0xAF00] =	vst v10;
	v8 =	vadd.f32 v8, v1;
	v10 =	vld [tilespmem:s20+$0xE130]  }
0x29c: {  	[tilespmem:s20+$0xAF10] =	vst v9;
	v7 =	vadd.f32 v7, v0  }
0x29d: {  	[tilespmem:s20+$0xAF20] =	vst v8;
	v3 =	vadd.f32 v6, v3  }
0x29e: {  	[tilespmem:s20+$0xAF30] =	vst v7;
	v2 =	vadd.f32 v4, v2  }
0x29f: {  	[tilespmem:s20+$0xE100] =	vst v3;
	v1 =	vadd.f32 v5, v1  }
0x2a0: {  	s0 =	sld [smem:$0x7F3];
	[tilespmem:s20+$0xE110] =	vst v2;
	v0 =	vadd.f32 v10, v0  }
0x2a1: {  	[tilespmem:s20+$0xE120] =	vst v1  }
0x2a2: {  	[tilespmem:s20+$0xE130] =	vst v0  }
0x2a3: {  	[hbm4b:s0+s6] =	stream.strided.scatter [tilespmem:s25], [sflag:$0x6], $0x6400, s15, s6, $0x38;
	[tilespmem:$0x1DB00] =	vst v63  }
0x2a4: {  	_ =	swait.ge [sflag:s1], $0x6400  }
0x2a5: {  	[sflag:s1] =	ssyncset.done $0x0  }
0x2a6: {  	s23 =	simm.s32 $0x1130;
	[sflag:s1] =	ssyncadd.s32 $0xFFFF9C00  }
0x2a7: {  	[tilespmem:s17], [sflag:$0x4] =	stream.indirect.gather [hbm4b:s19+s22], $0x40, s23, s22, $0xb8;
	[tilespmem:$0x1DB00] =	vst v63  }
0x2a8: {  	s24 =	simm.s32 $0x11F8  }
0x2a9: {  	[tilespmem:s26], [sflag:$0x4] =	stream.indirect.gather [hbm4b:s19+s22], $0x40, s24, s22, $0xb8;
	[tilespmem:$0x1DB00] =	vst v63  }
0x2aa: {  	_ =	swait.ge [sflag:s18], $0x3200  }
0x2ab: {  	[sflag:s18] =	ssyncset.done $0x0  }
0x2ac: {  	[sflag:s18] =	ssyncadd.s32 $0xFFFFCE00  }
0x2ad: {  	_ =	swait.ge [sflag:s18], $0x3200  }
0x2ae: {  	[sflag:s18] =	ssyncset.done $0x0  }
0x2af: {  	s20 =	simm.s32 $0x0;
	[sflag:s18] =	ssyncadd.s32 $0xFFFFCE00  }
0x2b0: {  	v3 =	vld [tilespmem:s20+$0x1900]  }
0x2b1: {  	v2 =	vld [tilespmem:s20+$0x1910]  }
0x2b2: {  	v1 =	vld [tilespmem:s20+$0x1920]  }
0x2b3: {  	v0 =	vld [tilespmem:s20+$0x1930]  }
0x2b4: {  	v5 =	vld [tilespmem:s20+$0x11300]  }
0x2b5: {  	v9 =	vld [tilespmem:s20+$0x11310]  }
0x2b6: {  	v8 =	vld [tilespmem:s20+$0x11320]  }
0x2b7: {  	v7 =	vld [tilespmem:s20+$0x11330]  }
0x2b8: {  	v6 =	vld [tilespmem:s20+$0x14500]  }
0x2b9: {  	v4 =	vld [tilespmem:s20+$0x14510];
	v10 =	vadd.f32 v5, v3  }
0x2ba: {  	s0 =	simm.s32 $0x100;
	v9 =	vadd.f32 v9, v2;
	v5 =	vld [tilespmem:s20+$0x14520]  }
.LBB2_22:
0x2bb: {  	s21 =	sshra.s32 s0, $0x2;
	p0 =	sne.s32 s0, $0xC700;
	[tilespmem:s20+$0x11300] =	vst v10;
	v8 =	vadd.f32 v8, v1;
	v10 =	vld [tilespmem:s20+$0x14530]  }
0x2bc: {  	v11 =	vld [tilespmem:s21+$0x1900];
	[tilespmem:s20+$0x11310] =	vst v9;
	v7 =	vadd.f32 v7, v0  }
0x2bd: {  	v9 =	vld [tilespmem:s21+$0x1910];
	[tilespmem:s20+$0x11320] =	vst v8;
	v3 =	vadd.f32 v6, v3  }
0x2be: {  	v6 =	vld [tilespmem:s21+$0x1920];
	[tilespmem:s20+$0x11330] =	vst v7;
	v2 =	vadd.f32 v4, v2  }
0x2bf: {  	v4 =	vld [tilespmem:s21+$0x1930];
	[tilespmem:s20+$0x14500] =	vst v3;
	v1 =	vadd.f32 v5, v1  }
0x2c0: {  	v5 =	vld [tilespmem:s21+$0x11300];
	[tilespmem:s20+$0x14510] =	vst v2;
	v0 =	vadd.f32 v10, v0  }
0x2c1: {  	v12 =	vld [tilespmem:s21+$0x11310];
	[tilespmem:s20+$0x14520] =	vst v1;
	v3 =	vmov v11  }
.Ltmp10:
0x2c2: {  	v8 =	vld [tilespmem:s21+$0x11320];
	[tilespmem:s20+$0x14530] =	vst v0;
	v2 =	vmov v9;
	s20 =	smov.u32 s21;
	(pc) =	sbr.rel @p0 .LBB2_22-.Ltmp10, $4  }
0x2c3: {  	v7 =	vld [tilespmem:s20+$0x11330];
	v1 =	vmov v6  }
0x2c4: {  	v6 =	vld [tilespmem:s20+$0x14500];
	v0 =	vmov v4  }
0x2c5: {  	v10 =	vadd.f32 v5, v3;
	v4 =	vld [tilespmem:s20+$0x14510]  }
0x2c6: {  	s0 =	sadd.s32 $0x100, s0;
	v9 =	vadd.f32 v12, v2;
	v5 =	vld [tilespmem:s20+$0x14520]  }
0x2c7: {  	[tilespmem:s20+$0x11300] =	vst v10;
	v8 =	vadd.f32 v8, v1;
	v10 =	vld [tilespmem:s20+$0x14530]  }
0x2c8: {  	[tilespmem:s20+$0x11310] =	vst v9;
	v7 =	vadd.f32 v7, v0  }
0x2c9: {  	[tilespmem:s20+$0x11320] =	vst v8;
	v3 =	vadd.f32 v6, v3  }
0x2ca: {  	[tilespmem:s20+$0x11330] =	vst v7;
	v2 =	vadd.f32 v4, v2  }
0x2cb: {  	[tilespmem:s20+$0x14500] =	vst v3;
	v1 =	vadd.f32 v5, v1  }
0x2cc: {  	s0 =	sld [smem:$0x7F4];
	[tilespmem:s20+$0x14510] =	vst v2;
	v0 =	vadd.f32 v10, v0  }
0x2cd: {  	[tilespmem:s20+$0x14520] =	vst v1  }
0x2ce: {  	[tilespmem:s20+$0x14530] =	vst v0  }
0x2cf: {  	[hbm4b:s0+s6] =	stream.strided.scatter [tilespmem:s11], [sflag:$0x7], $0x6400, s15, s6, $0x38;
	[tilespmem:$0x1DB00] =	vst v63  }
0x2d0: {  	_ =	swait.ge [sflag:s29], $0x6400  }
0x2d1: {  	[sflag:s29] =	ssyncset.done $0x0  }
0x2d2: {  	s23 =	simm.s32 $0x12C0;
	[sflag:s29] =	ssyncadd.s32 $0xFFFF9C00  }
0x2d3: {  	[tilespmem:s13], [sflag:$0x1] =	stream.indirect.gather [hbm4b:s19+s22], $0x40, s23, s22, $0xb8;
	[tilespmem:$0x1DB00] =	vst v63  }
0x2d4: {  	s24 =	simm.s32 $0x1388  }
0x2d5: {  	[tilespmem:s28], [sflag:$0x1] =	stream.indirect.gather [hbm4b:s19+s22], $0x40, s24, s22, $0xb8;
	[tilespmem:$0x1DB00] =	vst v63  }
0x2d6: {  	_ =	swait.ge [sflag:s8], $0x3200  }
0x2d7: {  	[sflag:s8] =	ssyncset.done $0x0  }
0x2d8: {  	[sflag:s8] =	ssyncadd.s32 $0xFFFFCE00  }
0x2d9: {  	_ =	swait.ge [sflag:s8], $0x3200  }
0x2da: {  	[sflag:s8] =	ssyncset.done $0x0  }
0x2db: {  	s20 =	simm.s32 $0x0;
	[sflag:s8] =	ssyncadd.s32 $0xFFFFCE00  }
0x2dc: {  	v3 =	vld [tilespmem:s20+$0x1900]  }
0x2dd: {  	v2 =	vld [tilespmem:s20+$0x1910]  }
0x2de: {  	v1 =	vld [tilespmem:s20+$0x1920]  }
0x2df: {  	v0 =	vld [tilespmem:s20+$0x1930]  }
0x2e0: {  	v5 =	vld [tilespmem:s20+$0x17700]  }
0x2e1: {  	v9 =	vld [tilespmem:s20+$0x17710]  }
0x2e2: {  	v8 =	vld [tilespmem:s20+$0x17720]  }
0x2e3: {  	v7 =	vld [tilespmem:s20+$0x17730]  }
0x2e4: {  	v6 =	vld [tilespmem:s20+$0x1A900]  }
0x2e5: {  	v4 =	vld [tilespmem:s20+$0x1A910];
	v10 =	vadd.f32 v5, v3  }
0x2e6: {  	s0 =	simm.s32 $0x100;
	v9 =	vadd.f32 v9, v2;
	v5 =	vld [tilespmem:s20+$0x1A920]  }
.LBB2_24:
0x2e7: {  	s21 =	sshra.s32 s0, $0x2;
	p0 =	sne.s32 s0, $0xC700;
	[tilespmem:s20+$0x17700] =	vst v10;
	v8 =	vadd.f32 v8, v1;
	v10 =	vld [tilespmem:s20+$0x1A930]  }
0x2e8: {  	v11 =	vld [tilespmem:s21+$0x1900];
	[tilespmem:s20+$0x17710] =	vst v9;
	v7 =	vadd.f32 v7, v0  }
0x2e9: {  	v9 =	vld [tilespmem:s21+$0x1910];
	[tilespmem:s20+$0x17720] =	vst v8;
	v3 =	vadd.f32 v6, v3  }
0x2ea: {  	v6 =	vld [tilespmem:s21+$0x1920];
	[tilespmem:s20+$0x17730] =	vst v7;
	v2 =	vadd.f32 v4, v2  }
0x2eb: {  	v4 =	vld [tilespmem:s21+$0x1930];
	[tilespmem:s20+$0x1A900] =	vst v3;
	v1 =	vadd.f32 v5, v1  }
0x2ec: {  	v5 =	vld [tilespmem:s21+$0x17700];
	[tilespmem:s20+$0x1A910] =	vst v2;
	v0 =	vadd.f32 v10, v0  }
0x2ed: {  	v12 =	vld [tilespmem:s21+$0x17710];
	[tilespmem:s20+$0x1A920] =	vst v1;
	v3 =	vmov v11  }
.Ltmp11:
0x2ee: {  	v8 =	vld [tilespmem:s21+$0x17720];
	[tilespmem:s20+$0x1A930] =	vst v0;
	v2 =	vmov v9;
	s20 =	smov.u32 s21;
	(pc) =	sbr.rel @p0 .LBB2_24-.Ltmp11, $4  }
0x2ef: {  	v7 =	vld [tilespmem:s20+$0x17730];
	v1 =	vmov v6  }
0x2f0: {  	v6 =	vld [tilespmem:s20+$0x1A900];
	v0 =	vmov v4  }
0x2f1: {  	v10 =	vadd.f32 v5, v3;
	v4 =	vld [tilespmem:s20+$0x1A910]  }
0x2f2: {  	s0 =	sadd.s32 $0x100, s0;
	v9 =	vadd.f32 v12, v2;
	v5 =	vld [tilespmem:s20+$0x1A920]  }
0x2f3: {  	[tilespmem:s20+$0x17700] =	vst v10;
	v8 =	vadd.f32 v8, v1;
	v10 =	vld [tilespmem:s20+$0x1A930]  }
0x2f4: {  	[tilespmem:s20+$0x17710] =	vst v9;
	v7 =	vadd.f32 v7, v0  }
0x2f5: {  	[tilespmem:s20+$0x17720] =	vst v8;
	v3 =	vadd.f32 v6, v3  }
0x2f6: {  	[tilespmem:s20+$0x17730] =	vst v7;
	v2 =	vadd.f32 v4, v2  }
0x2f7: {  	[tilespmem:s20+$0x1A900] =	vst v3;
	v1 =	vadd.f32 v5, v1  }
0x2f8: {  	s0 =	sld [smem:$0x7F5];
	[tilespmem:s20+$0x1A910] =	vst v2;
	v0 =	vadd.f32 v10, v0  }
0x2f9: {  	[tilespmem:s20+$0x1A920] =	vst v1  }
0x2fa: {  	[tilespmem:s20+$0x1A930] =	vst v0  }
0x2fb: {  	[hbm4b:s0+s6] =	stream.strided.scatter [tilespmem:s17], [sflag:$0x8], $0x6400, s15, s6, $0x38;
	[tilespmem:$0x1DB00] =	vst v63  }
0x2fc: {  	_ =	swait.ge [sflag:s30], $0x6400  }
0x2fd: {  	[sflag:s30] =	ssyncset.done $0x0  }
0x2fe: {  	s24 =	simm.s32 $0x1450;
	[sflag:s30] =	ssyncadd.s32 $0xFFFF9C00  }
0x2ff: {  	[tilespmem:s25], [sflag:$0x2] =	stream.indirect.gather [hbm4b:s19+s22], $0x40, s24, s22, $0xb8;
	[tilespmem:$0x1DB00] =	vst v63  }
0x300: {  	s28 =	simm.s32 $0x1518  }
0x301: {  	[tilespmem:s3], [sflag:$0x2] =	stream.indirect.gather [hbm4b:s19+s22], $0x40, s28, s22, $0xb8;
	[tilespmem:$0x1DB00] =	vst v63  }
0x302: {  	_ =	swait.ge [sflag:s12], $0x3200  }
0x303: {  	[sflag:s12] =	ssyncset.done $0x0  }
0x304: {  	[sflag:s12] =	ssyncadd.s32 $0xFFFFCE00  }
0x305: {  	_ =	swait.ge [sflag:s12], $0x3200  }
0x306: {  	[sflag:s12] =	ssyncset.done $0x0  }
0x307: {  	s20 =	simm.s32 $0x0;
	[sflag:s12] =	ssyncadd.s32 $0xFFFFCE00  }
0x308: {  	v3 =	vld [tilespmem:s20+$0x1900]  }
0x309: {  	v2 =	vld [tilespmem:s20+$0x1910]  }
0x30a: {  	v1 =	vld [tilespmem:s20+$0x1920]  }
0x30b: {  	v0 =	vld [tilespmem:s20+$0x1930]  }
0x30c: {  	v5 =	vld [tilespmem:s20+$0x4B00]  }
0x30d: {  	v9 =	vld [tilespmem:s20+$0x4B10]  }
0x30e: {  	v8 =	vld [tilespmem:s20+$0x4B20]  }
0x30f: {  	v7 =	vld [tilespmem:s20+$0x4B30]  }
0x310: {  	v6 =	vld [tilespmem:s20+$0x7D00]  }
0x311: {  	v4 =	vld [tilespmem:s20+$0x7D10];
	v10 =	vadd.f32 v5, v3  }
0x312: {  	s0 =	simm.s32 $0x100;
	v9 =	vadd.f32 v9, v2;
	v5 =	vld [tilespmem:s20+$0x7D20]  }
.LBB2_26:
0x313: {  	s21 =	sshra.s32 s0, $0x2;
	p0 =	sne.s32 s0, $0xC700;
	[tilespmem:s20+$0x4B00] =	vst v10;
	v8 =	vadd.f32 v8, v1;
	v10 =	vld [tilespmem:s20+$0x7D30]  }
0x314: {  	v11 =	vld [tilespmem:s21+$0x1900];
	[tilespmem:s20+$0x4B10] =	vst v9;
	v7 =	vadd.f32 v7, v0  }
0x315: {  	v9 =	vld [tilespmem:s21+$0x1910];
	[tilespmem:s20+$0x4B20] =	vst v8;
	v3 =	vadd.f32 v6, v3  }
0x316: {  	v6 =	vld [tilespmem:s21+$0x1920];
	[tilespmem:s20+$0x4B30] =	vst v7;
	v2 =	vadd.f32 v4, v2  }
0x317: {  	v4 =	vld [tilespmem:s21+$0x1930];
	[tilespmem:s20+$0x7D00] =	vst v3;
	v1 =	vadd.f32 v5, v1  }
0x318: {  	v5 =	vld [tilespmem:s21+$0x4B00];
	[tilespmem:s20+$0x7D10] =	vst v2;
	v0 =	vadd.f32 v10, v0  }
0x319: {  	v12 =	vld [tilespmem:s21+$0x4B10];
	[tilespmem:s20+$0x7D20] =	vst v1;
	v3 =	vmov v11  }
.Ltmp12:
0x31a: {  	v8 =	vld [tilespmem:s21+$0x4B20];
	[tilespmem:s20+$0x7D30] =	vst v0;
	v2 =	vmov v9;
	s20 =	smov.u32 s21;
	(pc) =	sbr.rel @p0 .LBB2_26-.Ltmp12, $4  }
0x31b: {  	v7 =	vld [tilespmem:s20+$0x4B30];
	v1 =	vmov v6  }
0x31c: {  	v6 =	vld [tilespmem:s20+$0x7D00];
	v0 =	vmov v4  }
0x31d: {  	v10 =	vadd.f32 v5, v3;
	v4 =	vld [tilespmem:s20+$0x7D10]  }
0x31e: {  	s0 =	sadd.s32 $0x100, s0;
	v9 =	vadd.f32 v12, v2;
	v5 =	vld [tilespmem:s20+$0x7D20]  }
0x31f: {  	[tilespmem:s20+$0x4B00] =	vst v10;
	v8 =	vadd.f32 v8, v1;
	v10 =	vld [tilespmem:s20+$0x7D30]  }
0x320: {  	[tilespmem:s20+$0x4B10] =	vst v9;
	v7 =	vadd.f32 v7, v0  }
0x321: {  	[tilespmem:s20+$0x4B20] =	vst v8;
	v3 =	vadd.f32 v6, v3  }
0x322: {  	[tilespmem:s20+$0x4B30] =	vst v7;
	v2 =	vadd.f32 v4, v2  }
0x323: {  	[tilespmem:s20+$0x7D00] =	vst v3;
	v1 =	vadd.f32 v5, v1  }
0x324: {  	s0 =	sld [smem:$0x7F6];
	[tilespmem:s20+$0x7D10] =	vst v2;
	v0 =	vadd.f32 v10, v0  }
0x325: {  	[tilespmem:s20+$0x7D20] =	vst v1  }
0x326: {  	[tilespmem:s20+$0x7D30] =	vst v0  }
0x327: {  	[hbm4b:s0+s6] =	stream.strided.scatter [tilespmem:s13], [sflag:$0x5], $0x6400, s15, s6, $0x38;
	[tilespmem:$0x1DB00] =	vst v63  }
0x328: {  	_ =	swait.ge [sflag:s9], $0x6400  }
0x329: {  	[sflag:s9] =	ssyncset.done $0x0  }
0x32a: {  	s24 =	simm.s32 $0x15E0;
	[sflag:s9] =	ssyncadd.s32 $0xFFFF9C00  }
0x32b: {  	[tilespmem:s11], [sflag:$0x3] =	stream.indirect.gather [hbm4b:s19+s22], $0x40, s24, s22, $0xb8;
	[tilespmem:$0x1DB00] =	vst v63  }
0x32c: {  	s28 =	simm.s32 $0x16A8  }
0x32d: {  	[tilespmem:s4], [sflag:$0x3] =	stream.indirect.gather [hbm4b:s19+s22], $0x40, s28, s22, $0xb8;
	[tilespmem:$0x1DB00] =	vst v63  }
0x32e: {  	_ =	swait.ge [sflag:s7], $0x3200  }
0x32f: {  	[sflag:s7] =	ssyncset.done $0x0  }
0x330: {  	[sflag:s7] =	ssyncadd.s32 $0xFFFFCE00  }
0x331: {  	_ =	swait.ge [sflag:s7], $0x3200  }
0x332: {  	[sflag:s7] =	ssyncset.done $0x0  }
0x333: {  	s20 =	simm.s32 $0x0;
	[sflag:s7] =	ssyncadd.s32 $0xFFFFCE00  }
0x334: {  	v3 =	vld [tilespmem:s20+$0x1900]  }
0x335: {  	v2 =	vld [tilespmem:s20+$0x1910]  }
0x336: {  	v1 =	vld [tilespmem:s20+$0x1920]  }
0x337: {  	v0 =	vld [tilespmem:s20+$0x1930]  }
0x338: {  	v5 =	vld [tilespmem:s20+$0xAF00]  }
0x339: {  	v9 =	vld [tilespmem:s20+$0xAF10]  }
0x33a: {  	v8 =	vld [tilespmem:s20+$0xAF20]  }
0x33b: {  	v7 =	vld [tilespmem:s20+$0xAF30]  }
0x33c: {  	v6 =	vld [tilespmem:s20+$0xE100]  }
0x33d: {  	v4 =	vld [tilespmem:s20+$0xE110];
	v10 =	vadd.f32 v5, v3  }
0x33e: {  	s0 =	simm.s32 $0x100;
	v9 =	vadd.f32 v9, v2;
	v5 =	vld [tilespmem:s20+$0xE120]  }
.LBB2_28:
0x33f: {  	s21 =	sshra.s32 s0, $0x2;
	p0 =	sne.s32 s0, $0xC700;
	[tilespmem:s20+$0xAF00] =	vst v10;
	v8 =	vadd.f32 v8, v1;
	v10 =	vld [tilespmem:s20+$0xE130]  }
0x340: {  	v11 =	vld [tilespmem:s21+$0x1900];
	[tilespmem:s20+$0xAF10] =	vst v9;
	v7 =	vadd.f32 v7, v0  }
0x341: {  	v9 =	vld [tilespmem:s21+$0x1910];
	[tilespmem:s20+$0xAF20] =	vst v8;
	v3 =	vadd.f32 v6, v3  }
0x342: {  	v6 =	vld [tilespmem:s21+$0x1920];
	[tilespmem:s20+$0xAF30] =	vst v7;
	v2 =	vadd.f32 v4, v2  }
0x343: {  	v4 =	vld [tilespmem:s21+$0x1930];
	[tilespmem:s20+$0xE100] =	vst v3;
	v1 =	vadd.f32 v5, v1  }
0x344: {  	v5 =	vld [tilespmem:s21+$0xAF00];
	[tilespmem:s20+$0xE110] =	vst v2;
	v0 =	vadd.f32 v10, v0  }
0x345: {  	v12 =	vld [tilespmem:s21+$0xAF10];
	[tilespmem:s20+$0xE120] =	vst v1;
	v3 =	vmov v11  }
.Ltmp13:
0x346: {  	v8 =	vld [tilespmem:s21+$0xAF20];
	[tilespmem:s20+$0xE130] =	vst v0;
	v2 =	vmov v9;
	s20 =	smov.u32 s21;
	(pc) =	sbr.rel @p0 .LBB2_28-.Ltmp13, $4  }
0x347: {  	v7 =	vld [tilespmem:s20+$0xAF30];
	v1 =	vmov v6  }
0x348: {  	v6 =	vld [tilespmem:s20+$0xE100];
	v0 =	vmov v4  }
0x349: {  	v10 =	vadd.f32 v5, v3;
	v4 =	vld [tilespmem:s20+$0xE110]  }
0x34a: {  	s0 =	sadd.s32 $0x100, s0;
	v9 =	vadd.f32 v12, v2;
	v5 =	vld [tilespmem:s20+$0xE120]  }
0x34b: {  	[tilespmem:s20+$0xAF00] =	vst v10;
	v8 =	vadd.f32 v8, v1;
	v10 =	vld [tilespmem:s20+$0xE130]  }
0x34c: {  	[tilespmem:s20+$0xAF10] =	vst v9;
	v7 =	vadd.f32 v7, v0  }
0x34d: {  	[tilespmem:s20+$0xAF20] =	vst v8;
	v3 =	vadd.f32 v6, v3  }
0x34e: {  	[tilespmem:s20+$0xAF30] =	vst v7;
	v2 =	vadd.f32 v4, v2  }
0x34f: {  	[tilespmem:s20+$0xE100] =	vst v3;
	v1 =	vadd.f32 v5, v1  }
0x350: {  	s0 =	sld [smem:$0x7F7];
	[tilespmem:s20+$0xE110] =	vst v2;
	v0 =	vadd.f32 v10, v0  }
0x351: {  	[tilespmem:s20+$0xE120] =	vst v1  }
0x352: {  	[tilespmem:s20+$0xE130] =	vst v0  }
0x353: {  	[hbm4b:s0+s6] =	stream.strided.scatter [tilespmem:s25], [sflag:$0x6], $0x6400, s15, s6, $0x38;
	[tilespmem:$0x1DB00] =	vst v63  }
0x354: {  	_ =	swait.ge [sflag:s1], $0x6400  }
0x355: {  	[sflag:s1] =	ssyncset.done $0x0  }
0x356: {  	s25 =	simm.s32 $0x1770;
	[sflag:s1] =	ssyncadd.s32 $0xFFFF9C00  }
0x357: {  	[tilespmem:s17], [sflag:$0x4] =	stream.indirect.gather [hbm4b:s19+s22], $0x40, s25, s22, $0xb8;
	[tilespmem:$0x1DB00] =	vst v63  }
0x358: {  	s28 =	simm.s32 $0x1838  }
0x359: {  	[tilespmem:s26], [sflag:$0x4] =	stream.indirect.gather [hbm4b:s19+s22], $0x40, s28, s22, $0xb8;
	[tilespmem:$0x1DB00] =	vst v63  }
0x35a: {  	_ =	swait.ge [sflag:s18], $0x3200  }
0x35b: {  	[sflag:s18] =	ssyncset.done $0x0  }
0x35c: {  	[sflag:s18] =	ssyncadd.s32 $0xFFFFCE00  }
0x35d: {  	_ =	swait.ge [sflag:s18], $0x3200  }
0x35e: {  	[sflag:s18] =	ssyncset.done $0x0  }
0x35f: {  	s20 =	simm.s32 $0x0;
	[sflag:s18] =	ssyncadd.s32 $0xFFFFCE00  }
0x360: {  	v3 =	vld [tilespmem:s20+$0x1900]  }
0x361: {  	v2 =	vld [tilespmem:s20+$0x1910]  }
0x362: {  	v1 =	vld [tilespmem:s20+$0x1920]  }
0x363: {  	v0 =	vld [tilespmem:s20+$0x1930]  }
0x364: {  	v5 =	vld [tilespmem:s20+$0x11300]  }
0x365: {  	v9 =	vld [tilespmem:s20+$0x11310]  }
0x366: {  	v8 =	vld [tilespmem:s20+$0x11320]  }
0x367: {  	v7 =	vld [tilespmem:s20+$0x11330]  }
0x368: {  	v6 =	vld [tilespmem:s20+$0x14500]  }
0x369: {  	v4 =	vld [tilespmem:s20+$0x14510];
	v10 =	vadd.f32 v5, v3  }
0x36a: {  	s0 =	simm.s32 $0x100;
	v9 =	vadd.f32 v9, v2;
	v5 =	vld [tilespmem:s20+$0x14520]  }
.LBB2_30:
0x36b: {  	s21 =	sshra.s32 s0, $0x2;
	p0 =	sne.s32 s0, $0xC700;
	[tilespmem:s20+$0x11300] =	vst v10;
	v8 =	vadd.f32 v8, v1;
	v10 =	vld [tilespmem:s20+$0x14530]  }
0x36c: {  	v11 =	vld [tilespmem:s21+$0x1900];
	[tilespmem:s20+$0x11310] =	vst v9;
	v7 =	vadd.f32 v7, v0  }
0x36d: {  	v9 =	vld [tilespmem:s21+$0x1910];
	[tilespmem:s20+$0x11320] =	vst v8;
	v3 =	vadd.f32 v6, v3  }
0x36e: {  	v6 =	vld [tilespmem:s21+$0x1920];
	[tilespmem:s20+$0x11330] =	vst v7;
	v2 =	vadd.f32 v4, v2  }
0x36f: {  	v4 =	vld [tilespmem:s21+$0x1930];
	[tilespmem:s20+$0x14500] =	vst v3;
	v1 =	vadd.f32 v5, v1  }
0x370: {  	v5 =	vld [tilespmem:s21+$0x11300];
	[tilespmem:s20+$0x14510] =	vst v2;
	v0 =	vadd.f32 v10, v0  }
0x371: {  	v12 =	vld [tilespmem:s21+$0x11310];
	[tilespmem:s20+$0x14520] =	vst v1;
	v3 =	vmov v11  }
.Ltmp14:
0x372: {  	v8 =	vld [tilespmem:s21+$0x11320];
	[tilespmem:s20+$0x14530] =	vst v0;
	v2 =	vmov v9;
	s20 =	smov.u32 s21;
	(pc) =	sbr.rel @p0 .LBB2_30-.Ltmp14, $4  }
0x373: {  	v7 =	vld [tilespmem:s20+$0x11330];
	v1 =	vmov v6  }
0x374: {  	v6 =	vld [tilespmem:s20+$0x14500];
	v0 =	vmov v4  }
0x375: {  	v10 =	vadd.f32 v5, v3;
	v4 =	vld [tilespmem:s20+$0x14510]  }
0x376: {  	s0 =	sadd.s32 $0x100, s0;
	v9 =	vadd.f32 v12, v2;
	v5 =	vld [tilespmem:s20+$0x14520]  }
0x377: {  	[tilespmem:s20+$0x11300] =	vst v10;
	v8 =	vadd.f32 v8, v1;
	v10 =	vld [tilespmem:s20+$0x14530]  }
0x378: {  	[tilespmem:s20+$0x11310] =	vst v9;
	v7 =	vadd.f32 v7, v0  }
0x379: {  	[tilespmem:s20+$0x11320] =	vst v8;
	v3 =	vadd.f32 v6, v3  }
0x37a: {  	[tilespmem:s20+$0x11330] =	vst v7;
	v2 =	vadd.f32 v4, v2  }
0x37b: {  	[tilespmem:s20+$0x14500] =	vst v3;
	v1 =	vadd.f32 v5, v1  }
0x37c: {  	s0 =	sld [smem:$0x7F8];
	[tilespmem:s20+$0x14510] =	vst v2;
	v0 =	vadd.f32 v10, v0  }
0x37d: {  	[tilespmem:s20+$0x14520] =	vst v1  }
0x37e: {  	[tilespmem:s20+$0x14530] =	vst v0  }
0x37f: {  	[hbm4b:s0+s6] =	stream.strided.scatter [tilespmem:s11], [sflag:$0x7], $0x6400, s15, s6, $0x38;
	[tilespmem:$0x1DB00] =	vst v63  }
0x380: {  	_ =	swait.ge [sflag:s29], $0x6400  }
0x381: {  	[sflag:s29] =	ssyncset.done $0x0  }
0x382: {  	[sflag:s29] =	ssyncadd.s32 $0xFFFF9C00  }
0x383: {  	_ =	swait.ge [sflag:s8], $0x3200  }
0x384: {  	[sflag:s8] =	ssyncset.done $0x0  }
0x385: {  	[sflag:s8] =	ssyncadd.s32 $0xFFFFCE00  }
0x386: {  	_ =	swait.ge [sflag:s8], $0x3200  }
0x387: {  	[sflag:s8] =	ssyncset.done $0x0  }
0x388: {  	s20 =	simm.s32 $0x0;
	[sflag:s8] =	ssyncadd.s32 $0xFFFFCE00  }
0x389: {  	v3 =	vld [tilespmem:s20+$0x1900]  }
0x38a: {  	v2 =	vld [tilespmem:s20+$0x1910]  }
0x38b: {  	v1 =	vld [tilespmem:s20+$0x1920]  }
0x38c: {  	v0 =	vld [tilespmem:s20+$0x1930]  }
0x38d: {  	v5 =	vld [tilespmem:s20+$0x17700]  }
0x38e: {  	v9 =	vld [tilespmem:s20+$0x17710]  }
0x38f: {  	v8 =	vld [tilespmem:s20+$0x17720]  }
0x390: {  	v7 =	vld [tilespmem:s20+$0x17730]  }
0x391: {  	v6 =	vld [tilespmem:s20+$0x1A900]  }
0x392: {  	v4 =	vld [tilespmem:s20+$0x1A910];
	v10 =	vadd.f32 v5, v3  }
0x393: {  	s0 =	simm.s32 $0x100;
	v9 =	vadd.f32 v9, v2;
	v5 =	vld [tilespmem:s20+$0x1A920]  }
.LBB2_32:
0x394: {  	s21 =	sshra.s32 s0, $0x2;
	p0 =	sne.s32 s0, $0xC700;
	[tilespmem:s20+$0x17700] =	vst v10;
	v8 =	vadd.f32 v8, v1;
	v10 =	vld [tilespmem:s20+$0x1A930]  }
0x395: {  	v11 =	vld [tilespmem:s21+$0x1900];
	[tilespmem:s20+$0x17710] =	vst v9;
	v7 =	vadd.f32 v7, v0  }
0x396: {  	v9 =	vld [tilespmem:s21+$0x1910];
	[tilespmem:s20+$0x17720] =	vst v8;
	v3 =	vadd.f32 v6, v3  }
0x397: {  	v6 =	vld [tilespmem:s21+$0x1920];
	[tilespmem:s20+$0x17730] =	vst v7;
	v2 =	vadd.f32 v4, v2  }
0x398: {  	v4 =	vld [tilespmem:s21+$0x1930];
	[tilespmem:s20+$0x1A900] =	vst v3;
	v1 =	vadd.f32 v5, v1  }
0x399: {  	v5 =	vld [tilespmem:s21+$0x17700];
	[tilespmem:s20+$0x1A910] =	vst v2;
	v0 =	vadd.f32 v10, v0  }
0x39a: {  	v12 =	vld [tilespmem:s21+$0x17710];
	[tilespmem:s20+$0x1A920] =	vst v1;
	v3 =	vmov v11  }
.Ltmp15:
0x39b: {  	v8 =	vld [tilespmem:s21+$0x17720];
	[tilespmem:s20+$0x1A930] =	vst v0;
	v2 =	vmov v9;
	s20 =	smov.u32 s21;
	(pc) =	sbr.rel @p0 .LBB2_32-.Ltmp15, $4  }
0x39c: {  	v7 =	vld [tilespmem:s20+$0x17730];
	v1 =	vmov v6  }
0x39d: {  	v6 =	vld [tilespmem:s20+$0x1A900];
	v0 =	vmov v4  }
0x39e: {  	v10 =	vadd.f32 v5, v3;
	v4 =	vld [tilespmem:s20+$0x1A910]  }
0x39f: {  	s0 =	sadd.s32 $0x100, s0;
	v9 =	vadd.f32 v12, v2;
	v5 =	vld [tilespmem:s20+$0x1A920]  }
0x3a0: {  	[tilespmem:s20+$0x17700] =	vst v10;
	v8 =	vadd.f32 v8, v1;
	v61 =	vld [tilespmem:s20+$0x1A930]  }
0x3a1: {  	[tilespmem:s20+$0x17710] =	vst v9;
	v7 =	vadd.f32 v7, v0  }
0x3a2: {  	[tilespmem:s20+$0x17720] =	vst v8;
	v3 =	vadd.f32 v6, v3  }
0x3a3: {  	[tilespmem:s20+$0x17730] =	vst v7;
	v2 =	vadd.f32 v4, v2  }
0x3a4: {  	[tilespmem:s20+$0x1A900] =	vst v3;
	v62 =	vadd.f32 v5, v1  }
0x3a5: {  	s0 =	sld [smem:$0x7F9];
	[tilespmem:s20+$0x1A910] =	vst v2;
	v63 =	vadd.f32 v61, v0  }
0x3a6: {  	[tilespmem:s20+$0x1A920] =	vst v62  }
0x3a7: {  	[tilespmem:s20+$0x1A930] =	vst v63  }
0x3a8: {  	[hbm4b:s0+s6] =	stream.strided.scatter [tilespmem:s17], [sflag:$0x8], $0x6400, s15, s6, $0x38;
	[tilespmem:$0x1DB00] =	vst v63  }
0x3a9: {  	_ =	swait.ge [sflag:s30], $0x6400  }
0x3aa: {  	[sflag:s30] =	ssyncset.done $0x0  }
0x3ab: {  	[sflag:s30] =	ssyncadd.s32 $0xFFFF9C00  }
0x3ac: {  	_ =	swait.ge [sflag:s9], $0x6400  }
0x3ad: {  	[sflag:s9] =	ssyncset.done $0x0  }
0x3ae: {  	[sflag:s9] =	ssyncadd.s32 $0xFFFF9C00  }
0x3af: {  	_ =	swait.ge [sflag:s1], $0x6400  }
0x3b0: {  	s28 =	sld [smem:$0x7FB];
	_ =	sdelay $0x1  }
0x3b1: {  	s31 =	sadd.s32 $0x1, s31  }
0x3b2: {  	p0 =	sne.s32 s31, s28  }
.Ltmp16:
0x3b3: {  	_ = 	snop;
	(pc) =	sbr.rel @p0 .LBB2_1-.Ltmp16, $3  }
0x3b4: {  	_ =	sdelay $0x1  }
0x3b5: {  	[sflag:s1] =	ssyncset.done $0x0  }
0x3b6: {  	[sflag:s1] =	ssyncadd.s32 $0xFFFF9C00  }
0x3b7: {  	_ =	sfence.sel $0x180000  }
0x3b8: {  	[bflag:$0x0] =	sbarrier.arrive $0xFFFF  }
0x3b9: {  	_ =	strace $0x90000047  }
0x3ba: {  	s0 =	stileid.u32;
	[bflag:$0x2] =	sbarrier.arrive $0xFFFF  }
0x3bb: {  	p0 =	sne.s32 s0, $0x0;
	s0 =	rddreg [dreg:$0x1]  }
0x3bc: {  	s0 =	sadd.s32 @!p0 $0x100000, s0  }
0x3bd: {  	[sflag:s0] =	ssyncadd.tile.s32 @!p0 $0x1;
	_ =	shalt  }
.Lfunc_end2:
_tile_overlayer_lowered:
.L_overlay_start_2:
0x3be: {  	(tag) =	ssettag $0x2  }
0x3bf: {  	s0 =	rddreg [dreg:$0x0];
	s2 =	stileid.u32  }
0x3c0: {  	s1 =	rddreg [dreg:$0x1];
	p0 =	sne.s32 s2, $0x0  }
0x3c1: {  	s3 =	rddreg [dreg:$0x2];
	[bflag:$0x3] =	sbarrier.arrive $0xFFFF;
	s2 =	simm.s32 @!p0 $0x1C09  }
0x3c2: {  	[timem:s3], [sflag:s2] =	dma.local @!p0 [hbm:s0], s1  }
0x3c3: {  	s0 =	simm.s32 @!p0 $0x9  }
0x3c4: {  	_ =	swait.ge @!p0 [sflag:s0], s1  }
0x3c5: {  	s1 =	ssub.s32 @!p0 $0x0, s1;
	[sflag:s0] =	ssyncset.done @!p0 $0x0  }
0x3c6: {  	[sflag:s0] =	ssyncadd.s32 @!p0 s1  }
0x3c7: {  	[bflag:$0x3] =	sbarrier.arrive $0xFFFF  }
0x3c8: {  	_ =	shalt  }

// kernel: sparse-core-data-format-call.cloned.1.call-start
scs
called_computation_lowered:
.L_overlay_start_0:
0x0: {  	s2 =	sld [smem:$0x3FD9]  }
0x1: {  	s3 =	sld [smem:$0x3FFE];
	_ =	sdelay $0x1  }
0x2: {  	s1 =	srdreg.scid  }
0x3: {  	s0 =	sand.u32 $0x1, s1  }
0x4: {  	s18 =	sshll.u32 s0, $0xA;
	s2 =	sadd.s32 s3, s2  }
0x5: {  	s2 =	sadd.s32 s2, s18  }
0x6: {  	[smem:$0x3FC5] =	sst s2  }
0x7: {  	_ = 	snop  }
0x8: {  	s2 =	sld [smem:$0x3FD0];
	(tm) =	ssettm $0x1  }
0x9: {  	s19 =	sld [smem:$0x3FFB];
	_ =	sdelay $0x3  }
0xa: {  	_ =	strace s19  }
0xb: {  	s3 =	sld [smem:$0x3FFC];
	_ =	sdelay $0x3  }
0xc: {  	_ =	strace s3  }
0xd: {  	s3 =	sld [smem:$0x3FFD];
	_ =	sdelay $0x3  }
0xe: {  	_ =	strace s3  }
0xf: {  	_ =	strace $0x8FFFFFFF  }
0x10: {  	s20 =	sld [smem:$0x3FDB];
	_ =	sdelay $0x1  }
0x11: {  	s4 =	simm.s32 $_scs_section_size  }
0x12: {  	s5 =	simm.s32 $_size__tile_overlayer_lowered;
	s6 =	simm.s32 $_tile_overlayer_lowered  }
0x13: {  	s23 =	simm.s32 $0x1BFF;
	s22 =	sshll.u32 s6, $0x1;
	s3 =	sadd.s32 s4, s20  }
0x14: {  	s7 =	simm.s32 $0x0;
	s21 =	sshll.u32 s5, $0x1;
	s5 =	sadd.s32 s22, s3  }
0x15: {  	[timem:s7], [sflag:s23] =	dma.local [hbm:s5], s21  }
0x16: {  	_ =	swait.ge [sflag:s23], s21  }
0x17: {  	s4 =	ssub.s32 $0x0, s21;
	[sflag:s23] =	ssyncset.done $0x0  }
0x18: {  	[sflag:s23] =	ssyncadd.s32 s4;
	_ =	sdelay $0x1  }
0x19: {  	s24 =	simm.s32 $0x1B8B  }
0x1a: {  	_ =	swait.ge [sflag:s24], $0x1  }
0x1b: {  	[sflag:s24] =	ssyncset.done $0x0  }
0x1c: {  	s26 =	simm.s32 $0x1B8E;
	s25 =	sld [smem:$0x3FFE];
	[sflag:s24] =	ssyncadd.s32 $0xFFFFFFFF  }
0x1d: {  	s27 =	simm.s32 $execute0_lowered;
	[smem:$0x3FD2] =	sst s26  }
0x1e: {  	s5 =	sshll.u32 s27, $0x1;
	_ =	strace $0x80000049;
	[dreg:$0x1] =	wrdreg $0xFFFFFFFF  }
0x1f: {  	s28 =	simm.s32 $_size_execute0_lowered;
	s3 =	sadd.s32 s3, s5;
	[dreg:$0x0] =	wrdreg $0x0  }
0x20: {  	s5 =	sshll.u32 s28, $0x1;
	[dreg:$0x2] =	wrdreg s3  }
0x21: {  	[dreg:$0x3] =	wrdreg s5  }
0x22: {  	[dreg:$0x4] =	wrdreg $0xC0  }
0x23: {  	_ =	task [dreg:s7], $0x5FFFF  }
0x24: {  	[dreg:$0x1] =	wrdreg $0xFFFFFFFF  }
0x25: {  	[dreg:$0x0] =	wrdreg $0x60  }
0x26: {  	[dreg:$0x2] =	wrdreg s25  }
0x27: {  	[dreg:$0x3] =	wrdreg s2  }
0x28: {  	[dreg:$0x4] =	wrdreg $0x9  }
0x29: {  	_ =	task.clear_ibuf [dreg:s7], $0x5FFFF;
	_ =	strace $0x90000049  }
0x2a: {  	s29 =	simm.s32 $0x9;
	_ =	strace $0x8000004B  }
0x2b: {  	_ =	swait.ge [sflag:s29], $0x1  }
0x2c: {  	[sflag:s29] =	ssyncadd.s32 $0xFFFFFFFF  }
0x2d: {  	_ =	strace $0x9000004B  }
0x2e: {  	_ =	sfence  }
0x2f: {  	s30 =	sld [smem:$0x0];
	_ =	sdelay $0x2  }
0x30: {  	s31 =	sshll.u32 s1, $0xD;
	s1 =	sshrl.u32 s1, $0x2  }
0x31: {  	s3 =	sand.u32 $0x4000, s31;
	s1 =	sadd.s32 s1, s30  }
0x32: {  	s0 =	sor.u32 s3, s0;
	s1 =	sshll.u32 s1, $0x11  }
0x33: {  	s0 =	sor.u32 s1, s0  }
0x34: {  	s0 =	sadd.s32 $0x8F2B, s0  }
0x35: {  	[sflag:s0] =	ssyncadd.remote.s32 $0x1  }
0x36: {  	_ =	sfence.sel $0xFFFF  }
0x37: {  	[dreg:$0x0] =	wrdreg $0xFFFFFFFF;
	(pc) =	sbr.abs _section_cstart, $3  }
0x38: {  	[dreg:$0x1] =	wrdreg $0xFFFFFFFF  }
0x39: {  	_ =	task.clear_ibuf [dreg:s7], $0x2FFFF;
	_ =	strace $0x9FFFFFFF  }
0x3a: {  	(tm) =	ssettm $0x7FFFFFFF  }
0x3b: {  	_ =	shalt  }
tec
execute0_lowered:
.L_overlay_start_1:
0x0: {  	(tag) =	ssettag $0x1  }
0x1: {  	s0 =	stileid.u32;
	s6 =	rddreg [dreg:$0x0]  }
0x2: {  	s2 =	rddreg [dreg:$0x1];
	s5 =	srdreg.scid  }
0x3: {  	s31 =	simm.s32 $0x2;
	s13 =	simm.s32 $0x0;
	s1 =	sshll.u32 s0, $0x7  }
0x4: {  	s14 =	simm.s32 $0x0;
	s12 =	simm.s32 $0x0;
	s3 =	sand.u32 $0x380, s1  }
0x5: {  	s5 =	sshll.u32 s5, $0x4;
	s6 =	sadd.s32 $0xCAA00, s6;
	s4 =	ssub.s32 $0x400, s3  }
0x6: {  	s1 =	rddreg [dreg:$0x2];
	_ =	strace $0x8000004A;
	s7 =	sand.u32 $0x380, s4  }
0x7: {  	s5 =	sand.u32 $0x10, s5;
	p0 =	sne.s32 s7, $0x0;
	s7 =	simm.s32 $0x1  }
.Ltmp0:
0x8: {  	s8 =	sshrl.u32 s4, $0xA;
	s7 =	simm.s32 @!p0 $0x0;
	(pc) =	sbr.rel .LBB1_1-.Ltmp0, $4  }
0x9: {  	s9 =	sor.u32 s0, s5;
	s4 =	simm.s32 $0x1;
	s30 =	sadd.s32 s7, s8  }
0xa: {  	s11 =	smov.u32 s3;
	[sflag:s4] =	ssyncpa.u1 $0x0;
	s5 =	smul.u32 $0x32, s30  }
0xb: {  	[sflag:s31] =	ssyncpa.u1 $0x0;
	p0 =	por $0x0, $0x0;
	s7 =	sshrl.u32 s9, $0x3  }
0xc: {  	s9 =	simm.s32 $0x2000;
	s10 =	smov.u32 s7;
	s8 =	sor.u32 $0x1, s5  }
.LBB1_4:
0xd: {  	s17 =	sand.u32 $0x1F80, s14;
	s13 =	sshll.u32 s13, $0xD  }
0xe: {  	[tilespmem:s16+$0x810 ss:$0x81] =	vst.msk $0xffff, v2;
	s18 =	sshrl.u32 s14, $0x3;
	s31 =	sand.u32 $0x7, s14;
	s17 =	sadd.s32 s2, s17  }
0xf: {  	[tilespmem:s16+$0x1020 ss:$0x81] =	vst.msk $0xffff, v0;
	s18 =	sand.u32 $0xF, s18;
	s14 =	sshll.u32 s31, $0x12;
	s13 =	sadd.s32 s13, s17  }
0x10: {  	[tilespmem:s16+$0x0 ss:$0x81] =	vst.msk $0xffff, v1;
	s14 =	sor.u32 $0x400, s14;
	s13 =	sadd.s32 s18, s13  }
0x11: {  	[hbm4b:s13+s14] =	stream.strided.scatter [tilespmem:s15], [sflag:$0x2], $0x2000, s9, s14, $0x20;
	[tilespmem:$0x8080] =	vst v63  }
.LBB1_5:
0x12: {  	s15 =	sadd.s32 $0x4, s10  }
0x13: {  	s13 =	sadd.s32 $0x400, s11;
	s17 =	smov.u32 s11;
	p2 =	sgt.s32 s15, $0xC7  }
0x14: {  	s17 =	smov.u32 @p2 s13  }
0x15: {  	s15 =	smov.u32 @p2 s7;
	p2 =	sgt.s32 s17, $0x3FF  }
0x16: {  	s17 =	smov.u32 @p2 s3;
	p2 =	sne.s32 s12, s8  }
.Ltmp1:
0x17: {  	p1 =	slt.u32 s12, $0x2;
	(pc) =	sbr.rel @!p2 .LBB1_6-.Ltmp1, $4  }
0x18: {  	s16 =	simm.s32 @!p1 $0x2  }
0x19: {  	s14 =	smov.u32 s11;
	p0 =	por !p0, !p0;
	_ =	swait.ge @!p1 [sflag:s16], $0x2000  }
0x1a: {  	s13 =	smov.u32 s10;
	[sflag:s16] =	ssyncset.done @!p1 $0x0;
	s10 =	smov.u32 s15  }
0x1b: {  	s12 =	sadd.s32 $0x1, s12;
	[sflag:s16] =	ssyncadd.s32 @!p1 $0xFFFFE000;
	s11 =	smov.u32 s17  }
.LBB1_1:
0x1c: {  	p1 =	sge.u32 s12, s5  }
0x1d: {  	s15 =	sand.u32 @!p1 $0x1FFFFFF, s10  }
0x1e: {  	s16 =	smulhi.u32 @!p1 $0x147AE15, s15;
	_ =	sdelay $0x1  }
0x1f: {  	s16 =	smul.u32 @!p1 $0xC8, s16  }
0x20: {  	s17 =	sxor.u32 @!p1 $0xFFFFFFFF, s12;
	s18 =	smul.u32 @!p1 $0xC80, s11  }
0x21: {  	s31 =	sadd.s32 $0xFFFFFFFF, s12;
	s17 =	sshll.u32 @!p1 s17, $0xD;
	s15 =	ssub.s32 @!p1 s15, s16  }
0x22: {  	s16 =	sand.u32 @!p1 $0x2000, s17;
	s17 =	sadd.s32 @!p1 s6, s18;
	s15 =	sshll.u32 @!p1 s15, $0x4  }
0x23: {  	s18 =	simm.s32 @!p1 $0x6400;
	s15 =	sadd.s32 @!p1 s15, s17;
	s17 =	simm.s32 @!p1 $0x40  }
0x24: {  	[tilespmem:s16], [sflag:$0x1] =	stream.strided.gather @!p1 [hbm4b:s15+s17], $0x2000, s18, s17, $0x38;
	[tilespmem:$0x8080] =	vst v63  }
0x25: {  	p1 =	sge.u32 s31, s5  }
.Ltmp2:
0x26: {  	_ = 	snop;
	(pc) =	sbr.rel @p1 .LBB1_5-.Ltmp2, $1  }
0x27: {  	_ =	sdelay $0x3  }
0x28: {  	s15 =	simm.s32 $0x1  }
0x29: {  	_ =	swait.ge [sflag:s4], $0x2000;
	s15 =	simm.s32 @!p0 $0x0  }
0x2a: {  	[sflag:s4] =	ssyncset.done $0x0;
	s16 =	sshll.u32 s15, $0xD  }
0x2b: {  	[sflag:s4] =	ssyncadd.s32 $0xFFFFE000;
	s19 =	sor.u32 $0x20, s16  }
0x2c: {  	s15 =	smul.u32 $0x8100, s15;
	v3 =	vld [tilespmem:s19+$0x10]  }
0x2d: {  	s30 =	sand.u32 $0x1, s12;
	v2 =	vld [tilespmem:s19+$0xFFFFFFF0]  }
0x2e: {  	s16 =	smul.u32 $0x8100, s30;
	s15 =	sshrl.u32 s15, $0x2;
	v0 =	vld [tilespmem:s19+$0x0]  }
0x2f: {  	v1 =	vld [tilespmem:s19+$0xFFFFFFE0];
	s17 =	sor.u32 $0x4000, s15  }
0x30: {  	s31 =	sshrl.u32 s16, $0x2;
	s16 =	sadd.s32 $0x0, s17  }
0x31: {  	s18 =	simm.s32 $0x4;
	s19 =	sadd.s32 $0x40, s19;
	s15 =	sor.u32 $0x4000, s31;
	[tilespmem:s16+$0x1830 ss:$0x81] =	vst.msk $0xffff, v3  }
.LBB1_3:
0x32: {  	v3 =	vld [tilespmem:s19+$0x10];
	p1 =	sne.s32 s18, $0x1FC;
	[tilespmem:s16+$0x810 ss:$0x81] =	vst.msk $0xffff, v2;
	s20 =	smov.u32 s18;
	s18 =	sadd.s32 $0x4, s18  }
.Ltmp3:
0x33: {  	v2 =	vld [tilespmem:s19+$0xFFFFFFF0];
	[tilespmem:s16+$0x1020 ss:$0x81] =	vst.msk $0xffff, v0;
	(pc) =	sbr.rel @p1 .LBB1_3-.Ltmp3, $4  }
0x34: {  	v0 =	vld [tilespmem:s19+$0x0];
	[tilespmem:s16+$0x0 ss:$0x81] =	vst.msk $0xffff, v1  }
0x35: {  	s16 =	sshra.s32 s20, $0x2;
	v1 =	vld [tilespmem:s19+$0xFFFFFFE0]  }
0x36: {  	s16 =	sadd.s32 s16, s17  }
0x37: {  	s19 =	sadd.s32 $0x40, s19;
	[tilespmem:s16+$0x1830 ss:$0x81] =	vst.msk $0xffff, v3  }
.Ltmp4:
0x38: {  	_ = 	snop;
	(pc) =	sbr.rel .LBB1_4-.Ltmp4, $1  }
0x39: {  	_ =	sdelay $0x3  }
.LBB1_6:
0x3a: {  	_ =	sfence.sel $0x180000  }
0x3b: {  	s2 =	simm.s32 $0x1;
	[bflag:$0x0] =	sbarrier.arrive $0xFFFF  }
0x3c: {  	s31 =	simm.s32 $0x2;
	[sflag:s2] =	ssyncpa.u1 $0x1  }
0x3d: {  	[sflag:s31] =	ssyncpa.u1 $0x1  }
0x3e: {  	p0 =	sne.s32 s0, $0x0;
	_ =	strace $0x9000004A  }
0x3f: {  	s0 =	sadd.s32 @!p0 $0x100000, s1;
	[bflag:$0x2] =	sbarrier.arrive $0xFFFF  }
0x40: {  	[sflag:s0] =	ssyncadd.tile.s32 @!p0 $0x1;
	_ =	shalt  }
.Lfunc_end1:
_tile_overlayer_lowered:
.L_overlay_start_2:
0x41: {  	(tag) =	ssettag $0x2  }
0x42: {  	s0 =	rddreg [dreg:$0x0];
	s2 =	stileid.u32  }
0x43: {  	s1 =	rddreg [dreg:$0x1];
	p0 =	sne.s32 s2, $0x0  }
0x44: {  	s3 =	rddreg [dreg:$0x2];
	[bflag:$0x3] =	sbarrier.arrive $0xFFFF;
	s2 =	simm.s32 @!p0 $0x1C01  }
0x45: {  	[timem:s3], [sflag:s2] =	dma.local @!p0 [hbm:s0], s1  }
0x46: {  	s0 =	simm.s32 @!p0 $0x1  }
0x47: {  	_ =	swait.ge @!p0 [sflag:s0], s1  }
0x48: {  	s1 =	ssub.s32 @!p0 $0x0, s1;
	[sflag:s0] =	ssyncset.done @!p0 $0x0  }
0x49: {  	[sflag:s0] =	ssyncadd.s32 @!p0 s1  }
0x4a: {  	[bflag:$0x3] =	sbarrier.arrive $0xFFFF  }
0x4b: {  	_ =	shalt  }

</sc_bundles>
